<compile_context>
chip_gen: v7x
topology: tpu7x:2x2x1
jax: 0.10.2.dev20260603
libtpu: 0.0.44.dev20260713+nightly
codegen_flags: <defaults>
</compile_context>

<pallas_src>
import functools

import jax
import jax.numpy as jnp
from jax import lax
from jax.experimental import pallas as pl
from jax.experimental.pallas import tpu as pltpu
from jax.experimental.pallas import tpu_sc as plsc

B = 4096
D = 1024
H = 2048
E = 8
K = 4
BM = 256
NT = (B * K + E * BM) // BM
CAP = NT * BM
CAPD = CAP + 8
NW = 32
TW = B // NW


def _route_kernel(x_ref, wg_ref, b2_ref,
                  g128_ref, y0b_ref, ps_ref, pg_ref, te_ref):
    l = jax.lax.dot_general(
        x_ref[...], wg_ref[...], (((1,), (0,)), ((), ())),
        preferred_element_type=jnp.float32)
    lt = l.T
    ei = jax.lax.broadcasted_iota(jnp.int32, (E, B), 0)
    rank = jnp.zeros((E, B), jnp.int32)
    for j in range(E):
        lj = lt[j:j + 1, :]
        beats = (lj > lt) | ((lj == lt) & (j < ei))
        rank = rank + beats.astype(jnp.int32)
    sel = rank < K
    m = jnp.max(lt, axis=0, keepdims=True)
    ex = jnp.where(sel, jnp.exp(lt - m), 0.0)
    gt = ex / jnp.sum(ex, axis=0, keepdims=True)
    g128_ref[...] = jnp.broadcast_to(gt[:, :, None], (E, B, 128))
    y0 = jnp.sum(gt * b2_ref[...], axis=0, keepdims=True)
    y0b_ref[...] = jnp.broadcast_to(y0.T, (B, 128))

    si = sel.astype(jnp.float32)
    cs = si
    s = 1
    while s < B:
        cs = cs + jnp.concatenate(
            [jnp.zeros((E, s), jnp.float32), cs[:, :B - s]], axis=1)
        s *= 2
    excl = cs - si
    c = cs[:, B - 1:B]
    padc = jnp.floor((c + (BM - 1)) / BM) * BM
    o = jnp.concatenate([jnp.zeros((1, 1), jnp.float32), padc[:-1]], axis=0)
    s = 1
    while s < E:
        o = o + jnp.concatenate(
            [jnp.zeros((s, 1), jnp.float32), o[:E - s]], axis=0)
        s *= 2
    pos = (o + excl).astype(jnp.int32)
    ps_ref[...] = jnp.where(sel, pos, CAP)
    pg_ref[...] = jnp.where(sel, pos, CAP)
    ti = jax.lax.broadcasted_iota(jnp.int32, (1, 128), 1)
    starts = (o / BM).astype(jnp.int32)
    owned = (ti >= starts).astype(jnp.int32)
    te_ref[...] = jnp.sum(owned, axis=0, keepdims=True) - 1


@functools.cache
def _sc_kernels():
    mesh = plsc.VectorSubcoreMesh(core_axis_name="c", subcore_axis_name="s")

    @functools.partial(
        pl.kernel, mesh=mesh,
        out_type=[
            jax.ShapeDtypeStruct((CAPD, D), jnp.float32),
            jax.ShapeDtypeStruct((CAPD, 128), jnp.float32),
        ],
        scratch_types=[
            pltpu.VMEM((16, 64), jnp.int32),
            pltpu.VMEM((64, 128), jnp.float32),
            pltpu.VMEM((64, D), jnp.float32),
            pltpu.SemaphoreType.DMA,
        ],
    )
    def _scatter(x_hbm, pos4_hbm, g4_hbm, xg_hbm, gs_hbm,
                 pos_v, g_v, rows_v, sem):
        wid = lax.axis_index("s") * 2 + lax.axis_index("c")
        base = wid * TW
        pltpu.sync_copy(pos4_hbm.at[wid], pos_v)
        for ck in range(2):
            pltpu.sync_copy(x_hbm.at[pl.ds(base + ck * 64, 64)], rows_v)
            for e in range(E):
                idx = pos_v.at[e * 2 + ck]
                pltpu.sync_copy(g4_hbm.at[wid, e * 2 + ck], g_v)
                pltpu.async_copy(rows_v, xg_hbm.at[idx], sem).wait()
                pltpu.async_copy(g_v, gs_hbm.at[idx], sem).wait()

    @functools.partial(
        pl.kernel, mesh=mesh,
        out_type=jax.ShapeDtypeStruct((NW, TW, 128), jnp.float32),
        scratch_types=[
            pltpu.VMEM((E, TW), jnp.int32),
            pltpu.VMEM((TW, 128), jnp.float32),
            pltpu.SemaphoreType.DMA,
        ],
    )
    def _combine(yslp_hbm, pg3_hbm, y03_hbm, y_hbm, pos_v, y_v, sem):
        wid = lax.axis_index("s") * 2 + lax.axis_index("c")
        pltpu.sync_copy(pg3_hbm.at[wid], pos_v)
        pltpu.sync_copy(y03_hbm.at[wid], y_v)
        for e in range(E):
            pltpu.async_copy(yslp_hbm.at[pos_v.at[e]], y_v, sem,
                             add=True).wait()
        pltpu.sync_copy(y_v, y_hbm.at[wid])

    return _scatter, _combine


def _moe_kernel(te_ref, xg_ref, w1_ref, b1_ref, w2_ref, gs_ref,
                ysl_ref, w1b_ref):
    t = pl.program_id(0)
    prev = te_ref[jnp.maximum(t - 1, 0)]

    @pl.when((t == 0) | (te_ref[t] != prev))
    def _cast():
        w1b_ref[...] = w1_ref[0].astype(jnp.bfloat16)

    xb = xg_ref[...].astype(jnp.bfloat16)
    h = jnp.dot(xb, w1b_ref[...], preferred_element_type=jnp.float32)
    h = jnp.maximum(h + b1_ref[0], 0.0)
    partial = jnp.sum(h * w2_ref[0], axis=1, keepdims=True)
    ysl_ref[...] = partial * gs_ref[...]


def kernel(x, w_gate, W1, b1, W2, b2):
    g128, y0b, ps, pg, te128 = pl.pallas_call(
        _route_kernel,
        out_shape=[
            jax.ShapeDtypeStruct((E, B, 128), jnp.float32),
            jax.ShapeDtypeStruct((B, 128), jnp.float32),
            jax.ShapeDtypeStruct((E, B), jnp.int32),
            jax.ShapeDtypeStruct((E, B), jnp.int32),
            jax.ShapeDtypeStruct((1, 128), jnp.int32),
        ],
    )(x, w_gate, b2)

    pos4 = ps.reshape(E, NW, 2, 64).transpose(1, 0, 2, 3).reshape(NW, 2 * E, 64)
    g4 = (g128.reshape(E, NW, 2, 64, 128).transpose(1, 0, 2, 3, 4)
          .reshape(NW, 2 * E, 64, 128))
    pg3 = pg.reshape(E, NW, TW).transpose(1, 0, 2)
    y03 = y0b.reshape(NW, TW, 128)
    te = te128[0, :NT]

    _scatter, _combine = _sc_kernels()
    xg, gsort = _scatter(x, pos4, g4)

    b1r = b1.reshape(E, 1, H)
    W2r = W2.reshape(E, 1, H)
    ysl = pl.pallas_call(
        _moe_kernel,
        grid_spec=pltpu.PrefetchScalarGridSpec(
            num_scalar_prefetch=1,
            grid=(NT,),
            in_specs=[
                pl.BlockSpec((BM, D), lambda t, te_ref: (t, 0)),
                pl.BlockSpec((1, D, H), lambda t, te_ref: (te_ref[t], 0, 0)),
                pl.BlockSpec((1, 1, H), lambda t, te_ref: (te_ref[t], 0, 0)),
                pl.BlockSpec((1, 1, H), lambda t, te_ref: (te_ref[t], 0, 0)),
                pl.BlockSpec((BM, 128), lambda t, te_ref: (t, 0)),
            ],
            out_specs=pl.BlockSpec((BM, 128), lambda t, te_ref: (t, 0)),
            scratch_shapes=[pltpu.VMEM((D, H), jnp.bfloat16)],
        ),
        out_shape=jax.ShapeDtypeStruct((CAP, 128), jnp.float32),
        compiler_params=pltpu.CompilerParams(
            dimension_semantics=("arbitrary",)),
    )(te, xg, W1, b1r, W2r, gsort)

    yslp = jnp.concatenate(
        [ysl, jnp.zeros((CAPD - CAP, 128), jnp.float32)], axis=0)
    y = _combine(yslp, pg3, y03)
    return y[:, :, 0].reshape(B, 1)

# --- scband reference (transcript-rebuilt; emitter-appended) ---
"""Pipeline reference for scband-value-estimator-60627758350778 (READ-ONLY COPY).

The authoritative reference and input builder live on the scoring server;
editing this copy changes nothing except your own understanding.
"""

import jax, jax.numpy as jnp
import numpy as np

B = 4096   # tokens = batch(2) * seq_len(2048)
D = 1024   # input_shape / d_model
H = 2048   # layer_sizes[0]
E = 8      # num_experts (hardcoded in module)
K = 4      # top-k (hardcoded in module)

def setup_inputs(seed: int = 0):
    key = jax.random.key(seed)
    ks = jax.random.split(key, 5)
    x = jax.random.normal(ks[0], (B, D), dtype=jnp.float32)
    # gating weights (original inits w_gate to zeros; small random used for a non-degenerate routing pattern)
    w_gate = jax.random.normal(ks[1], (D, E), dtype=jnp.float32) * 0.02
    # per-expert 2-layer MLP params: Linear(D,H) -> ReLU -> Linear(H,1)
    W1 = jax.random.normal(ks[2], (E, D, H), dtype=jnp.float32) * (1.0 / np.sqrt(D))
    b1 = jnp.zeros((E, H), dtype=jnp.float32)
    W2 = jax.random.normal(ks[3], (E, H, 1), dtype=jnp.float32) * (1.0 / np.sqrt(H))
    b2 = jnp.zeros((E, 1), dtype=jnp.float32)
    return {"x": x, "w_gate": w_gate, "W1": W1, "b1": b1, "W2": W2, "b2": b2}

def reference(x, w_gate, W1, b1, W2, b2):
    # noisy top-k gating, evaluated in inference mode (no noise injected)
    logits = x @ w_gate                                  # [B, E]
    top_logits, top_idx = jax.lax.top_k(logits, K)       # [B, K]
    top_gates = jax.nn.softmax(top_logits, axis=1)       # softmax over selected experts
    gates = jnp.zeros_like(logits).at[jnp.arange(x.shape[0])[:, None], top_idx].set(top_gates)  # [B, E] sparse gates
    # expert MLPs (dense-equivalent of SparseDispatcher dispatch/combine)
    h = jax.nn.relu(jnp.einsum('bd,edh->beh', x, W1) + b1[None, :, :])   # [B, E, H]
    expert_out = jnp.einsum('beh,eho->beo', h, W2) + b2[None, :, :]      # [B, E, 1]
    y = jnp.sum(gates[:, :, None] * expert_out, axis=1)                  # [B, 1] value estimate
    return y

if __name__ == "__main__":
    import jax
    _d = setup_inputs()
    print(jax.jit(kernel)(*tuple(_d.values())))

</pallas_src>

<mosaic_0001>
#map = affine_map<(d0, d1) -> (0, 0)>
#map1 = affine_map<(d0, d1) -> (0, 0, 0)>
#map2 = affine_map<(d0, d1) -> (0, 0, 0, 0)>
module attributes {stable_mosaic.version = 14 : i64} {
  func.func @_scatter(%arg0: i32, %arg1: i32, %arg2: memref<4096x1024xf32, #tpu.memory_space<hbm>>, %arg3: memref<32x16x64xi32, #tpu.memory_space<hbm>>, %arg4: memref<32x16x64x128xf32, #tpu.memory_space<hbm>>, %arg5: memref<18440x1024xf32, #tpu.memory_space<hbm>>, %arg6: memref<18440x128xf32, #tpu.memory_space<hbm>>, %arg7: memref<16x64xi32, #tpu.memory_space<vmem>>, %arg8: memref<64x128xf32, #tpu.memory_space<vmem>>, %arg9: memref<64x1024xf32, #tpu.memory_space<vmem>>, %arg10: memref<!tpu.dma_semaphore, #tpu.memory_space<semaphore_mem>>) attributes {dimension_semantics = [#tpu.dimension_semantics<core_parallel>, #tpu.dimension_semantics<subcore_parallel>], iteration_bounds = array<i64: 2, 16>, scalar_prefetch = 0 : i64, scratch_operands = 4 : i64, tpu.core_type = #tpu.core_type<sc_vector_subcore>, window_params = [{transform_indices = #map}, {transform_indices = #map1}, {transform_indices = #map2}, {transform_indices = #map}, {transform_indices = #map}]} {
    %mul3A = arith.constant 2 : i32
    %mul3A_0 = arith.muli %arg1, %mul3A : i32
    %add3A = arith.addi %mul3A_0, %arg0 : i32
    %mul3A_1 = arith.constant 128 : i32
    %mul3A_2 = arith.muli %add3A, %mul3A_1 : i32
    "tpu.region"() ({
      %run_scoped3A_468 = tpu.sem_alloc : memref<!tpu.dma_semaphore, #tpu.memory_space<semaphore_mem>>
      %dma_start3A_469 = arith.constant 0 : i32
      %dma_start3A_470 = arith.constant 0 : i32
      %dma_start3A_471 = tpu.memref_slice %arg3[%add3A, %dma_start3A_469, %dma_start3A_470] : memref<32x16x64xi32, #tpu.memory_space<hbm>> -> memref<1x16x64xi32, #tpu.memory_space<hbm>>
      %dma_start3A_472 = tpu.memref_squeeze %dma_start3A_471 : memref<1x16x64xi32, #tpu.memory_space<hbm>> -> memref<16x64xi32, #tpu.memory_space<hbm>>
      %dma_start3A_473 = arith.constant 0 : i32
      %dma_start3A_474 = arith.constant 0 : i32
      %dma_start3A_475 = tpu.memref_slice %arg3[%add3A, %dma_start3A_473, %dma_start3A_474] : memref<32x16x64xi32, #tpu.memory_space<hbm>> -> memref<1x16x64xi32, #tpu.memory_space<hbm>>
      %dma_start3A_476 = tpu.memref_squeeze %dma_start3A_475 : memref<1x16x64xi32, #tpu.memory_space<hbm>> -> memref<16x64xi32, #tpu.memory_space<hbm>>
      tpu.enqueue_dma source(%dma_start3A_476 : memref<16x64xi32, #tpu.memory_space<hbm>>) target(%arg7 : memref<16x64xi32, #tpu.memory_space<vmem>>) target_semaphore(%run_scoped3A_468 : memref<!tpu.dma_semaphore, #tpu.memory_space<semaphore_mem>>)
      %dma_wait3A_477 = arith.constant 0 : i32
      %dma_wait3A_478 = arith.constant 0 : i32
      %dma_wait3A_479 = tpu.memref_slice %arg3[%add3A, %dma_wait3A_477, %dma_wait3A_478] : memref<32x16x64xi32, #tpu.memory_space<hbm>> -> memref<1x16x64xi32, #tpu.memory_space<hbm>>
      %dma_wait3A_480 = tpu.memref_squeeze %dma_wait3A_479 : memref<1x16x64xi32, #tpu.memory_space<hbm>> -> memref<16x64xi32, #tpu.memory_space<hbm>>
      %dma_wait3A_481 = arith.constant 0 : i32
      %dma_wait3A_482 = arith.constant 0 : i32
      %dma_wait3A_483 = tpu.memref_slice %arg3[%add3A, %dma_wait3A_481, %dma_wait3A_482] : memref<32x16x64xi32, #tpu.memory_space<hbm>> -> memref<1x16x64xi32, #tpu.memory_space<hbm>>
      %dma_wait3A_484 = tpu.memref_squeeze %dma_wait3A_483 : memref<1x16x64xi32, #tpu.memory_space<hbm>> -> memref<16x64xi32, #tpu.memory_space<hbm>>
      tpu.wait_dma2 semaphore(%run_scoped3A_468 : memref<!tpu.dma_semaphore, #tpu.memory_space<semaphore_mem>>) src(%dma_wait3A_484 : memref<16x64xi32, #tpu.memory_space<hbm>>) dst(%arg7 : memref<16x64xi32, #tpu.memory_space<vmem>>)
      tpu.yield
    }) : () -> ()
    %add3A_3 = arith.constant 0 : i32
    %add3A_4 = arith.addi %mul3A_2, %add3A_3 : i32
    "tpu.region"() ({
      %run_scoped3A_468 = tpu.sem_alloc : memref<!tpu.dma_semaphore, #tpu.memory_space<semaphore_mem>>
      %dma_start3A_469 = arith.constant 0 : i32
      %dma_start3A_470 = tpu.memref_slice %arg2[%add3A_4, %dma_start3A_469] : memref<4096x1024xf32, #tpu.memory_space<hbm>> -> memref<64x1024xf32, #tpu.memory_space<hbm>>
      %dma_start3A_471 = arith.constant 0 : i32
      %dma_start3A_472 = tpu.memref_slice %arg2[%add3A_4, %dma_start3A_471] : memref<4096x1024xf32, #tpu.memory_space<hbm>> -> memref<64x1024xf32, #tpu.memory_space<hbm>>
      tpu.enqueue_dma source(%dma_start3A_472 : memref<64x1024xf32, #tpu.memory_space<hbm>>) target(%arg9 : memref<64x1024xf32, #tpu.memory_space<vmem>>) target_semaphore(%run_scoped3A_468 : memref<!tpu.dma_semaphore, #tpu.memory_space<semaphore_mem>>)
      %dma_wait3A_473 = arith.constant 0 : i32
      %dma_wait3A_474 = tpu.memref_slice %arg2[%add3A_4, %dma_wait3A_473] : memref<4096x1024xf32, #tpu.memory_space<hbm>> -> memref<64x1024xf32, #tpu.memory_space<hbm>>
      %dma_wait3A_475 = arith.constant 0 : i32
      %dma_wait3A_476 = tpu.memref_slice %arg2[%add3A_4, %dma_wait3A_475] : memref<4096x1024xf32, #tpu.memory_space<hbm>> -> memref<64x1024xf32, #tpu.memory_space<hbm>>
      tpu.wait_dma2 semaphore(%run_scoped3A_468 : memref<!tpu.dma_semaphore, #tpu.memory_space<semaphore_mem>>) src(%dma_wait3A_476 : memref<64x1024xf32, #tpu.memory_space<hbm>>) dst(%arg9 : memref<64x1024xf32, #tpu.memory_space<vmem>>)
      tpu.yield
    }) : () -> ()
    %run_scoped3A = arith.constant 0 : i32
    "tpu.region"() ({
      %run_scoped3A_468 = tpu.sem_alloc : memref<!tpu.dma_semaphore, #tpu.memory_space<semaphore_mem>>
      %dma_start3A_469 = arith.constant 0 : i32
      %dma_start3A_470 = arith.constant 0 : i32
      %dma_start3A_471 = tpu.memref_slice %arg4[%add3A, %run_scoped3A, %dma_start3A_469, %dma_start3A_470] : memref<32x16x64x128xf32, #tpu.memory_space<hbm>> -> memref<1x1x64x128xf32, #tpu.memory_space<hbm>>
      %dma_start3A_472 = tpu.memref_squeeze %dma_start3A_471 : memref<1x1x64x128xf32, #tpu.memory_space<hbm>> -> memref<64x128xf32, #tpu.memory_space<hbm>>
      %dma_start3A_473 = arith.constant 0 : i32
      %dma_start3A_474 = arith.constant 0 : i32
      %dma_start3A_475 = tpu.memref_slice %arg4[%add3A, %run_scoped3A, %dma_start3A_473, %dma_start3A_474] : memref<32x16x64x128xf32, #tpu.memory_space<hbm>> -> memref<1x1x64x128xf32, #tpu.memory_space<hbm>>
      %dma_start3A_476 = tpu.memref_squeeze %dma_start3A_475 : memref<1x1x64x128xf32, #tpu.memory_space<hbm>> -> memref<64x128xf32, #tpu.memory_space<hbm>>
      tpu.enqueue_dma source(%dma_start3A_476 : memref<64x128xf32, #tpu.memory_space<hbm>>) target(%arg8 : memref<64x128xf32, #tpu.memory_space<vmem>>) target_semaphore(%run_scoped3A_468 : memref<!tpu.dma_semaphore, #tpu.memory_space<semaphore_mem>>)
      %dma_wait3A_477 = arith.constant 0 : i32
      %dma_wait3A_478 = arith.constant 0 : i32
      %dma_wait3A_479 = tpu.memref_slice %arg4[%add3A, %run_scoped3A, %dma_wait3A_477, %dma_wait3A_478] : memref<32x16x64x128xf32, #tpu.memory_space<hbm>> -> memref<1x1x64x128xf32, #tpu.memory_space<hbm>>
      %dma_wait3A_480 = tpu.memref_squeeze %dma_wait3A_479 : memref<1x1x64x128xf32, #tpu.memory_space<hbm>> -> memref<64x128xf32, #tpu.memory_space<hbm>>
      %dma_wait3A_481 = arith.constant 0 : i32
      %dma_wait3A_482 = arith.constant 0 : i32
      %dma_wait3A_483 = tpu.memref_slice %arg4[%add3A, %run_scoped3A, %dma_wait3A_481, %dma_wait3A_482] : memref<32x16x64x128xf32, #tpu.memory_space<hbm>> -> memref<1x1x64x128xf32, #tpu.memory_space<hbm>>
      %dma_wait3A_484 = tpu.memref_squeeze %dma_wait3A_483 : memref<1x1x64x128xf32, #tpu.memory_space<hbm>> -> memref<64x128xf32, #tpu.memory_space<hbm>>
      tpu.wait_dma2 semaphore(%run_scoped3A_468 : memref<!tpu.dma_semaphore, #tpu.memory_space<semaphore_mem>>) src(%dma_wait3A_484 : memref<64x128xf32, #tpu.memory_space<hbm>>) dst(%arg8 : memref<64x128xf32, #tpu.memory_space<vmem>>)
      tpu.yield
    }) : () -> ()
    %dma_start3A = arith.constant 0 : i32
    %dma_start3A_5 = arith.constant 0 : i32
    %dma_start3A_6 = tpu.memref_slice %arg7[%dma_start3A, %dma_start3A_5] : memref<16x64xi32, #tpu.memory_space<vmem>> -> memref<1x64xi32, #tpu.memory_space<vmem>>
    %dma_start3A_7 = tpu.memref_squeeze %dma_start3A_6 : memref<1x64xi32, #tpu.memory_space<vmem>> -> memref<64xi32, #tpu.memory_space<vmem>>
    %dma_start3A_8 = arith.constant 0 : i32
    %dma_start3A_9 = arith.constant 0 : i32
    %dma_start3A_10 = tpu.memref_slice %arg5[%dma_start3A_8, %dma_start3A_9] : memref<18440x1024xf32, #tpu.memory_space<hbm>> -> memref<18440x1024xf32, #tpu.memory_space<hbm>>
    tpu.enqueue_indirect_dma source(%arg9 : memref<64x1024xf32, #tpu.memory_space<vmem>>) target(%dma_start3A_10 : memref<18440x1024xf32, #tpu.memory_space<hbm>>) offsets(%dma_start3A_7 : memref<64xi32, #tpu.memory_space<vmem>>) semaphore(%arg10 : memref<!tpu.dma_semaphore, #tpu.memory_space<semaphore_mem>>)
    %dma_wait3A = arith.constant 0 : i32
    %dma_wait3A_11 = arith.constant 0 : i32
    %dma_wait3A_12 = tpu.memref_slice %arg7[%dma_wait3A, %dma_wait3A_11] : memref<16x64xi32, #tpu.memory_space<vmem>> -> memref<1x64xi32, #tpu.memory_space<vmem>>
    %dma_wait3A_13 = tpu.memref_squeeze %dma_wait3A_12 : memref<1x64xi32, #tpu.memory_space<vmem>> -> memref<64xi32, #tpu.memory_space<vmem>>
    %dma_wait3A_14 = arith.constant 0 : i32
    %dma_wait3A_15 = arith.constant 0 : i32
    %dma_wait3A_16 = tpu.memref_slice %arg5[%dma_wait3A_14, %dma_wait3A_15] : memref<18440x1024xf32, #tpu.memory_space<hbm>> -> memref<18440x1024xf32, #tpu.memory_space<hbm>>
    tpu.wait_indirect_dma semaphore(%arg10 : memref<!tpu.dma_semaphore, #tpu.memory_space<semaphore_mem>>) src(%arg9 : memref<64x1024xf32, #tpu.memory_space<vmem>>) dst(%dma_wait3A_16 : memref<18440x1024xf32, #tpu.memory_space<hbm>>)
    %dma_start3A_17 = arith.constant 0 : i32
    %dma_start3A_18 = arith.constant 0 : i32
    %dma_start3A_19 = tpu.memref_slice %arg7[%dma_start3A_17, %dma_start3A_18] : memref<16x64xi32, #tpu.memory_space<vmem>> -> memref<1x64xi32, #tpu.memory_space<vmem>>
    %dma_start3A_20 = tpu.memref_squeeze %dma_start3A_19 : memref<1x64xi32, #tpu.memory_space<vmem>> -> memref<64xi32, #tpu.memory_space<vmem>>
    %dma_start3A_21 = arith.constant 0 : i32
    %dma_start3A_22 = arith.constant 0 : i32
    %dma_start3A_23 = tpu.memref_slice %arg6[%dma_start3A_21, %dma_start3A_22] : memref<18440x128xf32, #tpu.memory_space<hbm>> -> memref<18440x128xf32, #tpu.memory_space<hbm>>
    tpu.enqueue_indirect_dma source(%arg8 : memref<64x128xf32, #tpu.memory_space<vmem>>) target(%dma_start3A_23 : memref<18440x128xf32, #tpu.memory_space<hbm>>) offsets(%dma_start3A_20 : memref<64xi32, #tpu.memory_space<vmem>>) semaphore(%arg10 : memref<!tpu.dma_semaphore, #tpu.memory_space<semaphore_mem>>)
    %dma_wait3A_24 = arith.constant 0 : i32
    %dma_wait3A_25 = arith.constant 0 : i32
    %dma_wait3A_26 = tpu.memref_slice %arg7[%dma_wait3A_24, %dma_wait3A_25] : memref<16x64xi32, #tpu.memory_space<vmem>> -> memref<1x64xi32, #tpu.memory_space<vmem>>
    %dma_wait3A_27 = tpu.memref_squeeze %dma_wait3A_26 : memref<1x64xi32, #tpu.memory_space<vmem>> -> memref<64xi32, #tpu.memory_space<vmem>>
    %dma_wait3A_28 = arith.constant 0 : i32
    %dma_wait3A_29 = arith.constant 0 : i32
    %dma_wait3A_30 = tpu.memref_slice %arg6[%dma_wait3A_28, %dma_wait3A_29] : memref<18440x128xf32, #tpu.memory_space<hbm>> -> memref<18440x128xf32, #tpu.memory_space<hbm>>
    tpu.wait_indirect_dma semaphore(%arg10 : memref<!tpu.dma_semaphore, #tpu.memory_space<semaphore_mem>>) src(%arg8 : memref<64x128xf32, #tpu.memory_space<vmem>>) dst(%dma_wait3A_30 : memref<18440x128xf32, #tpu.memory_space<hbm>>)
    %run_scoped3A_31 = arith.constant 2 : i32
    "tpu.region"() ({
      %run_scoped3A_468 = tpu.sem_alloc : memref<!tpu.dma_semaphore, #tpu.memory_space<semaphore_mem>>
      %dma_start3A_469 = arith.constant 0 : i32
      %dma_start3A_470 = arith.constant 0 : i32
      %dma_start3A_471 = tpu.memref_slice %arg4[%add3A, %run_scoped3A_31, %dma_start3A_469, %dma_start3A_470] : memref<32x16x64x128xf32, #tpu.memory_space<hbm>> -> memref<1x1x64x128xf32, #tpu.memory_space<hbm>>
      %dma_start3A_472 = tpu.memref_squeeze %dma_start3A_471 : memref<1x1x64x128xf32, #tpu.memory_space<hbm>> -> memref<64x128xf32, #tpu.memory_space<hbm>>
      %dma_start3A_473 = arith.constant 0 : i32
      %dma_start3A_474 = arith.constant 0 : i32
      %dma_start3A_475 = tpu.memref_slice %arg4[%add3A, %run_scoped3A_31, %dma_start3A_473, %dma_start3A_474] : memref<32x16x64x128xf32, #tpu.memory_space<hbm>> -> memref<1x1x64x128xf32, #tpu.memory_space<hbm>>
      %dma_start3A_476 = tpu.memref_squeeze %dma_start3A_475 : memref<1x1x64x128xf32, #tpu.memory_space<hbm>> -> memref<64x128xf32, #tpu.memory_space<hbm>>
      tpu.enqueue_dma source(%dma_start3A_476 : memref<64x128xf32, #tpu.memory_space<hbm>>) target(%arg8 : memref<64x128xf32, #tpu.memory_space<vmem>>) target_semaphore(%run_scoped3A_468 : memref<!tpu.dma_semaphore, #tpu.memory_space<semaphore_mem>>)
      %dma_wait3A_477 = arith.constant 0 : i32
      %dma_wait3A_478 = arith.constant 0 : i32
      %dma_wait3A_479 = tpu.memref_slice %arg4[%add3A, %run_scoped3A_31, %dma_wait3A_477, %dma_wait3A_478] : memref<32x16x64x128xf32, #tpu.memory_space<hbm>> -> memref<1x1x64x128xf32, #tpu.memory_space<hbm>>
      %dma_wait3A_480 = tpu.memref_squeeze %dma_wait3A_479 : memref<1x1x64x128xf32, #tpu.memory_space<hbm>> -> memref<64x128xf32, #tpu.memory_space<hbm>>
      %dma_wait3A_481 = arith.constant 0 : i32
      %dma_wait3A_482 = arith.constant 0 : i32
      %dma_wait3A_483 = tpu.memref_slice %arg4[%add3A, %run_scoped3A_31, %dma_wait3A_481, %dma_wait3A_482] : memref<32x16x64x128xf32, #tpu.memory_space<hbm>> -> memref<1x1x64x128xf32, #tpu.memory_space<hbm>>
      %dma_wait3A_484 = tpu.memref_squeeze %dma_wait3A_483 : memref<1x1x64x128xf32, #tpu.memory_space<hbm>> -> memref<64x128xf32, #tpu.memory_space<hbm>>
      tpu.wait_dma2 semaphore(%run_scoped3A_468 : memref<!tpu.dma_semaphore, #tpu.memory_space<semaphore_mem>>) src(%dma_wait3A_484 : memref<64x128xf32, #tpu.memory_space<hbm>>) dst(%arg8 : memref<64x128xf32, #tpu.memory_space<vmem>>)
      tpu.yield
    }) : () -> ()
    %dma_start3A_32 = arith.constant 2 : i32
    %dma_start3A_33 = arith.constant 0 : i32
    %dma_start3A_34 = tpu.memref_slice %arg7[%dma_start3A_32, %dma_start3A_33] : memref<16x64xi32, #tpu.memory_space<vmem>> -> memref<1x64xi32, #tpu.memory_space<vmem>>
    %dma_start3A_35 = tpu.memref_squeeze %dma_start3A_34 : memref<1x64xi32, #tpu.memory_space<vmem>> -> memref<64xi32, #tpu.memory_space<vmem>>
    %dma_start3A_36 = arith.constant 0 : i32
    %dma_start3A_37 = arith.constant 0 : i32
    %dma_start3A_38 = tpu.memref_slice %arg5[%dma_start3A_36, %dma_start3A_37] : memref<18440x1024xf32, #tpu.memory_space<hbm>> -> memref<18440x1024xf32, #tpu.memory_space<hbm>>
    tpu.enqueue_indirect_dma source(%arg9 : memref<64x1024xf32, #tpu.memory_space<vmem>>) target(%dma_start3A_38 : memref<18440x1024xf32, #tpu.memory_space<hbm>>) offsets(%dma_start3A_35 : memref<64xi32, #tpu.memory_space<vmem>>) semaphore(%arg10 : memref<!tpu.dma_semaphore, #tpu.memory_space<semaphore_mem>>)
    %dma_wait3A_39 = arith.constant 2 : i32
    %dma_wait3A_40 = arith.constant 0 : i32
    %dma_wait3A_41 = tpu.memref_slice %arg7[%dma_wait3A_39, %dma_wait3A_40] : memref<16x64xi32, #tpu.memory_space<vmem>> -> memref<1x64xi32, #tpu.memory_space<vmem>>
    %dma_wait3A_42 = tpu.memref_squeeze %dma_wait3A_41 : memref<1x64xi32, #tpu.memory_space<vmem>> -> memref<64xi32, #tpu.memory_space<vmem>>
    %dma_wait3A_43 = arith.constant 0 : i32
    %dma_wait3A_44 = arith.constant 0 : i32
    %dma_wait3A_45 = tpu.memref_slice %arg5[%dma_wait3A_43, %dma_wait3A_44] : memref<18440x1024xf32, #tpu.memory_space<hbm>> -> memref<18440x1024xf32, #tpu.memory_space<hbm>>
    tpu.wait_indirect_dma semaphore(%arg10 : memref<!tpu.dma_semaphore, #tpu.memory_space<semaphore_mem>>) src(%arg9 : memref<64x1024xf32, #tpu.memory_space<vmem>>) dst(%dma_wait3A_45 : memref<18440x1024xf32, #tpu.memory_space<hbm>>)
    %dma_start3A_46 = arith.constant 2 : i32
    %dma_start3A_47 = arith.constant 0 : i32
    %dma_start3A_48 = tpu.memref_slice %arg7[%dma_start3A_46, %dma_start3A_47] : memref<16x64xi32, #tpu.memory_space<vmem>> -> memref<1x64xi32, #tpu.memory_space<vmem>>
    %dma_start3A_49 = tpu.memref_squeeze %dma_start3A_48 : memref<1x64xi32, #tpu.memory_space<vmem>> -> memref<64xi32, #tpu.memory_space<vmem>>
    %dma_start3A_50 = arith.constant 0 : i32
    %dma_start3A_51 = arith.constant 0 : i32
    %dma_start3A_52 = tpu.memref_slice %arg6[%dma_start3A_50, %dma_start3A_51] : memref<18440x128xf32, #tpu.memory_space<hbm>> -> memref<18440x128xf32, #tpu.memory_space<hbm>>
    tpu.enqueue_indirect_dma source(%arg8 : memref<64x128xf32, #tpu.memory_space<vmem>>) target(%dma_start3A_52 : memref<18440x128xf32, #tpu.memory_space<hbm>>) offsets(%dma_start3A_49 : memref<64xi32, #tpu.memory_space<vmem>>) semaphore(%arg10 : memref<!tpu.dma_semaphore, #tpu.memory_space<semaphore_mem>>)
    %dma_wait3A_53 = arith.constant 2 : i32
    %dma_wait3A_54 = arith.constant 0 : i32
    %dma_wait3A_55 = tpu.memref_slice %arg7[%dma_wait3A_53, %dma_wait3A_54] : memref<16x64xi32, #tpu.memory_space<vmem>> -> memref<1x64xi32, #tpu.memory_space<vmem>>
    %dma_wait3A_56 = tpu.memref_squeeze %dma_wait3A_55 : memref<1x64xi32, #tpu.memory_space<vmem>> -> memref<64xi32, #tpu.memory_space<vmem>>
    %dma_wait3A_57 = arith.constant 0 : i32
    %dma_wait3A_58 = arith.constant 0 : i32
    %dma_wait3A_59 = tpu.memref_slice %arg6[%dma_wait3A_57, %dma_wait3A_58] : memref<18440x128xf32, #tpu.memory_space<hbm>> -> memref<18440x128xf32, #tpu.memory_space<hbm>>
    tpu.wait_indirect_dma semaphore(%arg10 : memref<!tpu.dma_semaphore, #tpu.memory_space<semaphore_mem>>) src(%arg8 : memref<64x128xf32, #tpu.memory_space<vmem>>) dst(%dma_wait3A_59 : memref<18440x128xf32, #tpu.memory_space<hbm>>)
    %run_scoped3A_60 = arith.constant 4 : i32
    "tpu.region"() ({
      %run_scoped3A_468 = tpu.sem_alloc : memref<!tpu.dma_semaphore, #tpu.memory_space<semaphore_mem>>
      %dma_start3A_469 = arith.constant 0 : i32
      %dma_start3A_470 = arith.constant 0 : i32
      %dma_start3A_471 = tpu.memref_slice %arg4[%add3A, %run_scoped3A_60, %dma_start3A_469, %dma_start3A_470] : memref<32x16x64x128xf32, #tpu.memory_space<hbm>> -> memref<1x1x64x128xf32, #tpu.memory_space<hbm>>
      %dma_start3A_472 = tpu.memref_squeeze %dma_start3A_471 : memref<1x1x64x128xf32, #tpu.memory_space<hbm>> -> memref<64x128xf32, #tpu.memory_space<hbm>>
      %dma_start3A_473 = arith.constant 0 : i32
      %dma_start3A_474 = arith.constant 0 : i32
      %dma_start3A_475 = tpu.memref_slice %arg4[%add3A, %run_scoped3A_60, %dma_start3A_473, %dma_start3A_474] : memref<32x16x64x128xf32, #tpu.memory_space<hbm>> -> memref<1x1x64x128xf32, #tpu.memory_space<hbm>>
      %dma_start3A_476 = tpu.memref_squeeze %dma_start3A_475 : memref<1x1x64x128xf32, #tpu.memory_space<hbm>> -> memref<64x128xf32, #tpu.memory_space<hbm>>
      tpu.enqueue_dma source(%dma_start3A_476 : memref<64x128xf32, #tpu.memory_space<hbm>>) target(%arg8 : memref<64x128xf32, #tpu.memory_space<vmem>>) target_semaphore(%run_scoped3A_468 : memref<!tpu.dma_semaphore, #tpu.memory_space<semaphore_mem>>)
      %dma_wait3A_477 = arith.constant 0 : i32
      %dma_wait3A_478 = arith.constant 0 : i32
      %dma_wait3A_479 = tpu.memref_slice %arg4[%add3A, %run_scoped3A_60, %dma_wait3A_477, %dma_wait3A_478] : memref<32x16x64x128xf32, #tpu.memory_space<hbm>> -> memref<1x1x64x128xf32, #tpu.memory_space<hbm>>
      %dma_wait3A_480 = tpu.memref_squeeze %dma_wait3A_479 : memref<1x1x64x128xf32, #tpu.memory_space<hbm>> -> memref<64x128xf32, #tpu.memory_space<hbm>>
      %dma_wait3A_481 = arith.constant 0 : i32
      %dma_wait3A_482 = arith.constant 0 : i32
      %dma_wait3A_483 = tpu.memref_slice %arg4[%add3A, %run_scoped3A_60, %dma_wait3A_481, %dma_wait3A_482] : memref<32x16x64x128xf32, #tpu.memory_space<hbm>> -> memref<1x1x64x128xf32, #tpu.memory_space<hbm>>
      %dma_wait3A_484 = tpu.memref_squeeze %dma_wait3A_483 : memref<1x1x64x128xf32, #tpu.memory_space<hbm>> -> memref<64x128xf32, #tpu.memory_space<hbm>>
      tpu.wait_dma2 semaphore(%run_scoped3A_468 : memref<!tpu.dma_semaphore, #tpu.memory_space<semaphore_mem>>) src(%dma_wait3A_484 : memref<64x128xf32, #tpu.memory_space<hbm>>) dst(%arg8 : memref<64x128xf32, #tpu.memory_space<vmem>>)
      tpu.yield
    }) : () -> ()
    %dma_start3A_61 = arith.constant 4 : i32
    %dma_start3A_62 = arith.constant 0 : i32
    %dma_start3A_63 = tpu.memref_slice %arg7[%dma_start3A_61, %dma_start3A_62] : memref<16x64xi32, #tpu.memory_space<vmem>> -> memref<1x64xi32, #tpu.memory_space<vmem>>
    %dma_start3A_64 = tpu.memref_squeeze %dma_start3A_63 : memref<1x64xi32, #tpu.memory_space<vmem>> -> memref<64xi32, #tpu.memory_space<vmem>>
    %dma_start3A_65 = arith.constant 0 : i32
    %dma_start3A_66 = arith.constant 0 : i32
    %dma_start3A_67 = tpu.memref_slice %arg5[%dma_start3A_65, %dma_start3A_66] : memref<18440x1024xf32, #tpu.memory_space<hbm>> -> memref<18440x1024xf32, #tpu.memory_space<hbm>>
    tpu.enqueue_indirect_dma source(%arg9 : memref<64x1024xf32, #tpu.memory_space<vmem>>) target(%dma_start3A_67 : memref<18440x1024xf32, #tpu.memory_space<hbm>>) offsets(%dma_start3A_64 : memref<64xi32, #tpu.memory_space<vmem>>) semaphore(%arg10 : memref<!tpu.dma_semaphore, #tpu.memory_space<semaphore_mem>>)
    %dma_wait3A_68 = arith.constant 4 : i32
    %dma_wait3A_69 = arith.constant 0 : i32
    %dma_wait3A_70 = tpu.memref_slice %arg7[%dma_wait3A_68, %dma_wait3A_69] : memref<16x64xi32, #tpu.memory_space<vmem>> -> memref<1x64xi32, #tpu.memory_space<vmem>>
    %dma_wait3A_71 = tpu.memref_squeeze %dma_wait3A_70 : memref<1x64xi32, #tpu.memory_space<vmem>> -> memref<64xi32, #tpu.memory_space<vmem>>
    %dma_wait3A_72 = arith.constant 0 : i32
    %dma_wait3A_73 = arith.constant 0 : i32
    %dma_wait3A_74 = tpu.memref_slice %arg5[%dma_wait3A_72, %dma_wait3A_73] : memref<18440x1024xf32, #tpu.memory_space<hbm>> -> memref<18440x1024xf32, #tpu.memory_space<hbm>>
    tpu.wait_indirect_dma semaphore(%arg10 : memref<!tpu.dma_semaphore, #tpu.memory_space<semaphore_mem>>) src(%arg9 : memref<64x1024xf32, #tpu.memory_space<vmem>>) dst(%dma_wait3A_74 : memref<18440x1024xf32, #tpu.memory_space<hbm>>)
    %dma_start3A_75 = arith.constant 4 : i32
    %dma_start3A_76 = arith.constant 0 : i32
    %dma_start3A_77 = tpu.memref_slice %arg7[%dma_start3A_75, %dma_start3A_76] : memref<16x64xi32, #tpu.memory_space<vmem>> -> memref<1x64xi32, #tpu.memory_space<vmem>>
    %dma_start3A_78 = tpu.memref_squeeze %dma_start3A_77 : memref<1x64xi32, #tpu.memory_space<vmem>> -> memref<64xi32, #tpu.memory_space<vmem>>
    %dma_start3A_79 = arith.constant 0 : i32
    %dma_start3A_80 = arith.constant 0 : i32
    %dma_start3A_81 = tpu.memref_slice %arg6[%dma_start3A_79, %dma_start3A_80] : memref<18440x128xf32, #tpu.memory_space<hbm>> -> memref<18440x128xf32, #tpu.memory_space<hbm>>
    tpu.enqueue_indirect_dma source(%arg8 : memref<64x128xf32, #tpu.memory_space<vmem>>) target(%dma_start3A_81 : memref<18440x128xf32, #tpu.memory_space<hbm>>) offsets(%dma_start3A_78 : memref<64xi32, #tpu.memory_space<vmem>>) semaphore(%arg10 : memref<!tpu.dma_semaphore, #tpu.memory_space<semaphore_mem>>)
    %dma_wait3A_82 = arith.constant 4 : i32
    %dma_wait3A_83 = arith.constant 0 : i32
    %dma_wait3A_84 = tpu.memref_slice %arg7[%dma_wait3A_82, %dma_wait3A_83] : memref<16x64xi32, #tpu.memory_space<vmem>> -> memref<1x64xi32, #tpu.memory_space<vmem>>
    %dma_wait3A_85 = tpu.memref_squeeze %dma_wait3A_84 : memref<1x64xi32, #tpu.memory_space<vmem>> -> memref<64xi32, #tpu.memory_space<vmem>>
    %dma_wait3A_86 = arith.constant 0 : i32
    %dma_wait3A_87 = arith.constant 0 : i32
    %dma_wait3A_88 = tpu.memref_slice %arg6[%dma_wait3A_86, %dma_wait3A_87] : memref<18440x128xf32, #tpu.memory_space<hbm>> -> memref<18440x128xf32, #tpu.memory_space<hbm>>
    tpu.wait_indirect_dma semaphore(%arg10 : memref<!tpu.dma_semaphore, #tpu.memory_space<semaphore_mem>>) src(%arg8 : memref<64x128xf32, #tpu.memory_space<vmem>>) dst(%dma_wait3A_88 : memref<18440x128xf32, #tpu.memory_space<hbm>>)
    %run_scoped3A_89 = arith.constant 6 : i32
    "tpu.region"() ({
      %run_scoped3A_468 = tpu.sem_alloc : memref<!tpu.dma_semaphore, #tpu.memory_space<semaphore_mem>>
      %dma_start3A_469 = arith.constant 0 : i32
      %dma_start3A_470 = arith.constant 0 : i32
      %dma_start3A_471 = tpu.memref_slice %arg4[%add3A, %run_scoped3A_89, %dma_start3A_469, %dma_start3A_470] : memref<32x16x64x128xf32, #tpu.memory_space<hbm>> -> memref<1x1x64x128xf32, #tpu.memory_space<hbm>>
      %dma_start3A_472 = tpu.memref_squeeze %dma_start3A_471 : memref<1x1x64x128xf32, #tpu.memory_space<hbm>> -> memref<64x128xf32, #tpu.memory_space<hbm>>
      %dma_start3A_473 = arith.constant 0 : i32
      %dma_start3A_474 = arith.constant 0 : i32
      %dma_start3A_475 = tpu.memref_slice %arg4[%add3A, %run_scoped3A_89, %dma_start3A_473, %dma_start3A_474] : memref<32x16x64x128xf32, #tpu.memory_space<hbm>> -> memref<1x1x64x128xf32, #tpu.memory_space<hbm>>
      %dma_start3A_476 = tpu.memref_squeeze %dma_start3A_475 : memref<1x1x64x128xf32, #tpu.memory_space<hbm>> -> memref<64x128xf32, #tpu.memory_space<hbm>>
      tpu.enqueue_dma source(%dma_start3A_476 : memref<64x128xf32, #tpu.memory_space<hbm>>) target(%arg8 : memref<64x128xf32, #tpu.memory_space<vmem>>) target_semaphore(%run_scoped3A_468 : memref<!tpu.dma_semaphore, #tpu.memory_space<semaphore_mem>>)
      %dma_wait3A_477 = arith.constant 0 : i32
      %dma_wait3A_478 = arith.constant 0 : i32
      %dma_wait3A_479 = tpu.memref_slice %arg4[%add3A, %run_scoped3A_89, %dma_wait3A_477, %dma_wait3A_478] : memref<32x16x64x128xf32, #tpu.memory_space<hbm>> -> memref<1x1x64x128xf32, #tpu.memory_space<hbm>>
      %dma_wait3A_480 = tpu.memref_squeeze %dma_wait3A_479 : memref<1x1x64x128xf32, #tpu.memory_space<hbm>> -> memref<64x128xf32, #tpu.memory_space<hbm>>
      %dma_wait3A_481 = arith.constant 0 : i32
      %dma_wait3A_482 = arith.constant 0 : i32
      %dma_wait3A_483 = tpu.memref_slice %arg4[%add3A, %run_scoped3A_89, %dma_wait3A_481, %dma_wait3A_482] : memref<32x16x64x128xf32, #tpu.memory_space<hbm>> -> memref<1x1x64x128xf32, #tpu.memory_space<hbm>>
      %dma_wait3A_484 = tpu.memref_squeeze %dma_wait3A_483 : memref<1x1x64x128xf32, #tpu.memory_space<hbm>> -> memref<64x128xf32, #tpu.memory_space<hbm>>
      tpu.wait_dma2 semaphore(%run_scoped3A_468 : memref<!tpu.dma_semaphore, #tpu.memory_space<semaphore_mem>>) src(%dma_wait3A_484 : memref<64x128xf32, #tpu.memory_space<hbm>>) dst(%arg8 : memref<64x128xf32, #tpu.memory_space<vmem>>)
      tpu.yield
    }) : () -> ()
    %dma_start3A_90 = arith.constant 6 : i32
    %dma_start3A_91 = arith.constant 0 : i32
    %dma_start3A_92 = tpu.memref_slice %arg7[%dma_start3A_90, %dma_start3A_91] : memref<16x64xi32, #tpu.memory_space<vmem>> -> memref<1x64xi32, #tpu.memory_space<vmem>>
    %dma_start3A_93 = tpu.memref_squeeze %dma_start3A_92 : memref<1x64xi32, #tpu.memory_space<vmem>> -> memref<64xi32, #tpu.memory_space<vmem>>
    %dma_start3A_94 = arith.constant 0 : i32
    %dma_start3A_95 = arith.constant 0 : i32
    %dma_start3A_96 = tpu.memref_slice %arg5[%dma_start3A_94, %dma_start3A_95] : memref<18440x1024xf32, #tpu.memory_space<hbm>> -> memref<18440x1024xf32, #tpu.memory_space<hbm>>
    tpu.enqueue_indirect_dma source(%arg9 : memref<64x1024xf32, #tpu.memory_space<vmem>>) target(%dma_start3A_96 : memref<18440x1024xf32, #tpu.memory_space<hbm>>) offsets(%dma_start3A_93 : memref<64xi32, #tpu.memory_space<vmem>>) semaphore(%arg10 : memref<!tpu.dma_semaphore, #tpu.memory_space<semaphore_mem>>)
    %dma_wait3A_97 = arith.constant 6 : i32
    %dma_wait3A_98 = arith.constant 0 : i32
    %dma_wait3A_99 = tpu.memref_slice %arg7[%dma_wait3A_97, %dma_wait3A_98] : memref<16x64xi32, #tpu.memory_space<vmem>> -> memref<1x64xi32, #tpu.memory_space<vmem>>
    %dma_wait3A_100 = tpu.memref_squeeze %dma_wait3A_99 : memref<1x64xi32, #tpu.memory_space<vmem>> -> memref<64xi32, #tpu.memory_space<vmem>>
    %dma_wait3A_101 = arith.constant 0 : i32
    %dma_wait3A_102 = arith.constant 0 : i32
    %dma_wait3A_103 = tpu.memref_slice %arg5[%dma_wait3A_101, %dma_wait3A_102] : memref<18440x1024xf32, #tpu.memory_space<hbm>> -> memref<18440x1024xf32, #tpu.memory_space<hbm>>
    tpu.wait_indirect_dma semaphore(%arg10 : memref<!tpu.dma_semaphore, #tpu.memory_space<semaphore_mem>>) src(%arg9 : memref<64x1024xf32, #tpu.memory_space<vmem>>) dst(%dma_wait3A_103 : memref<18440x1024xf32, #tpu.memory_space<hbm>>)
    %dma_start3A_104 = arith.constant 6 : i32
    %dma_start3A_105 = arith.constant 0 : i32
    %dma_start3A_106 = tpu.memref_slice %arg7[%dma_start3A_104, %dma_start3A_105] : memref<16x64xi32, #tpu.memory_space<vmem>> -> memref<1x64xi32, #tpu.memory_space<vmem>>
    %dma_start3A_107 = tpu.memref_squeeze %dma_start3A_106 : memref<1x64xi32, #tpu.memory_space<vmem>> -> memref<64xi32, #tpu.memory_space<vmem>>
    %dma_start3A_108 = arith.constant 0 : i32
    %dma_start3A_109 = arith.constant 0 : i32
    %dma_start3A_110 = tpu.memref_slice %arg6[%dma_start3A_108, %dma_start3A_109] : memref<18440x128xf32, #tpu.memory_space<hbm>> -> memref<18440x128xf32, #tpu.memory_space<hbm>>
    tpu.enqueue_indirect_dma source(%arg8 : memref<64x128xf32, #tpu.memory_space<vmem>>) target(%dma_start3A_110 : memref<18440x128xf32, #tpu.memory_space<hbm>>) offsets(%dma_start3A_107 : memref<64xi32, #tpu.memory_space<vmem>>) semaphore(%arg10 : memref<!tpu.dma_semaphore, #tpu.memory_space<semaphore_mem>>)
    %dma_wait3A_111 = arith.constant 6 : i32
    %dma_wait3A_112 = arith.constant 0 : i32
    %dma_wait3A_113 = tpu.memref_slice %arg7[%dma_wait3A_111, %dma_wait3A_112] : memref<16x64xi32, #tpu.memory_space<vmem>> -> memref<1x64xi32, #tpu.memory_space<vmem>>
    %dma_wait3A_114 = tpu.memref_squeeze %dma_wait3A_113 : memref<1x64xi32, #tpu.memory_space<vmem>> -> memref<64xi32, #tpu.memory_space<vmem>>
    %dma_wait3A_115 = arith.constant 0 : i32
    %dma_wait3A_116 = arith.constant 0 : i32
    %dma_wait3A_117 = tpu.memref_slice %arg6[%dma_wait3A_115, %dma_wait3A_116] : memref<18440x128xf32, #tpu.memory_space<hbm>> -> memref<18440x128xf32, #tpu.memory_space<hbm>>
    tpu.wait_indirect_dma semaphore(%arg10 : memref<!tpu.dma_semaphore, #tpu.memory_space<semaphore_mem>>) src(%arg8 : memref<64x128xf32, #tpu.memory_space<vmem>>) dst(%dma_wait3A_117 : memref<18440x128xf32, #tpu.memory_space<hbm>>)
    %run_scoped3A_118 = arith.constant 8 : i32
    "tpu.region"() ({
      %run_scoped3A_468 = tpu.sem_alloc : memref<!tpu.dma_semaphore, #tpu.memory_space<semaphore_mem>>
      %dma_start3A_469 = arith.constant 0 : i32
      %dma_start3A_470 = arith.constant 0 : i32
      %dma_start3A_471 = tpu.memref_slice %arg4[%add3A, %run_scoped3A_118, %dma_start3A_469, %dma_start3A_470] : memref<32x16x64x128xf32, #tpu.memory_space<hbm>> -> memref<1x1x64x128xf32, #tpu.memory_space<hbm>>
      %dma_start3A_472 = tpu.memref_squeeze %dma_start3A_471 : memref<1x1x64x128xf32, #tpu.memory_space<hbm>> -> memref<64x128xf32, #tpu.memory_space<hbm>>
      %dma_start3A_473 = arith.constant 0 : i32
      %dma_start3A_474 = arith.constant 0 : i32
      %dma_start3A_475 = tpu.memref_slice %arg4[%add3A, %run_scoped3A_118, %dma_start3A_473, %dma_start3A_474] : memref<32x16x64x128xf32, #tpu.memory_space<hbm>> -> memref<1x1x64x128xf32, #tpu.memory_space<hbm>>
      %dma_start3A_476 = tpu.memref_squeeze %dma_start3A_475 : memref<1x1x64x128xf32, #tpu.memory_space<hbm>> -> memref<64x128xf32, #tpu.memory_space<hbm>>
      tpu.enqueue_dma source(%dma_start3A_476 : memref<64x128xf32, #tpu.memory_space<hbm>>) target(%arg8 : memref<64x128xf32, #tpu.memory_space<vmem>>) target_semaphore(%run_scoped3A_468 : memref<!tpu.dma_semaphore, #tpu.memory_space<semaphore_mem>>)
      %dma_wait3A_477 = arith.constant 0 : i32
      %dma_wait3A_478 = arith.constant 0 : i32
      %dma_wait3A_479 = tpu.memref_slice %arg4[%add3A, %run_scoped3A_118, %dma_wait3A_477, %dma_wait3A_478] : memref<32x16x64x128xf32, #tpu.memory_space<hbm>> -> memref<1x1x64x128xf32, #tpu.memory_space<hbm>>
      %dma_wait3A_480 = tpu.memref_squeeze %dma_wait3A_479 : memref<1x1x64x128xf32, #tpu.memory_space<hbm>> -> memref<64x128xf32, #tpu.memory_space<hbm>>
      %dma_wait3A_481 = arith.constant 0 : i32
      %dma_wait3A_482 = arith.constant 0 : i32
      %dma_wait3A_483 = tpu.memref_slice %arg4[%add3A, %run_scoped3A_118, %dma_wait3A_481, %dma_wait3A_482] : memref<32x16x64x128xf32, #tpu.memory_space<hbm>> -> memref<1x1x64x128xf32, #tpu.memory_space<hbm>>
      %dma_wait3A_484 = tpu.memref_squeeze %dma_wait3A_483 : memref<1x1x64x128xf32, #tpu.memory_space<hbm>> -> memref<64x128xf32, #tpu.memory_space<hbm>>
      tpu.wait_dma2 semaphore(%run_scoped3A_468 : memref<!tpu.dma_semaphore, #tpu.memory_space<semaphore_mem>>) src(%dma_wait3A_484 : memref<64x128xf32, #tpu.memory_space<hbm>>) dst(%arg8 : memref<64x128xf32, #tpu.memory_space<vmem>>)
      tpu.yield
    }) : () -> ()
    %dma_start3A_119 = arith.constant 8 : i32
    %dma_start3A_120 = arith.constant 0 : i32
    %dma_start3A_121 = tpu.memref_slice %arg7[%dma_start3A_119, %dma_start3A_120] : memref<16x64xi32, #tpu.memory_space<vmem>> -> memref<1x64xi32, #tpu.memory_space<vmem>>
    %dma_start3A_122 = tpu.memref_squeeze %dma_start3A_121 : memref<1x64xi32, #tpu.memory_space<vmem>> -> memref<64xi32, #tpu.memory_space<vmem>>
    %dma_start3A_123 = arith.constant 0 : i32
    %dma_start3A_124 = arith.constant 0 : i32
    %dma_start3A_125 = tpu.memref_slice %arg5[%dma_start3A_123, %dma_start3A_124] : memref<18440x1024xf32, #tpu.memory_space<hbm>> -> memref<18440x1024xf32, #tpu.memory_space<hbm>>
    tpu.enqueue_indirect_dma source(%arg9 : memref<64x1024xf32, #tpu.memory_space<vmem>>) target(%dma_start3A_125 : memref<18440x1024xf32, #tpu.memory_space<hbm>>) offsets(%dma_start3A_122 : memref<64xi32, #tpu.memory_space<vmem>>) semaphore(%arg10 : memref<!tpu.dma_semaphore, #tpu.memory_space<semaphore_mem>>)
    %dma_wait3A_126 = arith.constant 8 : i32
    %dma_wait3A_127 = arith.constant 0 : i32
    %dma_wait3A_128 = tpu.memref_slice %arg7[%dma_wait3A_126, %dma_wait3A_127] : memref<16x64xi32, #tpu.memory_space<vmem>> -> memref<1x64xi32, #tpu.memory_space<vmem>>
    %dma_wait3A_129 = tpu.memref_squeeze %dma_wait3A_128 : memref<1x64xi32, #tpu.memory_space<vmem>> -> memref<64xi32, #tpu.memory_space<vmem>>
    %dma_wait3A_130 = arith.constant 0 : i32
    %dma_wait3A_131 = arith.constant 0 : i32
    %dma_wait3A_132 = tpu.memref_slice %arg5[%dma_wait3A_130, %dma_wait3A_131] : memref<18440x1024xf32, #tpu.memory_space<hbm>> -> memref<18440x1024xf32, #tpu.memory_space<hbm>>
    tpu.wait_indirect_dma semaphore(%arg10 : memref<!tpu.dma_semaphore, #tpu.memory_space<semaphore_mem>>) src(%arg9 : memref<64x1024xf32, #tpu.memory_space<vmem>>) dst(%dma_wait3A_132 : memref<18440x1024xf32, #tpu.memory_space<hbm>>)
    %dma_start3A_133 = arith.constant 8 : i32
    %dma_start3A_134 = arith.constant 0 : i32
    %dma_start3A_135 = tpu.memref_slice %arg7[%dma_start3A_133, %dma_start3A_134] : memref<16x64xi32, #tpu.memory_space<vmem>> -> memref<1x64xi32, #tpu.memory_space<vmem>>
    %dma_start3A_136 = tpu.memref_squeeze %dma_start3A_135 : memref<1x64xi32, #tpu.memory_space<vmem>> -> memref<64xi32, #tpu.memory_space<vmem>>
    %dma_start3A_137 = arith.constant 0 : i32
    %dma_start3A_138 = arith.constant 0 : i32
    %dma_start3A_139 = tpu.memref_slice %arg6[%dma_start3A_137, %dma_start3A_138] : memref<18440x128xf32, #tpu.memory_space<hbm>> -> memref<18440x128xf32, #tpu.memory_space<hbm>>
    tpu.enqueue_indirect_dma source(%arg8 : memref<64x128xf32, #tpu.memory_space<vmem>>) target(%dma_start3A_139 : memref<18440x128xf32, #tpu.memory_space<hbm>>) offsets(%dma_start3A_136 : memref<64xi32, #tpu.memory_space<vmem>>) semaphore(%arg10 : memref<!tpu.dma_semaphore, #tpu.memory_space<semaphore_mem>>)
    %dma_wait3A_140 = arith.constant 8 : i32
    %dma_wait3A_141 = arith.constant 0 : i32
    %dma_wait3A_142 = tpu.memref_slice %arg7[%dma_wait3A_140, %dma_wait3A_141] : memref<16x64xi32, #tpu.memory_space<vmem>> -> memref<1x64xi32, #tpu.memory_space<vmem>>
    %dma_wait3A_143 = tpu.memref_squeeze %dma_wait3A_142 : memref<1x64xi32, #tpu.memory_space<vmem>> -> memref<64xi32, #tpu.memory_space<vmem>>
    %dma_wait3A_144 = arith.constant 0 : i32
    %dma_wait3A_145 = arith.constant 0 : i32
    %dma_wait3A_146 = tpu.memref_slice %arg6[%dma_wait3A_144, %dma_wait3A_145] : memref<18440x128xf32, #tpu.memory_space<hbm>> -> memref<18440x128xf32, #tpu.memory_space<hbm>>
    tpu.wait_indirect_dma semaphore(%arg10 : memref<!tpu.dma_semaphore, #tpu.memory_space<semaphore_mem>>) src(%arg8 : memref<64x128xf32, #tpu.memory_space<vmem>>) dst(%dma_wait3A_146 : memref<18440x128xf32, #tpu.memory_space<hbm>>)
    %run_scoped3A_147 = arith.constant 10 : i32
    "tpu.region"() ({
      %run_scoped3A_468 = tpu.sem_alloc : memref<!tpu.dma_semaphore, #tpu.memory_space<semaphore_mem>>
      %dma_start3A_469 = arith.constant 0 : i32
      %dma_start3A_470 = arith.constant 0 : i32
      %dma_start3A_471 = tpu.memref_slice %arg4[%add3A, %run_scoped3A_147, %dma_start3A_469, %dma_start3A_470] : memref<32x16x64x128xf32, #tpu.memory_space<hbm>> -> memref<1x1x64x128xf32, #tpu.memory_space<hbm>>
      %dma_start3A_472 = tpu.memref_squeeze %dma_start3A_471 : memref<1x1x64x128xf32, #tpu.memory_space<hbm>> -> memref<64x128xf32, #tpu.memory_space<hbm>>
      %dma_start3A_473 = arith.constant 0 : i32
      %dma_start3A_474 = arith.constant 0 : i32
      %dma_start3A_475 = tpu.memref_slice %arg4[%add3A, %run_scoped3A_147, %dma_start3A_473, %dma_start3A_474] : memref<32x16x64x128xf32, #tpu.memory_space<hbm>> -> memref<1x1x64x128xf32, #tpu.memory_space<hbm>>
      %dma_start3A_476 = tpu.memref_squeeze %dma_start3A_475 : memref<1x1x64x128xf32, #tpu.memory_space<hbm>> -> memref<64x128xf32, #tpu.memory_space<hbm>>
      tpu.enqueue_dma source(%dma_start3A_476 : memref<64x128xf32, #tpu.memory_space<hbm>>) target(%arg8 : memref<64x128xf32, #tpu.memory_space<vmem>>) target_semaphore(%run_scoped3A_468 : memref<!tpu.dma_semaphore, #tpu.memory_space<semaphore_mem>>)
      %dma_wait3A_477 = arith.constant 0 : i32
      %dma_wait3A_478 = arith.constant 0 : i32
      %dma_wait3A_479 = tpu.memref_slice %arg4[%add3A, %run_scoped3A_147, %dma_wait3A_477, %dma_wait3A_478] : memref<32x16x64x128xf32, #tpu.memory_space<hbm>> -> memref<1x1x64x128xf32, #tpu.memory_space<hbm>>
      %dma_wait3A_480 = tpu.memref_squeeze %dma_wait3A_479 : memref<1x1x64x128xf32, #tpu.memory_space<hbm>> -> memref<64x128xf32, #tpu.memory_space<hbm>>
      %dma_wait3A_481 = arith.constant 0 : i32
      %dma_wait3A_482 = arith.constant 0 : i32
      %dma_wait3A_483 = tpu.memref_slice %arg4[%add3A, %run_scoped3A_147, %dma_wait3A_481, %dma_wait3A_482] : memref<32x16x64x128xf32, #tpu.memory_space<hbm>> -> memref<1x1x64x128xf32, #tpu.memory_space<hbm>>
      %dma_wait3A_484 = tpu.memref_squeeze %dma_wait3A_483 : memref<1x1x64x128xf32, #tpu.memory_space<hbm>> -> memref<64x128xf32, #tpu.memory_space<hbm>>
      tpu.wait_dma2 semaphore(%run_scoped3A_468 : memref<!tpu.dma_semaphore, #tpu.memory_space<semaphore_mem>>) src(%dma_wait3A_484 : memref<64x128xf32, #tpu.memory_space<hbm>>) dst(%arg8 : memref<64x128xf32, #tpu.memory_space<vmem>>)
      tpu.yield
    }) : () -> ()
    %dma_start3A_148 = arith.constant 10 : i32
    %dma_start3A_149 = arith.constant 0 : i32
    %dma_start3A_150 = tpu.memref_slice %arg7[%dma_start3A_148, %dma_start3A_149] : memref<16x64xi32, #tpu.memory_space<vmem>> -> memref<1x64xi32, #tpu.memory_space<vmem>>
    %dma_start3A_151 = tpu.memref_squeeze %dma_start3A_150 : memref<1x64xi32, #tpu.memory_space<vmem>> -> memref<64xi32, #tpu.memory_space<vmem>>
    %dma_start3A_152 = arith.constant 0 : i32
    %dma_start3A_153 = arith.constant 0 : i32
    %dma_start3A_154 = tpu.memref_slice %arg5[%dma_start3A_152, %dma_start3A_153] : memref<18440x1024xf32, #tpu.memory_space<hbm>> -> memref<18440x1024xf32, #tpu.memory_space<hbm>>
    tpu.enqueue_indirect_dma source(%arg9 : memref<64x1024xf32, #tpu.memory_space<vmem>>) target(%dma_start3A_154 : memref<18440x1024xf32, #tpu.memory_space<hbm>>) offsets(%dma_start3A_151 : memref<64xi32, #tpu.memory_space<vmem>>) semaphore(%arg10 : memref<!tpu.dma_semaphore, #tpu.memory_space<semaphore_mem>>)
    %dma_wait3A_155 = arith.constant 10 : i32
    %dma_wait3A_156 = arith.constant 0 : i32
    %dma_wait3A_157 = tpu.memref_slice %arg7[%dma_wait3A_155, %dma_wait3A_156] : memref<16x64xi32, #tpu.memory_space<vmem>> -> memref<1x64xi32, #tpu.memory_space<vmem>>
    %dma_wait3A_158 = tpu.memref_squeeze %dma_wait3A_157 : memref<1x64xi32, #tpu.memory_space<vmem>> -> memref<64xi32, #tpu.memory_space<vmem>>
    %dma_wait3A_159 = arith.constant 0 : i32
    %dma_wait3A_160 = arith.constant 0 : i32
    %dma_wait3A_161 = tpu.memref_slice %arg5[%dma_wait3A_159, %dma_wait3A_160] : memref<18440x1024xf32, #tpu.memory_space<hbm>> -> memref<18440x1024xf32, #tpu.memory_space<hbm>>
    tpu.wait_indirect_dma semaphore(%arg10 : memref<!tpu.dma_semaphore, #tpu.memory_space<semaphore_mem>>) src(%arg9 : memref<64x1024xf32, #tpu.memory_space<vmem>>) dst(%dma_wait3A_161 : memref<18440x1024xf32, #tpu.memory_space<hbm>>)
    %dma_start3A_162 = arith.constant 10 : i32
    %dma_start3A_163 = arith.constant 0 : i32
    %dma_start3A_164 = tpu.memref_slice %arg7[%dma_start3A_162, %dma_start3A_163] : memref<16x64xi32, #tpu.memory_space<vmem>> -> memref<1x64xi32, #tpu.memory_space<vmem>>
    %dma_start3A_165 = tpu.memref_squeeze %dma_start3A_164 : memref<1x64xi32, #tpu.memory_space<vmem>> -> memref<64xi32, #tpu.memory_space<vmem>>
    %dma_start3A_166 = arith.constant 0 : i32
    %dma_start3A_167 = arith.constant 0 : i32
    %dma_start3A_168 = tpu.memref_slice %arg6[%dma_start3A_166, %dma_start3A_167] : memref<18440x128xf32, #tpu.memory_space<hbm>> -> memref<18440x128xf32, #tpu.memory_space<hbm>>
    tpu.enqueue_indirect_dma source(%arg8 : memref<64x128xf32, #tpu.memory_space<vmem>>) target(%dma_start3A_168 : memref<18440x128xf32, #tpu.memory_space<hbm>>) offsets(%dma_start3A_165 : memref<64xi32, #tpu.memory_space<vmem>>) semaphore(%arg10 : memref<!tpu.dma_semaphore, #tpu.memory_space<semaphore_mem>>)
    %dma_wait3A_169 = arith.constant 10 : i32
    %dma_wait3A_170 = arith.constant 0 : i32
    %dma_wait3A_171 = tpu.memref_slice %arg7[%dma_wait3A_169, %dma_wait3A_170] : memref<16x64xi32, #tpu.memory_space<vmem>> -> memref<1x64xi32, #tpu.memory_space<vmem>>
    %dma_wait3A_172 = tpu.memref_squeeze %dma_wait3A_171 : memref<1x64xi32, #tpu.memory_space<vmem>> -> memref<64xi32, #tpu.memory_space<vmem>>
    %dma_wait3A_173 = arith.constant 0 : i32
    %dma_wait3A_174 = arith.constant 0 : i32
    %dma_wait3A_175 = tpu.memref_slice %arg6[%dma_wait3A_173, %dma_wait3A_174] : memref<18440x128xf32, #tpu.memory_space<hbm>> -> memref<18440x128xf32, #tpu.memory_space<hbm>>
    tpu.wait_indirect_dma semaphore(%arg10 : memref<!tpu.dma_semaphore, #tpu.memory_space<semaphore_mem>>) src(%arg8 : memref<64x128xf32, #tpu.memory_space<vmem>>) dst(%dma_wait3A_175 : memref<18440x128xf32, #tpu.memory_space<hbm>>)
    %run_scoped3A_176 = arith.constant 12 : i32
    "tpu.region"() ({
      %run_scoped3A_468 = tpu.sem_alloc : memref<!tpu.dma_semaphore, #tpu.memory_space<semaphore_mem>>
      %dma_start3A_469 = arith.constant 0 : i32
      %dma_start3A_470 = arith.constant 0 : i32
      %dma_start3A_471 = tpu.memref_slice %arg4[%add3A, %run_scoped3A_176, %dma_start3A_469, %dma_start3A_470] : memref<32x16x64x128xf32, #tpu.memory_space<hbm>> -> memref<1x1x64x128xf32, #tpu.memory_space<hbm>>
      %dma_start3A_472 = tpu.memref_squeeze %dma_start3A_471 : memref<1x1x64x128xf32, #tpu.memory_space<hbm>> -> memref<64x128xf32, #tpu.memory_space<hbm>>
      %dma_start3A_473 = arith.constant 0 : i32
      %dma_start3A_474 = arith.constant 0 : i32
      %dma_start3A_475 = tpu.memref_slice %arg4[%add3A, %run_scoped3A_176, %dma_start3A_473, %dma_start3A_474] : memref<32x16x64x128xf32, #tpu.memory_space<hbm>> -> memref<1x1x64x128xf32, #tpu.memory_space<hbm>>
      %dma_start3A_476 = tpu.memref_squeeze %dma_start3A_475 : memref<1x1x64x128xf32, #tpu.memory_space<hbm>> -> memref<64x128xf32, #tpu.memory_space<hbm>>
      tpu.enqueue_dma source(%dma_start3A_476 : memref<64x128xf32, #tpu.memory_space<hbm>>) target(%arg8 : memref<64x128xf32, #tpu.memory_space<vmem>>) target_semaphore(%run_scoped3A_468 : memref<!tpu.dma_semaphore, #tpu.memory_space<semaphore_mem>>)
      %dma_wait3A_477 = arith.constant 0 : i32
      %dma_wait3A_478 = arith.constant 0 : i32
      %dma_wait3A_479 = tpu.memref_slice %arg4[%add3A, %run_scoped3A_176, %dma_wait3A_477, %dma_wait3A_478] : memref<32x16x64x128xf32, #tpu.memory_space<hbm>> -> memref<1x1x64x128xf32, #tpu.memory_space<hbm>>
      %dma_wait3A_480 = tpu.memref_squeeze %dma_wait3A_479 : memref<1x1x64x128xf32, #tpu.memory_space<hbm>> -> memref<64x128xf32, #tpu.memory_space<hbm>>
      %dma_wait3A_481 = arith.constant 0 : i32
      %dma_wait3A_482 = arith.constant 0 : i32
      %dma_wait3A_483 = tpu.memref_slice %arg4[%add3A, %run_scoped3A_176, %dma_wait3A_481, %dma_wait3A_482] : memref<32x16x64x128xf32, #tpu.memory_space<hbm>> -> memref<1x1x64x128xf32, #tpu.memory_space<hbm>>
      %dma_wait3A_484 = tpu.memref_squeeze %dma_wait3A_483 : memref<1x1x64x128xf32, #tpu.memory_space<hbm>> -> memref<64x128xf32, #tpu.memory_space<hbm>>
      tpu.wait_dma2 semaphore(%run_scoped3A_468 : memref<!tpu.dma_semaphore, #tpu.memory_space<semaphore_mem>>) src(%dma_wait3A_484 : memref<64x128xf32, #tpu.memory_space<hbm>>) dst(%arg8 : memref<64x128xf32, #tpu.memory_space<vmem>>)
      tpu.yield
    }) : () -> ()
    %dma_start3A_177 = arith.constant 12 : i32
    %dma_start3A_178 = arith.constant 0 : i32
    %dma_start3A_179 = tpu.memref_slice %arg7[%dma_start3A_177, %dma_start3A_178] : memref<16x64xi32, #tpu.memory_space<vmem>> -> memref<1x64xi32, #tpu.memory_space<vmem>>
    %dma_start3A_180 = tpu.memref_squeeze %dma_start3A_179 : memref<1x64xi32, #tpu.memory_space<vmem>> -> memref<64xi32, #tpu.memory_space<vmem>>
    %dma_start3A_181 = arith.constant 0 : i32
    %dma_start3A_182 = arith.constant 0 : i32
    %dma_start3A_183 = tpu.memref_slice %arg5[%dma_start3A_181, %dma_start3A_182] : memref<18440x1024xf32, #tpu.memory_space<hbm>> -> memref<18440x1024xf32, #tpu.memory_space<hbm>>
    tpu.enqueue_indirect_dma source(%arg9 : memref<64x1024xf32, #tpu.memory_space<vmem>>) target(%dma_start3A_183 : memref<18440x1024xf32, #tpu.memory_space<hbm>>) offsets(%dma_start3A_180 : memref<64xi32, #tpu.memory_space<vmem>>) semaphore(%arg10 : memref<!tpu.dma_semaphore, #tpu.memory_space<semaphore_mem>>)
    %dma_wait3A_184 = arith.constant 12 : i32
    %dma_wait3A_185 = arith.constant 0 : i32
    %dma_wait3A_186 = tpu.memref_slice %arg7[%dma_wait3A_184, %dma_wait3A_185] : memref<16x64xi32, #tpu.memory_space<vmem>> -> memref<1x64xi32, #tpu.memory_space<vmem>>
    %dma_wait3A_187 = tpu.memref_squeeze %dma_wait3A_186 : memref<1x64xi32, #tpu.memory_space<vmem>> -> memref<64xi32, #tpu.memory_space<vmem>>
    %dma_wait3A_188 = arith.constant 0 : i32
    %dma_wait3A_189 = arith.constant 0 : i32
    %dma_wait3A_190 = tpu.memref_slice %arg5[%dma_wait3A_188, %dma_wait3A_189] : memref<18440x1024xf32, #tpu.memory_space<hbm>> -> memref<18440x1024xf32, #tpu.memory_space<hbm>>
    tpu.wait_indirect_dma semaphore(%arg10 : memref<!tpu.dma_semaphore, #tpu.memory_space<semaphore_mem>>) src(%arg9 : memref<64x1024xf32, #tpu.memory_space<vmem>>) dst(%dma_wait3A_190 : memref<18440x1024xf32, #tpu.memory_space<hbm>>)
    %dma_start3A_191 = arith.constant 12 : i32
    %dma_start3A_192 = arith.constant 0 : i32
    %dma_start3A_193 = tpu.memref_slice %arg7[%dma_start3A_191, %dma_start3A_192] : memref<16x64xi32, #tpu.memory_space<vmem>> -> memref<1x64xi32, #tpu.memory_space<vmem>>
    %dma_start3A_194 = tpu.memref_squeeze %dma_start3A_193 : memref<1x64xi32, #tpu.memory_space<vmem>> -> memref<64xi32, #tpu.memory_space<vmem>>
    %dma_start3A_195 = arith.constant 0 : i32
    %dma_start3A_196 = arith.constant 0 : i32
    %dma_start3A_197 = tpu.memref_slice %arg6[%dma_start3A_195, %dma_start3A_196] : memref<18440x128xf32, #tpu.memory_space<hbm>> -> memref<18440x128xf32, #tpu.memory_space<hbm>>
    tpu.enqueue_indirect_dma source(%arg8 : memref<64x128xf32, #tpu.memory_space<vmem>>) target(%dma_start3A_197 : memref<18440x128xf32, #tpu.memory_space<hbm>>) offsets(%dma_start3A_194 : memref<64xi32, #tpu.memory_space<vmem>>) semaphore(%arg10 : memref<!tpu.dma_semaphore, #tpu.memory_space<semaphore_mem>>)
    %dma_wait3A_198 = arith.constant 12 : i32
    %dma_wait3A_199 = arith.constant 0 : i32
    %dma_wait3A_200 = tpu.memref_slice %arg7[%dma_wait3A_198, %dma_wait3A_199] : memref<16x64xi32, #tpu.memory_space<vmem>> -> memref<1x64xi32, #tpu.memory_space<vmem>>
    %dma_wait3A_201 = tpu.memref_squeeze %dma_wait3A_200 : memref<1x64xi32, #tpu.memory_space<vmem>> -> memref<64xi32, #tpu.memory_space<vmem>>
    %dma_wait3A_202 = arith.constant 0 : i32
    %dma_wait3A_203 = arith.constant 0 : i32
    %dma_wait3A_204 = tpu.memref_slice %arg6[%dma_wait3A_202, %dma_wait3A_203] : memref<18440x128xf32, #tpu.memory_space<hbm>> -> memref<18440x128xf32, #tpu.memory_space<hbm>>
    tpu.wait_indirect_dma semaphore(%arg10 : memref<!tpu.dma_semaphore, #tpu.memory_space<semaphore_mem>>) src(%arg8 : memref<64x128xf32, #tpu.memory_space<vmem>>) dst(%dma_wait3A_204 : memref<18440x128xf32, #tpu.memory_space<hbm>>)
    %run_scoped3A_205 = arith.constant 14 : i32
    "tpu.region"() ({
      %run_scoped3A_468 = tpu.sem_alloc : memref<!tpu.dma_semaphore, #tpu.memory_space<semaphore_mem>>
      %dma_start3A_469 = arith.constant 0 : i32
      %dma_start3A_470 = arith.constant 0 : i32
      %dma_start3A_471 = tpu.memref_slice %arg4[%add3A, %run_scoped3A_205, %dma_start3A_469, %dma_start3A_470] : memref<32x16x64x128xf32, #tpu.memory_space<hbm>> -> memref<1x1x64x128xf32, #tpu.memory_space<hbm>>
      %dma_start3A_472 = tpu.memref_squeeze %dma_start3A_471 : memref<1x1x64x128xf32, #tpu.memory_space<hbm>> -> memref<64x128xf32, #tpu.memory_space<hbm>>
      %dma_start3A_473 = arith.constant 0 : i32
      %dma_start3A_474 = arith.constant 0 : i32
      %dma_start3A_475 = tpu.memref_slice %arg4[%add3A, %run_scoped3A_205, %dma_start3A_473, %dma_start3A_474] : memref<32x16x64x128xf32, #tpu.memory_space<hbm>> -> memref<1x1x64x128xf32, #tpu.memory_space<hbm>>
      %dma_start3A_476 = tpu.memref_squeeze %dma_start3A_475 : memref<1x1x64x128xf32, #tpu.memory_space<hbm>> -> memref<64x128xf32, #tpu.memory_space<hbm>>
      tpu.enqueue_dma source(%dma_start3A_476 : memref<64x128xf32, #tpu.memory_space<hbm>>) target(%arg8 : memref<64x128xf32, #tpu.memory_space<vmem>>) target_semaphore(%run_scoped3A_468 : memref<!tpu.dma_semaphore, #tpu.memory_space<semaphore_mem>>)
      %dma_wait3A_477 = arith.constant 0 : i32
      %dma_wait3A_478 = arith.constant 0 : i32
      %dma_wait3A_479 = tpu.memref_slice %arg4[%add3A, %run_scoped3A_205, %dma_wait3A_477, %dma_wait3A_478] : memref<32x16x64x128xf32, #tpu.memory_space<hbm>> -> memref<1x1x64x128xf32, #tpu.memory_space<hbm>>
      %dma_wait3A_480 = tpu.memref_squeeze %dma_wait3A_479 : memref<1x1x64x128xf32, #tpu.memory_space<hbm>> -> memref<64x128xf32, #tpu.memory_space<hbm>>
      %dma_wait3A_481 = arith.constant 0 : i32
      %dma_wait3A_482 = arith.constant 0 : i32
      %dma_wait3A_483 = tpu.memref_slice %arg4[%add3A, %run_scoped3A_205, %dma_wait3A_481, %dma_wait3A_482] : memref<32x16x64x128xf32, #tpu.memory_space<hbm>> -> memref<1x1x64x128xf32, #tpu.memory_space<hbm>>
      %dma_wait3A_484 = tpu.memref_squeeze %dma_wait3A_483 : memref<1x1x64x128xf32, #tpu.memory_space<hbm>> -> memref<64x128xf32, #tpu.memory_space<hbm>>
      tpu.wait_dma2 semaphore(%run_scoped3A_468 : memref<!tpu.dma_semaphore, #tpu.memory_space<semaphore_mem>>) src(%dma_wait3A_484 : memref<64x128xf32, #tpu.memory_space<hbm>>) dst(%arg8 : memref<64x128xf32, #tpu.memory_space<vmem>>)
      tpu.yield
    }) : () -> ()
    %dma_start3A_206 = arith.constant 14 : i32
    %dma_start3A_207 = arith.constant 0 : i32
    %dma_start3A_208 = tpu.memref_slice %arg7[%dma_start3A_206, %dma_start3A_207] : memref<16x64xi32, #tpu.memory_space<vmem>> -> memref<1x64xi32, #tpu.memory_space<vmem>>
    %dma_start3A_209 = tpu.memref_squeeze %dma_start3A_208 : memref<1x64xi32, #tpu.memory_space<vmem>> -> memref<64xi32, #tpu.memory_space<vmem>>
    %dma_start3A_210 = arith.constant 0 : i32
    %dma_start3A_211 = arith.constant 0 : i32
    %dma_start3A_212 = tpu.memref_slice %arg5[%dma_start3A_210, %dma_start3A_211] : memref<18440x1024xf32, #tpu.memory_space<hbm>> -> memref<18440x1024xf32, #tpu.memory_space<hbm>>
    tpu.enqueue_indirect_dma source(%arg9 : memref<64x1024xf32, #tpu.memory_space<vmem>>) target(%dma_start3A_212 : memref<18440x1024xf32, #tpu.memory_space<hbm>>) offsets(%dma_start3A_209 : memref<64xi32, #tpu.memory_space<vmem>>) semaphore(%arg10 : memref<!tpu.dma_semaphore, #tpu.memory_space<semaphore_mem>>)
    %dma_wait3A_213 = arith.constant 14 : i32
    %dma_wait3A_214 = arith.constant 0 : i32
    %dma_wait3A_215 = tpu.memref_slice %arg7[%dma_wait3A_213, %dma_wait3A_214] : memref<16x64xi32, #tpu.memory_space<vmem>> -> memref<1x64xi32, #tpu.memory_space<vmem>>
    %dma_wait3A_216 = tpu.memref_squeeze %dma_wait3A_215 : memref<1x64xi32, #tpu.memory_space<vmem>> -> memref<64xi32, #tpu.memory_space<vmem>>
    %dma_wait3A_217 = arith.constant 0 : i32
    %dma_wait3A_218 = arith.constant 0 : i32
    %dma_wait3A_219 = tpu.memref_slice %arg5[%dma_wait3A_217, %dma_wait3A_218] : memref<18440x1024xf32, #tpu.memory_space<hbm>> -> memref<18440x1024xf32, #tpu.memory_space<hbm>>
    tpu.wait_indirect_dma semaphore(%arg10 : memref<!tpu.dma_semaphore, #tpu.memory_space<semaphore_mem>>) src(%arg9 : memref<64x1024xf32, #tpu.memory_space<vmem>>) dst(%dma_wait3A_219 : memref<18440x1024xf32, #tpu.memory_space<hbm>>)
    %dma_start3A_220 = arith.constant 14 : i32
    %dma_start3A_221 = arith.constant 0 : i32
    %dma_start3A_222 = tpu.memref_slice %arg7[%dma_start3A_220, %dma_start3A_221] : memref<16x64xi32, #tpu.memory_space<vmem>> -> memref<1x64xi32, #tpu.memory_space<vmem>>
    %dma_start3A_223 = tpu.memref_squeeze %dma_start3A_222 : memref<1x64xi32, #tpu.memory_space<vmem>> -> memref<64xi32, #tpu.memory_space<vmem>>
    %dma_start3A_224 = arith.constant 0 : i32
    %dma_start3A_225 = arith.constant 0 : i32
    %dma_start3A_226 = tpu.memref_slice %arg6[%dma_start3A_224, %dma_start3A_225] : memref<18440x128xf32, #tpu.memory_space<hbm>> -> memref<18440x128xf32, #tpu.memory_space<hbm>>
    tpu.enqueue_indirect_dma source(%arg8 : memref<64x128xf32, #tpu.memory_space<vmem>>) target(%dma_start3A_226 : memref<18440x128xf32, #tpu.memory_space<hbm>>) offsets(%dma_start3A_223 : memref<64xi32, #tpu.memory_space<vmem>>) semaphore(%arg10 : memref<!tpu.dma_semaphore, #tpu.memory_space<semaphore_mem>>)
    %dma_wait3A_227 = arith.constant 14 : i32
    %dma_wait3A_228 = arith.constant 0 : i32
    %dma_wait3A_229 = tpu.memref_slice %arg7[%dma_wait3A_227, %dma_wait3A_228] : memref<16x64xi32, #tpu.memory_space<vmem>> -> memref<1x64xi32, #tpu.memory_space<vmem>>
    %dma_wait3A_230 = tpu.memref_squeeze %dma_wait3A_229 : memref<1x64xi32, #tpu.memory_space<vmem>> -> memref<64xi32, #tpu.memory_space<vmem>>
    %dma_wait3A_231 = arith.constant 0 : i32
    %dma_wait3A_232 = arith.constant 0 : i32
    %dma_wait3A_233 = tpu.memref_slice %arg6[%dma_wait3A_231, %dma_wait3A_232] : memref<18440x128xf32, #tpu.memory_space<hbm>> -> memref<18440x128xf32, #tpu.memory_space<hbm>>
    tpu.wait_indirect_dma semaphore(%arg10 : memref<!tpu.dma_semaphore, #tpu.memory_space<semaphore_mem>>) src(%arg8 : memref<64x128xf32, #tpu.memory_space<vmem>>) dst(%dma_wait3A_233 : memref<18440x128xf32, #tpu.memory_space<hbm>>)
    %add3A_234 = arith.constant 64 : i32
    %add3A_235 = arith.addi %mul3A_2, %add3A_234 : i32
    "tpu.region"() ({
      %run_scoped3A_468 = tpu.sem_alloc : memref<!tpu.dma_semaphore, #tpu.memory_space<semaphore_mem>>
      %dma_start3A_469 = arith.constant 0 : i32
      %dma_start3A_470 = tpu.memref_slice %arg2[%add3A_235, %dma_start3A_469] : memref<4096x1024xf32, #tpu.memory_space<hbm>> -> memref<64x1024xf32, #tpu.memory_space<hbm>>
      %dma_start3A_471 = arith.constant 0 : i32
      %dma_start3A_472 = tpu.memref_slice %arg2[%add3A_235, %dma_start3A_471] : memref<4096x1024xf32, #tpu.memory_space<hbm>> -> memref<64x1024xf32, #tpu.memory_space<hbm>>
      tpu.enqueue_dma source(%dma_start3A_472 : memref<64x1024xf32, #tpu.memory_space<hbm>>) target(%arg9 : memref<64x1024xf32, #tpu.memory_space<vmem>>) target_semaphore(%run_scoped3A_468 : memref<!tpu.dma_semaphore, #tpu.memory_space<semaphore_mem>>)
      %dma_wait3A_473 = arith.constant 0 : i32
      %dma_wait3A_474 = tpu.memref_slice %arg2[%add3A_235, %dma_wait3A_473] : memref<4096x1024xf32, #tpu.memory_space<hbm>> -> memref<64x1024xf32, #tpu.memory_space<hbm>>
      %dma_wait3A_475 = arith.constant 0 : i32
      %dma_wait3A_476 = tpu.memref_slice %arg2[%add3A_235, %dma_wait3A_475] : memref<4096x1024xf32, #tpu.memory_space<hbm>> -> memref<64x1024xf32, #tpu.memory_space<hbm>>
      tpu.wait_dma2 semaphore(%run_scoped3A_468 : memref<!tpu.dma_semaphore, #tpu.memory_space<semaphore_mem>>) src(%dma_wait3A_476 : memref<64x1024xf32, #tpu.memory_space<hbm>>) dst(%arg9 : memref<64x1024xf32, #tpu.memory_space<vmem>>)
      tpu.yield
    }) : () -> ()
    %run_scoped3A_236 = arith.constant 1 : i32
    "tpu.region"() ({
      %run_scoped3A_468 = tpu.sem_alloc : memref<!tpu.dma_semaphore, #tpu.memory_space<semaphore_mem>>
      %dma_start3A_469 = arith.constant 0 : i32
      %dma_start3A_470 = arith.constant 0 : i32
      %dma_start3A_471 = tpu.memref_slice %arg4[%add3A, %run_scoped3A_236, %dma_start3A_469, %dma_start3A_470] : memref<32x16x64x128xf32, #tpu.memory_space<hbm>> -> memref<1x1x64x128xf32, #tpu.memory_space<hbm>>
      %dma_start3A_472 = tpu.memref_squeeze %dma_start3A_471 : memref<1x1x64x128xf32, #tpu.memory_space<hbm>> -> memref<64x128xf32, #tpu.memory_space<hbm>>
      %dma_start3A_473 = arith.constant 0 : i32
      %dma_start3A_474 = arith.constant 0 : i32
      %dma_start3A_475 = tpu.memref_slice %arg4[%add3A, %run_scoped3A_236, %dma_start3A_473, %dma_start3A_474] : memref<32x16x64x128xf32, #tpu.memory_space<hbm>> -> memref<1x1x64x128xf32, #tpu.memory_space<hbm>>
      %dma_start3A_476 = tpu.memref_squeeze %dma_start3A_475 : memref<1x1x64x128xf32, #tpu.memory_space<hbm>> -> memref<64x128xf32, #tpu.memory_space<hbm>>
      tpu.enqueue_dma source(%dma_start3A_476 : memref<64x128xf32, #tpu.memory_space<hbm>>) target(%arg8 : memref<64x128xf32, #tpu.memory_space<vmem>>) target_semaphore(%run_scoped3A_468 : memref<!tpu.dma_semaphore, #tpu.memory_space<semaphore_mem>>)
      %dma_wait3A_477 = arith.constant 0 : i32
      %dma_wait3A_478 = arith.constant 0 : i32
      %dma_wait3A_479 = tpu.memref_slice %arg4[%add3A, %run_scoped3A_236, %dma_wait3A_477, %dma_wait3A_478] : memref<32x16x64x128xf32, #tpu.memory_space<hbm>> -> memref<1x1x64x128xf32, #tpu.memory_space<hbm>>
      %dma_wait3A_480 = tpu.memref_squeeze %dma_wait3A_479 : memref<1x1x64x128xf32, #tpu.memory_space<hbm>> -> memref<64x128xf32, #tpu.memory_space<hbm>>
      %dma_wait3A_481 = arith.constant 0 : i32
      %dma_wait3A_482 = arith.constant 0 : i32
      %dma_wait3A_483 = tpu.memref_slice %arg4[%add3A, %run_scoped3A_236, %dma_wait3A_481, %dma_wait3A_482] : memref<32x16x64x128xf32, #tpu.memory_space<hbm>> -> memref<1x1x64x128xf32, #tpu.memory_space<hbm>>
      %dma_wait3A_484 = tpu.memref_squeeze %dma_wait3A_483 : memref<1x1x64x128xf32, #tpu.memory_space<hbm>> -> memref<64x128xf32, #tpu.memory_space<hbm>>
      tpu.wait_dma2 semaphore(%run_scoped3A_468 : memref<!tpu.dma_semaphore, #tpu.memory_space<semaphore_mem>>) src(%dma_wait3A_484 : memref<64x128xf32, #tpu.memory_space<hbm>>) dst(%arg8 : memref<64x128xf32, #tpu.memory_space<vmem>>)
      tpu.yield
    }) : () -> ()
    %dma_start3A_237 = arith.constant 1 : i32
    %dma_start3A_238 = arith.constant 0 : i32
    %dma_start3A_239 = tpu.memref_slice %arg7[%dma_start3A_237, %dma_start3A_238] : memref<16x64xi32, #tpu.memory_space<vmem>> -> memref<1x64xi32, #tpu.memory_space<vmem>>
    %dma_start3A_240 = tpu.memref_squeeze %dma_start3A_239 : memref<1x64xi32, #tpu.memory_space<vmem>> -> memref<64xi32, #tpu.memory_space<vmem>>
    %dma_start3A_241 = arith.constant 0 : i32
    %dma_start3A_242 = arith.constant 0 : i32
    %dma_start3A_243 = tpu.memref_slice %arg5[%dma_start3A_241, %dma_start3A_242] : memref<18440x1024xf32, #tpu.memory_space<hbm>> -> memref<18440x1024xf32, #tpu.memory_space<hbm>>
    tpu.enqueue_indirect_dma source(%arg9 : memref<64x1024xf32, #tpu.memory_space<vmem>>) target(%dma_start3A_243 : memref<18440x1024xf32, #tpu.memory_space<hbm>>) offsets(%dma_start3A_240 : memref<64xi32, #tpu.memory_space<vmem>>) semaphore(%arg10 : memref<!tpu.dma_semaphore, #tpu.memory_space<semaphore_mem>>)
    %dma_wait3A_244 = arith.constant 1 : i32
    %dma_wait3A_245 = arith.constant 0 : i32
    %dma_wait3A_246 = tpu.memref_slice %arg7[%dma_wait3A_244, %dma_wait3A_245] : memref<16x64xi32, #tpu.memory_space<vmem>> -> memref<1x64xi32, #tpu.memory_space<vmem>>
    %dma_wait3A_247 = tpu.memref_squeeze %dma_wait3A_246 : memref<1x64xi32, #tpu.memory_space<vmem>> -> memref<64xi32, #tpu.memory_space<vmem>>
    %dma_wait3A_248 = arith.constant 0 : i32
    %dma_wait3A_249 = arith.constant 0 : i32
    %dma_wait3A_250 = tpu.memref_slice %arg5[%dma_wait3A_248, %dma_wait3A_249] : memref<18440x1024xf32, #tpu.memory_space<hbm>> -> memref<18440x1024xf32, #tpu.memory_space<hbm>>
    tpu.wait_indirect_dma semaphore(%arg10 : memref<!tpu.dma_semaphore, #tpu.memory_space<semaphore_mem>>) src(%arg9 : memref<64x1024xf32, #tpu.memory_space<vmem>>) dst(%dma_wait3A_250 : memref<18440x1024xf32, #tpu.memory_space<hbm>>)
    %dma_start3A_251 = arith.constant 1 : i32
    %dma_start3A_252 = arith.constant 0 : i32
    %dma_start3A_253 = tpu.memref_slice %arg7[%dma_start3A_251, %dma_start3A_252] : memref<16x64xi32, #tpu.memory_space<vmem>> -> memref<1x64xi32, #tpu.memory_space<vmem>>
    %dma_start3A_254 = tpu.memref_squeeze %dma_start3A_253 : memref<1x64xi32, #tpu.memory_space<vmem>> -> memref<64xi32, #tpu.memory_space<vmem>>
    %dma_start3A_255 = arith.constant 0 : i32
    %dma_start3A_256 = arith.constant 0 : i32
    %dma_start3A_257 = tpu.memref_slice %arg6[%dma_start3A_255, %dma_start3A_256] : memref<18440x128xf32, #tpu.memory_space<hbm>> -> memref<18440x128xf32, #tpu.memory_space<hbm>>
    tpu.enqueue_indirect_dma source(%arg8 : memref<64x128xf32, #tpu.memory_space<vmem>>) target(%dma_start3A_257 : memref<18440x128xf32, #tpu.memory_space<hbm>>) offsets(%dma_start3A_254 : memref<64xi32, #tpu.memory_space<vmem>>) semaphore(%arg10 : memref<!tpu.dma_semaphore, #tpu.memory_space<semaphore_mem>>)
    %dma_wait3A_258 = arith.constant 1 : i32
    %dma_wait3A_259 = arith.constant 0 : i32
    %dma_wait3A_260 = tpu.memref_slice %arg7[%dma_wait3A_258, %dma_wait3A_259] : memref<16x64xi32, #tpu.memory_space<vmem>> -> memref<1x64xi32, #tpu.memory_space<vmem>>
    %dma_wait3A_261 = tpu.memref_squeeze %dma_wait3A_260 : memref<1x64xi32, #tpu.memory_space<vmem>> -> memref<64xi32, #tpu.memory_space<vmem>>
    %dma_wait3A_262 = arith.constant 0 : i32
    %dma_wait3A_263 = arith.constant 0 : i32
    %dma_wait3A_264 = tpu.memref_slice %arg6[%dma_wait3A_262, %dma_wait3A_263] : memref<18440x128xf32, #tpu.memory_space<hbm>> -> memref<18440x128xf32, #tpu.memory_space<hbm>>
    tpu.wait_indirect_dma semaphore(%arg10 : memref<!tpu.dma_semaphore, #tpu.memory_space<semaphore_mem>>) src(%arg8 : memref<64x128xf32, #tpu.memory_space<vmem>>) dst(%dma_wait3A_264 : memref<18440x128xf32, #tpu.memory_space<hbm>>)
    %run_scoped3A_265 = arith.constant 3 : i32
    "tpu.region"() ({
      %run_scoped3A_468 = tpu.sem_alloc : memref<!tpu.dma_semaphore, #tpu.memory_space<semaphore_mem>>
      %dma_start3A_469 = arith.constant 0 : i32
      %dma_start3A_470 = arith.constant 0 : i32
      %dma_start3A_471 = tpu.memref_slice %arg4[%add3A, %run_scoped3A_265, %dma_start3A_469, %dma_start3A_470] : memref<32x16x64x128xf32, #tpu.memory_space<hbm>> -> memref<1x1x64x128xf32, #tpu.memory_space<hbm>>
      %dma_start3A_472 = tpu.memref_squeeze %dma_start3A_471 : memref<1x1x64x128xf32, #tpu.memory_space<hbm>> -> memref<64x128xf32, #tpu.memory_space<hbm>>
      %dma_start3A_473 = arith.constant 0 : i32
      %dma_start3A_474 = arith.constant 0 : i32
      %dma_start3A_475 = tpu.memref_slice %arg4[%add3A, %run_scoped3A_265, %dma_start3A_473, %dma_start3A_474] : memref<32x16x64x128xf32, #tpu.memory_space<hbm>> -> memref<1x1x64x128xf32, #tpu.memory_space<hbm>>
      %dma_start3A_476 = tpu.memref_squeeze %dma_start3A_475 : memref<1x1x64x128xf32, #tpu.memory_space<hbm>> -> memref<64x128xf32, #tpu.memory_space<hbm>>
      tpu.enqueue_dma source(%dma_start3A_476 : memref<64x128xf32, #tpu.memory_space<hbm>>) target(%arg8 : memref<64x128xf32, #tpu.memory_space<vmem>>) target_semaphore(%run_scoped3A_468 : memref<!tpu.dma_semaphore, #tpu.memory_space<semaphore_mem>>)
      %dma_wait3A_477 = arith.constant 0 : i32
      %dma_wait3A_478 = arith.constant 0 : i32
      %dma_wait3A_479 = tpu.memref_slice %arg4[%add3A, %run_scoped3A_265, %dma_wait3A_477, %dma_wait3A_478] : memref<32x16x64x128xf32, #tpu.memory_space<hbm>> -> memref<1x1x64x128xf32, #tpu.memory_space<hbm>>
      %dma_wait3A_480 = tpu.memref_squeeze %dma_wait3A_479 : memref<1x1x64x128xf32, #tpu.memory_space<hbm>> -> memref<64x128xf32, #tpu.memory_space<hbm>>
      %dma_wait3A_481 = arith.constant 0 : i32
      %dma_wait3A_482 = arith.constant 0 : i32
      %dma_wait3A_483 = tpu.memref_slice %arg4[%add3A, %run_scoped3A_265, %dma_wait3A_481, %dma_wait3A_482] : memref<32x16x64x128xf32, #tpu.memory_space<hbm>> -> memref<1x1x64x128xf32, #tpu.memory_space<hbm>>
      %dma_wait3A_484 = tpu.memref_squeeze %dma_wait3A_483 : memref<1x1x64x128xf32, #tpu.memory_space<hbm>> -> memref<64x128xf32, #tpu.memory_space<hbm>>
      tpu.wait_dma2 semaphore(%run_scoped3A_468 : memref<!tpu.dma_semaphore, #tpu.memory_space<semaphore_mem>>) src(%dma_wait3A_484 : memref<64x128xf32, #tpu.memory_space<hbm>>) dst(%arg8 : memref<64x128xf32, #tpu.memory_space<vmem>>)
      tpu.yield
    }) : () -> ()
    %dma_start3A_266 = arith.constant 3 : i32
    %dma_start3A_267 = arith.constant 0 : i32
    %dma_start3A_268 = tpu.memref_slice %arg7[%dma_start3A_266, %dma_start3A_267] : memref<16x64xi32, #tpu.memory_space<vmem>> -> memref<1x64xi32, #tpu.memory_space<vmem>>
    %dma_start3A_269 = tpu.memref_squeeze %dma_start3A_268 : memref<1x64xi32, #tpu.memory_space<vmem>> -> memref<64xi32, #tpu.memory_space<vmem>>
    %dma_start3A_270 = arith.constant 0 : i32
    %dma_start3A_271 = arith.constant 0 : i32
    %dma_start3A_272 = tpu.memref_slice %arg5[%dma_start3A_270, %dma_start3A_271] : memref<18440x1024xf32, #tpu.memory_space<hbm>> -> memref<18440x1024xf32, #tpu.memory_space<hbm>>
    tpu.enqueue_indirect_dma source(%arg9 : memref<64x1024xf32, #tpu.memory_space<vmem>>) target(%dma_start3A_272 : memref<18440x1024xf32, #tpu.memory_space<hbm>>) offsets(%dma_start3A_269 : memref<64xi32, #tpu.memory_space<vmem>>) semaphore(%arg10 : memref<!tpu.dma_semaphore, #tpu.memory_space<semaphore_mem>>)
    %dma_wait3A_273 = arith.constant 3 : i32
    %dma_wait3A_274 = arith.constant 0 : i32
    %dma_wait3A_275 = tpu.memref_slice %arg7[%dma_wait3A_273, %dma_wait3A_274] : memref<16x64xi32, #tpu.memory_space<vmem>> -> memref<1x64xi32, #tpu.memory_space<vmem>>
    %dma_wait3A_276 = tpu.memref_squeeze %dma_wait3A_275 : memref<1x64xi32, #tpu.memory_space<vmem>> -> memref<64xi32, #tpu.memory_space<vmem>>
    %dma_wait3A_277 = arith.constant 0 : i32
    %dma_wait3A_278 = arith.constant 0 : i32
    %dma_wait3A_279 = tpu.memref_slice %arg5[%dma_wait3A_277, %dma_wait3A_278] : memref<18440x1024xf32, #tpu.memory_space<hbm>> -> memref<18440x1024xf32, #tpu.memory_space<hbm>>
    tpu.wait_indirect_dma semaphore(%arg10 : memref<!tpu.dma_semaphore, #tpu.memory_space<semaphore_mem>>) src(%arg9 : memref<64x1024xf32, #tpu.memory_space<vmem>>) dst(%dma_wait3A_279 : memref<18440x1024xf32, #tpu.memory_space<hbm>>)
    %dma_start3A_280 = arith.constant 3 : i32
    %dma_start3A_281 = arith.constant 0 : i32
    %dma_start3A_282 = tpu.memref_slice %arg7[%dma_start3A_280, %dma_start3A_281] : memref<16x64xi32, #tpu.memory_space<vmem>> -> memref<1x64xi32, #tpu.memory_space<vmem>>
    %dma_start3A_283 = tpu.memref_squeeze %dma_start3A_282 : memref<1x64xi32, #tpu.memory_space<vmem>> -> memref<64xi32, #tpu.memory_space<vmem>>
    %dma_start3A_284 = arith.constant 0 : i32
    %dma_start3A_285 = arith.constant 0 : i32
    %dma_start3A_286 = tpu.memref_slice %arg6[%dma_start3A_284, %dma_start3A_285] : memref<18440x128xf32, #tpu.memory_space<hbm>> -> memref<18440x128xf32, #tpu.memory_space<hbm>>
    tpu.enqueue_indirect_dma source(%arg8 : memref<64x128xf32, #tpu.memory_space<vmem>>) target(%dma_start3A_286 : memref<18440x128xf32, #tpu.memory_space<hbm>>) offsets(%dma_start3A_283 : memref<64xi32, #tpu.memory_space<vmem>>) semaphore(%arg10 : memref<!tpu.dma_semaphore, #tpu.memory_space<semaphore_mem>>)
    %dma_wait3A_287 = arith.constant 3 : i32
    %dma_wait3A_288 = arith.constant 0 : i32
    %dma_wait3A_289 = tpu.memref_slice %arg7[%dma_wait3A_287, %dma_wait3A_288] : memref<16x64xi32, #tpu.memory_space<vmem>> -> memref<1x64xi32, #tpu.memory_space<vmem>>
    %dma_wait3A_290 = tpu.memref_squeeze %dma_wait3A_289 : memref<1x64xi32, #tpu.memory_space<vmem>> -> memref<64xi32, #tpu.memory_space<vmem>>
    %dma_wait3A_291 = arith.constant 0 : i32
    %dma_wait3A_292 = arith.constant 0 : i32
    %dma_wait3A_293 = tpu.memref_slice %arg6[%dma_wait3A_291, %dma_wait3A_292] : memref<18440x128xf32, #tpu.memory_space<hbm>> -> memref<18440x128xf32, #tpu.memory_space<hbm>>
    tpu.wait_indirect_dma semaphore(%arg10 : memref<!tpu.dma_semaphore, #tpu.memory_space<semaphore_mem>>) src(%arg8 : memref<64x128xf32, #tpu.memory_space<vmem>>) dst(%dma_wait3A_293 : memref<18440x128xf32, #tpu.memory_space<hbm>>)
    %run_scoped3A_294 = arith.constant 5 : i32
    "tpu.region"() ({
      %run_scoped3A_468 = tpu.sem_alloc : memref<!tpu.dma_semaphore, #tpu.memory_space<semaphore_mem>>
      %dma_start3A_469 = arith.constant 0 : i32
      %dma_start3A_470 = arith.constant 0 : i32
      %dma_start3A_471 = tpu.memref_slice %arg4[%add3A, %run_scoped3A_294, %dma_start3A_469, %dma_start3A_470] : memref<32x16x64x128xf32, #tpu.memory_space<hbm>> -> memref<1x1x64x128xf32, #tpu.memory_space<hbm>>
      %dma_start3A_472 = tpu.memref_squeeze %dma_start3A_471 : memref<1x1x64x128xf32, #tpu.memory_space<hbm>> -> memref<64x128xf32, #tpu.memory_space<hbm>>
      %dma_start3A_473 = arith.constant 0 : i32
      %dma_start3A_474 = arith.constant 0 : i32
      %dma_start3A_475 = tpu.memref_slice %arg4[%add3A, %run_scoped3A_294, %dma_start3A_473, %dma_start3A_474] : memref<32x16x64x128xf32, #tpu.memory_space<hbm>> -> memref<1x1x64x128xf32, #tpu.memory_space<hbm>>
      %dma_start3A_476 = tpu.memref_squeeze %dma_start3A_475 : memref<1x1x64x128xf32, #tpu.memory_space<hbm>> -> memref<64x128xf32, #tpu.memory_space<hbm>>
      tpu.enqueue_dma source(%dma_start3A_476 : memref<64x128xf32, #tpu.memory_space<hbm>>) target(%arg8 : memref<64x128xf32, #tpu.memory_space<vmem>>) target_semaphore(%run_scoped3A_468 : memref<!tpu.dma_semaphore, #tpu.memory_space<semaphore_mem>>)
      %dma_wait3A_477 = arith.constant 0 : i32
      %dma_wait3A_478 = arith.constant 0 : i32
      %dma_wait3A_479 = tpu.memref_slice %arg4[%add3A, %run_scoped3A_294, %dma_wait3A_477, %dma_wait3A_478] : memref<32x16x64x128xf32, #tpu.memory_space<hbm>> -> memref<1x1x64x128xf32, #tpu.memory_space<hbm>>
      %dma_wait3A_480 = tpu.memref_squeeze %dma_wait3A_479 : memref<1x1x64x128xf32, #tpu.memory_space<hbm>> -> memref<64x128xf32, #tpu.memory_space<hbm>>
      %dma_wait3A_481 = arith.constant 0 : i32
      %dma_wait3A_482 = arith.constant 0 : i32
      %dma_wait3A_483 = tpu.memref_slice %arg4[%add3A, %run_scoped3A_294, %dma_wait3A_481, %dma_wait3A_482] : memref<32x16x64x128xf32, #tpu.memory_space<hbm>> -> memref<1x1x64x128xf32, #tpu.memory_space<hbm>>
      %dma_wait3A_484 = tpu.memref_squeeze %dma_wait3A_483 : memref<1x1x64x128xf32, #tpu.memory_space<hbm>> -> memref<64x128xf32, #tpu.memory_space<hbm>>
      tpu.wait_dma2 semaphore(%run_scoped3A_468 : memref<!tpu.dma_semaphore, #tpu.memory_space<semaphore_mem>>) src(%dma_wait3A_484 : memref<64x128xf32, #tpu.memory_space<hbm>>) dst(%arg8 : memref<64x128xf32, #tpu.memory_space<vmem>>)
      tpu.yield
    }) : () -> ()
    %dma_start3A_295 = arith.constant 5 : i32
    %dma_start3A_296 = arith.constant 0 : i32
    %dma_start3A_297 = tpu.memref_slice %arg7[%dma_start3A_295, %dma_start3A_296] : memref<16x64xi32, #tpu.memory_space<vmem>> -> memref<1x64xi32, #tpu.memory_space<vmem>>
    %dma_start3A_298 = tpu.memref_squeeze %dma_start3A_297 : memref<1x64xi32, #tpu.memory_space<vmem>> -> memref<64xi32, #tpu.memory_space<vmem>>
    %dma_start3A_299 = arith.constant 0 : i32
    %dma_start3A_300 = arith.constant 0 : i32
    %dma_start3A_301 = tpu.memref_slice %arg5[%dma_start3A_299, %dma_start3A_300] : memref<18440x1024xf32, #tpu.memory_space<hbm>> -> memref<18440x1024xf32, #tpu.memory_space<hbm>>
    tpu.enqueue_indirect_dma source(%arg9 : memref<64x1024xf32, #tpu.memory_space<vmem>>) target(%dma_start3A_301 : memref<18440x1024xf32, #tpu.memory_space<hbm>>) offsets(%dma_start3A_298 : memref<64xi32, #tpu.memory_space<vmem>>) semaphore(%arg10 : memref<!tpu.dma_semaphore, #tpu.memory_space<semaphore_mem>>)
    %dma_wait3A_302 = arith.constant 5 : i32
    %dma_wait3A_303 = arith.constant 0 : i32
    %dma_wait3A_304 = tpu.memref_slice %arg7[%dma_wait3A_302, %dma_wait3A_303] : memref<16x64xi32, #tpu.memory_space<vmem>> -> memref<1x64xi32, #tpu.memory_space<vmem>>
    %dma_wait3A_305 = tpu.memref_squeeze %dma_wait3A_304 : memref<1x64xi32, #tpu.memory_space<vmem>> -> memref<64xi32, #tpu.memory_space<vmem>>
    %dma_wait3A_306 = arith.constant 0 : i32
    %dma_wait3A_307 = arith.constant 0 : i32
    %dma_wait3A_308 = tpu.memref_slice %arg5[%dma_wait3A_306, %dma_wait3A_307] : memref<18440x1024xf32, #tpu.memory_space<hbm>> -> memref<18440x1024xf32, #tpu.memory_space<hbm>>
    tpu.wait_indirect_dma semaphore(%arg10 : memref<!tpu.dma_semaphore, #tpu.memory_space<semaphore_mem>>) src(%arg9 : memref<64x1024xf32, #tpu.memory_space<vmem>>) dst(%dma_wait3A_308 : memref<18440x1024xf32, #tpu.memory_space<hbm>>)
    %dma_start3A_309 = arith.constant 5 : i32
    %dma_start3A_310 = arith.constant 0 : i32
    %dma_start3A_311 = tpu.memref_slice %arg7[%dma_start3A_309, %dma_start3A_310] : memref<16x64xi32, #tpu.memory_space<vmem>> -> memref<1x64xi32, #tpu.memory_space<vmem>>
    %dma_start3A_312 = tpu.memref_squeeze %dma_start3A_311 : memref<1x64xi32, #tpu.memory_space<vmem>> -> memref<64xi32, #tpu.memory_space<vmem>>
    %dma_start3A_313 = arith.constant 0 : i32
    %dma_start3A_314 = arith.constant 0 : i32
    %dma_start3A_315 = tpu.memref_slice %arg6[%dma_start3A_313, %dma_start3A_314] : memref<18440x128xf32, #tpu.memory_space<hbm>> -> memref<18440x128xf32, #tpu.memory_space<hbm>>
    tpu.enqueue_indirect_dma source(%arg8 : memref<64x128xf32, #tpu.memory_space<vmem>>) target(%dma_start3A_315 : memref<18440x128xf32, #tpu.memory_space<hbm>>) offsets(%dma_start3A_312 : memref<64xi32, #tpu.memory_space<vmem>>) semaphore(%arg10 : memref<!tpu.dma_semaphore, #tpu.memory_space<semaphore_mem>>)
    %dma_wait3A_316 = arith.constant 5 : i32
    %dma_wait3A_317 = arith.constant 0 : i32
    %dma_wait3A_318 = tpu.memref_slice %arg7[%dma_wait3A_316, %dma_wait3A_317] : memref<16x64xi32, #tpu.memory_space<vmem>> -> memref<1x64xi32, #tpu.memory_space<vmem>>
    %dma_wait3A_319 = tpu.memref_squeeze %dma_wait3A_318 : memref<1x64xi32, #tpu.memory_space<vmem>> -> memref<64xi32, #tpu.memory_space<vmem>>
    %dma_wait3A_320 = arith.constant 0 : i32
    %dma_wait3A_321 = arith.constant 0 : i32
    %dma_wait3A_322 = tpu.memref_slice %arg6[%dma_wait3A_320, %dma_wait3A_321] : memref<18440x128xf32, #tpu.memory_space<hbm>> -> memref<18440x128xf32, #tpu.memory_space<hbm>>
    tpu.wait_indirect_dma semaphore(%arg10 : memref<!tpu.dma_semaphore, #tpu.memory_space<semaphore_mem>>) src(%arg8 : memref<64x128xf32, #tpu.memory_space<vmem>>) dst(%dma_wait3A_322 : memref<18440x128xf32, #tpu.memory_space<hbm>>)
    %run_scoped3A_323 = arith.constant 7 : i32
    "tpu.region"() ({
      %run_scoped3A_468 = tpu.sem_alloc : memref<!tpu.dma_semaphore, #tpu.memory_space<semaphore_mem>>
      %dma_start3A_469 = arith.constant 0 : i32
      %dma_start3A_470 = arith.constant 0 : i32
      %dma_start3A_471 = tpu.memref_slice %arg4[%add3A, %run_scoped3A_323, %dma_start3A_469, %dma_start3A_470] : memref<32x16x64x128xf32, #tpu.memory_space<hbm>> -> memref<1x1x64x128xf32, #tpu.memory_space<hbm>>
      %dma_start3A_472 = tpu.memref_squeeze %dma_start3A_471 : memref<1x1x64x128xf32, #tpu.memory_space<hbm>> -> memref<64x128xf32, #tpu.memory_space<hbm>>
      %dma_start3A_473 = arith.constant 0 : i32
      %dma_start3A_474 = arith.constant 0 : i32
      %dma_start3A_475 = tpu.memref_slice %arg4[%add3A, %run_scoped3A_323, %dma_start3A_473, %dma_start3A_474] : memref<32x16x64x128xf32, #tpu.memory_space<hbm>> -> memref<1x1x64x128xf32, #tpu.memory_space<hbm>>
      %dma_start3A_476 = tpu.memref_squeeze %dma_start3A_475 : memref<1x1x64x128xf32, #tpu.memory_space<hbm>> -> memref<64x128xf32, #tpu.memory_space<hbm>>
      tpu.enqueue_dma source(%dma_start3A_476 : memref<64x128xf32, #tpu.memory_space<hbm>>) target(%arg8 : memref<64x128xf32, #tpu.memory_space<vmem>>) target_semaphore(%run_scoped3A_468 : memref<!tpu.dma_semaphore, #tpu.memory_space<semaphore_mem>>)
      %dma_wait3A_477 = arith.constant 0 : i32
      %dma_wait3A_478 = arith.constant 0 : i32
      %dma_wait3A_479 = tpu.memref_slice %arg4[%add3A, %run_scoped3A_323, %dma_wait3A_477, %dma_wait3A_478] : memref<32x16x64x128xf32, #tpu.memory_space<hbm>> -> memref<1x1x64x128xf32, #tpu.memory_space<hbm>>
      %dma_wait3A_480 = tpu.memref_squeeze %dma_wait3A_479 : memref<1x1x64x128xf32, #tpu.memory_space<hbm>> -> memref<64x128xf32, #tpu.memory_space<hbm>>
      %dma_wait3A_481 = arith.constant 0 : i32
      %dma_wait3A_482 = arith.constant 0 : i32
      %dma_wait3A_483 = tpu.memref_slice %arg4[%add3A, %run_scoped3A_323, %dma_wait3A_481, %dma_wait3A_482] : memref<32x16x64x128xf32, #tpu.memory_space<hbm>> -> memref<1x1x64x128xf32, #tpu.memory_space<hbm>>
      %dma_wait3A_484 = tpu.memref_squeeze %dma_wait3A_483 : memref<1x1x64x128xf32, #tpu.memory_space<hbm>> -> memref<64x128xf32, #tpu.memory_space<hbm>>
      tpu.wait_dma2 semaphore(%run_scoped3A_468 : memref<!tpu.dma_semaphore, #tpu.memory_space<semaphore_mem>>) src(%dma_wait3A_484 : memref<64x128xf32, #tpu.memory_space<hbm>>) dst(%arg8 : memref<64x128xf32, #tpu.memory_space<vmem>>)
      tpu.yield
    }) : () -> ()
    %dma_start3A_324 = arith.constant 7 : i32
    %dma_start3A_325 = arith.constant 0 : i32
    %dma_start3A_326 = tpu.memref_slice %arg7[%dma_start3A_324, %dma_start3A_325] : memref<16x64xi32, #tpu.memory_space<vmem>> -> memref<1x64xi32, #tpu.memory_space<vmem>>
    %dma_start3A_327 = tpu.memref_squeeze %dma_start3A_326 : memref<1x64xi32, #tpu.memory_space<vmem>> -> memref<64xi32, #tpu.memory_space<vmem>>
    %dma_start3A_328 = arith.constant 0 : i32
    %dma_start3A_329 = arith.constant 0 : i32
    %dma_start3A_330 = tpu.memref_slice %arg5[%dma_start3A_328, %dma_start3A_329] : memref<18440x1024xf32, #tpu.memory_space<hbm>> -> memref<18440x1024xf32, #tpu.memory_space<hbm>>
    tpu.enqueue_indirect_dma source(%arg9 : memref<64x1024xf32, #tpu.memory_space<vmem>>) target(%dma_start3A_330 : memref<18440x1024xf32, #tpu.memory_space<hbm>>) offsets(%dma_start3A_327 : memref<64xi32, #tpu.memory_space<vmem>>) semaphore(%arg10 : memref<!tpu.dma_semaphore, #tpu.memory_space<semaphore_mem>>)
    %dma_wait3A_331 = arith.constant 7 : i32
    %dma_wait3A_332 = arith.constant 0 : i32
    %dma_wait3A_333 = tpu.memref_slice %arg7[%dma_wait3A_331, %dma_wait3A_332] : memref<16x64xi32, #tpu.memory_space<vmem>> -> memref<1x64xi32, #tpu.memory_space<vmem>>
    %dma_wait3A_334 = tpu.memref_squeeze %dma_wait3A_333 : memref<1x64xi32, #tpu.memory_space<vmem>> -> memref<64xi32, #tpu.memory_space<vmem>>
    %dma_wait3A_335 = arith.constant 0 : i32
    %dma_wait3A_336 = arith.constant 0 : i32
    %dma_wait3A_337 = tpu.memref_slice %arg5[%dma_wait3A_335, %dma_wait3A_336] : memref<18440x1024xf32, #tpu.memory_space<hbm>> -> memref<18440x1024xf32, #tpu.memory_space<hbm>>
    tpu.wait_indirect_dma semaphore(%arg10 : memref<!tpu.dma_semaphore, #tpu.memory_space<semaphore_mem>>) src(%arg9 : memref<64x1024xf32, #tpu.memory_space<vmem>>) dst(%dma_wait3A_337 : memref<18440x1024xf32, #tpu.memory_space<hbm>>)
    %dma_start3A_338 = arith.constant 7 : i32
    %dma_start3A_339 = arith.constant 0 : i32
    %dma_start3A_340 = tpu.memref_slice %arg7[%dma_start3A_338, %dma_start3A_339] : memref<16x64xi32, #tpu.memory_space<vmem>> -> memref<1x64xi32, #tpu.memory_space<vmem>>
    %dma_start3A_341 = tpu.memref_squeeze %dma_start3A_340 : memref<1x64xi32, #tpu.memory_space<vmem>> -> memref<64xi32, #tpu.memory_space<vmem>>
    %dma_start3A_342 = arith.constant 0 : i32
    %dma_start3A_343 = arith.constant 0 : i32
    %dma_start3A_344 = tpu.memref_slice %arg6[%dma_start3A_342, %dma_start3A_343] : memref<18440x128xf32, #tpu.memory_space<hbm>> -> memref<18440x128xf32, #tpu.memory_space<hbm>>
    tpu.enqueue_indirect_dma source(%arg8 : memref<64x128xf32, #tpu.memory_space<vmem>>) target(%dma_start3A_344 : memref<18440x128xf32, #tpu.memory_space<hbm>>) offsets(%dma_start3A_341 : memref<64xi32, #tpu.memory_space<vmem>>) semaphore(%arg10 : memref<!tpu.dma_semaphore, #tpu.memory_space<semaphore_mem>>)
    %dma_wait3A_345 = arith.constant 7 : i32
    %dma_wait3A_346 = arith.constant 0 : i32
    %dma_wait3A_347 = tpu.memref_slice %arg7[%dma_wait3A_345, %dma_wait3A_346] : memref<16x64xi32, #tpu.memory_space<vmem>> -> memref<1x64xi32, #tpu.memory_space<vmem>>
    %dma_wait3A_348 = tpu.memref_squeeze %dma_wait3A_347 : memref<1x64xi32, #tpu.memory_space<vmem>> -> memref<64xi32, #tpu.memory_space<vmem>>
    %dma_wait3A_349 = arith.constant 0 : i32
    %dma_wait3A_350 = arith.constant 0 : i32
    %dma_wait3A_351 = tpu.memref_slice %arg6[%dma_wait3A_349, %dma_wait3A_350] : memref<18440x128xf32, #tpu.memory_space<hbm>> -> memref<18440x128xf32, #tpu.memory_space<hbm>>
    tpu.wait_indirect_dma semaphore(%arg10 : memref<!tpu.dma_semaphore, #tpu.memory_space<semaphore_mem>>) src(%arg8 : memref<64x128xf32, #tpu.memory_space<vmem>>) dst(%dma_wait3A_351 : memref<18440x128xf32, #tpu.memory_space<hbm>>)
    %run_scoped3A_352 = arith.constant 9 : i32
    "tpu.region"() ({
      %run_scoped3A_468 = tpu.sem_alloc : memref<!tpu.dma_semaphore, #tpu.memory_space<semaphore_mem>>
      %dma_start3A_469 = arith.constant 0 : i32
      %dma_start3A_470 = arith.constant 0 : i32
      %dma_start3A_471 = tpu.memref_slice %arg4[%add3A, %run_scoped3A_352, %dma_start3A_469, %dma_start3A_470] : memref<32x16x64x128xf32, #tpu.memory_space<hbm>> -> memref<1x1x64x128xf32, #tpu.memory_space<hbm>>
      %dma_start3A_472 = tpu.memref_squeeze %dma_start3A_471 : memref<1x1x64x128xf32, #tpu.memory_space<hbm>> -> memref<64x128xf32, #tpu.memory_space<hbm>>
      %dma_start3A_473 = arith.constant 0 : i32
      %dma_start3A_474 = arith.constant 0 : i32
      %dma_start3A_475 = tpu.memref_slice %arg4[%add3A, %run_scoped3A_352, %dma_start3A_473, %dma_start3A_474] : memref<32x16x64x128xf32, #tpu.memory_space<hbm>> -> memref<1x1x64x128xf32, #tpu.memory_space<hbm>>
      %dma_start3A_476 = tpu.memref_squeeze %dma_start3A_475 : memref<1x1x64x128xf32, #tpu.memory_space<hbm>> -> memref<64x128xf32, #tpu.memory_space<hbm>>
      tpu.enqueue_dma source(%dma_start3A_476 : memref<64x128xf32, #tpu.memory_space<hbm>>) target(%arg8 : memref<64x128xf32, #tpu.memory_space<vmem>>) target_semaphore(%run_scoped3A_468 : memref<!tpu.dma_semaphore, #tpu.memory_space<semaphore_mem>>)
      %dma_wait3A_477 = arith.constant 0 : i32
      %dma_wait3A_478 = arith.constant 0 : i32
      %dma_wait3A_479 = tpu.memref_slice %arg4[%add3A, %run_scoped3A_352, %dma_wait3A_477, %dma_wait3A_478] : memref<32x16x64x128xf32, #tpu.memory_space<hbm>> -> memref<1x1x64x128xf32, #tpu.memory_space<hbm>>
      %dma_wait3A_480 = tpu.memref_squeeze %dma_wait3A_479 : memref<1x1x64x128xf32, #tpu.memory_space<hbm>> -> memref<64x128xf32, #tpu.memory_space<hbm>>
      %dma_wait3A_481 = arith.constant 0 : i32
      %dma_wait3A_482 = arith.constant 0 : i32
      %dma_wait3A_483 = tpu.memref_slice %arg4[%add3A, %run_scoped3A_352, %dma_wait3A_481, %dma_wait3A_482] : memref<32x16x64x128xf32, #tpu.memory_space<hbm>> -> memref<1x1x64x128xf32, #tpu.memory_space<hbm>>
      %dma_wait3A_484 = tpu.memref_squeeze %dma_wait3A_483 : memref<1x1x64x128xf32, #tpu.memory_space<hbm>> -> memref<64x128xf32, #tpu.memory_space<hbm>>
      tpu.wait_dma2 semaphore(%run_scoped3A_468 : memref<!tpu.dma_semaphore, #tpu.memory_space<semaphore_mem>>) src(%dma_wait3A_484 : memref<64x128xf32, #tpu.memory_space<hbm>>) dst(%arg8 : memref<64x128xf32, #tpu.memory_space<vmem>>)
      tpu.yield
    }) : () -> ()
    %dma_start3A_353 = arith.constant 9 : i32
    %dma_start3A_354 = arith.constant 0 : i32
    %dma_start3A_355 = tpu.memref_slice %arg7[%dma_start3A_353, %dma_start3A_354] : memref<16x64xi32, #tpu.memory_space<vmem>> -> memref<1x64xi32, #tpu.memory_space<vmem>>
    %dma_start3A_356 = tpu.memref_squeeze %dma_start3A_355 : memref<1x64xi32, #tpu.memory_space<vmem>> -> memref<64xi32, #tpu.memory_space<vmem>>
    %dma_start3A_357 = arith.constant 0 : i32
    %dma_start3A_358 = arith.constant 0 : i32
    %dma_start3A_359 = tpu.memref_slice %arg5[%dma_start3A_357, %dma_start3A_358] : memref<18440x1024xf32, #tpu.memory_space<hbm>> -> memref<18440x1024xf32, #tpu.memory_space<hbm>>
    tpu.enqueue_indirect_dma source(%arg9 : memref<64x1024xf32, #tpu.memory_space<vmem>>) target(%dma_start3A_359 : memref<18440x1024xf32, #tpu.memory_space<hbm>>) offsets(%dma_start3A_356 : memref<64xi32, #tpu.memory_space<vmem>>) semaphore(%arg10 : memref<!tpu.dma_semaphore, #tpu.memory_space<semaphore_mem>>)
    %dma_wait3A_360 = arith.constant 9 : i32
    %dma_wait3A_361 = arith.constant 0 : i32
    %dma_wait3A_362 = tpu.memref_slice %arg7[%dma_wait3A_360, %dma_wait3A_361] : memref<16x64xi32, #tpu.memory_space<vmem>> -> memref<1x64xi32, #tpu.memory_space<vmem>>
    %dma_wait3A_363 = tpu.memref_squeeze %dma_wait3A_362 : memref<1x64xi32, #tpu.memory_space<vmem>> -> memref<64xi32, #tpu.memory_space<vmem>>
    %dma_wait3A_364 = arith.constant 0 : i32
    %dma_wait3A_365 = arith.constant 0 : i32
    %dma_wait3A_366 = tpu.memref_slice %arg5[%dma_wait3A_364, %dma_wait3A_365] : memref<18440x1024xf32, #tpu.memory_space<hbm>> -> memref<18440x1024xf32, #tpu.memory_space<hbm>>
    tpu.wait_indirect_dma semaphore(%arg10 : memref<!tpu.dma_semaphore, #tpu.memory_space<semaphore_mem>>) src(%arg9 : memref<64x1024xf32, #tpu.memory_space<vmem>>) dst(%dma_wait3A_366 : memref<18440x1024xf32, #tpu.memory_space<hbm>>)
    %dma_start3A_367 = arith.constant 9 : i32
    %dma_start3A_368 = arith.constant 0 : i32
    %dma_start3A_369 = tpu.memref_slice %arg7[%dma_start3A_367, %dma_start3A_368] : memref<16x64xi32, #tpu.memory_space<vmem>> -> memref<1x64xi32, #tpu.memory_space<vmem>>
    %dma_start3A_370 = tpu.memref_squeeze %dma_start3A_369 : memref<1x64xi32, #tpu.memory_space<vmem>> -> memref<64xi32, #tpu.memory_space<vmem>>
    %dma_start3A_371 = arith.constant 0 : i32
    %dma_start3A_372 = arith.constant 0 : i32
    %dma_start3A_373 = tpu.memref_slice %arg6[%dma_start3A_371, %dma_start3A_372] : memref<18440x128xf32, #tpu.memory_space<hbm>> -> memref<18440x128xf32, #tpu.memory_space<hbm>>
    tpu.enqueue_indirect_dma source(%arg8 : memref<64x128xf32, #tpu.memory_space<vmem>>) target(%dma_start3A_373 : memref<18440x128xf32, #tpu.memory_space<hbm>>) offsets(%dma_start3A_370 : memref<64xi32, #tpu.memory_space<vmem>>) semaphore(%arg10 : memref<!tpu.dma_semaphore, #tpu.memory_space<semaphore_mem>>)
    %dma_wait3A_374 = arith.constant 9 : i32
    %dma_wait3A_375 = arith.constant 0 : i32
    %dma_wait3A_376 = tpu.memref_slice %arg7[%dma_wait3A_374, %dma_wait3A_375] : memref<16x64xi32, #tpu.memory_space<vmem>> -> memref<1x64xi32, #tpu.memory_space<vmem>>
    %dma_wait3A_377 = tpu.memref_squeeze %dma_wait3A_376 : memref<1x64xi32, #tpu.memory_space<vmem>> -> memref<64xi32, #tpu.memory_space<vmem>>
    %dma_wait3A_378 = arith.constant 0 : i32
    %dma_wait3A_379 = arith.constant 0 : i32
    %dma_wait3A_380 = tpu.memref_slice %arg6[%dma_wait3A_378, %dma_wait3A_379] : memref<18440x128xf32, #tpu.memory_space<hbm>> -> memref<18440x128xf32, #tpu.memory_space<hbm>>
    tpu.wait_indirect_dma semaphore(%arg10 : memref<!tpu.dma_semaphore, #tpu.memory_space<semaphore_mem>>) src(%arg8 : memref<64x128xf32, #tpu.memory_space<vmem>>) dst(%dma_wait3A_380 : memref<18440x128xf32, #tpu.memory_space<hbm>>)
    %run_scoped3A_381 = arith.constant 11 : i32
    "tpu.region"() ({
      %run_scoped3A_468 = tpu.sem_alloc : memref<!tpu.dma_semaphore, #tpu.memory_space<semaphore_mem>>
      %dma_start3A_469 = arith.constant 0 : i32
      %dma_start3A_470 = arith.constant 0 : i32
      %dma_start3A_471 = tpu.memref_slice %arg4[%add3A, %run_scoped3A_381, %dma_start3A_469, %dma_start3A_470] : memref<32x16x64x128xf32, #tpu.memory_space<hbm>> -> memref<1x1x64x128xf32, #tpu.memory_space<hbm>>
      %dma_start3A_472 = tpu.memref_squeeze %dma_start3A_471 : memref<1x1x64x128xf32, #tpu.memory_space<hbm>> -> memref<64x128xf32, #tpu.memory_space<hbm>>
      %dma_start3A_473 = arith.constant 0 : i32
      %dma_start3A_474 = arith.constant 0 : i32
      %dma_start3A_475 = tpu.memref_slice %arg4[%add3A, %run_scoped3A_381, %dma_start3A_473, %dma_start3A_474] : memref<32x16x64x128xf32, #tpu.memory_space<hbm>> -> memref<1x1x64x128xf32, #tpu.memory_space<hbm>>
      %dma_start3A_476 = tpu.memref_squeeze %dma_start3A_475 : memref<1x1x64x128xf32, #tpu.memory_space<hbm>> -> memref<64x128xf32, #tpu.memory_space<hbm>>
      tpu.enqueue_dma source(%dma_start3A_476 : memref<64x128xf32, #tpu.memory_space<hbm>>) target(%arg8 : memref<64x128xf32, #tpu.memory_space<vmem>>) target_semaphore(%run_scoped3A_468 : memref<!tpu.dma_semaphore, #tpu.memory_space<semaphore_mem>>)
      %dma_wait3A_477 = arith.constant 0 : i32
      %dma_wait3A_478 = arith.constant 0 : i32
      %dma_wait3A_479 = tpu.memref_slice %arg4[%add3A, %run_scoped3A_381, %dma_wait3A_477, %dma_wait3A_478] : memref<32x16x64x128xf32, #tpu.memory_space<hbm>> -> memref<1x1x64x128xf32, #tpu.memory_space<hbm>>
      %dma_wait3A_480 = tpu.memref_squeeze %dma_wait3A_479 : memref<1x1x64x128xf32, #tpu.memory_space<hbm>> -> memref<64x128xf32, #tpu.memory_space<hbm>>
      %dma_wait3A_481 = arith.constant 0 : i32
      %dma_wait3A_482 = arith.constant 0 : i32
      %dma_wait3A_483 = tpu.memref_slice %arg4[%add3A, %run_scoped3A_381, %dma_wait3A_481, %dma_wait3A_482] : memref<32x16x64x128xf32, #tpu.memory_space<hbm>> -> memref<1x1x64x128xf32, #tpu.memory_space<hbm>>
      %dma_wait3A_484 = tpu.memref_squeeze %dma_wait3A_483 : memref<1x1x64x128xf32, #tpu.memory_space<hbm>> -> memref<64x128xf32, #tpu.memory_space<hbm>>
      tpu.wait_dma2 semaphore(%run_scoped3A_468 : memref<!tpu.dma_semaphore, #tpu.memory_space<semaphore_mem>>) src(%dma_wait3A_484 : memref<64x128xf32, #tpu.memory_space<hbm>>) dst(%arg8 : memref<64x128xf32, #tpu.memory_space<vmem>>)
      tpu.yield
    }) : () -> ()
    %dma_start3A_382 = arith.constant 11 : i32
    %dma_start3A_383 = arith.constant 0 : i32
    %dma_start3A_384 = tpu.memref_slice %arg7[%dma_start3A_382, %dma_start3A_383] : memref<16x64xi32, #tpu.memory_space<vmem>> -> memref<1x64xi32, #tpu.memory_space<vmem>>
    %dma_start3A_385 = tpu.memref_squeeze %dma_start3A_384 : memref<1x64xi32, #tpu.memory_space<vmem>> -> memref<64xi32, #tpu.memory_space<vmem>>
    %dma_start3A_386 = arith.constant 0 : i32
    %dma_start3A_387 = arith.constant 0 : i32
    %dma_start3A_388 = tpu.memref_slice %arg5[%dma_start3A_386, %dma_start3A_387] : memref<18440x1024xf32, #tpu.memory_space<hbm>> -> memref<18440x1024xf32, #tpu.memory_space<hbm>>
    tpu.enqueue_indirect_dma source(%arg9 : memref<64x1024xf32, #tpu.memory_space<vmem>>) target(%dma_start3A_388 : memref<18440x1024xf32, #tpu.memory_space<hbm>>) offsets(%dma_start3A_385 : memref<64xi32, #tpu.memory_space<vmem>>) semaphore(%arg10 : memref<!tpu.dma_semaphore, #tpu.memory_space<semaphore_mem>>)
    %dma_wait3A_389 = arith.constant 11 : i32
    %dma_wait3A_390 = arith.constant 0 : i32
    %dma_wait3A_391 = tpu.memref_slice %arg7[%dma_wait3A_389, %dma_wait3A_390] : memref<16x64xi32, #tpu.memory_space<vmem>> -> memref<1x64xi32, #tpu.memory_space<vmem>>
    %dma_wait3A_392 = tpu.memref_squeeze %dma_wait3A_391 : memref<1x64xi32, #tpu.memory_space<vmem>> -> memref<64xi32, #tpu.memory_space<vmem>>
    %dma_wait3A_393 = arith.constant 0 : i32
    %dma_wait3A_394 = arith.constant 0 : i32
    %dma_wait3A_395 = tpu.memref_slice %arg5[%dma_wait3A_393, %dma_wait3A_394] : memref<18440x1024xf32, #tpu.memory_space<hbm>> -> memref<18440x1024xf32, #tpu.memory_space<hbm>>
    tpu.wait_indirect_dma semaphore(%arg10 : memref<!tpu.dma_semaphore, #tpu.memory_space<semaphore_mem>>) src(%arg9 : memref<64x1024xf32, #tpu.memory_space<vmem>>) dst(%dma_wait3A_395 : memref<18440x1024xf32, #tpu.memory_space<hbm>>)
    %dma_start3A_396 = arith.constant 11 : i32
    %dma_start3A_397 = arith.constant 0 : i32
    %dma_start3A_398 = tpu.memref_slice %arg7[%dma_start3A_396, %dma_start3A_397] : memref<16x64xi32, #tpu.memory_space<vmem>> -> memref<1x64xi32, #tpu.memory_space<vmem>>
    %dma_start3A_399 = tpu.memref_squeeze %dma_start3A_398 : memref<1x64xi32, #tpu.memory_space<vmem>> -> memref<64xi32, #tpu.memory_space<vmem>>
    %dma_start3A_400 = arith.constant 0 : i32
    %dma_start3A_401 = arith.constant 0 : i32
    %dma_start3A_402 = tpu.memref_slice %arg6[%dma_start3A_400, %dma_start3A_401] : memref<18440x128xf32, #tpu.memory_space<hbm>> -> memref<18440x128xf32, #tpu.memory_space<hbm>>
    tpu.enqueue_indirect_dma source(%arg8 : memref<64x128xf32, #tpu.memory_space<vmem>>) target(%dma_start3A_402 : memref<18440x128xf32, #tpu.memory_space<hbm>>) offsets(%dma_start3A_399 : memref<64xi32, #tpu.memory_space<vmem>>) semaphore(%arg10 : memref<!tpu.dma_semaphore, #tpu.memory_space<semaphore_mem>>)
    %dma_wait3A_403 = arith.constant 11 : i32
    %dma_wait3A_404 = arith.constant 0 : i32
    %dma_wait3A_405 = tpu.memref_slice %arg7[%dma_wait3A_403, %dma_wait3A_404] : memref<16x64xi32, #tpu.memory_space<vmem>> -> memref<1x64xi32, #tpu.memory_space<vmem>>
    %dma_wait3A_406 = tpu.memref_squeeze %dma_wait3A_405 : memref<1x64xi32, #tpu.memory_space<vmem>> -> memref<64xi32, #tpu.memory_space<vmem>>
    %dma_wait3A_407 = arith.constant 0 : i32
    %dma_wait3A_408 = arith.constant 0 : i32
    %dma_wait3A_409 = tpu.memref_slice %arg6[%dma_wait3A_407, %dma_wait3A_408] : memref<18440x128xf32, #tpu.memory_space<hbm>> -> memref<18440x128xf32, #tpu.memory_space<hbm>>
    tpu.wait_indirect_dma semaphore(%arg10 : memref<!tpu.dma_semaphore, #tpu.memory_space<semaphore_mem>>) src(%arg8 : memref<64x128xf32, #tpu.memory_space<vmem>>) dst(%dma_wait3A_409 : memref<18440x128xf32, #tpu.memory_space<hbm>>)
    %run_scoped3A_410 = arith.constant 13 : i32
    "tpu.region"() ({
      %run_scoped3A_468 = tpu.sem_alloc : memref<!tpu.dma_semaphore, #tpu.memory_space<semaphore_mem>>
      %dma_start3A_469 = arith.constant 0 : i32
      %dma_start3A_470 = arith.constant 0 : i32
      %dma_start3A_471 = tpu.memref_slice %arg4[%add3A, %run_scoped3A_410, %dma_start3A_469, %dma_start3A_470] : memref<32x16x64x128xf32, #tpu.memory_space<hbm>> -> memref<1x1x64x128xf32, #tpu.memory_space<hbm>>
      %dma_start3A_472 = tpu.memref_squeeze %dma_start3A_471 : memref<1x1x64x128xf32, #tpu.memory_space<hbm>> -> memref<64x128xf32, #tpu.memory_space<hbm>>
      %dma_start3A_473 = arith.constant 0 : i32
      %dma_start3A_474 = arith.constant 0 : i32
      %dma_start3A_475 = tpu.memref_slice %arg4[%add3A, %run_scoped3A_410, %dma_start3A_473, %dma_start3A_474] : memref<32x16x64x128xf32, #tpu.memory_space<hbm>> -> memref<1x1x64x128xf32, #tpu.memory_space<hbm>>
      %dma_start3A_476 = tpu.memref_squeeze %dma_start3A_475 : memref<1x1x64x128xf32, #tpu.memory_space<hbm>> -> memref<64x128xf32, #tpu.memory_space<hbm>>
      tpu.enqueue_dma source(%dma_start3A_476 : memref<64x128xf32, #tpu.memory_space<hbm>>) target(%arg8 : memref<64x128xf32, #tpu.memory_space<vmem>>) target_semaphore(%run_scoped3A_468 : memref<!tpu.dma_semaphore, #tpu.memory_space<semaphore_mem>>)
      %dma_wait3A_477 = arith.constant 0 : i32
      %dma_wait3A_478 = arith.constant 0 : i32
      %dma_wait3A_479 = tpu.memref_slice %arg4[%add3A, %run_scoped3A_410, %dma_wait3A_477, %dma_wait3A_478] : memref<32x16x64x128xf32, #tpu.memory_space<hbm>> -> memref<1x1x64x128xf32, #tpu.memory_space<hbm>>
      %dma_wait3A_480 = tpu.memref_squeeze %dma_wait3A_479 : memref<1x1x64x128xf32, #tpu.memory_space<hbm>> -> memref<64x128xf32, #tpu.memory_space<hbm>>
      %dma_wait3A_481 = arith.constant 0 : i32
      %dma_wait3A_482 = arith.constant 0 : i32
      %dma_wait3A_483 = tpu.memref_slice %arg4[%add3A, %run_scoped3A_410, %dma_wait3A_481, %dma_wait3A_482] : memref<32x16x64x128xf32, #tpu.memory_space<hbm>> -> memref<1x1x64x128xf32, #tpu.memory_space<hbm>>
      %dma_wait3A_484 = tpu.memref_squeeze %dma_wait3A_483 : memref<1x1x64x128xf32, #tpu.memory_space<hbm>> -> memref<64x128xf32, #tpu.memory_space<hbm>>
      tpu.wait_dma2 semaphore(%run_scoped3A_468 : memref<!tpu.dma_semaphore, #tpu.memory_space<semaphore_mem>>) src(%dma_wait3A_484 : memref<64x128xf32, #tpu.memory_space<hbm>>) dst(%arg8 : memref<64x128xf32, #tpu.memory_space<vmem>>)
      tpu.yield
    }) : () -> ()
    %dma_start3A_411 = arith.constant 13 : i32
    %dma_start3A_412 = arith.constant 0 : i32
    %dma_start3A_413 = tpu.memref_slice %arg7[%dma_start3A_411, %dma_start3A_412] : memref<16x64xi32, #tpu.memory_space<vmem>> -> memref<1x64xi32, #tpu.memory_space<vmem>>
    %dma_start3A_414 = tpu.memref_squeeze %dma_start3A_413 : memref<1x64xi32, #tpu.memory_space<vmem>> -> memref<64xi32, #tpu.memory_space<vmem>>
    %dma_start3A_415 = arith.constant 0 : i32
    %dma_start3A_416 = arith.constant 0 : i32
    %dma_start3A_417 = tpu.memref_slice %arg5[%dma_start3A_415, %dma_start3A_416] : memref<18440x1024xf32, #tpu.memory_space<hbm>> -> memref<18440x1024xf32, #tpu.memory_space<hbm>>
    tpu.enqueue_indirect_dma source(%arg9 : memref<64x1024xf32, #tpu.memory_space<vmem>>) target(%dma_start3A_417 : memref<18440x1024xf32, #tpu.memory_space<hbm>>) offsets(%dma_start3A_414 : memref<64xi32, #tpu.memory_space<vmem>>) semaphore(%arg10 : memref<!tpu.dma_semaphore, #tpu.memory_space<semaphore_mem>>)
    %dma_wait3A_418 = arith.constant 13 : i32
    %dma_wait3A_419 = arith.constant 0 : i32
    %dma_wait3A_420 = tpu.memref_slice %arg7[%dma_wait3A_418, %dma_wait3A_419] : memref<16x64xi32, #tpu.memory_space<vmem>> -> memref<1x64xi32, #tpu.memory_space<vmem>>
    %dma_wait3A_421 = tpu.memref_squeeze %dma_wait3A_420 : memref<1x64xi32, #tpu.memory_space<vmem>> -> memref<64xi32, #tpu.memory_space<vmem>>
    %dma_wait3A_422 = arith.constant 0 : i32
    %dma_wait3A_423 = arith.constant 0 : i32
    %dma_wait3A_424 = tpu.memref_slice %arg5[%dma_wait3A_422, %dma_wait3A_423] : memref<18440x1024xf32, #tpu.memory_space<hbm>> -> memref<18440x1024xf32, #tpu.memory_space<hbm>>
    tpu.wait_indirect_dma semaphore(%arg10 : memref<!tpu.dma_semaphore, #tpu.memory_space<semaphore_mem>>) src(%arg9 : memref<64x1024xf32, #tpu.memory_space<vmem>>) dst(%dma_wait3A_424 : memref<18440x1024xf32, #tpu.memory_space<hbm>>)
    %dma_start3A_425 = arith.constant 13 : i32
    %dma_start3A_426 = arith.constant 0 : i32
    %dma_start3A_427 = tpu.memref_slice %arg7[%dma_start3A_425, %dma_start3A_426] : memref<16x64xi32, #tpu.memory_space<vmem>> -> memref<1x64xi32, #tpu.memory_space<vmem>>
    %dma_start3A_428 = tpu.memref_squeeze %dma_start3A_427 : memref<1x64xi32, #tpu.memory_space<vmem>> -> memref<64xi32, #tpu.memory_space<vmem>>
    %dma_start3A_429 = arith.constant 0 : i32
    %dma_start3A_430 = arith.constant 0 : i32
    %dma_start3A_431 = tpu.memref_slice %arg6[%dma_start3A_429, %dma_start3A_430] : memref<18440x128xf32, #tpu.memory_space<hbm>> -> memref<18440x128xf32, #tpu.memory_space<hbm>>
    tpu.enqueue_indirect_dma source(%arg8 : memref<64x128xf32, #tpu.memory_space<vmem>>) target(%dma_start3A_431 : memref<18440x128xf32, #tpu.memory_space<hbm>>) offsets(%dma_start3A_428 : memref<64xi32, #tpu.memory_space<vmem>>) semaphore(%arg10 : memref<!tpu.dma_semaphore, #tpu.memory_space<semaphore_mem>>)
    %dma_wait3A_432 = arith.constant 13 : i32
    %dma_wait3A_433 = arith.constant 0 : i32
    %dma_wait3A_434 = tpu.memref_slice %arg7[%dma_wait3A_432, %dma_wait3A_433] : memref<16x64xi32, #tpu.memory_space<vmem>> -> memref<1x64xi32, #tpu.memory_space<vmem>>
    %dma_wait3A_435 = tpu.memref_squeeze %dma_wait3A_434 : memref<1x64xi32, #tpu.memory_space<vmem>> -> memref<64xi32, #tpu.memory_space<vmem>>
    %dma_wait3A_436 = arith.constant 0 : i32
    %dma_wait3A_437 = arith.constant 0 : i32
    %dma_wait3A_438 = tpu.memref_slice %arg6[%dma_wait3A_436, %dma_wait3A_437] : memref<18440x128xf32, #tpu.memory_space<hbm>> -> memref<18440x128xf32, #tpu.memory_space<hbm>>
    tpu.wait_indirect_dma semaphore(%arg10 : memref<!tpu.dma_semaphore, #tpu.memory_space<semaphore_mem>>) src(%arg8 : memref<64x128xf32, #tpu.memory_space<vmem>>) dst(%dma_wait3A_438 : memref<18440x128xf32, #tpu.memory_space<hbm>>)
    %run_scoped3A_439 = arith.constant 15 : i32
    "tpu.region"() ({
      %run_scoped3A_468 = tpu.sem_alloc : memref<!tpu.dma_semaphore, #tpu.memory_space<semaphore_mem>>
      %dma_start3A_469 = arith.constant 0 : i32
      %dma_start3A_470 = arith.constant 0 : i32
      %dma_start3A_471 = tpu.memref_slice %arg4[%add3A, %run_scoped3A_439, %dma_start3A_469, %dma_start3A_470] : memref<32x16x64x128xf32, #tpu.memory_space<hbm>> -> memref<1x1x64x128xf32, #tpu.memory_space<hbm>>
      %dma_start3A_472 = tpu.memref_squeeze %dma_start3A_471 : memref<1x1x64x128xf32, #tpu.memory_space<hbm>> -> memref<64x128xf32, #tpu.memory_space<hbm>>
      %dma_start3A_473 = arith.constant 0 : i32
      %dma_start3A_474 = arith.constant 0 : i32
      %dma_start3A_475 = tpu.memref_slice %arg4[%add3A, %run_scoped3A_439, %dma_start3A_473, %dma_start3A_474] : memref<32x16x64x128xf32, #tpu.memory_space<hbm>> -> memref<1x1x64x128xf32, #tpu.memory_space<hbm>>
      %dma_start3A_476 = tpu.memref_squeeze %dma_start3A_475 : memref<1x1x64x128xf32, #tpu.memory_space<hbm>> -> memref<64x128xf32, #tpu.memory_space<hbm>>
      tpu.enqueue_dma source(%dma_start3A_476 : memref<64x128xf32, #tpu.memory_space<hbm>>) target(%arg8 : memref<64x128xf32, #tpu.memory_space<vmem>>) target_semaphore(%run_scoped3A_468 : memref<!tpu.dma_semaphore, #tpu.memory_space<semaphore_mem>>)
      %dma_wait3A_477 = arith.constant 0 : i32
      %dma_wait3A_478 = arith.constant 0 : i32
      %dma_wait3A_479 = tpu.memref_slice %arg4[%add3A, %run_scoped3A_439, %dma_wait3A_477, %dma_wait3A_478] : memref<32x16x64x128xf32, #tpu.memory_space<hbm>> -> memref<1x1x64x128xf32, #tpu.memory_space<hbm>>
      %dma_wait3A_480 = tpu.memref_squeeze %dma_wait3A_479 : memref<1x1x64x128xf32, #tpu.memory_space<hbm>> -> memref<64x128xf32, #tpu.memory_space<hbm>>
      %dma_wait3A_481 = arith.constant 0 : i32
      %dma_wait3A_482 = arith.constant 0 : i32
      %dma_wait3A_483 = tpu.memref_slice %arg4[%add3A, %run_scoped3A_439, %dma_wait3A_481, %dma_wait3A_482] : memref<32x16x64x128xf32, #tpu.memory_space<hbm>> -> memref<1x1x64x128xf32, #tpu.memory_space<hbm>>
      %dma_wait3A_484 = tpu.memref_squeeze %dma_wait3A_483 : memref<1x1x64x128xf32, #tpu.memory_space<hbm>> -> memref<64x128xf32, #tpu.memory_space<hbm>>
      tpu.wait_dma2 semaphore(%run_scoped3A_468 : memref<!tpu.dma_semaphore, #tpu.memory_space<semaphore_mem>>) src(%dma_wait3A_484 : memref<64x128xf32, #tpu.memory_space<hbm>>) dst(%arg8 : memref<64x128xf32, #tpu.memory_space<vmem>>)
      tpu.yield
    }) : () -> ()
    %dma_start3A_440 = arith.constant 15 : i32
    %dma_start3A_441 = arith.constant 0 : i32
    %dma_start3A_442 = tpu.memref_slice %arg7[%dma_start3A_440, %dma_start3A_441] : memref<16x64xi32, #tpu.memory_space<vmem>> -> memref<1x64xi32, #tpu.memory_space<vmem>>
    %dma_start3A_443 = tpu.memref_squeeze %dma_start3A_442 : memref<1x64xi32, #tpu.memory_space<vmem>> -> memref<64xi32, #tpu.memory_space<vmem>>
    %dma_start3A_444 = arith.constant 0 : i32
    %dma_start3A_445 = arith.constant 0 : i32
    %dma_start3A_446 = tpu.memref_slice %arg5[%dma_start3A_444, %dma_start3A_445] : memref<18440x1024xf32, #tpu.memory_space<hbm>> -> memref<18440x1024xf32, #tpu.memory_space<hbm>>
    tpu.enqueue_indirect_dma source(%arg9 : memref<64x1024xf32, #tpu.memory_space<vmem>>) target(%dma_start3A_446 : memref<18440x1024xf32, #tpu.memory_space<hbm>>) offsets(%dma_start3A_443 : memref<64xi32, #tpu.memory_space<vmem>>) semaphore(%arg10 : memref<!tpu.dma_semaphore, #tpu.memory_space<semaphore_mem>>)
    %dma_wait3A_447 = arith.constant 15 : i32
    %dma_wait3A_448 = arith.constant 0 : i32
    %dma_wait3A_449 = tpu.memref_slice %arg7[%dma_wait3A_447, %dma_wait3A_448] : memref<16x64xi32, #tpu.memory_space<vmem>> -> memref<1x64xi32, #tpu.memory_space<vmem>>
    %dma_wait3A_450 = tpu.memref_squeeze %dma_wait3A_449 : memref<1x64xi32, #tpu.memory_space<vmem>> -> memref<64xi32, #tpu.memory_space<vmem>>
    %dma_wait3A_451 = arith.constant 0 : i32
    %dma_wait3A_452 = arith.constant 0 : i32
    %dma_wait3A_453 = tpu.memref_slice %arg5[%dma_wait3A_451, %dma_wait3A_452] : memref<18440x1024xf32, #tpu.memory_space<hbm>> -> memref<18440x1024xf32, #tpu.memory_space<hbm>>
    tpu.wait_indirect_dma semaphore(%arg10 : memref<!tpu.dma_semaphore, #tpu.memory_space<semaphore_mem>>) src(%arg9 : memref<64x1024xf32, #tpu.memory_space<vmem>>) dst(%dma_wait3A_453 : memref<18440x1024xf32, #tpu.memory_space<hbm>>)
    %dma_start3A_454 = arith.constant 15 : i32
    %dma_start3A_455 = arith.constant 0 : i32
    %dma_start3A_456 = tpu.memref_slice %arg7[%dma_start3A_454, %dma_start3A_455] : memref<16x64xi32, #tpu.memory_space<vmem>> -> memref<1x64xi32, #tpu.memory_space<vmem>>
    %dma_start3A_457 = tpu.memref_squeeze %dma_start3A_456 : memref<1x64xi32, #tpu.memory_space<vmem>> -> memref<64xi32, #tpu.memory_space<vmem>>
    %dma_start3A_458 = arith.constant 0 : i32
    %dma_start3A_459 = arith.constant 0 : i32
    %dma_start3A_460 = tpu.memref_slice %arg6[%dma_start3A_458, %dma_start3A_459] : memref<18440x128xf32, #tpu.memory_space<hbm>> -> memref<18440x128xf32, #tpu.memory_space<hbm>>
    tpu.enqueue_indirect_dma source(%arg8 : memref<64x128xf32, #tpu.memory_space<vmem>>) target(%dma_start3A_460 : memref<18440x128xf32, #tpu.memory_space<hbm>>) offsets(%dma_start3A_457 : memref<64xi32, #tpu.memory_space<vmem>>) semaphore(%arg10 : memref<!tpu.dma_semaphore, #tpu.memory_space<semaphore_mem>>)
    %dma_wait3A_461 = arith.constant 15 : i32
    %dma_wait3A_462 = arith.constant 0 : i32
    %dma_wait3A_463 = tpu.memref_slice %arg7[%dma_wait3A_461, %dma_wait3A_462] : memref<16x64xi32, #tpu.memory_space<vmem>> -> memref<1x64xi32, #tpu.memory_space<vmem>>
    %dma_wait3A_464 = tpu.memref_squeeze %dma_wait3A_463 : memref<1x64xi32, #tpu.memory_space<vmem>> -> memref<64xi32, #tpu.memory_space<vmem>>
    %dma_wait3A_465 = arith.constant 0 : i32
    %dma_wait3A_466 = arith.constant 0 : i32
    %dma_wait3A_467 = tpu.memref_slice %arg6[%dma_wait3A_465, %dma_wait3A_466] : memref<18440x128xf32, #tpu.memory_space<hbm>> -> memref<18440x128xf32, #tpu.memory_space<hbm>>
    tpu.wait_indirect_dma semaphore(%arg10 : memref<!tpu.dma_semaphore, #tpu.memory_space<semaphore_mem>>) src(%arg8 : memref<64x128xf32, #tpu.memory_space<vmem>>) dst(%dma_wait3A_467 : memref<18440x128xf32, #tpu.memory_space<hbm>>)
    return
  }
}

#map = affine_map<(d0, d1) -> (0, 0)>
#map1 = affine_map<(d0, d1) -> (0, 0, 0)>
module attributes {stable_mosaic.version = 14 : i64} {
  func.func @_combine(%arg0: i32, %arg1: i32, %arg2: memref<18440x128xf32, #tpu.memory_space<hbm>>, %arg3: memref<32x8x128xi32, #tpu.memory_space<hbm>>, %arg4: memref<32x128x128xf32, #tpu.memory_space<hbm>>, %arg5: memref<32x128x128xf32, #tpu.memory_space<hbm>>, %arg6: memref<8x128xi32, #tpu.memory_space<vmem>>, %arg7: memref<128x128xf32, #tpu.memory_space<vmem>>, %arg8: memref<!tpu.dma_semaphore, #tpu.memory_space<semaphore_mem>>) attributes {dimension_semantics = [#tpu.dimension_semantics<core_parallel>, #tpu.dimension_semantics<subcore_parallel>], iteration_bounds = array<i64: 2, 16>, scalar_prefetch = 0 : i64, scratch_operands = 3 : i64, tpu.core_type = #tpu.core_type<sc_vector_subcore>, window_params = [{transform_indices = #map}, {transform_indices = #map1}, {transform_indices = #map1}, {transform_indices = #map1}]} {
    %mul3A = arith.constant 2 : i32
    %mul3A_0 = arith.muli %arg1, %mul3A : i32
    %add3A = arith.addi %mul3A_0, %arg0 : i32
    "tpu.region"() ({
      %run_scoped3A = tpu.sem_alloc : memref<!tpu.dma_semaphore, #tpu.memory_space<semaphore_mem>>
      %dma_start3A_111 = arith.constant 0 : i32
      %dma_start3A_112 = arith.constant 0 : i32
      %dma_start3A_113 = tpu.memref_slice %arg3[%add3A, %dma_start3A_111, %dma_start3A_112] : memref<32x8x128xi32, #tpu.memory_space<hbm>> -> memref<1x8x128xi32, #tpu.memory_space<hbm>>
      %dma_start3A_114 = tpu.memref_squeeze %dma_start3A_113 : memref<1x8x128xi32, #tpu.memory_space<hbm>> -> memref<8x128xi32, #tpu.memory_space<hbm>>
      %dma_start3A_115 = arith.constant 0 : i32
      %dma_start3A_116 = arith.constant 0 : i32
      %dma_start3A_117 = tpu.memref_slice %arg3[%add3A, %dma_start3A_115, %dma_start3A_116] : memref<32x8x128xi32, #tpu.memory_space<hbm>> -> memref<1x8x128xi32, #tpu.memory_space<hbm>>
      %dma_start3A_118 = tpu.memref_squeeze %dma_start3A_117 : memref<1x8x128xi32, #tpu.memory_space<hbm>> -> memref<8x128xi32, #tpu.memory_space<hbm>>
      tpu.enqueue_dma source(%dma_start3A_118 : memref<8x128xi32, #tpu.memory_space<hbm>>) target(%arg6 : memref<8x128xi32, #tpu.memory_space<vmem>>) target_semaphore(%run_scoped3A : memref<!tpu.dma_semaphore, #tpu.memory_space<semaphore_mem>>)
      %dma_wait3A_119 = arith.constant 0 : i32
      %dma_wait3A_120 = arith.constant 0 : i32
      %dma_wait3A_121 = tpu.memref_slice %arg3[%add3A, %dma_wait3A_119, %dma_wait3A_120] : memref<32x8x128xi32, #tpu.memory_space<hbm>> -> memref<1x8x128xi32, #tpu.memory_space<hbm>>
      %dma_wait3A_122 = tpu.memref_squeeze %dma_wait3A_121 : memref<1x8x128xi32, #tpu.memory_space<hbm>> -> memref<8x128xi32, #tpu.memory_space<hbm>>
      %dma_wait3A_123 = arith.constant 0 : i32
      %dma_wait3A_124 = arith.constant 0 : i32
      %dma_wait3A_125 = tpu.memref_slice %arg3[%add3A, %dma_wait3A_123, %dma_wait3A_124] : memref<32x8x128xi32, #tpu.memory_space<hbm>> -> memref<1x8x128xi32, #tpu.memory_space<hbm>>
      %dma_wait3A_126 = tpu.memref_squeeze %dma_wait3A_125 : memref<1x8x128xi32, #tpu.memory_space<hbm>> -> memref<8x128xi32, #tpu.memory_space<hbm>>
      tpu.wait_dma2 semaphore(%run_scoped3A : memref<!tpu.dma_semaphore, #tpu.memory_space<semaphore_mem>>) src(%dma_wait3A_126 : memref<8x128xi32, #tpu.memory_space<hbm>>) dst(%arg6 : memref<8x128xi32, #tpu.memory_space<vmem>>)
      tpu.yield
    }) : () -> ()
    "tpu.region"() ({
      %run_scoped3A = tpu.sem_alloc : memref<!tpu.dma_semaphore, #tpu.memory_space<semaphore_mem>>
      %dma_start3A_111 = arith.constant 0 : i32
      %dma_start3A_112 = arith.constant 0 : i32
      %dma_start3A_113 = tpu.memref_slice %arg4[%add3A, %dma_start3A_111, %dma_start3A_112] : memref<32x128x128xf32, #tpu.memory_space<hbm>> -> memref<1x128x128xf32, #tpu.memory_space<hbm>>
      %dma_start3A_114 = tpu.memref_squeeze %dma_start3A_113 : memref<1x128x128xf32, #tpu.memory_space<hbm>> -> memref<128x128xf32, #tpu.memory_space<hbm>>
      %dma_start3A_115 = arith.constant 0 : i32
      %dma_start3A_116 = arith.constant 0 : i32
      %dma_start3A_117 = tpu.memref_slice %arg4[%add3A, %dma_start3A_115, %dma_start3A_116] : memref<32x128x128xf32, #tpu.memory_space<hbm>> -> memref<1x128x128xf32, #tpu.memory_space<hbm>>
      %dma_start3A_118 = tpu.memref_squeeze %dma_start3A_117 : memref<1x128x128xf32, #tpu.memory_space<hbm>> -> memref<128x128xf32, #tpu.memory_space<hbm>>
      tpu.enqueue_dma source(%dma_start3A_118 : memref<128x128xf32, #tpu.memory_space<hbm>>) target(%arg7 : memref<128x128xf32, #tpu.memory_space<vmem>>) target_semaphore(%run_scoped3A : memref<!tpu.dma_semaphore, #tpu.memory_space<semaphore_mem>>)
      %dma_wait3A_119 = arith.constant 0 : i32
      %dma_wait3A_120 = arith.constant 0 : i32
      %dma_wait3A_121 = tpu.memref_slice %arg4[%add3A, %dma_wait3A_119, %dma_wait3A_120] : memref<32x128x128xf32, #tpu.memory_space<hbm>> -> memref<1x128x128xf32, #tpu.memory_space<hbm>>
      %dma_wait3A_122 = tpu.memref_squeeze %dma_wait3A_121 : memref<1x128x128xf32, #tpu.memory_space<hbm>> -> memref<128x128xf32, #tpu.memory_space<hbm>>
      %dma_wait3A_123 = arith.constant 0 : i32
      %dma_wait3A_124 = arith.constant 0 : i32
      %dma_wait3A_125 = tpu.memref_slice %arg4[%add3A, %dma_wait3A_123, %dma_wait3A_124] : memref<32x128x128xf32, #tpu.memory_space<hbm>> -> memref<1x128x128xf32, #tpu.memory_space<hbm>>
      %dma_wait3A_126 = tpu.memref_squeeze %dma_wait3A_125 : memref<1x128x128xf32, #tpu.memory_space<hbm>> -> memref<128x128xf32, #tpu.memory_space<hbm>>
      tpu.wait_dma2 semaphore(%run_scoped3A : memref<!tpu.dma_semaphore, #tpu.memory_space<semaphore_mem>>) src(%dma_wait3A_126 : memref<128x128xf32, #tpu.memory_space<hbm>>) dst(%arg7 : memref<128x128xf32, #tpu.memory_space<vmem>>)
      tpu.yield
    }) : () -> ()
    %dma_start3A = arith.constant 0 : i32
    %dma_start3A_1 = arith.constant 0 : i32
    %dma_start3A_2 = tpu.memref_slice %arg6[%dma_start3A, %dma_start3A_1] : memref<8x128xi32, #tpu.memory_space<vmem>> -> memref<1x128xi32, #tpu.memory_space<vmem>>
    %dma_start3A_3 = tpu.memref_squeeze %dma_start3A_2 : memref<1x128xi32, #tpu.memory_space<vmem>> -> memref<128xi32, #tpu.memory_space<vmem>>
    %dma_start3A_4 = arith.constant 0 : i32
    %dma_start3A_5 = arith.constant 0 : i32
    %dma_start3A_6 = tpu.memref_slice %arg2[%dma_start3A_4, %dma_start3A_5] : memref<18440x128xf32, #tpu.memory_space<hbm>> -> memref<18440x128xf32, #tpu.memory_space<hbm>>
    tpu.enqueue_indirect_dma source(%dma_start3A_6 : memref<18440x128xf32, #tpu.memory_space<hbm>>) target(%arg7 : memref<128x128xf32, #tpu.memory_space<vmem>>) offsets(%dma_start3A_3 : memref<128xi32, #tpu.memory_space<vmem>>) semaphore(%arg8 : memref<!tpu.dma_semaphore, #tpu.memory_space<semaphore_mem>>) {add = true}
    %dma_wait3A = arith.constant 0 : i32
    %dma_wait3A_7 = arith.constant 0 : i32
    %dma_wait3A_8 = tpu.memref_slice %arg6[%dma_wait3A, %dma_wait3A_7] : memref<8x128xi32, #tpu.memory_space<vmem>> -> memref<1x128xi32, #tpu.memory_space<vmem>>
    %dma_wait3A_9 = tpu.memref_squeeze %dma_wait3A_8 : memref<1x128xi32, #tpu.memory_space<vmem>> -> memref<128xi32, #tpu.memory_space<vmem>>
    %dma_wait3A_10 = arith.constant 0 : i32
    %dma_wait3A_11 = arith.constant 0 : i32
    %dma_wait3A_12 = tpu.memref_slice %arg2[%dma_wait3A_10, %dma_wait3A_11] : memref<18440x128xf32, #tpu.memory_space<hbm>> -> memref<18440x128xf32, #tpu.memory_space<hbm>>
    tpu.wait_indirect_dma semaphore(%arg8 : memref<!tpu.dma_semaphore, #tpu.memory_space<semaphore_mem>>) src(%dma_wait3A_12 : memref<18440x128xf32, #tpu.memory_space<hbm>>) dst(%arg7 : memref<128x128xf32, #tpu.memory_space<vmem>>)
    %dma_start3A_13 = arith.constant 1 : i32
    %dma_start3A_14 = arith.constant 0 : i32
    %dma_start3A_15 = tpu.memref_slice %arg6[%dma_start3A_13, %dma_start3A_14] : memref<8x128xi32, #tpu.memory_space<vmem>> -> memref<1x128xi32, #tpu.memory_space<vmem>>
    %dma_start3A_16 = tpu.memref_squeeze %dma_start3A_15 : memref<1x128xi32, #tpu.memory_space<vmem>> -> memref<128xi32, #tpu.memory_space<vmem>>
    %dma_start3A_17 = arith.constant 0 : i32
    %dma_start3A_18 = arith.constant 0 : i32
    %dma_start3A_19 = tpu.memref_slice %arg2[%dma_start3A_17, %dma_start3A_18] : memref<18440x128xf32, #tpu.memory_space<hbm>> -> memref<18440x128xf32, #tpu.memory_space<hbm>>
    tpu.enqueue_indirect_dma source(%dma_start3A_19 : memref<18440x128xf32, #tpu.memory_space<hbm>>) target(%arg7 : memref<128x128xf32, #tpu.memory_space<vmem>>) offsets(%dma_start3A_16 : memref<128xi32, #tpu.memory_space<vmem>>) semaphore(%arg8 : memref<!tpu.dma_semaphore, #tpu.memory_space<semaphore_mem>>) {add = true}
    %dma_wait3A_20 = arith.constant 1 : i32
    %dma_wait3A_21 = arith.constant 0 : i32
    %dma_wait3A_22 = tpu.memref_slice %arg6[%dma_wait3A_20, %dma_wait3A_21] : memref<8x128xi32, #tpu.memory_space<vmem>> -> memref<1x128xi32, #tpu.memory_space<vmem>>
    %dma_wait3A_23 = tpu.memref_squeeze %dma_wait3A_22 : memref<1x128xi32, #tpu.memory_space<vmem>> -> memref<128xi32, #tpu.memory_space<vmem>>
    %dma_wait3A_24 = arith.constant 0 : i32
    %dma_wait3A_25 = arith.constant 0 : i32
    %dma_wait3A_26 = tpu.memref_slice %arg2[%dma_wait3A_24, %dma_wait3A_25] : memref<18440x128xf32, #tpu.memory_space<hbm>> -> memref<18440x128xf32, #tpu.memory_space<hbm>>
    tpu.wait_indirect_dma semaphore(%arg8 : memref<!tpu.dma_semaphore, #tpu.memory_space<semaphore_mem>>) src(%dma_wait3A_26 : memref<18440x128xf32, #tpu.memory_space<hbm>>) dst(%arg7 : memref<128x128xf32, #tpu.memory_space<vmem>>)
    %dma_start3A_27 = arith.constant 2 : i32
    %dma_start3A_28 = arith.constant 0 : i32
    %dma_start3A_29 = tpu.memref_slice %arg6[%dma_start3A_27, %dma_start3A_28] : memref<8x128xi32, #tpu.memory_space<vmem>> -> memref<1x128xi32, #tpu.memory_space<vmem>>
    %dma_start3A_30 = tpu.memref_squeeze %dma_start3A_29 : memref<1x128xi32, #tpu.memory_space<vmem>> -> memref<128xi32, #tpu.memory_space<vmem>>
    %dma_start3A_31 = arith.constant 0 : i32
    %dma_start3A_32 = arith.constant 0 : i32
    %dma_start3A_33 = tpu.memref_slice %arg2[%dma_start3A_31, %dma_start3A_32] : memref<18440x128xf32, #tpu.memory_space<hbm>> -> memref<18440x128xf32, #tpu.memory_space<hbm>>
    tpu.enqueue_indirect_dma source(%dma_start3A_33 : memref<18440x128xf32, #tpu.memory_space<hbm>>) target(%arg7 : memref<128x128xf32, #tpu.memory_space<vmem>>) offsets(%dma_start3A_30 : memref<128xi32, #tpu.memory_space<vmem>>) semaphore(%arg8 : memref<!tpu.dma_semaphore, #tpu.memory_space<semaphore_mem>>) {add = true}
    %dma_wait3A_34 = arith.constant 2 : i32
    %dma_wait3A_35 = arith.constant 0 : i32
    %dma_wait3A_36 = tpu.memref_slice %arg6[%dma_wait3A_34, %dma_wait3A_35] : memref<8x128xi32, #tpu.memory_space<vmem>> -> memref<1x128xi32, #tpu.memory_space<vmem>>
    %dma_wait3A_37 = tpu.memref_squeeze %dma_wait3A_36 : memref<1x128xi32, #tpu.memory_space<vmem>> -> memref<128xi32, #tpu.memory_space<vmem>>
    %dma_wait3A_38 = arith.constant 0 : i32
    %dma_wait3A_39 = arith.constant 0 : i32
    %dma_wait3A_40 = tpu.memref_slice %arg2[%dma_wait3A_38, %dma_wait3A_39] : memref<18440x128xf32, #tpu.memory_space<hbm>> -> memref<18440x128xf32, #tpu.memory_space<hbm>>
    tpu.wait_indirect_dma semaphore(%arg8 : memref<!tpu.dma_semaphore, #tpu.memory_space<semaphore_mem>>) src(%dma_wait3A_40 : memref<18440x128xf32, #tpu.memory_space<hbm>>) dst(%arg7 : memref<128x128xf32, #tpu.memory_space<vmem>>)
    %dma_start3A_41 = arith.constant 3 : i32
    %dma_start3A_42 = arith.constant 0 : i32
    %dma_start3A_43 = tpu.memref_slice %arg6[%dma_start3A_41, %dma_start3A_42] : memref<8x128xi32, #tpu.memory_space<vmem>> -> memref<1x128xi32, #tpu.memory_space<vmem>>
    %dma_start3A_44 = tpu.memref_squeeze %dma_start3A_43 : memref<1x128xi32, #tpu.memory_space<vmem>> -> memref<128xi32, #tpu.memory_space<vmem>>
    %dma_start3A_45 = arith.constant 0 : i32
    %dma_start3A_46 = arith.constant 0 : i32
    %dma_start3A_47 = tpu.memref_slice %arg2[%dma_start3A_45, %dma_start3A_46] : memref<18440x128xf32, #tpu.memory_space<hbm>> -> memref<18440x128xf32, #tpu.memory_space<hbm>>
    tpu.enqueue_indirect_dma source(%dma_start3A_47 : memref<18440x128xf32, #tpu.memory_space<hbm>>) target(%arg7 : memref<128x128xf32, #tpu.memory_space<vmem>>) offsets(%dma_start3A_44 : memref<128xi32, #tpu.memory_space<vmem>>) semaphore(%arg8 : memref<!tpu.dma_semaphore, #tpu.memory_space<semaphore_mem>>) {add = true}
    %dma_wait3A_48 = arith.constant 3 : i32
    %dma_wait3A_49 = arith.constant 0 : i32
    %dma_wait3A_50 = tpu.memref_slice %arg6[%dma_wait3A_48, %dma_wait3A_49] : memref<8x128xi32, #tpu.memory_space<vmem>> -> memref<1x128xi32, #tpu.memory_space<vmem>>
    %dma_wait3A_51 = tpu.memref_squeeze %dma_wait3A_50 : memref<1x128xi32, #tpu.memory_space<vmem>> -> memref<128xi32, #tpu.memory_space<vmem>>
    %dma_wait3A_52 = arith.constant 0 : i32
    %dma_wait3A_53 = arith.constant 0 : i32
    %dma_wait3A_54 = tpu.memref_slice %arg2[%dma_wait3A_52, %dma_wait3A_53] : memref<18440x128xf32, #tpu.memory_space<hbm>> -> memref<18440x128xf32, #tpu.memory_space<hbm>>
    tpu.wait_indirect_dma semaphore(%arg8 : memref<!tpu.dma_semaphore, #tpu.memory_space<semaphore_mem>>) src(%dma_wait3A_54 : memref<18440x128xf32, #tpu.memory_space<hbm>>) dst(%arg7 : memref<128x128xf32, #tpu.memory_space<vmem>>)
    %dma_start3A_55 = arith.constant 4 : i32
    %dma_start3A_56 = arith.constant 0 : i32
    %dma_start3A_57 = tpu.memref_slice %arg6[%dma_start3A_55, %dma_start3A_56] : memref<8x128xi32, #tpu.memory_space<vmem>> -> memref<1x128xi32, #tpu.memory_space<vmem>>
    %dma_start3A_58 = tpu.memref_squeeze %dma_start3A_57 : memref<1x128xi32, #tpu.memory_space<vmem>> -> memref<128xi32, #tpu.memory_space<vmem>>
    %dma_start3A_59 = arith.constant 0 : i32
    %dma_start3A_60 = arith.constant 0 : i32
    %dma_start3A_61 = tpu.memref_slice %arg2[%dma_start3A_59, %dma_start3A_60] : memref<18440x128xf32, #tpu.memory_space<hbm>> -> memref<18440x128xf32, #tpu.memory_space<hbm>>
    tpu.enqueue_indirect_dma source(%dma_start3A_61 : memref<18440x128xf32, #tpu.memory_space<hbm>>) target(%arg7 : memref<128x128xf32, #tpu.memory_space<vmem>>) offsets(%dma_start3A_58 : memref<128xi32, #tpu.memory_space<vmem>>) semaphore(%arg8 : memref<!tpu.dma_semaphore, #tpu.memory_space<semaphore_mem>>) {add = true}
    %dma_wait3A_62 = arith.constant 4 : i32
    %dma_wait3A_63 = arith.constant 0 : i32
    %dma_wait3A_64 = tpu.memref_slice %arg6[%dma_wait3A_62, %dma_wait3A_63] : memref<8x128xi32, #tpu.memory_space<vmem>> -> memref<1x128xi32, #tpu.memory_space<vmem>>
    %dma_wait3A_65 = tpu.memref_squeeze %dma_wait3A_64 : memref<1x128xi32, #tpu.memory_space<vmem>> -> memref<128xi32, #tpu.memory_space<vmem>>
    %dma_wait3A_66 = arith.constant 0 : i32
    %dma_wait3A_67 = arith.constant 0 : i32
    %dma_wait3A_68 = tpu.memref_slice %arg2[%dma_wait3A_66, %dma_wait3A_67] : memref<18440x128xf32, #tpu.memory_space<hbm>> -> memref<18440x128xf32, #tpu.memory_space<hbm>>
    tpu.wait_indirect_dma semaphore(%arg8 : memref<!tpu.dma_semaphore, #tpu.memory_space<semaphore_mem>>) src(%dma_wait3A_68 : memref<18440x128xf32, #tpu.memory_space<hbm>>) dst(%arg7 : memref<128x128xf32, #tpu.memory_space<vmem>>)
    %dma_start3A_69 = arith.constant 5 : i32
    %dma_start3A_70 = arith.constant 0 : i32
    %dma_start3A_71 = tpu.memref_slice %arg6[%dma_start3A_69, %dma_start3A_70] : memref<8x128xi32, #tpu.memory_space<vmem>> -> memref<1x128xi32, #tpu.memory_space<vmem>>
    %dma_start3A_72 = tpu.memref_squeeze %dma_start3A_71 : memref<1x128xi32, #tpu.memory_space<vmem>> -> memref<128xi32, #tpu.memory_space<vmem>>
    %dma_start3A_73 = arith.constant 0 : i32
    %dma_start3A_74 = arith.constant 0 : i32
    %dma_start3A_75 = tpu.memref_slice %arg2[%dma_start3A_73, %dma_start3A_74] : memref<18440x128xf32, #tpu.memory_space<hbm>> -> memref<18440x128xf32, #tpu.memory_space<hbm>>
    tpu.enqueue_indirect_dma source(%dma_start3A_75 : memref<18440x128xf32, #tpu.memory_space<hbm>>) target(%arg7 : memref<128x128xf32, #tpu.memory_space<vmem>>) offsets(%dma_start3A_72 : memref<128xi32, #tpu.memory_space<vmem>>) semaphore(%arg8 : memref<!tpu.dma_semaphore, #tpu.memory_space<semaphore_mem>>) {add = true}
    %dma_wait3A_76 = arith.constant 5 : i32
    %dma_wait3A_77 = arith.constant 0 : i32
    %dma_wait3A_78 = tpu.memref_slice %arg6[%dma_wait3A_76, %dma_wait3A_77] : memref<8x128xi32, #tpu.memory_space<vmem>> -> memref<1x128xi32, #tpu.memory_space<vmem>>
    %dma_wait3A_79 = tpu.memref_squeeze %dma_wait3A_78 : memref<1x128xi32, #tpu.memory_space<vmem>> -> memref<128xi32, #tpu.memory_space<vmem>>
    %dma_wait3A_80 = arith.constant 0 : i32
    %dma_wait3A_81 = arith.constant 0 : i32
    %dma_wait3A_82 = tpu.memref_slice %arg2[%dma_wait3A_80, %dma_wait3A_81] : memref<18440x128xf32, #tpu.memory_space<hbm>> -> memref<18440x128xf32, #tpu.memory_space<hbm>>
    tpu.wait_indirect_dma semaphore(%arg8 : memref<!tpu.dma_semaphore, #tpu.memory_space<semaphore_mem>>) src(%dma_wait3A_82 : memref<18440x128xf32, #tpu.memory_space<hbm>>) dst(%arg7 : memref<128x128xf32, #tpu.memory_space<vmem>>)
    %dma_start3A_83 = arith.constant 6 : i32
    %dma_start3A_84 = arith.constant 0 : i32
    %dma_start3A_85 = tpu.memref_slice %arg6[%dma_start3A_83, %dma_start3A_84] : memref<8x128xi32, #tpu.memory_space<vmem>> -> memref<1x128xi32, #tpu.memory_space<vmem>>
    %dma_start3A_86 = tpu.memref_squeeze %dma_start3A_85 : memref<1x128xi32, #tpu.memory_space<vmem>> -> memref<128xi32, #tpu.memory_space<vmem>>
    %dma_start3A_87 = arith.constant 0 : i32
    %dma_start3A_88 = arith.constant 0 : i32
    %dma_start3A_89 = tpu.memref_slice %arg2[%dma_start3A_87, %dma_start3A_88] : memref<18440x128xf32, #tpu.memory_space<hbm>> -> memref<18440x128xf32, #tpu.memory_space<hbm>>
    tpu.enqueue_indirect_dma source(%dma_start3A_89 : memref<18440x128xf32, #tpu.memory_space<hbm>>) target(%arg7 : memref<128x128xf32, #tpu.memory_space<vmem>>) offsets(%dma_start3A_86 : memref<128xi32, #tpu.memory_space<vmem>>) semaphore(%arg8 : memref<!tpu.dma_semaphore, #tpu.memory_space<semaphore_mem>>) {add = true}
    %dma_wait3A_90 = arith.constant 6 : i32
    %dma_wait3A_91 = arith.constant 0 : i32
    %dma_wait3A_92 = tpu.memref_slice %arg6[%dma_wait3A_90, %dma_wait3A_91] : memref<8x128xi32, #tpu.memory_space<vmem>> -> memref<1x128xi32, #tpu.memory_space<vmem>>
    %dma_wait3A_93 = tpu.memref_squeeze %dma_wait3A_92 : memref<1x128xi32, #tpu.memory_space<vmem>> -> memref<128xi32, #tpu.memory_space<vmem>>
    %dma_wait3A_94 = arith.constant 0 : i32
    %dma_wait3A_95 = arith.constant 0 : i32
    %dma_wait3A_96 = tpu.memref_slice %arg2[%dma_wait3A_94, %dma_wait3A_95] : memref<18440x128xf32, #tpu.memory_space<hbm>> -> memref<18440x128xf32, #tpu.memory_space<hbm>>
    tpu.wait_indirect_dma semaphore(%arg8 : memref<!tpu.dma_semaphore, #tpu.memory_space<semaphore_mem>>) src(%dma_wait3A_96 : memref<18440x128xf32, #tpu.memory_space<hbm>>) dst(%arg7 : memref<128x128xf32, #tpu.memory_space<vmem>>)
    %dma_start3A_97 = arith.constant 7 : i32
    %dma_start3A_98 = arith.constant 0 : i32
    %dma_start3A_99 = tpu.memref_slice %arg6[%dma_start3A_97, %dma_start3A_98] : memref<8x128xi32, #tpu.memory_space<vmem>> -> memref<1x128xi32, #tpu.memory_space<vmem>>
    %dma_start3A_100 = tpu.memref_squeeze %dma_start3A_99 : memref<1x128xi32, #tpu.memory_space<vmem>> -> memref<128xi32, #tpu.memory_space<vmem>>
    %dma_start3A_101 = arith.constant 0 : i32
    %dma_start3A_102 = arith.constant 0 : i32
    %dma_start3A_103 = tpu.memref_slice %arg2[%dma_start3A_101, %dma_start3A_102] : memref<18440x128xf32, #tpu.memory_space<hbm>> -> memref<18440x128xf32, #tpu.memory_space<hbm>>
    tpu.enqueue_indirect_dma source(%dma_start3A_103 : memref<18440x128xf32, #tpu.memory_space<hbm>>) target(%arg7 : memref<128x128xf32, #tpu.memory_space<vmem>>) offsets(%dma_start3A_100 : memref<128xi32, #tpu.memory_space<vmem>>) semaphore(%arg8 : memref<!tpu.dma_semaphore, #tpu.memory_space<semaphore_mem>>) {add = true}
    %dma_wait3A_104 = arith.constant 7 : i32
    %dma_wait3A_105 = arith.constant 0 : i32
    %dma_wait3A_106 = tpu.memref_slice %arg6[%dma_wait3A_104, %dma_wait3A_105] : memref<8x128xi32, #tpu.memory_space<vmem>> -> memref<1x128xi32, #tpu.memory_space<vmem>>
    %dma_wait3A_107 = tpu.memref_squeeze %dma_wait3A_106 : memref<1x128xi32, #tpu.memory_space<vmem>> -> memref<128xi32, #tpu.memory_space<vmem>>
    %dma_wait3A_108 = arith.constant 0 : i32
    %dma_wait3A_109 = arith.constant 0 : i32
    %dma_wait3A_110 = tpu.memref_slice %arg2[%dma_wait3A_108, %dma_wait3A_109] : memref<18440x128xf32, #tpu.memory_space<hbm>> -> memref<18440x128xf32, #tpu.memory_space<hbm>>
    tpu.wait_indirect_dma semaphore(%arg8 : memref<!tpu.dma_semaphore, #tpu.memory_space<semaphore_mem>>) src(%dma_wait3A_110 : memref<18440x128xf32, #tpu.memory_space<hbm>>) dst(%arg7 : memref<128x128xf32, #tpu.memory_space<vmem>>)
    "tpu.region"() ({
      %run_scoped3A = tpu.sem_alloc : memref<!tpu.dma_semaphore, #tpu.memory_space<semaphore_mem>>
      %dma_start3A_111 = arith.constant 0 : i32
      %dma_start3A_112 = arith.constant 0 : i32
      %dma_start3A_113 = tpu.memref_slice %arg5[%add3A, %dma_start3A_111, %dma_start3A_112] : memref<32x128x128xf32, #tpu.memory_space<hbm>> -> memref<1x128x128xf32, #tpu.memory_space<hbm>>
      %dma_start3A_114 = tpu.memref_squeeze %dma_start3A_113 : memref<1x128x128xf32, #tpu.memory_space<hbm>> -> memref<128x128xf32, #tpu.memory_space<hbm>>
      %dma_start3A_115 = arith.constant 0 : i32
      %dma_start3A_116 = arith.constant 0 : i32
      %dma_start3A_117 = tpu.memref_slice %arg5[%add3A, %dma_start3A_115, %dma_start3A_116] : memref<32x128x128xf32, #tpu.memory_space<hbm>> -> memref<1x128x128xf32, #tpu.memory_space<hbm>>
      %dma_start3A_118 = tpu.memref_squeeze %dma_start3A_117 : memref<1x128x128xf32, #tpu.memory_space<hbm>> -> memref<128x128xf32, #tpu.memory_space<hbm>>
      tpu.enqueue_dma source(%arg7 : memref<128x128xf32, #tpu.memory_space<vmem>>) target(%dma_start3A_118 : memref<128x128xf32, #tpu.memory_space<hbm>>) target_semaphore(%run_scoped3A : memref<!tpu.dma_semaphore, #tpu.memory_space<semaphore_mem>>)
      %dma_wait3A_119 = arith.constant 0 : i32
      %dma_wait3A_120 = arith.constant 0 : i32
      %dma_wait3A_121 = tpu.memref_slice %arg5[%add3A, %dma_wait3A_119, %dma_wait3A_120] : memref<32x128x128xf32, #tpu.memory_space<hbm>> -> memref<1x128x128xf32, #tpu.memory_space<hbm>>
      %dma_wait3A_122 = tpu.memref_squeeze %dma_wait3A_121 : memref<1x128x128xf32, #tpu.memory_space<hbm>> -> memref<128x128xf32, #tpu.memory_space<hbm>>
      %dma_wait3A_123 = arith.constant 0 : i32
      %dma_wait3A_124 = arith.constant 0 : i32
      %dma_wait3A_125 = tpu.memref_slice %arg5[%add3A, %dma_wait3A_123, %dma_wait3A_124] : memref<32x128x128xf32, #tpu.memory_space<hbm>> -> memref<1x128x128xf32, #tpu.memory_space<hbm>>
      %dma_wait3A_126 = tpu.memref_squeeze %dma_wait3A_125 : memref<1x128x128xf32, #tpu.memory_space<hbm>> -> memref<128x128xf32, #tpu.memory_space<hbm>>
      tpu.wait_dma2 semaphore(%run_scoped3A : memref<!tpu.dma_semaphore, #tpu.memory_space<semaphore_mem>>) src(%arg7 : memref<128x128xf32, #tpu.memory_space<vmem>>) dst(%dma_wait3A_126 : memref<128x128xf32, #tpu.memory_space<hbm>>)
      tpu.yield
    }) : () -> ()
    return
  }
}

module attributes {stable_mosaic.version = 14 : i64} {
  func.func @_route_kernel(%arg0: memref<4096x1024xf32, #tpu.memory_space<vmem>>, %arg1: memref<1024x8xf32, #tpu.memory_space<vmem>>, %arg2: memref<8x1xf32, #tpu.memory_space<vmem>>, %arg3: memref<8x4096x128xf32, #tpu.memory_space<vmem>>, %arg4: memref<4096x128xf32, #tpu.memory_space<vmem>>, %arg5: memref<8x4096xi32, #tpu.memory_space<vmem>>, %arg6: memref<8x4096xi32, #tpu.memory_space<vmem>>, %arg7: memref<1x128xi32, #tpu.memory_space<vmem>>) attributes {dimension_semantics = [], scalar_prefetch = 0 : i64, scratch_operands = 0 : i64, tpu.core_type = #tpu.core_type<tc>} {
    %get3A = arith.constant 0 : index
    %get3A_0 = arith.constant 0 : index
    %get3A_1 = vector.load %arg0[%get3A, %get3A_0] : memref<4096x1024xf32, #tpu.memory_space<vmem>>, vector<4096x1024xf32>
    %get3A_2 = arith.constant 0 : index
    %get3A_3 = arith.constant 0 : index
    %get3A_4 = vector.load %arg1[%get3A_2, %get3A_3] : memref<1024x8xf32, #tpu.memory_space<vmem>>, vector<1024x8xf32>
    %dot_general3A = arith.constant dense<0.000000e+00> : vector<4096x8xf32>
    %dot_general3A_5 = tpu.matmul %get3A_1, %get3A_4, %dot_general3A {dimension_numbers = #tpu.dot_dimension_numbers<[1], [0], [0], [1], [0, 0, 1, 1], [], []>, transpose_lhs_hint = false} : vector<4096x1024xf32>, vector<1024x8xf32>, vector<4096x8xf32> -> vector<4096x8xf32>
    %transpose3A = tpu.transpose %dot_general3A_5, [1, 0] : vector<4096x8xf32> -> vector<8x4096xf32>
    %iota3A = tpu.iota {dimensions = array<i32: 0>} : vector<8x4096xi32>
    %broadcast_in_dim3A = arith.constant 0 : i32
    %broadcast_in_dim3A_6 = vector.broadcast %broadcast_in_dim3A : i32 to vector<8x4096xi32>
    %slice3A = vector.extract_strided_slice %transpose3A {offsets = [0, 0], sizes = [1, 4096], strides = [1, 1]} : vector<8x4096xf32> to vector<1x4096xf32>
    %gt3A = vector.broadcast %slice3A : vector<1x4096xf32> to vector<8x4096xf32>
    %gt3A_7 = arith.cmpf ogt, %gt3A, %transpose3A : vector<8x4096xf32>
    %eq3A = vector.broadcast %slice3A : vector<1x4096xf32> to vector<8x4096xf32>
    %eq3A_8 = arith.cmpf oeq, %eq3A, %transpose3A : vector<8x4096xf32>
    %gt3A_9 = arith.constant 0 : i32
    %gt3A_10 = vector.broadcast %gt3A_9 : i32 to vector<8x4096xi32>
    %gt3A_11 = arith.cmpi sgt, %iota3A, %gt3A_10 : vector<8x4096xi32>
    %and3A = arith.andi %eq3A_8, %gt3A_11 : vector<8x4096xi1>
    %or3A = arith.ori %gt3A_7, %and3A : vector<8x4096xi1>
    %convert_element_type3A = arith.extui %or3A : vector<8x4096xi1> to vector<8x4096xi32>
    %add3A = arith.addi %broadcast_in_dim3A_6, %convert_element_type3A : vector<8x4096xi32>
    %slice3A_12 = vector.extract_strided_slice %transpose3A {offsets = [1, 0], sizes = [1, 4096], strides = [1, 1]} : vector<8x4096xf32> to vector<1x4096xf32>
    %gt3A_13 = vector.broadcast %slice3A_12 : vector<1x4096xf32> to vector<8x4096xf32>
    %gt3A_14 = arith.cmpf ogt, %gt3A_13, %transpose3A : vector<8x4096xf32>
    %eq3A_15 = vector.broadcast %slice3A_12 : vector<1x4096xf32> to vector<8x4096xf32>
    %eq3A_16 = arith.cmpf oeq, %eq3A_15, %transpose3A : vector<8x4096xf32>
    %gt3A_17 = arith.constant 1 : i32
    %gt3A_18 = vector.broadcast %gt3A_17 : i32 to vector<8x4096xi32>
    %gt3A_19 = arith.cmpi sgt, %iota3A, %gt3A_18 : vector<8x4096xi32>
    %and3A_20 = arith.andi %eq3A_16, %gt3A_19 : vector<8x4096xi1>
    %or3A_21 = arith.ori %gt3A_14, %and3A_20 : vector<8x4096xi1>
    %convert_element_type3A_22 = arith.extui %or3A_21 : vector<8x4096xi1> to vector<8x4096xi32>
    %add3A_23 = arith.addi %add3A, %convert_element_type3A_22 : vector<8x4096xi32>
    %slice3A_24 = vector.extract_strided_slice %transpose3A {offsets = [2, 0], sizes = [1, 4096], strides = [1, 1]} : vector<8x4096xf32> to vector<1x4096xf32>
    %gt3A_25 = vector.broadcast %slice3A_24 : vector<1x4096xf32> to vector<8x4096xf32>
    %gt3A_26 = arith.cmpf ogt, %gt3A_25, %transpose3A : vector<8x4096xf32>
    %eq3A_27 = vector.broadcast %slice3A_24 : vector<1x4096xf32> to vector<8x4096xf32>
    %eq3A_28 = arith.cmpf oeq, %eq3A_27, %transpose3A : vector<8x4096xf32>
    %gt3A_29 = arith.constant 2 : i32
    %gt3A_30 = vector.broadcast %gt3A_29 : i32 to vector<8x4096xi32>
    %gt3A_31 = arith.cmpi sgt, %iota3A, %gt3A_30 : vector<8x4096xi32>
    %and3A_32 = arith.andi %eq3A_28, %gt3A_31 : vector<8x4096xi1>
    %or3A_33 = arith.ori %gt3A_26, %and3A_32 : vector<8x4096xi1>
    %convert_element_type3A_34 = arith.extui %or3A_33 : vector<8x4096xi1> to vector<8x4096xi32>
    %add3A_35 = arith.addi %add3A_23, %convert_element_type3A_34 : vector<8x4096xi32>
    %slice3A_36 = vector.extract_strided_slice %transpose3A {offsets = [3, 0], sizes = [1, 4096], strides = [1, 1]} : vector<8x4096xf32> to vector<1x4096xf32>
    %gt3A_37 = vector.broadcast %slice3A_36 : vector<1x4096xf32> to vector<8x4096xf32>
    %gt3A_38 = arith.cmpf ogt, %gt3A_37, %transpose3A : vector<8x4096xf32>
    %eq3A_39 = vector.broadcast %slice3A_36 : vector<1x4096xf32> to vector<8x4096xf32>
    %eq3A_40 = arith.cmpf oeq, %eq3A_39, %transpose3A : vector<8x4096xf32>
    %gt3A_41 = arith.constant 3 : i32
    %gt3A_42 = vector.broadcast %gt3A_41 : i32 to vector<8x4096xi32>
    %gt3A_43 = arith.cmpi sgt, %iota3A, %gt3A_42 : vector<8x4096xi32>
    %and3A_44 = arith.andi %eq3A_40, %gt3A_43 : vector<8x4096xi1>
    %or3A_45 = arith.ori %gt3A_38, %and3A_44 : vector<8x4096xi1>
    %convert_element_type3A_46 = arith.extui %or3A_45 : vector<8x4096xi1> to vector<8x4096xi32>
    %add3A_47 = arith.addi %add3A_35, %convert_element_type3A_46 : vector<8x4096xi32>
    %slice3A_48 = vector.extract_strided_slice %transpose3A {offsets = [4, 0], sizes = [1, 4096], strides = [1, 1]} : vector<8x4096xf32> to vector<1x4096xf32>
    %gt3A_49 = vector.broadcast %slice3A_48 : vector<1x4096xf32> to vector<8x4096xf32>
    %gt3A_50 = arith.cmpf ogt, %gt3A_49, %transpose3A : vector<8x4096xf32>
    %eq3A_51 = vector.broadcast %slice3A_48 : vector<1x4096xf32> to vector<8x4096xf32>
    %eq3A_52 = arith.cmpf oeq, %eq3A_51, %transpose3A : vector<8x4096xf32>
    %gt3A_53 = arith.constant 4 : i32
    %gt3A_54 = vector.broadcast %gt3A_53 : i32 to vector<8x4096xi32>
    %gt3A_55 = arith.cmpi sgt, %iota3A, %gt3A_54 : vector<8x4096xi32>
    %and3A_56 = arith.andi %eq3A_52, %gt3A_55 : vector<8x4096xi1>
    %or3A_57 = arith.ori %gt3A_50, %and3A_56 : vector<8x4096xi1>
    %convert_element_type3A_58 = arith.extui %or3A_57 : vector<8x4096xi1> to vector<8x4096xi32>
    %add3A_59 = arith.addi %add3A_47, %convert_element_type3A_58 : vector<8x4096xi32>
    %slice3A_60 = vector.extract_strided_slice %transpose3A {offsets = [5, 0], sizes = [1, 4096], strides = [1, 1]} : vector<8x4096xf32> to vector<1x4096xf32>
    %gt3A_61 = vector.broadcast %slice3A_60 : vector<1x4096xf32> to vector<8x4096xf32>
    %gt3A_62 = arith.cmpf ogt, %gt3A_61, %transpose3A : vector<8x4096xf32>
    %eq3A_63 = vector.broadcast %slice3A_60 : vector<1x4096xf32> to vector<8x4096xf32>
    %eq3A_64 = arith.cmpf oeq, %eq3A_63, %transpose3A : vector<8x4096xf32>
    %gt3A_65 = arith.constant 5 : i32
    %gt3A_66 = vector.broadcast %gt3A_65 : i32 to vector<8x4096xi32>
    %gt3A_67 = arith.cmpi sgt, %iota3A, %gt3A_66 : vector<8x4096xi32>
    %and3A_68 = arith.andi %eq3A_64, %gt3A_67 : vector<8x4096xi1>
    %or3A_69 = arith.ori %gt3A_62, %and3A_68 : vector<8x4096xi1>
    %convert_element_type3A_70 = arith.extui %or3A_69 : vector<8x4096xi1> to vector<8x4096xi32>
    %add3A_71 = arith.addi %add3A_59, %convert_element_type3A_70 : vector<8x4096xi32>
    %slice3A_72 = vector.extract_strided_slice %transpose3A {offsets = [6, 0], sizes = [1, 4096], strides = [1, 1]} : vector<8x4096xf32> to vector<1x4096xf32>
    %gt3A_73 = vector.broadcast %slice3A_72 : vector<1x4096xf32> to vector<8x4096xf32>
    %gt3A_74 = arith.cmpf ogt, %gt3A_73, %transpose3A : vector<8x4096xf32>
    %eq3A_75 = vector.broadcast %slice3A_72 : vector<1x4096xf32> to vector<8x4096xf32>
    %eq3A_76 = arith.cmpf oeq, %eq3A_75, %transpose3A : vector<8x4096xf32>
    %gt3A_77 = arith.constant 6 : i32
    %gt3A_78 = vector.broadcast %gt3A_77 : i32 to vector<8x4096xi32>
    %gt3A_79 = arith.cmpi sgt, %iota3A, %gt3A_78 : vector<8x4096xi32>
    %and3A_80 = arith.andi %eq3A_76, %gt3A_79 : vector<8x4096xi1>
    %or3A_81 = arith.ori %gt3A_74, %and3A_80 : vector<8x4096xi1>
    %convert_element_type3A_82 = arith.extui %or3A_81 : vector<8x4096xi1> to vector<8x4096xi32>
    %add3A_83 = arith.addi %add3A_71, %convert_element_type3A_82 : vector<8x4096xi32>
    %slice3A_84 = vector.extract_strided_slice %transpose3A {offsets = [7, 0], sizes = [1, 4096], strides = [1, 1]} : vector<8x4096xf32> to vector<1x4096xf32>
    %gt3A_85 = vector.broadcast %slice3A_84 : vector<1x4096xf32> to vector<8x4096xf32>
    %gt3A_86 = arith.cmpf ogt, %gt3A_85, %transpose3A : vector<8x4096xf32>
    %eq3A_87 = vector.broadcast %slice3A_84 : vector<1x4096xf32> to vector<8x4096xf32>
    %eq3A_88 = arith.cmpf oeq, %eq3A_87, %transpose3A : vector<8x4096xf32>
    %gt3A_89 = arith.constant 7 : i32
    %gt3A_90 = vector.broadcast %gt3A_89 : i32 to vector<8x4096xi32>
    %gt3A_91 = arith.cmpi sgt, %iota3A, %gt3A_90 : vector<8x4096xi32>
    %and3A_92 = arith.andi %eq3A_88, %gt3A_91 : vector<8x4096xi1>
    %or3A_93 = arith.ori %gt3A_86, %and3A_92 : vector<8x4096xi1>
    %convert_element_type3A_94 = arith.extui %or3A_93 : vector<8x4096xi1> to vector<8x4096xi32>
    %add3A_95 = arith.addi %add3A_83, %convert_element_type3A_94 : vector<8x4096xi32>
    %lt3A = arith.constant 4 : i32
    %lt3A_96 = vector.broadcast %lt3A : i32 to vector<8x4096xi32>
    %lt3A_97 = arith.cmpi slt, %add3A_95, %lt3A_96 : vector<8x4096xi32>
    %reduce_max3A = arith.constant dense<0xFF800000> : vector<4096xf32>
    %reduce_max3A_98 = vector.multi_reduction <maximumf>, %transpose3A, %reduce_max3A [0] : vector<8x4096xf32> to vector<4096xf32>
    %broadcast_in_dim3A_99 = vector.shape_cast %reduce_max3A_98 : vector<4096xf32> to vector<1x4096xf32>
    %sub3A = vector.broadcast %broadcast_in_dim3A_99 : vector<1x4096xf32> to vector<8x4096xf32>
    %sub3A_100 = arith.subf %transpose3A, %sub3A : vector<8x4096xf32>
    %exp3A = math.exp %sub3A_100 : vector<8x4096xf32>
    %jit3A = arith.constant 0.000000e+00 : f32
    %broadcast_in_dim3A_101 = vector.broadcast %jit3A : f32 to vector<8x4096xf32>
    %select_n3A = arith.select %lt3A_97, %exp3A, %broadcast_in_dim3A_101 : vector<8x4096xi1>, vector<8x4096xf32>
    %reduce_sum3A = arith.constant dense<0.000000e+00> : vector<4096xf32>
    %reduce_sum3A_102 = vector.multi_reduction <add>, %select_n3A, %reduce_sum3A [0] : vector<8x4096xf32> to vector<4096xf32>
    %broadcast_in_dim3A_103 = vector.shape_cast %reduce_sum3A_102 : vector<4096xf32> to vector<1x4096xf32>
    %div3A = vector.broadcast %broadcast_in_dim3A_103 : vector<1x4096xf32> to vector<8x4096xf32>
    %div3A_104 = arith.divf %select_n3A, %div3A : vector<8x4096xf32>
    %broadcast_in_dim3A_105 = vector.shape_cast %div3A_104 : vector<8x4096xf32> to vector<8x4096x1xf32>
    %broadcast_in_dim3A_106 = vector.shape_cast %broadcast_in_dim3A_105 : vector<8x4096x1xf32> to vector<8x4096x1xf32>
    %broadcast_in_dim3A_107 = vector.broadcast %broadcast_in_dim3A_106 : vector<8x4096x1xf32> to vector<8x4096x128xf32>
    %swap3A = arith.constant 0 : index
    %swap3A_108 = arith.constant 0 : index
    %swap3A_109 = arith.constant 0 : index
    %swap3A_110 = vector.load %arg3[%swap3A, %swap3A_108, %swap3A_109] : memref<8x4096x128xf32, #tpu.memory_space<vmem>>, vector<8x4096x128xf32>
    tpu.vector_store %arg3[%swap3A, %swap3A_108, %swap3A_109], %broadcast_in_dim3A_107 {strides = array<i32>} : memref<8x4096x128xf32, #tpu.memory_space<vmem>>, vector<8x4096x128xf32>,
    %get3A_111 = arith.constant 0 : index
    %get3A_112 = arith.constant 0 : index
    %get3A_113 = vector.load %arg2[%get3A_111, %get3A_112] : memref<8x1xf32, #tpu.memory_space<vmem>>, vector<8x1xf32>
    %mul3A = vector.broadcast %get3A_113 : vector<8x1xf32> to vector<8x4096xf32>
    %mul3A_114 = arith.mulf %div3A_104, %mul3A : vector<8x4096xf32>
    %reduce_sum3A_115 = arith.constant dense<0.000000e+00> : vector<4096xf32>
    %reduce_sum3A_116 = vector.multi_reduction <add>, %mul3A_114, %reduce_sum3A_115 [0] : vector<8x4096xf32> to vector<4096xf32>
    %broadcast_in_dim3A_117 = vector.shape_cast %reduce_sum3A_116 : vector<4096xf32> to vector<1x4096xf32>
    %transpose3A_118 = tpu.transpose %broadcast_in_dim3A_117, [1, 0] : vector<1x4096xf32> -> vector<4096x1xf32>
    %broadcast_in_dim3A_119 = vector.shape_cast %transpose3A_118 : vector<4096x1xf32> to vector<4096x1xf32>
    %broadcast_in_dim3A_120 = vector.broadcast %broadcast_in_dim3A_119 : vector<4096x1xf32> to vector<4096x128xf32>
    %swap3A_121 = arith.constant 0 : index
    %swap3A_122 = arith.constant 0 : index
    %swap3A_123 = vector.load %arg4[%swap3A_121, %swap3A_122] : memref<4096x128xf32, #tpu.memory_space<vmem>>, vector<4096x128xf32>
    tpu.vector_store %arg4[%swap3A_121, %swap3A_122], %broadcast_in_dim3A_120 {strides = array<i32>} : memref<4096x128xf32, #tpu.memory_space<vmem>>, vector<4096x128xf32>,
    %convert_element_type3A_124 = arith.extui %lt3A_97 : vector<8x4096xi1> to vector<8x4096xi32>
    %convert_element_type3A_125 = arith.sitofp %convert_element_type3A_124 : vector<8x4096xi32> to vector<8x4096xf32>
    %broadcast_in_dim3A_126 = arith.constant 0.000000e+00 : f32
    %broadcast_in_dim3A_127 = vector.broadcast %broadcast_in_dim3A_126 : f32 to vector<8x1xf32>
    %slice3A_128 = vector.extract_strided_slice %convert_element_type3A_125 {offsets = [0, 0], sizes = [8, 4095], strides = [1, 1]} : vector<8x4096xf32> to vector<8x4095xf32>
    %concatenate3A = tpu.concatenate %broadcast_in_dim3A_127, %slice3A_128 in 1 : vector<8x1xf32>, vector<8x4095xf32> -> vector<8x4096xf32>
    %add3A_129 = arith.addf %convert_element_type3A_125, %concatenate3A : vector<8x4096xf32>
    %broadcast_in_dim3A_130 = arith.constant 0.000000e+00 : f32
    %broadcast_in_dim3A_131 = vector.broadcast %broadcast_in_dim3A_130 : f32 to vector<8x2xf32>
    %slice3A_132 = vector.extract_strided_slice %add3A_129 {offsets = [0, 0], sizes = [8, 4094], strides = [1, 1]} : vector<8x4096xf32> to vector<8x4094xf32>
    %concatenate3A_133 = tpu.concatenate %broadcast_in_dim3A_131, %slice3A_132 in 1 : vector<8x2xf32>, vector<8x4094xf32> -> vector<8x4096xf32>
    %add3A_134 = arith.addf %add3A_129, %concatenate3A_133 : vector<8x4096xf32>
    %broadcast_in_dim3A_135 = arith.constant 0.000000e+00 : f32
    %broadcast_in_dim3A_136 = vector.broadcast %broadcast_in_dim3A_135 : f32 to vector<8x4xf32>
    %slice3A_137 = vector.extract_strided_slice %add3A_134 {offsets = [0, 0], sizes = [8, 4092], strides = [1, 1]} : vector<8x4096xf32> to vector<8x4092xf32>
    %concatenate3A_138 = tpu.concatenate %broadcast_in_dim3A_136, %slice3A_137 in 1 : vector<8x4xf32>, vector<8x4092xf32> -> vector<8x4096xf32>
    %add3A_139 = arith.addf %add3A_134, %concatenate3A_138 : vector<8x4096xf32>
    %broadcast_in_dim3A_140 = arith.constant 0.000000e+00 : f32
    %broadcast_in_dim3A_141 = vector.broadcast %broadcast_in_dim3A_140 : f32 to vector<8x8xf32>
    %slice3A_142 = vector.extract_strided_slice %add3A_139 {offsets = [0, 0], sizes = [8, 4088], strides = [1, 1]} : vector<8x4096xf32> to vector<8x4088xf32>
    %concatenate3A_143 = tpu.concatenate %broadcast_in_dim3A_141, %slice3A_142 in 1 : vector<8x8xf32>, vector<8x4088xf32> -> vector<8x4096xf32>
    %add3A_144 = arith.addf %add3A_139, %concatenate3A_143 : vector<8x4096xf32>
    %broadcast_in_dim3A_145 = arith.constant 0.000000e+00 : f32
    %broadcast_in_dim3A_146 = vector.broadcast %broadcast_in_dim3A_145 : f32 to vector<8x16xf32>
    %slice3A_147 = vector.extract_strided_slice %add3A_144 {offsets = [0, 0], sizes = [8, 4080], strides = [1, 1]} : vector<8x4096xf32> to vector<8x4080xf32>
    %concatenate3A_148 = tpu.concatenate %broadcast_in_dim3A_146, %slice3A_147 in 1 : vector<8x16xf32>, vector<8x4080xf32> -> vector<8x4096xf32>
    %add3A_149 = arith.addf %add3A_144, %concatenate3A_148 : vector<8x4096xf32>
    %broadcast_in_dim3A_150 = arith.constant 0.000000e+00 : f32
    %broadcast_in_dim3A_151 = vector.broadcast %broadcast_in_dim3A_150 : f32 to vector<8x32xf32>
    %slice3A_152 = vector.extract_strided_slice %add3A_149 {offsets = [0, 0], sizes = [8, 4064], strides = [1, 1]} : vector<8x4096xf32> to vector<8x4064xf32>
    %concatenate3A_153 = tpu.concatenate %broadcast_in_dim3A_151, %slice3A_152 in 1 : vector<8x32xf32>, vector<8x4064xf32> -> vector<8x4096xf32>
    %add3A_154 = arith.addf %add3A_149, %concatenate3A_153 : vector<8x4096xf32>
    %broadcast_in_dim3A_155 = arith.constant 0.000000e+00 : f32
    %broadcast_in_dim3A_156 = vector.broadcast %broadcast_in_dim3A_155 : f32 to vector<8x64xf32>
    %slice3A_157 = vector.extract_strided_slice %add3A_154 {offsets = [0, 0], sizes = [8, 4032], strides = [1, 1]} : vector<8x4096xf32> to vector<8x4032xf32>
    %concatenate3A_158 = tpu.concatenate %broadcast_in_dim3A_156, %slice3A_157 in 1 : vector<8x64xf32>, vector<8x4032xf32> -> vector<8x4096xf32>
    %add3A_159 = arith.addf %add3A_154, %concatenate3A_158 : vector<8x4096xf32>
    %broadcast_in_dim3A_160 = arith.constant 0.000000e+00 : f32
    %broadcast_in_dim3A_161 = vector.broadcast %broadcast_in_dim3A_160 : f32 to vector<8x128xf32>
    %slice3A_162 = vector.extract_strided_slice %add3A_159 {offsets = [0, 0], sizes = [8, 3968], strides = [1, 1]} : vector<8x4096xf32> to vector<8x3968xf32>
    %concatenate3A_163 = tpu.concatenate %broadcast_in_dim3A_161, %slice3A_162 in 1 : vector<8x128xf32>, vector<8x3968xf32> -> vector<8x4096xf32>
    %add3A_164 = arith.addf %add3A_159, %concatenate3A_163 : vector<8x4096xf32>
    %broadcast_in_dim3A_165 = arith.constant 0.000000e+00 : f32
    %broadcast_in_dim3A_166 = vector.broadcast %broadcast_in_dim3A_165 : f32 to vector<8x256xf32>
    %slice3A_167 = vector.extract_strided_slice %add3A_164 {offsets = [0, 0], sizes = [8, 3840], strides = [1, 1]} : vector<8x4096xf32> to vector<8x3840xf32>
    %concatenate3A_168 = tpu.concatenate %broadcast_in_dim3A_166, %slice3A_167 in 1 : vector<8x256xf32>, vector<8x3840xf32> -> vector<8x4096xf32>
    %add3A_169 = arith.addf %add3A_164, %concatenate3A_168 : vector<8x4096xf32>
    %broadcast_in_dim3A_170 = arith.constant 0.000000e+00 : f32
    %broadcast_in_dim3A_171 = vector.broadcast %broadcast_in_dim3A_170 : f32 to vector<8x512xf32>
    %slice3A_172 = vector.extract_strided_slice %add3A_169 {offsets = [0, 0], sizes = [8, 3584], strides = [1, 1]} : vector<8x4096xf32> to vector<8x3584xf32>
    %concatenate3A_173 = tpu.concatenate %broadcast_in_dim3A_171, %slice3A_172 in 1 : vector<8x512xf32>, vector<8x3584xf32> -> vector<8x4096xf32>
    %add3A_174 = arith.addf %add3A_169, %concatenate3A_173 : vector<8x4096xf32>
    %broadcast_in_dim3A_175 = arith.constant 0.000000e+00 : f32
    %broadcast_in_dim3A_176 = vector.broadcast %broadcast_in_dim3A_175 : f32 to vector<8x1024xf32>
    %slice3A_177 = vector.extract_strided_slice %add3A_174 {offsets = [0, 0], sizes = [8, 3072], strides = [1, 1]} : vector<8x4096xf32> to vector<8x3072xf32>
    %concatenate3A_178 = tpu.concatenate %broadcast_in_dim3A_176, %slice3A_177 in 1 : vector<8x1024xf32>, vector<8x3072xf32> -> vector<8x4096xf32>
    %add3A_179 = arith.addf %add3A_174, %concatenate3A_178 : vector<8x4096xf32>
    %broadcast_in_dim3A_180 = arith.constant 0.000000e+00 : f32
    %broadcast_in_dim3A_181 = vector.broadcast %broadcast_in_dim3A_180 : f32 to vector<8x2048xf32>
    %slice3A_182 = vector.extract_strided_slice %add3A_179 {offsets = [0, 0], sizes = [8, 2048], strides = [1, 1]} : vector<8x4096xf32> to vector<8x2048xf32>
    %concatenate3A_183 = tpu.concatenate %broadcast_in_dim3A_181, %slice3A_182 in 1 : vector<8x2048xf32>, vector<8x2048xf32> -> vector<8x4096xf32>
    %add3A_184 = arith.addf %add3A_179, %concatenate3A_183 : vector<8x4096xf32>
    %sub3A_185 = arith.subf %add3A_184, %convert_element_type3A_125 : vector<8x4096xf32>
    %slice3A_186 = vector.extract_strided_slice %add3A_184 {offsets = [0, 4095], sizes = [8, 1], strides = [1, 1]} : vector<8x4096xf32> to vector<8x1xf32>
    %add3A_187 = arith.constant 2.550000e+02 : f32
    %add3A_188 = vector.broadcast %add3A_187 : f32 to vector<8x1xf32>
    %add3A_189 = arith.addf %slice3A_186, %add3A_188 : vector<8x1xf32>
    %div3A_190 = arith.constant 2.560000e+02 : f32
    %div3A_191 = vector.broadcast %div3A_190 : f32 to vector<8x1xf32>
    %div3A_192 = arith.divf %add3A_189, %div3A_191 : vector<8x1xf32>
    %floor3A = math.floor %div3A_192 : vector<8x1xf32>
    %mul3A_193 = arith.constant 2.560000e+02 : f32
    %mul3A_194 = vector.broadcast %mul3A_193 : f32 to vector<8x1xf32>
    %mul3A_195 = arith.mulf %floor3A, %mul3A_194 : vector<8x1xf32>
    %broadcast_in_dim3A_196 = arith.constant 0.000000e+00 : f32
    %broadcast_in_dim3A_197 = vector.broadcast %broadcast_in_dim3A_196 : f32 to vector<1x1xf32>
    %slice3A_198 = vector.extract_strided_slice %mul3A_195 {offsets = [0, 0], sizes = [7, 1], strides = [1, 1]} : vector<8x1xf32> to vector<7x1xf32>
    %concatenate3A_199 = tpu.concatenate %broadcast_in_dim3A_197, %slice3A_198 in 0 : vector<1x1xf32>, vector<7x1xf32> -> vector<8x1xf32>
    %broadcast_in_dim3A_200 = arith.constant 0.000000e+00 : f32
    %broadcast_in_dim3A_201 = vector.broadcast %broadcast_in_dim3A_200 : f32 to vector<1x1xf32>
    %slice3A_202 = vector.extract_strided_slice %concatenate3A_199 {offsets = [0, 0], sizes = [7, 1], strides = [1, 1]} : vector<8x1xf32> to vector<7x1xf32>
    %concatenate3A_203 = tpu.concatenate %broadcast_in_dim3A_201, %slice3A_202 in 0 : vector<1x1xf32>, vector<7x1xf32> -> vector<8x1xf32>
    %add3A_204 = arith.addf %concatenate3A_199, %concatenate3A_203 : vector<8x1xf32>
    %broadcast_in_dim3A_205 = arith.constant 0.000000e+00 : f32
    %broadcast_in_dim3A_206 = vector.broadcast %broadcast_in_dim3A_205 : f32 to vector<2x1xf32>
    %slice3A_207 = vector.extract_strided_slice %add3A_204 {offsets = [0, 0], sizes = [6, 1], strides = [1, 1]} : vector<8x1xf32> to vector<6x1xf32>
    %concatenate3A_208 = tpu.concatenate %broadcast_in_dim3A_206, %slice3A_207 in 0 : vector<2x1xf32>, vector<6x1xf32> -> vector<8x1xf32>
    %add3A_209 = arith.addf %add3A_204, %concatenate3A_208 : vector<8x1xf32>
    %broadcast_in_dim3A_210 = arith.constant 0.000000e+00 : f32
    %broadcast_in_dim3A_211 = vector.broadcast %broadcast_in_dim3A_210 : f32 to vector<4x1xf32>
    %slice3A_212 = vector.extract_strided_slice %add3A_209 {offsets = [0, 0], sizes = [4, 1], strides = [1, 1]} : vector<8x1xf32> to vector<4x1xf32>
    %concatenate3A_213 = tpu.concatenate %broadcast_in_dim3A_211, %slice3A_212 in 0 : vector<4x1xf32>, vector<4x1xf32> -> vector<8x1xf32>
    %add3A_214 = arith.addf %add3A_209, %concatenate3A_213 : vector<8x1xf32>
    %add3A_215 = vector.broadcast %add3A_214 : vector<8x1xf32> to vector<8x4096xf32>
    %add3A_216 = arith.addf %add3A_215, %sub3A_185 : vector<8x4096xf32>
    %convert_element_type3A_217 = arith.fptosi %add3A_216 : vector<8x4096xf32> to vector<8x4096xi32>
    %jit3A_218 = arith.constant 18432 : i32
    %broadcast_in_dim3A_219 = vector.broadcast %jit3A_218 : i32 to vector<8x4096xi32>
    %select_n3A_220 = arith.select %lt3A_97, %convert_element_type3A_217, %broadcast_in_dim3A_219 : vector<8x4096xi1>, vector<8x4096xi32>
    %swap3A_221 = arith.constant 0 : index
    %swap3A_222 = arith.constant 0 : index
    %swap3A_223 = vector.load %arg5[%swap3A_221, %swap3A_222] : memref<8x4096xi32, #tpu.memory_space<vmem>>, vector<8x4096xi32>
    tpu.vector_store %arg5[%swap3A_221, %swap3A_222], %select_n3A_220 {strides = array<i32>} : memref<8x4096xi32, #tpu.memory_space<vmem>>, vector<8x4096xi32>,
    %jit3A_224 = arith.constant 18432 : i32
    %broadcast_in_dim3A_225 = vector.broadcast %jit3A_224 : i32 to vector<8x4096xi32>
    %select_n3A_226 = arith.select %lt3A_97, %convert_element_type3A_217, %broadcast_in_dim3A_225 : vector<8x4096xi1>, vector<8x4096xi32>
    %swap3A_227 = arith.constant 0 : index
    %swap3A_228 = arith.constant 0 : index
    %swap3A_229 = vector.load %arg6[%swap3A_227, %swap3A_228] : memref<8x4096xi32, #tpu.memory_space<vmem>>, vector<8x4096xi32>
    tpu.vector_store %arg6[%swap3A_227, %swap3A_228], %select_n3A_226 {strides = array<i32>} : memref<8x4096xi32, #tpu.memory_space<vmem>>, vector<8x4096xi32>,
    %iota3A_230 = tpu.iota {dimensions = array<i32: 1>} : vector<1x128xi32>
    %div3A_231 = arith.constant 2.560000e+02 : f32
    %div3A_232 = vector.broadcast %div3A_231 : f32 to vector<8x1xf32>
    %div3A_233 = arith.divf %add3A_214, %div3A_232 : vector<8x1xf32>
    %convert_element_type3A_234 = arith.fptosi %div3A_233 : vector<8x1xf32> to vector<8x1xi32>
    %ge3A = vector.broadcast %iota3A_230 : vector<1x128xi32> to vector<8x128xi32>
    %ge3A_235 = vector.broadcast %convert_element_type3A_234 : vector<8x1xi32> to vector<8x128xi32>
    %ge3A_236 = arith.cmpi sge, %ge3A, %ge3A_235 : vector<8x128xi32>
    %convert_element_type3A_237 = arith.extui %ge3A_236 : vector<8x128xi1> to vector<8x128xi32>
    %reduce_sum3A_238 = arith.constant dense<0> : vector<128xi32>
    %reduce_sum3A_239 = vector.multi_reduction <add>, %convert_element_type3A_237, %reduce_sum3A_238 [0] : vector<8x128xi32> to vector<128xi32>
    %broadcast_in_dim3A_240 = vector.shape_cast %reduce_sum3A_239 : vector<128xi32> to vector<1x128xi32>
    %sub3A_241 = arith.constant 1 : i32
    %sub3A_242 = vector.broadcast %sub3A_241 : i32 to vector<1x128xi32>
    %sub3A_243 = arith.subi %broadcast_in_dim3A_240, %sub3A_242 : vector<1x128xi32>
    %swap3A_244 = arith.constant 0 : index
    %swap3A_245 = arith.constant 0 : index
    %swap3A_246 = vector.load %arg7[%swap3A_244, %swap3A_245] : memref<1x128xi32, #tpu.memory_space<vmem>>, vector<1x128xi32>
    tpu.vector_store %arg7[%swap3A_244, %swap3A_245], %sub3A_243 {strides = array<i32>} : memref<1x128xi32, #tpu.memory_space<vmem>>, vector<1x128xi32>,
    return
  }
}

module attributes {stable_mosaic.version = 14 : i64} {
  func.func @_moe_kernel(%arg0: i32, %arg1: memref<72xi32, #tpu.memory_space<smem>>, %arg2: memref<256x1024xf32, #tpu.memory_space<vmem>>, %arg3: memref<1x1024x2048xf32, #tpu.memory_space<vmem>>, %arg4: memref<1x1x2048xf32, #tpu.memory_space<vmem>>, %arg5: memref<1x1x2048xf32, #tpu.memory_space<vmem>>, %arg6: memref<256x128xf32, #tpu.memory_space<vmem>>, %arg7: memref<256x128xf32, #tpu.memory_space<vmem>>, %arg8: memref<1024x2048xbf16, #tpu.memory_space<vmem>>) attributes {dimension_semantics = [#tpu.dimension_semantics<arbitrary>], iteration_bounds = array<i64: 72>, scalar_prefetch = 1 : i64, scratch_operands = 1 : i64, tpu.core_type = #tpu.core_type<tc>, window_params = [{transform_indices = @transform_0, window_bounds = array<i64: 256, 1024>}, {transform_indices = @transform_1, window_bounds = array<i64: 1, 1024, 2048>}, {transform_indices = @transform_2, window_bounds = array<i64: 1, 1, 2048>}, {transform_indices = @transform_3, window_bounds = array<i64: 1, 1, 2048>}, {transform_indices = @transform_4, window_bounds = array<i64: 256, 128>}, {transform_indices = @transform_5, window_bounds = array<i64: 256, 128>}]} {
    %sub3A = arith.constant 1 : i32
    %sub3A_0 = arith.subi %arg0, %sub3A : i32
    %max3A = arith.constant 0 : i32
    %max3A_1 = arith.maxsi %sub3A_0, %max3A : i32
    %get3A = arith.index_cast %max3A_1 : i32 to index
    %get3A_2 = memref.load %arg1[%get3A] : memref<72xi32, #tpu.memory_space<smem>>
    %eq3A = arith.constant 0 : i32
    %eq3A_3 = arith.cmpi eq, %arg0, %eq3A : i32
    %get3A_4 = arith.index_cast %arg0 : i32 to index
    %get3A_5 = memref.load %arg1[%get3A_4] : memref<72xi32, #tpu.memory_space<smem>>
    %ne3A = arith.cmpi ne, %get3A_5, %get3A_2 : i32
    %or3A = arith.ori %eq3A_3, %ne3A : i1
    %convert_element_type3A = arith.extui %or3A : i1 to i32
    %cond3A = arith.constant 0 : i32
    %cond3A_6 = arith.cmpi ne, %convert_element_type3A, %cond3A : i32
    scf.if %cond3A_6 {
      %get3A_38 = arith.constant 0 : index
      %get3A_39 = arith.constant 0 : index
      %get3A_40 = arith.constant 0 : index
      %get3A_41 = vector.load %arg3[%get3A_38, %get3A_39, %get3A_40] : memref<1x1024x2048xf32, #tpu.memory_space<vmem>>, vector<1x1024x2048xf32>
      %get3A_42 = vector.shape_cast %get3A_41 : vector<1x1024x2048xf32> to vector<1024x2048xf32>
      %convert_element_type3A_43 = arith.truncf %get3A_42 : vector<1024x2048xf32> to vector<1024x2048xbf16>
      %swap3A_44 = arith.constant 0 : index
      %swap3A_45 = arith.constant 0 : index
      %swap3A_46 = vector.load %arg8[%swap3A_44, %swap3A_45] : memref<1024x2048xbf16, #tpu.memory_space<vmem>>, vector<1024x2048xbf16>
      tpu.vector_store %arg8[%swap3A_44, %swap3A_45], %convert_element_type3A_43 {strides = array<i32>} : memref<1024x2048xbf16, #tpu.memory_space<vmem>>, vector<1024x2048xbf16>,
    } else {
    }
    %get3A_7 = arith.constant 0 : index
    %get3A_8 = arith.constant 0 : index
    %get3A_9 = vector.load %arg2[%get3A_7, %get3A_8] : memref<256x1024xf32, #tpu.memory_space<vmem>>, vector<256x1024xf32>
    %convert_element_type3A_10 = arith.truncf %get3A_9 : vector<256x1024xf32> to vector<256x1024xbf16>
    %get3A_11 = arith.constant 0 : index
    %get3A_12 = arith.constant 0 : index
    %get3A_13 = vector.load %arg8[%get3A_11, %get3A_12] : memref<1024x2048xbf16, #tpu.memory_space<vmem>>, vector<1024x2048xbf16>
    %dot_general3A = arith.constant dense<0.000000e+00> : vector<256x2048xf32>
    %dot_general3A_14 = tpu.matmul %convert_element_type3A_10, %get3A_13, %dot_general3A {dimension_numbers = #tpu.dot_dimension_numbers<[1], [0], [0], [1], [0, 0, 1, 1], [], []>, transpose_lhs_hint = false} : vector<256x1024xbf16>, vector<1024x2048xbf16>, vector<256x2048xf32> -> vector<256x2048xf32>
    %get3A_15 = arith.constant 0 : index
    %get3A_16 = arith.constant 0 : index
    %get3A_17 = arith.constant 0 : index
    %get3A_18 = vector.load %arg4[%get3A_15, %get3A_16, %get3A_17] : memref<1x1x2048xf32, #tpu.memory_space<vmem>>, vector<1x1x2048xf32>
    %get3A_19 = vector.shape_cast %get3A_18 : vector<1x1x2048xf32> to vector<1x2048xf32>
    %add3A = vector.broadcast %get3A_19 : vector<1x2048xf32> to vector<256x2048xf32>
    %add3A_20 = arith.addf %dot_general3A_14, %add3A : vector<256x2048xf32>
    %max3A_21 = arith.constant 0.000000e+00 : f32
    %max3A_22 = vector.broadcast %max3A_21 : f32 to vector<256x2048xf32>
    %max3A_23 = arith.maximumf %add3A_20, %max3A_22 : vector<256x2048xf32>
    %get3A_24 = arith.constant 0 : index
    %get3A_25 = arith.constant 0 : index
    %get3A_26 = arith.constant 0 : index
    %get3A_27 = vector.load %arg5[%get3A_24, %get3A_25, %get3A_26] : memref<1x1x2048xf32, #tpu.memory_space<vmem>>, vector<1x1x2048xf32>
    %get3A_28 = vector.shape_cast %get3A_27 : vector<1x1x2048xf32> to vector<1x2048xf32>
    %mul3A = vector.broadcast %get3A_28 : vector<1x2048xf32> to vector<256x2048xf32>
    %mul3A_29 = arith.mulf %max3A_23, %mul3A : vector<256x2048xf32>
    %reduce_sum3A = arith.constant dense<0.000000e+00> : vector<256xf32>
    %reduce_sum3A_30 = vector.multi_reduction <add>, %mul3A_29, %reduce_sum3A [1] : vector<256x2048xf32> to vector<256xf32>
    %broadcast_in_dim3A = vector.shape_cast %reduce_sum3A_30 : vector<256xf32> to vector<256x1xf32>
    %get3A_31 = arith.constant 0 : index
    %get3A_32 = arith.constant 0 : index
    %get3A_33 = vector.load %arg6[%get3A_31, %get3A_32] : memref<256x128xf32, #tpu.memory_space<vmem>>, vector<256x128xf32>
    %mul3A_34 = vector.broadcast %broadcast_in_dim3A : vector<256x1xf32> to vector<256x128xf32>
    %mul3A_35 = arith.mulf %mul3A_34, %get3A_33 : vector<256x128xf32>
    %swap3A = arith.constant 0 : index
    %swap3A_36 = arith.constant 0 : index
    %swap3A_37 = vector.load %arg7[%swap3A, %swap3A_36] : memref<256x128xf32, #tpu.memory_space<vmem>>, vector<256x128xf32>
    tpu.vector_store %arg7[%swap3A, %swap3A_36], %mul3A_35 {strides = array<i32>} : memref<256x128xf32, #tpu.memory_space<vmem>>, vector<256x128xf32>,
    return
  }
  func.func @transform_0(%arg0: i32, %arg1: memref<72xi32, #tpu.memory_space<smem>>) -> (i32, i32) {
    %c0_i32 = arith.constant 0 : i32
    %c0_i32_0 = arith.constant 0 : i32
    return %arg0, %c0_i32 : i32, i32
  }
  func.func @transform_1(%arg0: i32, %arg1: memref<72xi32, #tpu.memory_space<smem>>) -> (i32, i32, i32) {
    %get3A = arith.index_cast %arg0 : i32 to index
    %get3A_0 = memref.load %arg1[%get3A] : memref<72xi32, #tpu.memory_space<smem>>
    %c0_i32 = arith.constant 0 : i32
    %c0_i32_1 = arith.constant 0 : i32
    %c0_i32_2 = arith.constant 0 : i32
    return %get3A_0, %c0_i32, %c0_i32_1 : i32, i32, i32
  }
  func.func @transform_2(%arg0: i32, %arg1: memref<72xi32, #tpu.memory_space<smem>>) -> (i32, i32, i32) {
    %get3A = arith.index_cast %arg0 : i32 to index
    %get3A_0 = memref.load %arg1[%get3A] : memref<72xi32, #tpu.memory_space<smem>>
    %c0_i32 = arith.constant 0 : i32
    %c0_i32_1 = arith.constant 0 : i32
    %c0_i32_2 = arith.constant 0 : i32
    return %get3A_0, %c0_i32, %c0_i32_1 : i32, i32, i32
  }
  func.func @transform_3(%arg0: i32, %arg1: memref<72xi32, #tpu.memory_space<smem>>) -> (i32, i32, i32) {
    %get3A = arith.index_cast %arg0 : i32 to index
    %get3A_0 = memref.load %arg1[%get3A] : memref<72xi32, #tpu.memory_space<smem>>
    %c0_i32 = arith.constant 0 : i32
    %c0_i32_1 = arith.constant 0 : i32
    %c0_i32_2 = arith.constant 0 : i32
    return %get3A_0, %c0_i32, %c0_i32_1 : i32, i32, i32
  }
  func.func @transform_4(%arg0: i32, %arg1: memref<72xi32, #tpu.memory_space<smem>>) -> (i32, i32) {
    %c0_i32 = arith.constant 0 : i32
    %c0_i32_0 = arith.constant 0 : i32
    return %arg0, %c0_i32 : i32, i32
  }
  func.func @transform_5(%arg0: i32, %arg1: memref<72xi32, #tpu.memory_space<smem>>) -> (i32, i32) {
    %c0_i32 = arith.constant 0 : i32
    %c0_i32_0 = arith.constant 0 : i32
    return %arg0, %c0_i32 : i32, i32
  }
}

</mosaic_0001>

<sc_bundles>
// kernel: kernel.6.cloned.1.call-start
scs
__scs_entry_jumppad:
0x0: {  	(pc) =	sbr.rel $0x88, $3  }
0x1: {  	(tag) =	ssettag $0x0;
	lr =	simm.s32 $0x1  }
0x2: {  	[smem:$0x3F9B] =	sst lr;
	_ =	strace $0xD0000000  }
0x3: {  	_ = 	snop  }
0x4: {  	_ = 	snop  }
0x5: {  	_ = 	snop  }
0x6: {  	_ = 	snop  }
0x7: {  	_ = 	snop  }
__scs_overlays_trampoline_lowered:
0x8: {  	[smem:$0x3FAA] =	sst s0  }
0x9: {  	[smem:$0x3FAB] =	sst s1  }
0xa: {  	[smem:$0x3FAC] =	sst s2  }
0xb: {  	[smem:$0x3FAD] =	sst s3  }
0xc: {  	[smem:$0x3FAE] =	sst s4  }
0xd: {  	[smem:$0x3FAF] =	sst s5  }
0xe: {  	[smem:$0x3FB0] =	sst s6  }
0xf: {  	[smem:$0x3FB1] =	sst s7  }
0x10: {  	[smem:$0x3FB2] =	sst s8  }
0x11: {  	[smem:$0x3FB3] =	sst s9;
	s0 =	simm.s32 @!p0 $0x0  }
0x12: {  	s1 =	sld [smem:$0x3F99];
	s0 =	simm.s32 @p0 $0x1  }
0x13: {  	[smem:$0x3FB4] =	sst s0;
	s0 =	simm.s32 @!p1 $0x0  }
0x14: {  	s2 =	sld [smem:$0x3F98];
	s0 =	simm.s32 @p1 $0x1  }
0x15: {  	[smem:$0x3FB5] =	sst s0;
	s0 =	simm.s32 @!p2 $0x0  }
0x16: {  	s3 =	sld [smem:$0x3FDB];
	s0 =	simm.s32 @p2 $0x1  }
0x17: {  	s4 =	simm.s32 $0x1BF5;
	[smem:$0x3FB7] =	sst s0  }
0x18: {  	s0 =	sld [smem:$0x3F9A];
	_ =	swait.ge [sflag:s4], $0x0  }
0x19: {  	s7 =	sld [smem:$0x3F9B]  }
0x1a: {  	s8 =	sadd.s32 $0xFFFFE003, lr  }
0x1b: {  	s9 =	sadd.s32 $0xFFFFFEF7, lr;
	s5 =	simm.s32 $0xFFFFFFFF;
	p2 =	slt.u32 s8, $0xFFFFF086  }
0x1c: {  	p1 =	slt.u32 s9, $0xF7A;
	s5 =	simm.s32 @!p2 $0x0  }
0x1d: {  	s5 =	simm.s32 @p1 $0x1;
	p0 =	seq.s32 s7, s2  }
0x1e: {  	s7 =	smul.u32 @!p0 $0xF7A, s2;
	p2 =	seq.s32 @!p0 s5, $0x0  }
0x1f: {  	s9 =	smul.u32 $0xF7A, s1;
	s8 =	simm.s32 @!p0 $0x1BF5;
	p2 =	por !p2, p0  }
0x20: {  	[sflag:s8] =	ssyncset.s32 @!p0 $0xFFFFF086;
	s6 =	sadd.s32 @!p0 s3, s7;
	s7 =	simm.s32 @!p0 $0x108  }
0x21: {  	s3 =	sadd.s32 s3, s9;
	s6 =	sadd.s32 @!p0 $0x88, s6;
	s7 =	simm.s32 @p2 $0x1082  }
0x22: {  	[simem:s7], [sflag:s8] =	dma.local @!p0 [hbm:s6], $0xF7A  }
0x23: {  	s9 =	sor.u32 $0xD0000000, s2;
	s6 =	simm.s32 $0x108;
	_ =	swait.ge @!p0 [sflag:s8], $0x0  }
0x24: {  	s3 =	sadd.s32 $0x88, s3;
	s6 =	simm.s32 @!p1 $0x1082;
	[sflag:s4] =	ssyncset.s32 $0xFFFFF086  }
0x25: {  	[simem:s6], [sflag:s4] =	dma.local [hbm:s3], $0xF7A  }
0x26: {  	[smem:$0x3F9B] =	sst s1;
	(tag) =	ssettag s2;
	_ =	strace s9  }
0x27: {  	s1 =	sld [smem:$0x3FAB]  }
0x28: {  	s2 =	sld [smem:$0x3FAC]  }
0x29: {  	s4 =	sld [smem:$0x3FAE]  }
0x2a: {  	p0 =	seq.s32 s5, $0x0;
	s5 =	sld [smem:$0x3FAF]  }
0x2b: {  	s6 =	sld [smem:$0x3FB0]  }
0x2c: {  	s7 =	sld [smem:$0x3FB1]  }
0x2d: {  	s3 =	simm.s32 $0x108;
	s8 =	sld [smem:$0x3FB2]  }
0x2e: {  	s3 =	simm.s32 @!p0 $0x1082;
	s9 =	sld [smem:$0x3FB3]  }
0x2f: {  	lr =	sadd.s32 s0, s3;
	s0 =	sld [smem:$0x3FAA]  }
0x30: {  	s3 =	sld [smem:$0x3FAD]  }
0x31: {  	[smem:$0x3FB6] =	sst s10  }
0x32: {  	s10 =	sld [smem:$0x3FB4];
	_ =	sdelay $0x3  }
0x33: {  	p0 =	seq.s32 s10, $0x1;
	s10 =	sld [smem:$0x3FB6];
	_ =	sdelay $0x3  }
0x34: {  	[smem:$0x3FB6] =	sst s10  }
0x35: {  	s10 =	sld [smem:$0x3FB5];
	_ =	sdelay $0x3  }
0x36: {  	p1 =	seq.s32 s10, $0x1;
	s10 =	sld [smem:$0x3FB6];
	_ =	sdelay $0x3  }
0x37: {  	[smem:$0x3FB6] =	sst s10  }
0x38: {  	s10 =	sld [smem:$0x3FB7]  }
0x39: {  	_ = 	snop;
	(pc) =	sbr.ind lr, $3  }
0x3a: {  	_ = 	snop  }
0x3b: {  	_ = 	snop  }
0x3c: {  	p2 =	seq.s32 s10, $0x1;
	s10 =	sld [smem:$0x3FB6]  }
0x3d: {  	_ =	shalt  }
0x3e: {  	_ =	shalt  }
0x3f: {  	_ =	shalt  }
0x40: {  	_ =	shalt  }
0x41: {  	_ =	shalt  }
0x42: {  	_ =	shalt  }
0x43: {  	_ =	shalt  }
0x44: {  	_ =	shalt  }
0x45: {  	_ =	shalt  }
0x46: {  	_ =	shalt  }
0x47: {  	_ =	shalt  }
0x48: {  	_ =	shalt  }
0x49: {  	_ =	shalt  }
0x4a: {  	_ =	shalt  }
0x4b: {  	_ =	shalt  }
0x4c: {  	_ =	shalt  }
0x4d: {  	_ =	shalt  }
0x4e: {  	_ =	shalt  }
0x4f: {  	_ =	shalt  }
0x50: {  	_ =	shalt  }
0x51: {  	_ =	shalt  }
0x52: {  	_ =	shalt  }
0x53: {  	_ =	shalt  }
0x54: {  	_ =	shalt  }
0x55: {  	_ =	shalt  }
0x56: {  	_ =	shalt  }
0x57: {  	_ =	shalt  }
0x58: {  	_ =	shalt  }
0x59: {  	_ =	shalt  }
0x5a: {  	_ =	shalt  }
0x5b: {  	_ =	shalt  }
0x5c: {  	_ =	shalt  }
0x5d: {  	_ =	shalt  }
0x5e: {  	_ =	shalt  }
0x5f: {  	_ =	shalt  }
0x60: {  	_ =	shalt  }
0x61: {  	_ =	shalt  }
0x62: {  	_ =	shalt  }
0x63: {  	_ =	shalt  }
0x64: {  	_ =	shalt  }
0x65: {  	_ =	shalt  }
0x66: {  	_ =	shalt  }
0x67: {  	_ =	shalt  }
0x68: {  	_ =	shalt  }
0x69: {  	_ =	shalt  }
0x6a: {  	_ =	shalt  }
0x6b: {  	_ =	shalt  }
0x6c: {  	_ =	shalt  }
0x6d: {  	_ =	shalt  }
0x6e: {  	_ =	shalt  }
0x6f: {  	_ =	shalt  }
0x70: {  	_ =	shalt  }
0x71: {  	_ =	shalt  }
0x72: {  	_ =	shalt  }
0x73: {  	_ =	shalt  }
0x74: {  	_ =	shalt  }
0x75: {  	_ =	shalt  }
0x76: {  	_ =	shalt  }
0x77: {  	_ =	shalt  }
0x78: {  	_ =	shalt  }
0x79: {  	_ =	shalt  }
0x7a: {  	_ =	shalt  }
0x7b: {  	_ =	shalt  }
0x7c: {  	_ =	shalt  }
0x7d: {  	_ =	shalt  }
0x7e: {  	_ =	shalt  }
0x7f: {  	_ =	shalt  }
0x80: {  	_ =	shalt  }
0x81: {  	_ =	shalt  }
0x82: {  	_ =	shalt  }
0x83: {  	_ =	shalt  }
0x84: {  	_ =	shalt  }
0x85: {  	_ =	shalt  }
0x86: {  	_ =	shalt  }
0x87: {  	_ =	shalt  }
.Lfunc_end0:
.L_simem_size_0:
called_computation_lowered:
.L_overlay_start_0:
0x88: {  	s2 =	sld [smem:$0x3FD9]  }
0x89: {  	s3 =	sld [smem:$0x3FFE];
	_ =	sdelay $0x1  }
0x8a: {  	s1 =	srdreg.scid  }
0x8b: {  	s0 =	sand.u32 $0x1, s1  }
0x8c: {  	s17 =	sshll.u32 s0, $0xA;
	s2 =	sadd.s32 s3, s2  }
0x8d: {  	s2 =	sadd.s32 s2, s17  }
0x8e: {  	[smem:$0x3FC2] =	sst s2  }
0x8f: {  	_ = 	snop  }
0x90: {  	s2 =	sld [smem:$0x3FC9];
	(tm) =	ssettm $0x1  }
0x91: {  	s18 =	sld [smem:$0x3FFB];
	_ =	sdelay $0x3  }
0x92: {  	_ =	strace s18  }
0x93: {  	s3 =	sld [smem:$0x3FFC];
	_ =	sdelay $0x3  }
0x94: {  	_ =	strace s3  }
0x95: {  	s3 =	sld [smem:$0x3FFD];
	_ =	sdelay $0x3  }
0x96: {  	_ =	strace s3  }
0x97: {  	_ =	strace $0x8FFFFFFF  }
0x98: {  	s19 =	sld [smem:$0x3FDB];
	_ =	sdelay $0x1  }
0x99: {  	s4 =	simm.s32 $_scs_section_size  }
0x9a: {  	s5 =	simm.s32 $_size__tile_overlayer_lowered;
	s6 =	simm.s32 $_tile_overlayer_lowered  }
0x9b: {  	s22 =	simm.s32 $0x1BFF;
	s21 =	sshll.u32 s6, $0x1;
	s3 =	sadd.s32 s4, s19  }
0x9c: {  	s7 =	simm.s32 $0x0;
	s20 =	sshll.u32 s5, $0x1;
	s5 =	sadd.s32 s21, s3  }
0x9d: {  	[timem:s7], [sflag:s22] =	dma.local [hbm:s5], s20  }
0x9e: {  	_ =	swait.ge [sflag:s22], s20  }
0x9f: {  	s4 =	ssub.s32 $0x0, s20;
	[sflag:s22] =	ssyncset.done $0x0  }
0xa0: {  	[sflag:s22] =	ssyncadd.s32 s4;
	_ =	sdelay $0x1  }
0xa1: {  	s23 =	simm.s32 $0x1B8B  }
0xa2: {  	_ =	swait.ge [sflag:s23], $0x1  }
0xa3: {  	[sflag:s23] =	ssyncset.done $0x0  }
0xa4: {  	s25 =	simm.s32 $0x1B8E;
	s24 =	sld [smem:$0x3FFE];
	[sflag:s23] =	ssyncadd.s32 $0xFFFFFFFF  }
0xa5: {  	s26 =	simm.s32 $execute0_lowered;
	[smem:$0x3FD2] =	sst s25  }
0xa6: {  	s5 =	sshll.u32 s26, $0x1;
	_ =	strace $0x80000046;
	[dreg:$0x1] =	wrdreg $0xFFFFFFFF  }
0xa7: {  	s28 =	simm.s32 $_size_execute0_lowered;
	s3 =	sadd.s32 s3, s5;
	[dreg:$0x0] =	wrdreg $0x0  }
0xa8: {  	s5 =	sshll.u32 s28, $0x1;
	[dreg:$0x2] =	wrdreg s3  }
0xa9: {  	[dreg:$0x3] =	wrdreg s5  }
0xaa: {  	[dreg:$0x4] =	wrdreg $0xC0  }
0xab: {  	_ =	task [dreg:s7], $0x5FFFF  }
0xac: {  	[dreg:$0x1] =	wrdreg $0xFFFFFFFF  }
0xad: {  	[dreg:$0x0] =	wrdreg $0x60  }
0xae: {  	[dreg:$0x2] =	wrdreg s2  }
0xaf: {  	[dreg:$0x3] =	wrdreg s24  }
0xb0: {  	[dreg:$0x4] =	wrdreg $0x9  }
0xb1: {  	_ =	task.clear_ibuf [dreg:s7], $0x5FFFF;
	_ =	strace $0x90000046  }
0xb2: {  	s29 =	simm.s32 $0x9;
	_ =	strace $0x80000048  }
0xb3: {  	_ =	swait.ge [sflag:s29], $0x1  }
0xb4: {  	[sflag:s29] =	ssyncadd.s32 $0xFFFFFFFF  }
0xb5: {  	_ =	strace $0x90000048  }
0xb6: {  	_ =	sfence  }
0xb7: {  	s30 =	sld [smem:$0x0];
	_ =	sdelay $0x2  }
0xb8: {  	s31 =	sshll.u32 s1, $0xD;
	s1 =	sshrl.u32 s1, $0x2  }
0xb9: {  	s3 =	sand.u32 $0x4000, s31;
	s1 =	sadd.s32 s1, s30  }
0xba: {  	s0 =	sor.u32 s3, s0;
	s1 =	sshll.u32 s1, $0x11  }
0xbb: {  	s0 =	sor.u32 s1, s0  }
0xbc: {  	s0 =	sadd.s32 $0x8F2B, s0  }
0xbd: {  	[sflag:s0] =	ssyncadd.remote.s32 $0x1  }
0xbe: {  	_ =	sfence.sel $0xFFFF  }
0xbf: {  	[dreg:$0x0] =	wrdreg $0xFFFFFFFF;
	(pc) =	sbr.abs _section_cstart, $3  }
0xc0: {  	[dreg:$0x1] =	wrdreg $0xFFFFFFFF  }
0xc1: {  	_ =	task.clear_ibuf [dreg:s7], $0x2FFFF;
	_ =	strace $0x9FFFFFFF  }
0xc2: {  	(tm) =	ssettm $0x7FFFFFFF  }
0xc3: {  	_ =	shalt  }
tec
execute0_lowered:
.L_overlay_start_1:
0x0: {  	(tag) =	ssettag $0x1  }
0x1: {  	s0 =	srdreg.scid;
	s2 =	stileid.u32  }
0x2: {  	s1 =	rddreg [dreg:$0x0];
	s0 =	sand.u32 $0x1, s0;
	s2 =	sshll.u32 s2, $0x1  }
0x3: {  	s3 =	rddreg [dreg:$0x1];
	s4 =	sor.u32 s0, s2;
	s2 =	simm.s32 $0x0  }
0x4: {  	s7 =	sadd.s32 $0x94400, s3;
	[smem:$0x7FF] =	sst s2  }
0x5: {  	s15 =	simm.s32 $0x100;
	_ =	strace $0x80000047;
	[smem:$0x7F9] =	sst s7  }
0x6: {  	s16 =	simm.s32 $0x200;
	[dreg:$0x15] =	wrdreg s15  }
0x7: {  	s17 =	simm.s32 $0x300;
	[dreg:$0x16] =	wrdreg s16  }
0x8: {  	s18 =	simm.s32 $0x400;
	[dreg:$0x17] =	wrdreg s17  }
0x9: {  	s19 =	simm.s32 $0x500;
	[dreg:$0x18] =	wrdreg s18  }
0xa: {  	s20 =	simm.s32 $0x600;
	s21 =	simm.s32 $0x700;
	[dreg:$0x19] =	wrdreg s19  }
0xb: {  	s22 =	simm.s32 $0x80;
	s5 =	sshll.u32 s4, $0x8;
	[dreg:$0x1a] =	wrdreg s20  }
0xc: {  	s4 =	sshll.u32 s4, $0xE;
	s5 =	sadd.s32 s5, s3;
	[dreg:$0x1b] =	wrdreg s21  }
0xd: {  	s8 =	sadd.s32 s4, s3;
	s4 =	sadd.s32 s1, s4;
	[dreg:$0x1c] =	wrdreg s22  }
0xe: {  	s5 =	sadd.s32 $0x92400, s5;
	[smem:$0x7F8] =	sst s4  }
0xf: {  	s23 =	sadd.s32 $0x12400, s8;
	[dreg:$0x3] =	wrdreg s5  }
0x10: {  	s24 =	sadd.s32 $0x12C00, s8;
	[dreg:$0x4] =	wrdreg s23  }
0x11: {  	s25 =	sadd.s32 $0x13400, s8;
	[dreg:$0x5] =	wrdreg s24  }
0x12: {  	s26 =	sadd.s32 $0x13C00, s8;
	[dreg:$0x6] =	wrdreg s25  }
0x13: {  	s28 =	sadd.s32 $0x14400, s8;
	[dreg:$0x7] =	wrdreg s26  }
0x14: {  	s29 =	sadd.s32 $0x14C00, s8;
	[dreg:$0x8] =	wrdreg s28  }
0x15: {  	s30 =	sadd.s32 $0x15400, s8;
	[dreg:$0x9] =	wrdreg s29  }
0x16: {  	s31 =	sadd.s32 $0x15C00, s8;
	[dreg:$0xa] =	wrdreg s30  }
0x17: {  	s4 =	sadd.s32 $0x2000, s4;
	[dreg:$0xb] =	wrdreg s31  }
0x18: {  	s6 =	sadd.s32 $0x13000, s8;
	[dreg:$0xc] =	wrdreg s4  }
0x19: {  	s9 =	sadd.s32 $0x13800, s8;
	[dreg:$0xe] =	wrdreg s6  }
0x1a: {  	s10 =	sadd.s32 $0x14000, s8;
	[dreg:$0xf] =	wrdreg s9  }
0x1b: {  	s11 =	sadd.s32 $0x14800, s8;
	[dreg:$0x10] =	wrdreg s10  }
0x1c: {  	s12 =	sadd.s32 $0x15000, s8;
	[dreg:$0x11] =	wrdreg s11  }
0x1d: {  	s13 =	sadd.s32 $0x15800, s8;
	[dreg:$0x12] =	wrdreg s12  }
0x1e: {  	s14 =	sadd.s32 $0x16000, s8;
	[dreg:$0x13] =	wrdreg s13  }
0x1f: {  	s0 =	ssub.s32 $0x2, s0;
	s5 =	sadd.s32 $0x12800, s8;
	[dreg:$0x14] =	wrdreg s14  }
0x20: {  	s7 =	sadd.s32 $0xDC800, s3;
	s23 =	simm.s32 $0x180;
	[dreg:$0xd] =	wrdreg s5  }
0x21: {  	s22 =	simm.s32 $0x1;
	s25 =	simm.s32 $0x280;
	[dreg:$0x1d] =	wrdreg s23  }
0x22: {  	s4 =	sadd.s32 $0xDC600, s3;
	s26 =	simm.s32 $0x380;
	[dreg:$0x1e] =	wrdreg s25  }
0x23: {  	s6 =	sshrl.u32 s0, $0x1;
	s28 =	simm.s32 $0x480;
	[dreg:$0x1f] =	wrdreg s26  }
0x24: {  	s8 =	sadd.s32 $0xDC900, s3;
	s29 =	simm.s32 $0x580;
	[smem:$0x7FA] =	sst s28  }
0x25: {  	v2 =	vlaneseq.u32;
	s10 =	simm.s32 $0x2;
	s30 =	simm.s32 $0x680;
	[smem:$0x7FB] =	sst s29  }
0x26: {  	vm0 =	vmmov $0xffff;
	v1 =	vshrl.u32 v2, $0x3;
	s31 =	simm.s32 $0x780;
	s0 =	ssub.s32 s0, s6;
	[smem:$0x7FC] =	sst s30  }
0x27: {  	v0 =	vand.u32 $0x7, v2;
	v2 =	vor.u32 $0x8, v2;
	v1 =	vmul.u32 $0x8, v1;
	s6 =	sadd.s32 $0xDC700, s3;
	[smem:$0x7FD] =	sst s31;
	s24 =	smax.u32 s0, $0x1  }
.LBB2_1:
0x28: {  	[smem:$0x7F7] =	sst s24  }
0x29: {  	s16 =	rddreg [dreg:$0x3]  }
0x2a: {  	[tilespmem:s2], [sflag:$0x2] =	stream.linear.gather [hbm4b:s16+s2], $0x800, $0x38;
	[tilespmem:$0x12800] =	vst v63  }
0x2b: {  	_ =	swait.ge [sflag:s10], $0x800  }
0x2c: {  	s17 =	sld [smem:$0x7F8]  }
0x2d: {  	[sflag:s10] =	ssyncset.done $0x0  }
0x2e: {  	s0 =	simm.s32 $0x2800;
	[sflag:s10] =	ssyncadd.s32 $0xFFFFF800  }
0x2f: {  	[tilespmem:s0], [sflag:$0x2] =	stream.linear.gather [hbm4b:s17+s2], $0x10000, $0x38;
	[tilespmem:$0x12800] =	vst v63  }
0x30: {  	_ =	swait.ge [sflag:s10], $0x10000  }
0x31: {  	[sflag:s10] =	ssyncset.done $0x0  }
0x32: {  	s1 =	simm.s32 $0x800;
	s19 =	rddreg [dreg:$0x4];
	[sflag:s10] =	ssyncadd.s32 $0xFFFF0000  }
0x33: {  	[tilespmem:s1], [sflag:$0x2] =	stream.linear.gather [hbm4b:s19+s2], $0x2000, $0x38;
	[tilespmem:$0x12800] =	vst v63  }
0x34: {  	_ =	swait.ge [sflag:s10], $0x2000  }
0x35: {  	[sflag:s10] =	ssyncset.done $0x0  }
0x36: {  	[sflag:s10] =	ssyncadd.s32 $0xFFFFE000  }
0x37: {  	v3 =	vld [tilespmem:$0x0];
	_ =	sdelay $0x4  }
0x38: {  	v4 =	vshll.u32 v3, $0x3  }
0x39: {  	v3 =	vand.u32 $0x7, v3;
	v4 =	vand.u32 $0xFFFFFFC0, v4  }
0x3a: {  	v3 =	vor.u32 v3, v4  }
0x3b: {  	v4 =	vperm.xlane v3, v0;
	_ =	sdelay $0x1  }
0x3c: {  	v4 =	vadd.s32 v1, v4;
	_ =	sdelay $0x3  }
0x3d: {  	s18 =	simm.s32 $0x2800  }
0x3e: {  	[hbm4b:s4+s2] =	stream.indirect_vreg.scatter [tilespmem:s18], [sflag:$0x1], $0x80, v4, vm0, $0xb8;
	[tilespmem:$0x12800] =	vst v63  }
0x3f: {  	s20 =	simm.s32 $0x3000;
	v3 =	vperm.xlane v3, v2  }
0x40: {  	[hbm4b:s6+s2] =	stream.indirect_vreg.scatter [tilespmem:s20], [sflag:$0x1], $0x80, v4, vm0, $0xb8;
	[tilespmem:$0x12800] =	vst v63  }
0x41: {  	s21 =	simm.s32 $0x3800;
	v3 =	vadd.s32 v1, v3  }
0x42: {  	[hbm4b:s7+s2] =	stream.indirect_vreg.scatter [tilespmem:s21], [sflag:$0x1], $0x80, v4, vm0, $0xb8;
	[tilespmem:$0x12800] =	vst v63  }
0x43: {  	s23 =	simm.s32 $0x4000  }
0x44: {  	[hbm4b:s8+s2] =	stream.indirect_vreg.scatter [tilespmem:s23], [sflag:$0x1], $0x80, v4, vm0, $0xb8;
	[tilespmem:$0x12800] =	vst v63  }
0x45: {  	s24 =	simm.s32 $0x4800  }
0x46: {  	[hbm4b:s4+s2] =	stream.indirect_vreg.scatter [tilespmem:s24], [sflag:$0x1], $0x80, v3, vm0, $0xb8;
	[tilespmem:$0x12800] =	vst v63  }
0x47: {  	s25 =	simm.s32 $0x5000  }
0x48: {  	[hbm4b:s6+s2] =	stream.indirect_vreg.scatter [tilespmem:s25], [sflag:$0x1], $0x80, v3, vm0, $0xb8;
	[tilespmem:$0x12800] =	vst v63  }
0x49: {  	s28 =	simm.s32 $0x5800  }
0x4a: {  	[hbm4b:s7+s2] =	stream.indirect_vreg.scatter [tilespmem:s28], [sflag:$0x1], $0x80, v3, vm0, $0xb8;
	[tilespmem:$0x12800] =	vst v63  }
0x4b: {  	s29 =	simm.s32 $0x6000  }
0x4c: {  	[hbm4b:s8+s2] =	stream.indirect_vreg.scatter [tilespmem:s29], [sflag:$0x1], $0x80, v3, vm0, $0xb8;
	[tilespmem:$0x12800] =	vst v63  }
0x4d: {  	v3 =	vld [tilespmem:$0x10];
	_ =	sdelay $0x4  }
0x4e: {  	v57 =	vshll.u32 v3, $0x3  }
0x4f: {  	v3 =	vand.u32 $0x7, v3;
	v4 =	vand.u32 $0xFFFFFFC0, v57  }
0x50: {  	v3 =	vor.u32 v3, v4  }
0x51: {  	v4 =	vperm.xlane v3, v0;
	_ =	sdelay $0x1  }
0x52: {  	v4 =	vadd.s32 v1, v4;
	_ =	sdelay $0x3  }
0x53: {  	s3 =	simm.s32 $0x6800  }
0x54: {  	[hbm4b:s4+s2] =	stream.indirect_vreg.scatter [tilespmem:s3], [sflag:$0x1], $0x80, v4, vm0, $0xb8;
	[tilespmem:$0x12800] =	vst v63  }
0x55: {  	s30 =	simm.s32 $0x7000;
	v3 =	vperm.xlane v3, v2  }
0x56: {  	[hbm4b:s6+s2] =	stream.indirect_vreg.scatter [tilespmem:s30], [sflag:$0x1], $0x80, v4, vm0, $0xb8;
	[tilespmem:$0x12800] =	vst v63  }
0x57: {  	s31 =	simm.s32 $0x7800;
	v3 =	vadd.s32 v1, v3  }
0x58: {  	[hbm4b:s7+s2] =	stream.indirect_vreg.scatter [tilespmem:s31], [sflag:$0x1], $0x80, v4, vm0, $0xb8;
	[tilespmem:$0x12800] =	vst v63  }
0x59: {  	s12 =	simm.s32 $0x8000  }
0x5a: {  	[hbm4b:s8+s2] =	stream.indirect_vreg.scatter [tilespmem:s12], [sflag:$0x1], $0x80, v4, vm0, $0xb8;
	[tilespmem:$0x12800] =	vst v63  }
0x5b: {  	s13 =	simm.s32 $0x8800  }
0x5c: {  	[hbm4b:s4+s2] =	stream.indirect_vreg.scatter [tilespmem:s13], [sflag:$0x1], $0x80, v3, vm0, $0xb8;
	[tilespmem:$0x12800] =	vst v63  }
0x5d: {  	s14 =	simm.s32 $0x9000  }
0x5e: {  	[hbm4b:s6+s2] =	stream.indirect_vreg.scatter [tilespmem:s14], [sflag:$0x1], $0x80, v3, vm0, $0xb8;
	[tilespmem:$0x12800] =	vst v63  }
0x5f: {  	s15 =	simm.s32 $0x9800  }
0x60: {  	[hbm4b:s7+s2] =	stream.indirect_vreg.scatter [tilespmem:s15], [sflag:$0x1], $0x80, v3, vm0, $0xb8;
	[tilespmem:$0x12800] =	vst v63  }
0x61: {  	s16 =	simm.s32 $0xA000  }
0x62: {  	[hbm4b:s8+s2] =	stream.indirect_vreg.scatter [tilespmem:s16], [sflag:$0x1], $0x80, v3, vm0, $0xb8;
	[tilespmem:$0x12800] =	vst v63  }
0x63: {  	v3 =	vld [tilespmem:$0x20];
	_ =	sdelay $0x4  }
0x64: {  	v58 =	vshll.u32 v3, $0x3  }
0x65: {  	v3 =	vand.u32 $0x7, v3;
	v4 =	vand.u32 $0xFFFFFFC0, v58  }
0x66: {  	v3 =	vor.u32 v3, v4  }
0x67: {  	v4 =	vperm.xlane v3, v0;
	_ =	sdelay $0x1  }
0x68: {  	v4 =	vadd.s32 v1, v4;
	_ =	sdelay $0x3  }
0x69: {  	s18 =	simm.s32 $0xA800  }
0x6a: {  	[hbm4b:s4+s2] =	stream.indirect_vreg.scatter [tilespmem:s18], [sflag:$0x1], $0x80, v4, vm0, $0xb8;
	[tilespmem:$0x12800] =	vst v63  }
0x6b: {  	s19 =	simm.s32 $0xB000;
	v3 =	vperm.xlane v3, v2  }
0x6c: {  	[hbm4b:s6+s2] =	stream.indirect_vreg.scatter [tilespmem:s19], [sflag:$0x1], $0x80, v4, vm0, $0xb8;
	[tilespmem:$0x12800] =	vst v63  }
0x6d: {  	s21 =	simm.s32 $0xB800;
	v3 =	vadd.s32 v1, v3  }
0x6e: {  	[hbm4b:s7+s2] =	stream.indirect_vreg.scatter [tilespmem:s21], [sflag:$0x1], $0x80, v4, vm0, $0xb8;
	[tilespmem:$0x12800] =	vst v63  }
0x6f: {  	s23 =	simm.s32 $0xC000  }
0x70: {  	[hbm4b:s8+s2] =	stream.indirect_vreg.scatter [tilespmem:s23], [sflag:$0x1], $0x80, v4, vm0, $0xb8;
	[tilespmem:$0x12800] =	vst v63  }
0x71: {  	s24 =	simm.s32 $0xC800  }
0x72: {  	[hbm4b:s4+s2] =	stream.indirect_vreg.scatter [tilespmem:s24], [sflag:$0x1], $0x80, v3, vm0, $0xb8;
	[tilespmem:$0x12800] =	vst v63  }
0x73: {  	s28 =	simm.s32 $0xD000  }
0x74: {  	[hbm4b:s6+s2] =	stream.indirect_vreg.scatter [tilespmem:s28], [sflag:$0x1], $0x80, v3, vm0, $0xb8;
	[tilespmem:$0x12800] =	vst v63  }
0x75: {  	s29 =	simm.s32 $0xD800  }
0x76: {  	[hbm4b:s7+s2] =	stream.indirect_vreg.scatter [tilespmem:s29], [sflag:$0x1], $0x80, v3, vm0, $0xb8;
	[tilespmem:$0x12800] =	vst v63  }
0x77: {  	s30 =	simm.s32 $0xE000  }
0x78: {  	[hbm4b:s8+s2] =	stream.indirect_vreg.scatter [tilespmem:s30], [sflag:$0x1], $0x80, v3, vm0, $0xb8;
	[tilespmem:$0x12800] =	vst v63  }
0x79: {  	v3 =	vld [tilespmem:$0x30];
	_ =	sdelay $0x4  }
0x7a: {  	v59 =	vshll.u32 v3, $0x3  }
0x7b: {  	v3 =	vand.u32 $0x7, v3;
	v4 =	vand.u32 $0xFFFFFFC0, v59  }
0x7c: {  	v3 =	vor.u32 v3, v4  }
0x7d: {  	v4 =	vperm.xlane v3, v0;
	_ =	sdelay $0x1  }
0x7e: {  	v4 =	vadd.s32 v1, v4;
	_ =	sdelay $0x3  }
0x7f: {  	s31 =	simm.s32 $0xE800  }
0x80: {  	[hbm4b:s4+s2] =	stream.indirect_vreg.scatter [tilespmem:s31], [sflag:$0x1], $0x80, v4, vm0, $0xb8;
	[tilespmem:$0x12800] =	vst v63  }
0x81: {  	s0 =	simm.s32 $0xF000;
	v3 =	vperm.xlane v3, v2  }
0x82: {  	[hbm4b:s6+s2] =	stream.indirect_vreg.scatter [tilespmem:s0], [sflag:$0x1], $0x80, v4, vm0, $0xb8;
	[tilespmem:$0x12800] =	vst v63  }
0x83: {  	s12 =	simm.s32 $0xF800;
	v3 =	vadd.s32 v1, v3  }
0x84: {  	[hbm4b:s7+s2] =	stream.indirect_vreg.scatter [tilespmem:s12], [sflag:$0x1], $0x80, v4, vm0, $0xb8;
	[tilespmem:$0x12800] =	vst v63  }
0x85: {  	s16 =	simm.s32 $0x10000  }
0x86: {  	[hbm4b:s8+s2] =	stream.indirect_vreg.scatter [tilespmem:s16], [sflag:$0x1], $0x80, v4, vm0, $0xb8;
	[tilespmem:$0x12800] =	vst v63  }
0x87: {  	s18 =	simm.s32 $0x10800  }
0x88: {  	[hbm4b:s4+s2] =	stream.indirect_vreg.scatter [tilespmem:s18], [sflag:$0x1], $0x80, v3, vm0, $0xb8;
	[tilespmem:$0x12800] =	vst v63  }
0x89: {  	s21 =	simm.s32 $0x11000  }
0x8a: {  	[hbm4b:s6+s2] =	stream.indirect_vreg.scatter [tilespmem:s21], [sflag:$0x1], $0x80, v3, vm0, $0xb8;
	[tilespmem:$0x12800] =	vst v63  }
0x8b: {  	s30 =	simm.s32 $0x11800  }
0x8c: {  	[hbm4b:s7+s2] =	stream.indirect_vreg.scatter [tilespmem:s30], [sflag:$0x1], $0x80, v3, vm0, $0xb8;
	[tilespmem:$0x12800] =	vst v63  }
0x8d: {  	s31 =	simm.s32 $0x12000  }
0x8e: {  	[hbm4b:s8+s2] =	stream.indirect_vreg.scatter [tilespmem:s31], [sflag:$0x1], $0x80, v3, vm0, $0xb8;
	[tilespmem:$0x12800] =	vst v63  }
0x8f: {  	_ =	swait.ge [sflag:s22], $0x10000  }
0x90: {  	s12 =	sld [smem:$0x7F9]  }
0x91: {  	[sflag:s22] =	ssyncset.done $0x0  }
0x92: {  	s0 =	simm.s32 $0x40;
	s30 =	simm.s32 $0x800;
	[sflag:s22] =	ssyncadd.s32 $0xFFFF0000  }
0x93: {  	[hbm4b:s12+s0] =	stream.indirect.scatter [tilespmem:s30], [sflag:$0x1], $0x80, s2, s0, $0xb8;
	[tilespmem:$0x12800] =	vst v63  }
0x94: {  	_ =	swait.ge [sflag:s22], $0x2000  }
0x95: {  	[sflag:s22] =	ssyncset.done $0x0  }
0x96: {  	s31 =	rddreg [dreg:$0x5];
	[sflag:s22] =	ssyncadd.s32 $0xFFFFE000  }
0x97: {  	[tilespmem:s30], [sflag:$0x2] =	stream.linear.gather [hbm4b:s31+s2], $0x2000, $0x38;
	[tilespmem:$0x12800] =	vst v63  }
0x98: {  	_ =	swait.ge [sflag:s10], $0x2000  }
0x99: {  	[sflag:s10] =	ssyncset.done $0x0  }
0x9a: {  	[sflag:s10] =	ssyncadd.s32 $0xFFFFE000  }
0x9b: {  	v3 =	vld [tilespmem:$0x100];
	_ =	sdelay $0x4  }
0x9c: {  	v60 =	vshll.u32 v3, $0x3  }
0x9d: {  	v3 =	vand.u32 $0x7, v3;
	v4 =	vand.u32 $0xFFFFFFC0, v60  }
0x9e: {  	v3 =	vor.u32 v3, v4  }
0x9f: {  	v4 =	vperm.xlane v3, v0;
	_ =	sdelay $0x1  }
0xa0: {  	v4 =	vadd.s32 v1, v4;
	_ =	sdelay $0x3  }
0xa1: {  	s26 =	simm.s32 $0x2800  }
0xa2: {  	[hbm4b:s4+s2] =	stream.indirect_vreg.scatter [tilespmem:s26], [sflag:$0x1], $0x80, v4, vm0, $0xb8;
	[tilespmem:$0x12800] =	vst v63  }
0xa3: {  	s17 =	simm.s32 $0x3000;
	v3 =	vperm.xlane v3, v2  }
0xa4: {  	[hbm4b:s6+s2] =	stream.indirect_vreg.scatter [tilespmem:s17], [sflag:$0x1], $0x80, v4, vm0, $0xb8;
	[tilespmem:$0x12800] =	vst v63  }
0xa5: {  	s1 =	simm.s32 $0x3800;
	v3 =	vadd.s32 v1, v3  }
0xa6: {  	[hbm4b:s7+s2] =	stream.indirect_vreg.scatter [tilespmem:s1], [sflag:$0x1], $0x80, v4, vm0, $0xb8;
	[tilespmem:$0x12800] =	vst v63  }
0xa7: {  	s5 =	simm.s32 $0x4000  }
0xa8: {  	[hbm4b:s8+s2] =	stream.indirect_vreg.scatter [tilespmem:s5], [sflag:$0x1], $0x80, v4, vm0, $0xb8;
	[tilespmem:$0x12800] =	vst v63  }
0xa9: {  	s9 =	simm.s32 $0x4800  }
0xaa: {  	[hbm4b:s4+s2] =	stream.indirect_vreg.scatter [tilespmem:s9], [sflag:$0x1], $0x80, v3, vm0, $0xb8;
	[tilespmem:$0x12800] =	vst v63  }
0xab: {  	s11 =	simm.s32 $0x5000  }
0xac: {  	[hbm4b:s6+s2] =	stream.indirect_vreg.scatter [tilespmem:s11], [sflag:$0x1], $0x80, v3, vm0, $0xb8;
	[tilespmem:$0x12800] =	vst v63  }
0xad: {  	s20 =	simm.s32 $0x5800  }
0xae: {  	[hbm4b:s7+s2] =	stream.indirect_vreg.scatter [tilespmem:s20], [sflag:$0x1], $0x80, v3, vm0, $0xb8;
	[tilespmem:$0x12800] =	vst v63  }
0xaf: {  	s25 =	simm.s32 $0x6000  }
0xb0: {  	[hbm4b:s8+s2] =	stream.indirect_vreg.scatter [tilespmem:s25], [sflag:$0x1], $0x80, v3, vm0, $0xb8;
	[tilespmem:$0x12800] =	vst v63  }
0xb1: {  	v3 =	vld [tilespmem:$0x110];
	_ =	sdelay $0x4  }
0xb2: {  	v61 =	vshll.u32 v3, $0x3  }
0xb3: {  	v3 =	vand.u32 $0x7, v3;
	v4 =	vand.u32 $0xFFFFFFC0, v61  }
0xb4: {  	v3 =	vor.u32 v3, v4  }
0xb5: {  	v4 =	vperm.xlane v3, v0;
	_ =	sdelay $0x1  }
0xb6: {  	v4 =	vadd.s32 v1, v4;
	_ =	sdelay $0x3  }
0xb7: {  	s3 =	simm.s32 $0x6800  }
0xb8: {  	[hbm4b:s4+s2] =	stream.indirect_vreg.scatter [tilespmem:s3], [sflag:$0x1], $0x80, v4, vm0, $0xb8;
	[tilespmem:$0x12800] =	vst v63  }
0xb9: {  	s26 =	simm.s32 $0x7000;
	v3 =	vperm.xlane v3, v2  }
0xba: {  	[hbm4b:s6+s2] =	stream.indirect_vreg.scatter [tilespmem:s26], [sflag:$0x1], $0x80, v4, vm0, $0xb8;
	[tilespmem:$0x12800] =	vst v63  }
0xbb: {  	s0 =	simm.s32 $0x7800;
	v3 =	vadd.s32 v1, v3  }
0xbc: {  	[hbm4b:s7+s2] =	stream.indirect_vreg.scatter [tilespmem:s0], [sflag:$0x1], $0x80, v4, vm0, $0xb8;
	[tilespmem:$0x12800] =	vst v63  }
0xbd: {  	s1 =	simm.s32 $0x8000  }
0xbe: {  	[hbm4b:s8+s2] =	stream.indirect_vreg.scatter [tilespmem:s1], [sflag:$0x1], $0x80, v4, vm0, $0xb8;
	[tilespmem:$0x12800] =	vst v63  }
0xbf: {  	s3 =	simm.s32 $0x8800  }
0xc0: {  	[hbm4b:s4+s2] =	stream.indirect_vreg.scatter [tilespmem:s3], [sflag:$0x1], $0x80, v3, vm0, $0xb8;
	[tilespmem:$0x12800] =	vst v63  }
0xc1: {  	s5 =	simm.s32 $0x9000  }
0xc2: {  	[hbm4b:s6+s2] =	stream.indirect_vreg.scatter [tilespmem:s5], [sflag:$0x1], $0x80, v3, vm0, $0xb8;
	[tilespmem:$0x12800] =	vst v63  }
0xc3: {  	s9 =	simm.s32 $0x9800  }
0xc4: {  	[hbm4b:s7+s2] =	stream.indirect_vreg.scatter [tilespmem:s9], [sflag:$0x1], $0x80, v3, vm0, $0xb8;
	[tilespmem:$0x12800] =	vst v63  }
0xc5: {  	s31 =	simm.s32 $0xA000  }
0xc6: {  	[hbm4b:s8+s2] =	stream.indirect_vreg.scatter [tilespmem:s31], [sflag:$0x1], $0x80, v3, vm0, $0xb8;
	[tilespmem:$0x12800] =	vst v63  }
0xc7: {  	v3 =	vld [tilespmem:$0x120];
	_ =	sdelay $0x4  }
0xc8: {  	v62 =	vshll.u32 v3, $0x3  }
0xc9: {  	v3 =	vand.u32 $0x7, v3;
	v4 =	vand.u32 $0xFFFFFFC0, v62  }
0xca: {  	v3 =	vor.u32 v3, v4  }
0xcb: {  	v4 =	vperm.xlane v3, v0;
	_ =	sdelay $0x1  }
0xcc: {  	v4 =	vadd.s32 v1, v4;
	_ =	sdelay $0x3  }
0xcd: {  	s30 =	simm.s32 $0xA800  }
0xce: {  	[hbm4b:s4+s2] =	stream.indirect_vreg.scatter [tilespmem:s30], [sflag:$0x1], $0x80, v4, vm0, $0xb8;
	[tilespmem:$0x12800] =	vst v63  }
0xcf: {  	s17 =	simm.s32 $0xB000;
	v3 =	vperm.xlane v3, v2  }
0xd0: {  	[hbm4b:s6+s2] =	stream.indirect_vreg.scatter [tilespmem:s17], [sflag:$0x1], $0x80, v4, vm0, $0xb8;
	[tilespmem:$0x12800] =	vst v63  }
0xd1: {  	s11 =	simm.s32 $0xB800;
	v3 =	vadd.s32 v1, v3  }
0xd2: {  	[hbm4b:s7+s2] =	stream.indirect_vreg.scatter [tilespmem:s11], [sflag:$0x1], $0x80, v4, vm0, $0xb8;
	[tilespmem:$0x12800] =	vst v63  }
0xd3: {  	s20 =	simm.s32 $0xC000  }
0xd4: {  	[hbm4b:s8+s2] =	stream.indirect_vreg.scatter [tilespmem:s20], [sflag:$0x1], $0x80, v4, vm0, $0xb8;
	[tilespmem:$0x12800] =	vst v63  }
0xd5: {  	s25 =	simm.s32 $0xC800  }
0xd6: {  	[hbm4b:s4+s2] =	stream.indirect_vreg.scatter [tilespmem:s25], [sflag:$0x1], $0x80, v3, vm0, $0xb8;
	[tilespmem:$0x12800] =	vst v63  }
0xd7: {  	s28 =	simm.s32 $0xD000  }
0xd8: {  	[hbm4b:s6+s2] =	stream.indirect_vreg.scatter [tilespmem:s28], [sflag:$0x1], $0x80, v3, vm0, $0xb8;
	[tilespmem:$0x12800] =	vst v63  }
0xd9: {  	s23 =	simm.s32 $0xD800  }
0xda: {  	[hbm4b:s7+s2] =	stream.indirect_vreg.scatter [tilespmem:s23], [sflag:$0x1], $0x80, v3, vm0, $0xb8;
	[tilespmem:$0x12800] =	vst v63  }
0xdb: {  	s13 =	simm.s32 $0xE000  }
0xdc: {  	[hbm4b:s8+s2] =	stream.indirect_vreg.scatter [tilespmem:s13], [sflag:$0x1], $0x80, v3, vm0, $0xb8;
	[tilespmem:$0x12800] =	vst v63  }
0xdd: {  	v3 =	vld [tilespmem:$0x130];
	_ =	sdelay $0x4  }
0xde: {  	v63 =	vshll.u32 v3, $0x3  }
0xdf: {  	v3 =	vand.u32 $0x7, v3;
	v4 =	vand.u32 $0xFFFFFFC0, v63  }
0xe0: {  	v3 =	vor.u32 v3, v4  }
0xe1: {  	v4 =	vperm.xlane v3, v0;
	_ =	sdelay $0x1  }
0xe2: {  	v4 =	vadd.s32 v1, v4;
	_ =	sdelay $0x3  }
0xe3: {  	s14 =	simm.s32 $0xE800  }
0xe4: {  	[hbm4b:s4+s2] =	stream.indirect_vreg.scatter [tilespmem:s14], [sflag:$0x1], $0x80, v4, vm0, $0xb8;
	[tilespmem:$0x12800] =	vst v63  }
0xe5: {  	s15 =	simm.s32 $0xF000;
	v3 =	vperm.xlane v3, v2  }
0xe6: {  	[hbm4b:s6+s2] =	stream.indirect_vreg.scatter [tilespmem:s15], [sflag:$0x1], $0x80, v4, vm0, $0xb8;
	[tilespmem:$0x12800] =	vst v63  }
0xe7: {  	s29 =	simm.s32 $0xF800;
	v3 =	vadd.s32 v1, v3  }
0xe8: {  	[hbm4b:s7+s2] =	stream.indirect_vreg.scatter [tilespmem:s29], [sflag:$0x1], $0x80, v4, vm0, $0xb8;
	[tilespmem:$0x12800] =	vst v63  }
0xe9: {  	s19 =	simm.s32 $0x10000  }
0xea: {  	[hbm4b:s8+s2] =	stream.indirect_vreg.scatter [tilespmem:s19], [sflag:$0x1], $0x80, v4, vm0, $0xb8;
	[tilespmem:$0x12800] =	vst v63  }
0xeb: {  	s29 =	simm.s32 $0x10800  }
0xec: {  	[hbm4b:s4+s2] =	stream.indirect_vreg.scatter [tilespmem:s29], [sflag:$0x1], $0x80, v3, vm0, $0xb8;
	[tilespmem:$0x12800] =	vst v63  }
0xed: {  	s18 =	simm.s32 $0x11000  }
0xee: {  	[hbm4b:s6+s2] =	stream.indirect_vreg.scatter [tilespmem:s18], [sflag:$0x1], $0x80, v3, vm0, $0xb8;
	[tilespmem:$0x12800] =	vst v63  }
0xef: {  	s21 =	simm.s32 $0x11800  }
0xf0: {  	[hbm4b:s7+s2] =	stream.indirect_vreg.scatter [tilespmem:s21], [sflag:$0x1], $0x80, v3, vm0, $0xb8;
	[tilespmem:$0x12800] =	vst v63  }
0xf1: {  	s16 =	simm.s32 $0x12000  }
0xf2: {  	[hbm4b:s8+s2] =	stream.indirect_vreg.scatter [tilespmem:s16], [sflag:$0x1], $0x80, v3, vm0, $0xb8;
	[tilespmem:$0x12800] =	vst v63  }
0xf3: {  	_ =	swait.ge [sflag:s22], $0x10000  }
0xf4: {  	s19 =	simm.s32 $0x800;
	[sflag:s22] =	ssyncset.done $0x0  }
0xf5: {  	s29 =	simm.s32 $0x40;
	s13 =	rddreg [dreg:$0x15];
	[sflag:s22] =	ssyncadd.s32 $0xFFFF0000  }
0xf6: {  	[hbm4b:s12+s29] =	stream.indirect.scatter [tilespmem:s19], [sflag:$0x1], $0x80, s13, s29, $0xb8;
	[tilespmem:$0x12800] =	vst v63  }
0xf7: {  	_ =	swait.ge [sflag:s22], $0x2000  }
0xf8: {  	[sflag:s22] =	ssyncset.done $0x0  }
0xf9: {  	s13 =	rddreg [dreg:$0x6];
	[sflag:s22] =	ssyncadd.s32 $0xFFFFE000  }
0xfa: {  	[tilespmem:s19], [sflag:$0x2] =	stream.linear.gather [hbm4b:s13+s2], $0x2000, $0x38;
	[tilespmem:$0x12800] =	vst v63  }
0xfb: {  	_ =	swait.ge [sflag:s10], $0x2000  }
0xfc: {  	[sflag:s10] =	ssyncset.done $0x0  }
0xfd: {  	[sflag:s10] =	ssyncadd.s32 $0xFFFFE000  }
0xfe: {  	v3 =	vld [tilespmem:$0x200];
	_ =	sdelay $0x4  }
0xff: {  	v8 =	vshll.u32 v3, $0x3  }
0x100: {  	v3 =	vand.u32 $0x7, v3;
	v4 =	vand.u32 $0xFFFFFFC0, v8  }
0x101: {  	v3 =	vor.u32 v3, v4  }
0x102: {  	v4 =	vperm.xlane v3, v0;
	_ =	sdelay $0x1  }
0x103: {  	v4 =	vadd.s32 v1, v4;
	_ =	sdelay $0x3  }
0x104: {  	s13 =	simm.s32 $0x2800  }
0x105: {  	[hbm4b:s4+s2] =	stream.indirect_vreg.scatter [tilespmem:s13], [sflag:$0x1], $0x80, v4, vm0, $0xb8;
	[tilespmem:$0x12800] =	vst v63  }
0x106: {  	s24 =	simm.s32 $0x3000;
	v3 =	vperm.xlane v3, v2  }
0x107: {  	[hbm4b:s6+s2] =	stream.indirect_vreg.scatter [tilespmem:s24], [sflag:$0x1], $0x80, v4, vm0, $0xb8;
	[tilespmem:$0x12800] =	vst v63  }
0x108: {  	v3 =	vadd.s32 v1, v3;
	s24 =	simm.s32 $0x3800  }
0x109: {  	[hbm4b:s7+s2] =	stream.indirect_vreg.scatter [tilespmem:s24], [sflag:$0x1], $0x80, v4, vm0, $0xb8;
	[tilespmem:$0x12800] =	vst v63  }
0x10a: {  	s24 =	simm.s32 $0x4000  }
0x10b: {  	[hbm4b:s8+s2] =	stream.indirect_vreg.scatter [tilespmem:s24], [sflag:$0x1], $0x80, v4, vm0, $0xb8;
	[tilespmem:$0x12800] =	vst v63  }
0x10c: {  	s24 =	simm.s32 $0x4800  }
0x10d: {  	[hbm4b:s4+s2] =	stream.indirect_vreg.scatter [tilespmem:s24], [sflag:$0x1], $0x80, v3, vm0, $0xb8;
	[tilespmem:$0x12800] =	vst v63  }
0x10e: {  	s24 =	simm.s32 $0x5000  }
0x10f: {  	[hbm4b:s6+s2] =	stream.indirect_vreg.scatter [tilespmem:s24], [sflag:$0x1], $0x80, v3, vm0, $0xb8;
	[tilespmem:$0x12800] =	vst v63  }
0x110: {  	s24 =	simm.s32 $0x5800  }
0x111: {  	[hbm4b:s7+s2] =	stream.indirect_vreg.scatter [tilespmem:s24], [sflag:$0x1], $0x80, v3, vm0, $0xb8;
	[tilespmem:$0x12800] =	vst v63  }
0x112: {  	s24 =	simm.s32 $0x6000  }
0x113: {  	[hbm4b:s8+s2] =	stream.indirect_vreg.scatter [tilespmem:s24], [sflag:$0x1], $0x80, v3, vm0, $0xb8;
	[tilespmem:$0x12800] =	vst v63  }
0x114: {  	v3 =	vld [tilespmem:$0x210];
	_ =	sdelay $0x4  }
0x115: {  	v9 =	vshll.u32 v3, $0x3  }
0x116: {  	v3 =	vand.u32 $0x7, v3;
	v4 =	vand.u32 $0xFFFFFFC0, v9  }
0x117: {  	v3 =	vor.u32 v3, v4  }
0x118: {  	v4 =	vperm.xlane v3, v0;
	_ =	sdelay $0x1  }
0x119: {  	v4 =	vadd.s32 v1, v4;
	_ =	sdelay $0x3  }
0x11a: {  	s24 =	simm.s32 $0x6800  }
0x11b: {  	[hbm4b:s4+s2] =	stream.indirect_vreg.scatter [tilespmem:s24], [sflag:$0x1], $0x80, v4, vm0, $0xb8;
	[tilespmem:$0x12800] =	vst v63  }
0x11c: {  	v3 =	vperm.xlane v3, v2  }
0x11d: {  	[hbm4b:s6+s2] =	stream.indirect_vreg.scatter [tilespmem:s26], [sflag:$0x1], $0x80, v4, vm0, $0xb8;
	[tilespmem:$0x12800] =	vst v63  }
0x11e: {  	v3 =	vadd.s32 v1, v3  }
0x11f: {  	[hbm4b:s7+s2] =	stream.indirect_vreg.scatter [tilespmem:s0], [sflag:$0x1], $0x80, v4, vm0, $0xb8;
	[tilespmem:$0x12800] =	vst v63  }
0x120: {  	_ = 	snop  }
0x121: {  	[hbm4b:s8+s2] =	stream.indirect_vreg.scatter [tilespmem:s1], [sflag:$0x1], $0x80, v4, vm0, $0xb8;
	[tilespmem:$0x12800] =	vst v63  }
0x122: {  	_ = 	snop  }
0x123: {  	[hbm4b:s4+s2] =	stream.indirect_vreg.scatter [tilespmem:s3], [sflag:$0x1], $0x80, v3, vm0, $0xb8;
	[tilespmem:$0x12800] =	vst v63  }
0x124: {  	_ = 	snop  }
0x125: {  	[hbm4b:s6+s2] =	stream.indirect_vreg.scatter [tilespmem:s5], [sflag:$0x1], $0x80, v3, vm0, $0xb8;
	[tilespmem:$0x12800] =	vst v63  }
0x126: {  	_ = 	snop  }
0x127: {  	[hbm4b:s7+s2] =	stream.indirect_vreg.scatter [tilespmem:s9], [sflag:$0x1], $0x80, v3, vm0, $0xb8;
	[tilespmem:$0x12800] =	vst v63  }
0x128: {  	_ = 	snop  }
0x129: {  	[hbm4b:s8+s2] =	stream.indirect_vreg.scatter [tilespmem:s31], [sflag:$0x1], $0x80, v3, vm0, $0xb8;
	[tilespmem:$0x12800] =	vst v63  }
0x12a: {  	v3 =	vld [tilespmem:$0x220];
	_ =	sdelay $0x4  }
0x12b: {  	v10 =	vshll.u32 v3, $0x3  }
0x12c: {  	v3 =	vand.u32 $0x7, v3;
	v4 =	vand.u32 $0xFFFFFFC0, v10  }
0x12d: {  	v3 =	vor.u32 v3, v4  }
0x12e: {  	v4 =	vperm.xlane v3, v0;
	_ =	sdelay $0x1  }
0x12f: {  	v4 =	vadd.s32 v1, v4;
	_ =	sdelay $0x4  }
0x130: {  	[hbm4b:s4+s2] =	stream.indirect_vreg.scatter [tilespmem:s30], [sflag:$0x1], $0x80, v4, vm0, $0xb8;
	[tilespmem:$0x12800] =	vst v63  }
0x131: {  	v3 =	vperm.xlane v3, v2  }
0x132: {  	[hbm4b:s6+s2] =	stream.indirect_vreg.scatter [tilespmem:s17], [sflag:$0x1], $0x80, v4, vm0, $0xb8;
	[tilespmem:$0x12800] =	vst v63  }
0x133: {  	v3 =	vadd.s32 v1, v3  }
0x134: {  	[hbm4b:s7+s2] =	stream.indirect_vreg.scatter [tilespmem:s11], [sflag:$0x1], $0x80, v4, vm0, $0xb8;
	[tilespmem:$0x12800] =	vst v63  }
0x135: {  	_ = 	snop  }
0x136: {  	[hbm4b:s8+s2] =	stream.indirect_vreg.scatter [tilespmem:s20], [sflag:$0x1], $0x80, v4, vm0, $0xb8;
	[tilespmem:$0x12800] =	vst v63  }
0x137: {  	_ = 	snop  }
0x138: {  	[hbm4b:s4+s2] =	stream.indirect_vreg.scatter [tilespmem:s25], [sflag:$0x1], $0x80, v3, vm0, $0xb8;
	[tilespmem:$0x12800] =	vst v63  }
0x139: {  	s25 =	simm.s32 $0xD000  }
0x13a: {  	[hbm4b:s6+s2] =	stream.indirect_vreg.scatter [tilespmem:s25], [sflag:$0x1], $0x80, v3, vm0, $0xb8;
	[tilespmem:$0x12800] =	vst v63  }
0x13b: {  	s23 =	simm.s32 $0xD800  }
0x13c: {  	[hbm4b:s7+s2] =	stream.indirect_vreg.scatter [tilespmem:s23], [sflag:$0x1], $0x80, v3, vm0, $0xb8;
	[tilespmem:$0x12800] =	vst v63  }
0x13d: {  	s30 =	simm.s32 $0xE000  }
0x13e: {  	[hbm4b:s8+s2] =	stream.indirect_vreg.scatter [tilespmem:s30], [sflag:$0x1], $0x80, v3, vm0, $0xb8;
	[tilespmem:$0x12800] =	vst v63  }
0x13f: {  	v3 =	vld [tilespmem:$0x230];
	_ =	sdelay $0x4  }
0x140: {  	v11 =	vshll.u32 v3, $0x3  }
0x141: {  	v3 =	vand.u32 $0x7, v3;
	v4 =	vand.u32 $0xFFFFFFC0, v11  }
0x142: {  	v3 =	vor.u32 v3, v4  }
0x143: {  	v4 =	vperm.xlane v3, v0;
	_ =	sdelay $0x1  }
0x144: {  	v4 =	vadd.s32 v1, v4;
	_ =	sdelay $0x3  }
0x145: {  	s31 =	simm.s32 $0xE800  }
0x146: {  	[hbm4b:s4+s2] =	stream.indirect_vreg.scatter [tilespmem:s31], [sflag:$0x1], $0x80, v4, vm0, $0xb8;
	[tilespmem:$0x12800] =	vst v63  }
0x147: {  	s3 =	simm.s32 $0xF000;
	v3 =	vperm.xlane v3, v2  }
0x148: {  	[hbm4b:s6+s2] =	stream.indirect_vreg.scatter [tilespmem:s3], [sflag:$0x1], $0x80, v4, vm0, $0xb8;
	[tilespmem:$0x12800] =	vst v63  }
0x149: {  	s14 =	simm.s32 $0xF800;
	v3 =	vadd.s32 v1, v3  }
0x14a: {  	[hbm4b:s7+s2] =	stream.indirect_vreg.scatter [tilespmem:s14], [sflag:$0x1], $0x80, v4, vm0, $0xb8;
	[tilespmem:$0x12800] =	vst v63  }
0x14b: {  	s15 =	simm.s32 $0x10000  }
0x14c: {  	[hbm4b:s8+s2] =	stream.indirect_vreg.scatter [tilespmem:s15], [sflag:$0x1], $0x80, v4, vm0, $0xb8;
	[tilespmem:$0x12800] =	vst v63  }
0x14d: {  	s28 =	simm.s32 $0x10800  }
0x14e: {  	[hbm4b:s4+s2] =	stream.indirect_vreg.scatter [tilespmem:s28], [sflag:$0x1], $0x80, v3, vm0, $0xb8;
	[tilespmem:$0x12800] =	vst v63  }
0x14f: {  	s18 =	simm.s32 $0x11000  }
0x150: {  	[hbm4b:s6+s2] =	stream.indirect_vreg.scatter [tilespmem:s18], [sflag:$0x1], $0x80, v3, vm0, $0xb8;
	[tilespmem:$0x12800] =	vst v63  }
0x151: {  	s21 =	simm.s32 $0x11800  }
0x152: {  	[hbm4b:s7+s2] =	stream.indirect_vreg.scatter [tilespmem:s21], [sflag:$0x1], $0x80, v3, vm0, $0xb8;
	[tilespmem:$0x12800] =	vst v63  }
0x153: {  	s16 =	simm.s32 $0x12000  }
0x154: {  	[hbm4b:s8+s2] =	stream.indirect_vreg.scatter [tilespmem:s16], [sflag:$0x1], $0x80, v3, vm0, $0xb8;
	[tilespmem:$0x12800] =	vst v63  }
0x155: {  	_ =	swait.ge [sflag:s22], $0x10000  }
0x156: {  	s29 =	simm.s32 $0x40;
	[sflag:s22] =	ssyncset.done $0x0  }
0x157: {  	s9 =	simm.s32 $0x800;
	s5 =	rddreg [dreg:$0x16];
	[sflag:s22] =	ssyncadd.s32 $0xFFFF0000  }
0x158: {  	[hbm4b:s12+s29] =	stream.indirect.scatter [tilespmem:s9], [sflag:$0x1], $0x80, s5, s29, $0xb8;
	[tilespmem:$0x12800] =	vst v63  }
0x159: {  	_ =	swait.ge [sflag:s22], $0x2000  }
0x15a: {  	[sflag:s22] =	ssyncset.done $0x0  }
0x15b: {  	s11 =	rddreg [dreg:$0x7];
	[sflag:s22] =	ssyncadd.s32 $0xFFFFE000  }
0x15c: {  	[tilespmem:s9], [sflag:$0x2] =	stream.linear.gather [hbm4b:s11+s2], $0x2000, $0x38;
	[tilespmem:$0x12800] =	vst v63  }
0x15d: {  	_ =	swait.ge [sflag:s10], $0x2000  }
0x15e: {  	[sflag:s10] =	ssyncset.done $0x0  }
0x15f: {  	[sflag:s10] =	ssyncadd.s32 $0xFFFFE000  }
0x160: {  	v3 =	vld [tilespmem:$0x300];
	_ =	sdelay $0x4  }
0x161: {  	v12 =	vshll.u32 v3, $0x3  }
0x162: {  	v3 =	vand.u32 $0x7, v3;
	v4 =	vand.u32 $0xFFFFFFC0, v12  }
0x163: {  	v3 =	vor.u32 v3, v4  }
0x164: {  	v4 =	vperm.xlane v3, v0;
	_ =	sdelay $0x1  }
0x165: {  	v4 =	vadd.s32 v1, v4;
	_ =	sdelay $0x4  }
0x166: {  	[hbm4b:s4+s2] =	stream.indirect_vreg.scatter [tilespmem:s13], [sflag:$0x1], $0x80, v4, vm0, $0xb8;
	[tilespmem:$0x12800] =	vst v63  }
0x167: {  	s3 =	simm.s32 $0x3000;
	v3 =	vperm.xlane v3, v2  }
0x168: {  	[hbm4b:s6+s2] =	stream.indirect_vreg.scatter [tilespmem:s3], [sflag:$0x1], $0x80, v4, vm0, $0xb8;
	[tilespmem:$0x12800] =	vst v63  }
0x169: {  	s9 =	simm.s32 $0x3800;
	v3 =	vadd.s32 v1, v3  }
0x16a: {  	[hbm4b:s7+s2] =	stream.indirect_vreg.scatter [tilespmem:s9], [sflag:$0x1], $0x80, v4, vm0, $0xb8;
	[tilespmem:$0x12800] =	vst v63  }
0x16b: {  	s16 =	simm.s32 $0x4000  }
0x16c: {  	[hbm4b:s8+s2] =	stream.indirect_vreg.scatter [tilespmem:s16], [sflag:$0x1], $0x80, v4, vm0, $0xb8;
	[tilespmem:$0x12800] =	vst v63  }
0x16d: {  	s21 =	simm.s32 $0x4800  }
0x16e: {  	[hbm4b:s4+s2] =	stream.indirect_vreg.scatter [tilespmem:s21], [sflag:$0x1], $0x80, v3, vm0, $0xb8;
	[tilespmem:$0x12800] =	vst v63  }
0x16f: {  	s28 =	simm.s32 $0x5000  }
0x170: {  	[hbm4b:s6+s2] =	stream.indirect_vreg.scatter [tilespmem:s28], [sflag:$0x1], $0x80, v3, vm0, $0xb8;
	[tilespmem:$0x12800] =	vst v63  }
0x171: {  	s5 =	simm.s32 $0x5800  }
0x172: {  	[hbm4b:s7+s2] =	stream.indirect_vreg.scatter [tilespmem:s5], [sflag:$0x1], $0x80, v3, vm0, $0xb8;
	[tilespmem:$0x12800] =	vst v63  }
0x173: {  	s13 =	simm.s32 $0x6000  }
0x174: {  	[hbm4b:s8+s2] =	stream.indirect_vreg.scatter [tilespmem:s13], [sflag:$0x1], $0x80, v3, vm0, $0xb8;
	[tilespmem:$0x12800] =	vst v63  }
0x175: {  	v3 =	vld [tilespmem:$0x310];
	_ =	sdelay $0x4  }
0x176: {  	v13 =	vshll.u32 v3, $0x3  }
0x177: {  	v3 =	vand.u32 $0x7, v3;
	v4 =	vand.u32 $0xFFFFFFC0, v13  }
0x178: {  	v3 =	vor.u32 v3, v4  }
0x179: {  	v4 =	vperm.xlane v3, v0;
	_ =	sdelay $0x1  }
0x17a: {  	v4 =	vadd.s32 v1, v4;
	_ =	sdelay $0x3  }
0x17b: {  	s14 =	simm.s32 $0x6800  }
0x17c: {  	[hbm4b:s4+s2] =	stream.indirect_vreg.scatter [tilespmem:s14], [sflag:$0x1], $0x80, v4, vm0, $0xb8;
	[tilespmem:$0x12800] =	vst v63  }
0x17d: {  	s26 =	simm.s32 $0x7000;
	v3 =	vperm.xlane v3, v2  }
0x17e: {  	[hbm4b:s6+s2] =	stream.indirect_vreg.scatter [tilespmem:s26], [sflag:$0x1], $0x80, v4, vm0, $0xb8;
	[tilespmem:$0x12800] =	vst v63  }
0x17f: {  	v3 =	vadd.s32 v1, v3;
	s26 =	simm.s32 $0x7800  }
0x180: {  	[hbm4b:s7+s2] =	stream.indirect_vreg.scatter [tilespmem:s26], [sflag:$0x1], $0x80, v4, vm0, $0xb8;
	[tilespmem:$0x12800] =	vst v63  }
0x181: {  	s11 =	simm.s32 $0x8000  }
0x182: {  	[hbm4b:s8+s2] =	stream.indirect_vreg.scatter [tilespmem:s11], [sflag:$0x1], $0x80, v4, vm0, $0xb8;
	[tilespmem:$0x12800] =	vst v63  }
0x183: {  	s13 =	simm.s32 $0x8800  }
0x184: {  	[hbm4b:s4+s2] =	stream.indirect_vreg.scatter [tilespmem:s13], [sflag:$0x1], $0x80, v3, vm0, $0xb8;
	[tilespmem:$0x12800] =	vst v63  }
0x185: {  	s14 =	simm.s32 $0x9000  }
0x186: {  	[hbm4b:s6+s2] =	stream.indirect_vreg.scatter [tilespmem:s14], [sflag:$0x1], $0x80, v3, vm0, $0xb8;
	[tilespmem:$0x12800] =	vst v63  }
0x187: {  	s15 =	simm.s32 $0x9800  }
0x188: {  	[hbm4b:s7+s2] =	stream.indirect_vreg.scatter [tilespmem:s15], [sflag:$0x1], $0x80, v3, vm0, $0xb8;
	[tilespmem:$0x12800] =	vst v63  }
0x189: {  	s31 =	simm.s32 $0xA000  }
0x18a: {  	[hbm4b:s8+s2] =	stream.indirect_vreg.scatter [tilespmem:s31], [sflag:$0x1], $0x80, v3, vm0, $0xb8;
	[tilespmem:$0x12800] =	vst v63  }
0x18b: {  	v3 =	vld [tilespmem:$0x320];
	_ =	sdelay $0x4  }
0x18c: {  	v14 =	vshll.u32 v3, $0x3  }
0x18d: {  	v3 =	vand.u32 $0x7, v3;
	v4 =	vand.u32 $0xFFFFFFC0, v14  }
0x18e: {  	v3 =	vor.u32 v3, v4  }
0x18f: {  	v4 =	vperm.xlane v3, v0;
	_ =	sdelay $0x1  }
0x190: {  	v4 =	vadd.s32 v1, v4;
	_ =	sdelay $0x3  }
0x191: {  	s0 =	simm.s32 $0xA800  }
0x192: {  	[hbm4b:s4+s2] =	stream.indirect_vreg.scatter [tilespmem:s0], [sflag:$0x1], $0x80, v4, vm0, $0xb8;
	[tilespmem:$0x12800] =	vst v63  }
0x193: {  	s30 =	simm.s32 $0xB000;
	v3 =	vperm.xlane v3, v2  }
0x194: {  	[hbm4b:s6+s2] =	stream.indirect_vreg.scatter [tilespmem:s30], [sflag:$0x1], $0x80, v4, vm0, $0xb8;
	[tilespmem:$0x12800] =	vst v63  }
0x195: {  	s17 =	simm.s32 $0xB800;
	v3 =	vadd.s32 v1, v3  }
0x196: {  	[hbm4b:s7+s2] =	stream.indirect_vreg.scatter [tilespmem:s17], [sflag:$0x1], $0x80, v4, vm0, $0xb8;
	[tilespmem:$0x12800] =	vst v63  }
0x197: {  	s15 =	simm.s32 $0xC000  }
0x198: {  	[hbm4b:s8+s2] =	stream.indirect_vreg.scatter [tilespmem:s15], [sflag:$0x1], $0x80, v4, vm0, $0xb8;
	[tilespmem:$0x12800] =	vst v63  }
0x199: {  	s17 =	simm.s32 $0xC800  }
0x19a: {  	[hbm4b:s4+s2] =	stream.indirect_vreg.scatter [tilespmem:s17], [sflag:$0x1], $0x80, v3, vm0, $0xb8;
	[tilespmem:$0x12800] =	vst v63  }
0x19b: {  	s29 =	simm.s32 $0xD000  }
0x19c: {  	[hbm4b:s6+s2] =	stream.indirect_vreg.scatter [tilespmem:s29], [sflag:$0x1], $0x80, v3, vm0, $0xb8;
	[tilespmem:$0x12800] =	vst v63  }
0x19d: {  	s25 =	simm.s32 $0xD800  }
0x19e: {  	[hbm4b:s7+s2] =	stream.indirect_vreg.scatter [tilespmem:s25], [sflag:$0x1], $0x80, v3, vm0, $0xb8;
	[tilespmem:$0x12800] =	vst v63  }
0x19f: {  	s1 =	simm.s32 $0xE000  }
0x1a0: {  	[hbm4b:s8+s2] =	stream.indirect_vreg.scatter [tilespmem:s1], [sflag:$0x1], $0x80, v3, vm0, $0xb8;
	[tilespmem:$0x12800] =	vst v63  }
0x1a1: {  	v3 =	vld [tilespmem:$0x330];
	_ =	sdelay $0x4  }
0x1a2: {  	v15 =	vshll.u32 v3, $0x3  }
0x1a3: {  	v3 =	vand.u32 $0x7, v3;
	v4 =	vand.u32 $0xFFFFFFC0, v15  }
0x1a4: {  	v3 =	vor.u32 v3, v4  }
0x1a5: {  	v4 =	vperm.xlane v3, v0;
	_ =	sdelay $0x1  }
0x1a6: {  	v4 =	vadd.s32 v1, v4;
	_ =	sdelay $0x3  }
0x1a7: {  	s19 =	simm.s32 $0xE800  }
0x1a8: {  	[hbm4b:s4+s2] =	stream.indirect_vreg.scatter [tilespmem:s19], [sflag:$0x1], $0x80, v4, vm0, $0xb8;
	[tilespmem:$0x12800] =	vst v63  }
0x1a9: {  	v3 =	vperm.xlane v3, v2;
	s19 =	simm.s32 $0xF000  }
0x1aa: {  	[hbm4b:s6+s2] =	stream.indirect_vreg.scatter [tilespmem:s19], [sflag:$0x1], $0x80, v4, vm0, $0xb8;
	[tilespmem:$0x12800] =	vst v63  }
0x1ab: {  	s23 =	simm.s32 $0xF800;
	v3 =	vadd.s32 v1, v3  }
0x1ac: {  	[hbm4b:s7+s2] =	stream.indirect_vreg.scatter [tilespmem:s23], [sflag:$0x1], $0x80, v4, vm0, $0xb8;
	[tilespmem:$0x12800] =	vst v63  }
0x1ad: {  	s23 =	simm.s32 $0x10000  }
0x1ae: {  	[hbm4b:s8+s2] =	stream.indirect_vreg.scatter [tilespmem:s23], [sflag:$0x1], $0x80, v4, vm0, $0xb8;
	[tilespmem:$0x12800] =	vst v63  }
0x1af: {  	s25 =	simm.s32 $0x10800  }
0x1b0: {  	[hbm4b:s4+s2] =	stream.indirect_vreg.scatter [tilespmem:s25], [sflag:$0x1], $0x80, v3, vm0, $0xb8;
	[tilespmem:$0x12800] =	vst v63  }
0x1b1: {  	s18 =	simm.s32 $0x11000  }
0x1b2: {  	[hbm4b:s6+s2] =	stream.indirect_vreg.scatter [tilespmem:s18], [sflag:$0x1], $0x80, v3, vm0, $0xb8;
	[tilespmem:$0x12800] =	vst v63  }
0x1b3: {  	s20 =	simm.s32 $0x11800  }
0x1b4: {  	[hbm4b:s7+s2] =	stream.indirect_vreg.scatter [tilespmem:s20], [sflag:$0x1], $0x80, v3, vm0, $0xb8;
	[tilespmem:$0x12800] =	vst v63  }
0x1b5: {  	s18 =	simm.s32 $0x12000  }
0x1b6: {  	[hbm4b:s8+s2] =	stream.indirect_vreg.scatter [tilespmem:s18], [sflag:$0x1], $0x80, v3, vm0, $0xb8;
	[tilespmem:$0x12800] =	vst v63  }
0x1b7: {  	_ =	swait.ge [sflag:s22], $0x10000  }
0x1b8: {  	s0 =	simm.s32 $0x800;
	[sflag:s22] =	ssyncset.done $0x0  }
0x1b9: {  	s20 =	simm.s32 $0x40;
	s24 =	rddreg [dreg:$0x17];
	[sflag:s22] =	ssyncadd.s32 $0xFFFF0000  }
0x1ba: {  	[hbm4b:s12+s20] =	stream.indirect.scatter [tilespmem:s0], [sflag:$0x1], $0x80, s24, s20, $0xb8;
	[tilespmem:$0x12800] =	vst v63  }
0x1bb: {  	_ =	swait.ge [sflag:s22], $0x2000  }
0x1bc: {  	[sflag:s22] =	ssyncset.done $0x0  }
0x1bd: {  	s24 =	rddreg [dreg:$0x8];
	[sflag:s22] =	ssyncadd.s32 $0xFFFFE000  }
0x1be: {  	[tilespmem:s0], [sflag:$0x2] =	stream.linear.gather [hbm4b:s24+s2], $0x2000, $0x38;
	[tilespmem:$0x12800] =	vst v63  }
0x1bf: {  	_ =	swait.ge [sflag:s10], $0x2000  }
0x1c0: {  	[sflag:s10] =	ssyncset.done $0x0  }
0x1c1: {  	[sflag:s10] =	ssyncadd.s32 $0xFFFFE000  }
0x1c2: {  	v3 =	vld [tilespmem:$0x400];
	_ =	sdelay $0x4  }
0x1c3: {  	v16 =	vshll.u32 v3, $0x3  }
0x1c4: {  	v3 =	vand.u32 $0x7, v3;
	v4 =	vand.u32 $0xFFFFFFC0, v16  }
0x1c5: {  	v3 =	vor.u32 v3, v4  }
0x1c6: {  	v4 =	vperm.xlane v3, v0;
	_ =	sdelay $0x1  }
0x1c7: {  	v4 =	vadd.s32 v1, v4;
	_ =	sdelay $0x3  }
0x1c8: {  	s24 =	simm.s32 $0x2800  }
0x1c9: {  	[hbm4b:s4+s2] =	stream.indirect_vreg.scatter [tilespmem:s24], [sflag:$0x1], $0x80, v4, vm0, $0xb8;
	[tilespmem:$0x12800] =	vst v63  }
0x1ca: {  	v3 =	vperm.xlane v3, v2  }
0x1cb: {  	[hbm4b:s6+s2] =	stream.indirect_vreg.scatter [tilespmem:s3], [sflag:$0x1], $0x80, v4, vm0, $0xb8;
	[tilespmem:$0x12800] =	vst v63  }
0x1cc: {  	v3 =	vadd.s32 v1, v3  }
0x1cd: {  	[hbm4b:s7+s2] =	stream.indirect_vreg.scatter [tilespmem:s9], [sflag:$0x1], $0x80, v4, vm0, $0xb8;
	[tilespmem:$0x12800] =	vst v63  }
0x1ce: {  	_ = 	snop  }
0x1cf: {  	[hbm4b:s8+s2] =	stream.indirect_vreg.scatter [tilespmem:s16], [sflag:$0x1], $0x80, v4, vm0, $0xb8;
	[tilespmem:$0x12800] =	vst v63  }
0x1d0: {  	_ = 	snop  }
0x1d1: {  	[hbm4b:s4+s2] =	stream.indirect_vreg.scatter [tilespmem:s21], [sflag:$0x1], $0x80, v3, vm0, $0xb8;
	[tilespmem:$0x12800] =	vst v63  }
0x1d2: {  	_ = 	snop  }
0x1d3: {  	[hbm4b:s6+s2] =	stream.indirect_vreg.scatter [tilespmem:s28], [sflag:$0x1], $0x80, v3, vm0, $0xb8;
	[tilespmem:$0x12800] =	vst v63  }
0x1d4: {  	_ = 	snop  }
0x1d5: {  	[hbm4b:s7+s2] =	stream.indirect_vreg.scatter [tilespmem:s5], [sflag:$0x1], $0x80, v3, vm0, $0xb8;
	[tilespmem:$0x12800] =	vst v63  }
0x1d6: {  	s24 =	simm.s32 $0x6000  }
0x1d7: {  	[hbm4b:s8+s2] =	stream.indirect_vreg.scatter [tilespmem:s24], [sflag:$0x1], $0x80, v3, vm0, $0xb8;
	[tilespmem:$0x12800] =	vst v63  }
0x1d8: {  	v3 =	vld [tilespmem:$0x410];
	_ =	sdelay $0x4  }
0x1d9: {  	v17 =	vshll.u32 v3, $0x3  }
0x1da: {  	v3 =	vand.u32 $0x7, v3;
	v4 =	vand.u32 $0xFFFFFFC0, v17  }
0x1db: {  	v3 =	vor.u32 v3, v4  }
0x1dc: {  	v4 =	vperm.xlane v3, v0;
	_ =	sdelay $0x1  }
0x1dd: {  	v4 =	vadd.s32 v1, v4;
	_ =	sdelay $0x3  }
0x1de: {  	s3 =	simm.s32 $0x6800  }
0x1df: {  	[hbm4b:s4+s2] =	stream.indirect_vreg.scatter [tilespmem:s3], [sflag:$0x1], $0x80, v4, vm0, $0xb8;
	[tilespmem:$0x12800] =	vst v63  }
0x1e0: {  	s5 =	simm.s32 $0x7000;
	v3 =	vperm.xlane v3, v2  }
0x1e1: {  	[hbm4b:s6+s2] =	stream.indirect_vreg.scatter [tilespmem:s5], [sflag:$0x1], $0x80, v4, vm0, $0xb8;
	[tilespmem:$0x12800] =	vst v63  }
0x1e2: {  	v3 =	vadd.s32 v1, v3  }
0x1e3: {  	[hbm4b:s7+s2] =	stream.indirect_vreg.scatter [tilespmem:s26], [sflag:$0x1], $0x80, v4, vm0, $0xb8;
	[tilespmem:$0x12800] =	vst v63  }
0x1e4: {  	_ = 	snop  }
0x1e5: {  	[hbm4b:s8+s2] =	stream.indirect_vreg.scatter [tilespmem:s11], [sflag:$0x1], $0x80, v4, vm0, $0xb8;
	[tilespmem:$0x12800] =	vst v63  }
0x1e6: {  	_ = 	snop  }
0x1e7: {  	[hbm4b:s4+s2] =	stream.indirect_vreg.scatter [tilespmem:s13], [sflag:$0x1], $0x80, v3, vm0, $0xb8;
	[tilespmem:$0x12800] =	vst v63  }
0x1e8: {  	_ = 	snop  }
0x1e9: {  	[hbm4b:s6+s2] =	stream.indirect_vreg.scatter [tilespmem:s14], [sflag:$0x1], $0x80, v3, vm0, $0xb8;
	[tilespmem:$0x12800] =	vst v63  }
0x1ea: {  	s9 =	simm.s32 $0x9800  }
0x1eb: {  	[hbm4b:s7+s2] =	stream.indirect_vreg.scatter [tilespmem:s9], [sflag:$0x1], $0x80, v3, vm0, $0xb8;
	[tilespmem:$0x12800] =	vst v63  }
0x1ec: {  	_ = 	snop  }
0x1ed: {  	[hbm4b:s8+s2] =	stream.indirect_vreg.scatter [tilespmem:s31], [sflag:$0x1], $0x80, v3, vm0, $0xb8;
	[tilespmem:$0x12800] =	vst v63  }
0x1ee: {  	v3 =	vld [tilespmem:$0x420];
	_ =	sdelay $0x4  }
0x1ef: {  	v18 =	vshll.u32 v3, $0x3  }
0x1f0: {  	v3 =	vand.u32 $0x7, v3;
	v4 =	vand.u32 $0xFFFFFFC0, v18  }
0x1f1: {  	v3 =	vor.u32 v3, v4  }
0x1f2: {  	v4 =	vperm.xlane v3, v0;
	_ =	sdelay $0x1  }
0x1f3: {  	v4 =	vadd.s32 v1, v4;
	_ =	sdelay $0x3  }
0x1f4: {  	s13 =	simm.s32 $0xA800  }
0x1f5: {  	[hbm4b:s4+s2] =	stream.indirect_vreg.scatter [tilespmem:s13], [sflag:$0x1], $0x80, v4, vm0, $0xb8;
	[tilespmem:$0x12800] =	vst v63  }
0x1f6: {  	v3 =	vperm.xlane v3, v2  }
0x1f7: {  	[hbm4b:s6+s2] =	stream.indirect_vreg.scatter [tilespmem:s30], [sflag:$0x1], $0x80, v4, vm0, $0xb8;
	[tilespmem:$0x12800] =	vst v63  }
0x1f8: {  	s16 =	simm.s32 $0xB800;
	v3 =	vadd.s32 v1, v3  }
0x1f9: {  	[hbm4b:s7+s2] =	stream.indirect_vreg.scatter [tilespmem:s16], [sflag:$0x1], $0x80, v4, vm0, $0xb8;
	[tilespmem:$0x12800] =	vst v63  }
0x1fa: {  	_ = 	snop  }
0x1fb: {  	[hbm4b:s8+s2] =	stream.indirect_vreg.scatter [tilespmem:s15], [sflag:$0x1], $0x80, v4, vm0, $0xb8;
	[tilespmem:$0x12800] =	vst v63  }
0x1fc: {  	_ = 	snop  }
0x1fd: {  	[hbm4b:s4+s2] =	stream.indirect_vreg.scatter [tilespmem:s17], [sflag:$0x1], $0x80, v3, vm0, $0xb8;
	[tilespmem:$0x12800] =	vst v63  }
0x1fe: {  	_ = 	snop  }
0x1ff: {  	[hbm4b:s6+s2] =	stream.indirect_vreg.scatter [tilespmem:s29], [sflag:$0x1], $0x80, v3, vm0, $0xb8;
	[tilespmem:$0x12800] =	vst v63  }
0x200: {  	s21 =	simm.s32 $0xD800  }
0x201: {  	[hbm4b:s7+s2] =	stream.indirect_vreg.scatter [tilespmem:s21], [sflag:$0x1], $0x80, v3, vm0, $0xb8;
	[tilespmem:$0x12800] =	vst v63  }
0x202: {  	_ = 	snop  }
0x203: {  	[hbm4b:s8+s2] =	stream.indirect_vreg.scatter [tilespmem:s1], [sflag:$0x1], $0x80, v3, vm0, $0xb8;
	[tilespmem:$0x12800] =	vst v63  }
0x204: {  	v3 =	vld [tilespmem:$0x430];
	_ =	sdelay $0x4  }
0x205: {  	v19 =	vshll.u32 v3, $0x3  }
0x206: {  	v3 =	vand.u32 $0x7, v3;
	v4 =	vand.u32 $0xFFFFFFC0, v19  }
0x207: {  	v3 =	vor.u32 v3, v4  }
0x208: {  	v4 =	vperm.xlane v3, v0;
	_ =	sdelay $0x1  }
0x209: {  	v4 =	vadd.s32 v1, v4;
	_ =	sdelay $0x3  }
0x20a: {  	s24 =	simm.s32 $0xE800  }
0x20b: {  	[hbm4b:s4+s2] =	stream.indirect_vreg.scatter [tilespmem:s24], [sflag:$0x1], $0x80, v4, vm0, $0xb8;
	[tilespmem:$0x12800] =	vst v63  }
0x20c: {  	v3 =	vperm.xlane v3, v2  }
0x20d: {  	[hbm4b:s6+s2] =	stream.indirect_vreg.scatter [tilespmem:s19], [sflag:$0x1], $0x80, v4, vm0, $0xb8;
	[tilespmem:$0x12800] =	vst v63  }
0x20e: {  	s29 =	simm.s32 $0xF800;
	v3 =	vadd.s32 v1, v3  }
0x20f: {  	[hbm4b:s7+s2] =	stream.indirect_vreg.scatter [tilespmem:s29], [sflag:$0x1], $0x80, v4, vm0, $0xb8;
	[tilespmem:$0x12800] =	vst v63  }
0x210: {  	_ = 	snop  }
0x211: {  	[hbm4b:s8+s2] =	stream.indirect_vreg.scatter [tilespmem:s23], [sflag:$0x1], $0x80, v4, vm0, $0xb8;
	[tilespmem:$0x12800] =	vst v63  }
0x212: {  	_ = 	snop  }
0x213: {  	[hbm4b:s4+s2] =	stream.indirect_vreg.scatter [tilespmem:s25], [sflag:$0x1], $0x80, v3, vm0, $0xb8;
	[tilespmem:$0x12800] =	vst v63  }
0x214: {  	s0 =	simm.s32 $0x11000  }
0x215: {  	[hbm4b:s6+s2] =	stream.indirect_vreg.scatter [tilespmem:s0], [sflag:$0x1], $0x80, v3, vm0, $0xb8;
	[tilespmem:$0x12800] =	vst v63  }
0x216: {  	s30 =	simm.s32 $0x11800  }
0x217: {  	[hbm4b:s7+s2] =	stream.indirect_vreg.scatter [tilespmem:s30], [sflag:$0x1], $0x80, v3, vm0, $0xb8;
	[tilespmem:$0x12800] =	vst v63  }
0x218: {  	_ = 	snop  }
0x219: {  	[hbm4b:s8+s2] =	stream.indirect_vreg.scatter [tilespmem:s18], [sflag:$0x1], $0x80, v3, vm0, $0xb8;
	[tilespmem:$0x12800] =	vst v63  }
0x21a: {  	_ =	swait.ge [sflag:s22], $0x10000  }
0x21b: {  	[sflag:s22] =	ssyncset.done $0x0  }
0x21c: {  	s13 =	simm.s32 $0x800;
	s1 =	rddreg [dreg:$0x18];
	[sflag:s22] =	ssyncadd.s32 $0xFFFF0000  }
0x21d: {  	[hbm4b:s12+s20] =	stream.indirect.scatter [tilespmem:s13], [sflag:$0x1], $0x80, s1, s20, $0xb8;
	[tilespmem:$0x12800] =	vst v63  }
0x21e: {  	_ =	swait.ge [sflag:s22], $0x2000  }
0x21f: {  	[sflag:s22] =	ssyncset.done $0x0  }
0x220: {  	s16 =	rddreg [dreg:$0x9];
	[sflag:s22] =	ssyncadd.s32 $0xFFFFE000  }
0x221: {  	[tilespmem:s13], [sflag:$0x2] =	stream.linear.gather [hbm4b:s16+s2], $0x2000, $0x38;
	[tilespmem:$0x12800] =	vst v63  }
0x222: {  	_ =	swait.ge [sflag:s10], $0x2000  }
0x223: {  	[sflag:s10] =	ssyncset.done $0x0  }
0x224: {  	[sflag:s10] =	ssyncadd.s32 $0xFFFFE000  }
0x225: {  	v3 =	vld [tilespmem:$0x500];
	_ =	sdelay $0x4  }
0x226: {  	v20 =	vshll.u32 v3, $0x3  }
0x227: {  	v3 =	vand.u32 $0x7, v3;
	v4 =	vand.u32 $0xFFFFFFC0, v20  }
0x228: {  	v3 =	vor.u32 v3, v4  }
0x229: {  	v4 =	vperm.xlane v3, v0;
	_ =	sdelay $0x1  }
0x22a: {  	v4 =	vadd.s32 v1, v4;
	_ =	sdelay $0x3  }
0x22b: {  	s13 =	simm.s32 $0x2800  }
0x22c: {  	[hbm4b:s4+s2] =	stream.indirect_vreg.scatter [tilespmem:s13], [sflag:$0x1], $0x80, v4, vm0, $0xb8;
	[tilespmem:$0x12800] =	vst v63  }
0x22d: {  	s17 =	simm.s32 $0x3000;
	v3 =	vperm.xlane v3, v2  }
0x22e: {  	[hbm4b:s6+s2] =	stream.indirect_vreg.scatter [tilespmem:s17], [sflag:$0x1], $0x80, v4, vm0, $0xb8;
	[tilespmem:$0x12800] =	vst v63  }
0x22f: {  	s30 =	simm.s32 $0x3800;
	v3 =	vadd.s32 v1, v3  }
0x230: {  	[hbm4b:s7+s2] =	stream.indirect_vreg.scatter [tilespmem:s30], [sflag:$0x1], $0x80, v4, vm0, $0xb8;
	[tilespmem:$0x12800] =	vst v63  }
0x231: {  	s16 =	simm.s32 $0x4000  }
0x232: {  	[hbm4b:s8+s2] =	stream.indirect_vreg.scatter [tilespmem:s16], [sflag:$0x1], $0x80, v4, vm0, $0xb8;
	[tilespmem:$0x12800] =	vst v63  }
0x233: {  	s18 =	simm.s32 $0x4800  }
0x234: {  	[hbm4b:s4+s2] =	stream.indirect_vreg.scatter [tilespmem:s18], [sflag:$0x1], $0x80, v3, vm0, $0xb8;
	[tilespmem:$0x12800] =	vst v63  }
0x235: {  	s28 =	simm.s32 $0x5000  }
0x236: {  	[hbm4b:s6+s2] =	stream.indirect_vreg.scatter [tilespmem:s28], [sflag:$0x1], $0x80, v3, vm0, $0xb8;
	[tilespmem:$0x12800] =	vst v63  }
0x237: {  	s19 =	simm.s32 $0x5800  }
0x238: {  	[hbm4b:s7+s2] =	stream.indirect_vreg.scatter [tilespmem:s19], [sflag:$0x1], $0x80, v3, vm0, $0xb8;
	[tilespmem:$0x12800] =	vst v63  }
0x239: {  	s20 =	simm.s32 $0x6000  }
0x23a: {  	[hbm4b:s8+s2] =	stream.indirect_vreg.scatter [tilespmem:s20], [sflag:$0x1], $0x80, v3, vm0, $0xb8;
	[tilespmem:$0x12800] =	vst v63  }
0x23b: {  	v3 =	vld [tilespmem:$0x510];
	_ =	sdelay $0x4  }
0x23c: {  	v21 =	vshll.u32 v3, $0x3  }
0x23d: {  	v3 =	vand.u32 $0x7, v3;
	v4 =	vand.u32 $0xFFFFFFC0, v21  }
0x23e: {  	v3 =	vor.u32 v3, v4  }
0x23f: {  	v4 =	vperm.xlane v3, v0;
	_ =	sdelay $0x1  }
0x240: {  	v4 =	vadd.s32 v1, v4;
	_ =	sdelay $0x3  }
0x241: {  	s18 =	simm.s32 $0x6800  }
0x242: {  	[hbm4b:s4+s2] =	stream.indirect_vreg.scatter [tilespmem:s18], [sflag:$0x1], $0x80, v4, vm0, $0xb8;
	[tilespmem:$0x12800] =	vst v63  }
0x243: {  	s20 =	simm.s32 $0x7000;
	v3 =	vperm.xlane v3, v2  }
0x244: {  	[hbm4b:s6+s2] =	stream.indirect_vreg.scatter [tilespmem:s20], [sflag:$0x1], $0x80, v4, vm0, $0xb8;
	[tilespmem:$0x12800] =	vst v63  }
0x245: {  	s26 =	simm.s32 $0x7800;
	v3 =	vadd.s32 v1, v3  }
0x246: {  	[hbm4b:s7+s2] =	stream.indirect_vreg.scatter [tilespmem:s26], [sflag:$0x1], $0x80, v4, vm0, $0xb8;
	[tilespmem:$0x12800] =	vst v63  }
0x247: {  	s5 =	simm.s32 $0x8000  }
0x248: {  	[hbm4b:s8+s2] =	stream.indirect_vreg.scatter [tilespmem:s5], [sflag:$0x1], $0x80, v4, vm0, $0xb8;
	[tilespmem:$0x12800] =	vst v63  }
0x249: {  	s11 =	simm.s32 $0x8800  }
0x24a: {  	[hbm4b:s4+s2] =	stream.indirect_vreg.scatter [tilespmem:s11], [sflag:$0x1], $0x80, v3, vm0, $0xb8;
	[tilespmem:$0x12800] =	vst v63  }
0x24b: {  	s14 =	simm.s32 $0x9000  }
0x24c: {  	[hbm4b:s6+s2] =	stream.indirect_vreg.scatter [tilespmem:s14], [sflag:$0x1], $0x80, v3, vm0, $0xb8;
	[tilespmem:$0x12800] =	vst v63  }
0x24d: {  	s17 =	simm.s32 $0x9800  }
0x24e: {  	[hbm4b:s7+s2] =	stream.indirect_vreg.scatter [tilespmem:s17], [sflag:$0x1], $0x80, v3, vm0, $0xb8;
	[tilespmem:$0x12800] =	vst v63  }
0x24f: {  	s29 =	simm.s32 $0xA000  }
0x250: {  	[hbm4b:s8+s2] =	stream.indirect_vreg.scatter [tilespmem:s29], [sflag:$0x1], $0x80, v3, vm0, $0xb8;
	[tilespmem:$0x12800] =	vst v63  }
0x251: {  	v3 =	vld [tilespmem:$0x520];
	_ =	sdelay $0x4  }
0x252: {  	v22 =	vshll.u32 v3, $0x3  }
0x253: {  	v3 =	vand.u32 $0x7, v3;
	v4 =	vand.u32 $0xFFFFFFC0, v22  }
0x254: {  	v3 =	vor.u32 v3, v4  }
0x255: {  	v4 =	vperm.xlane v3, v0;
	_ =	sdelay $0x1  }
0x256: {  	v4 =	vadd.s32 v1, v4;
	_ =	sdelay $0x3  }
0x257: {  	s5 =	simm.s32 $0xA800  }
0x258: {  	[hbm4b:s4+s2] =	stream.indirect_vreg.scatter [tilespmem:s5], [sflag:$0x1], $0x80, v4, vm0, $0xb8;
	[tilespmem:$0x12800] =	vst v63  }
0x259: {  	s31 =	simm.s32 $0xB000;
	v3 =	vperm.xlane v3, v2  }
0x25a: {  	[hbm4b:s6+s2] =	stream.indirect_vreg.scatter [tilespmem:s31], [sflag:$0x1], $0x80, v4, vm0, $0xb8;
	[tilespmem:$0x12800] =	vst v63  }
0x25b: {  	s14 =	simm.s32 $0xB800;
	v3 =	vadd.s32 v1, v3  }
0x25c: {  	[hbm4b:s7+s2] =	stream.indirect_vreg.scatter [tilespmem:s14], [sflag:$0x1], $0x80, v4, vm0, $0xb8;
	[tilespmem:$0x12800] =	vst v63  }
0x25d: {  	s15 =	simm.s32 $0xC000  }
0x25e: {  	[hbm4b:s8+s2] =	stream.indirect_vreg.scatter [tilespmem:s15], [sflag:$0x1], $0x80, v4, vm0, $0xb8;
	[tilespmem:$0x12800] =	vst v63  }
0x25f: {  	s9 =	simm.s32 $0xC800  }
0x260: {  	[hbm4b:s4+s2] =	stream.indirect_vreg.scatter [tilespmem:s9], [sflag:$0x1], $0x80, v3, vm0, $0xb8;
	[tilespmem:$0x12800] =	vst v63  }
0x261: {  	s1 =	simm.s32 $0xD000  }
0x262: {  	[hbm4b:s6+s2] =	stream.indirect_vreg.scatter [tilespmem:s1], [sflag:$0x1], $0x80, v3, vm0, $0xb8;
	[tilespmem:$0x12800] =	vst v63  }
0x263: {  	s15 =	simm.s32 $0xD800  }
0x264: {  	[hbm4b:s7+s2] =	stream.indirect_vreg.scatter [tilespmem:s15], [sflag:$0x1], $0x80, v3, vm0, $0xb8;
	[tilespmem:$0x12800] =	vst v63  }
0x265: {  	s19 =	simm.s32 $0xE000  }
0x266: {  	[hbm4b:s8+s2] =	stream.indirect_vreg.scatter [tilespmem:s19], [sflag:$0x1], $0x80, v3, vm0, $0xb8;
	[tilespmem:$0x12800] =	vst v63  }
0x267: {  	v3 =	vld [tilespmem:$0x530];
	_ =	sdelay $0x4  }
0x268: {  	v23 =	vshll.u32 v3, $0x3  }
0x269: {  	v3 =	vand.u32 $0x7, v3;
	v4 =	vand.u32 $0xFFFFFFC0, v23  }
0x26a: {  	v3 =	vor.u32 v3, v4  }
0x26b: {  	v4 =	vperm.xlane v3, v0;
	_ =	sdelay $0x1  }
0x26c: {  	v4 =	vadd.s32 v1, v4;
	_ =	sdelay $0x3  }
0x26d: {  	s11 =	simm.s32 $0xE800  }
0x26e: {  	[hbm4b:s4+s2] =	stream.indirect_vreg.scatter [tilespmem:s11], [sflag:$0x1], $0x80, v4, vm0, $0xb8;
	[tilespmem:$0x12800] =	vst v63  }
0x26f: {  	s3 =	simm.s32 $0xF000;
	v3 =	vperm.xlane v3, v2  }
0x270: {  	[hbm4b:s6+s2] =	stream.indirect_vreg.scatter [tilespmem:s3], [sflag:$0x1], $0x80, v4, vm0, $0xb8;
	[tilespmem:$0x12800] =	vst v63  }
0x271: {  	v3 =	vadd.s32 v1, v3;
	s3 =	simm.s32 $0xF800  }
0x272: {  	[hbm4b:s7+s2] =	stream.indirect_vreg.scatter [tilespmem:s3], [sflag:$0x1], $0x80, v4, vm0, $0xb8;
	[tilespmem:$0x12800] =	vst v63  }
0x273: {  	s23 =	simm.s32 $0x10000  }
0x274: {  	[hbm4b:s8+s2] =	stream.indirect_vreg.scatter [tilespmem:s23], [sflag:$0x1], $0x80, v4, vm0, $0xb8;
	[tilespmem:$0x12800] =	vst v63  }
0x275: {  	s25 =	simm.s32 $0x10800  }
0x276: {  	[hbm4b:s4+s2] =	stream.indirect_vreg.scatter [tilespmem:s25], [sflag:$0x1], $0x80, v3, vm0, $0xb8;
	[tilespmem:$0x12800] =	vst v63  }
0x277: {  	_ = 	snop  }
0x278: {  	[hbm4b:s6+s2] =	stream.indirect_vreg.scatter [tilespmem:s0], [sflag:$0x1], $0x80, v3, vm0, $0xb8;
	[tilespmem:$0x12800] =	vst v63  }
0x279: {  	s9 =	simm.s32 $0x11800  }
0x27a: {  	[hbm4b:s7+s2] =	stream.indirect_vreg.scatter [tilespmem:s9], [sflag:$0x1], $0x80, v3, vm0, $0xb8;
	[tilespmem:$0x12800] =	vst v63  }
0x27b: {  	s21 =	simm.s32 $0x12000  }
0x27c: {  	[hbm4b:s8+s2] =	stream.indirect_vreg.scatter [tilespmem:s21], [sflag:$0x1], $0x80, v3, vm0, $0xb8;
	[tilespmem:$0x12800] =	vst v63  }
0x27d: {  	_ =	swait.ge [sflag:s22], $0x10000  }
0x27e: {  	s26 =	simm.s32 $0x800;
	[sflag:s22] =	ssyncset.done $0x0  }
0x27f: {  	s31 =	simm.s32 $0x40;
	s23 =	rddreg [dreg:$0x19];
	[sflag:s22] =	ssyncadd.s32 $0xFFFF0000  }
0x280: {  	[hbm4b:s12+s31] =	stream.indirect.scatter [tilespmem:s26], [sflag:$0x1], $0x80, s23, s31, $0xb8;
	[tilespmem:$0x12800] =	vst v63  }
0x281: {  	_ =	swait.ge [sflag:s22], $0x2000  }
0x282: {  	[sflag:s22] =	ssyncset.done $0x0  }
0x283: {  	s21 =	rddreg [dreg:$0xa];
	[sflag:s22] =	ssyncadd.s32 $0xFFFFE000  }
0x284: {  	[tilespmem:s26], [sflag:$0x2] =	stream.linear.gather [hbm4b:s21+s2], $0x2000, $0x38;
	[tilespmem:$0x12800] =	vst v63  }
0x285: {  	_ =	swait.ge [sflag:s10], $0x2000  }
0x286: {  	[sflag:s10] =	ssyncset.done $0x0  }
0x287: {  	[sflag:s10] =	ssyncadd.s32 $0xFFFFE000  }
0x288: {  	v3 =	vld [tilespmem:$0x600];
	_ =	sdelay $0x4  }
0x289: {  	v24 =	vshll.u32 v3, $0x3  }
0x28a: {  	v3 =	vand.u32 $0x7, v3;
	v4 =	vand.u32 $0xFFFFFFC0, v24  }
0x28b: {  	v3 =	vor.u32 v3, v4  }
0x28c: {  	v4 =	vperm.xlane v3, v0;
	_ =	sdelay $0x1  }
0x28d: {  	v4 =	vadd.s32 v1, v4;
	_ =	sdelay $0x4  }
0x28e: {  	[hbm4b:s4+s2] =	stream.indirect_vreg.scatter [tilespmem:s13], [sflag:$0x1], $0x80, v4, vm0, $0xb8;
	[tilespmem:$0x12800] =	vst v63  }
0x28f: {  	s23 =	simm.s32 $0x3000;
	v3 =	vperm.xlane v3, v2  }
0x290: {  	[hbm4b:s6+s2] =	stream.indirect_vreg.scatter [tilespmem:s23], [sflag:$0x1], $0x80, v4, vm0, $0xb8;
	[tilespmem:$0x12800] =	vst v63  }
0x291: {  	v3 =	vadd.s32 v1, v3  }
0x292: {  	[hbm4b:s7+s2] =	stream.indirect_vreg.scatter [tilespmem:s30], [sflag:$0x1], $0x80, v4, vm0, $0xb8;
	[tilespmem:$0x12800] =	vst v63  }
0x293: {  	_ = 	snop  }
0x294: {  	[hbm4b:s8+s2] =	stream.indirect_vreg.scatter [tilespmem:s16], [sflag:$0x1], $0x80, v4, vm0, $0xb8;
	[tilespmem:$0x12800] =	vst v63  }
0x295: {  	s24 =	simm.s32 $0x4800  }
0x296: {  	[hbm4b:s4+s2] =	stream.indirect_vreg.scatter [tilespmem:s24], [sflag:$0x1], $0x80, v3, vm0, $0xb8;
	[tilespmem:$0x12800] =	vst v63  }
0x297: {  	s30 =	simm.s32 $0x5000  }
0x298: {  	[hbm4b:s6+s2] =	stream.indirect_vreg.scatter [tilespmem:s30], [sflag:$0x1], $0x80, v3, vm0, $0xb8;
	[tilespmem:$0x12800] =	vst v63  }
0x299: {  	s13 =	simm.s32 $0x5800  }
0x29a: {  	[hbm4b:s7+s2] =	stream.indirect_vreg.scatter [tilespmem:s13], [sflag:$0x1], $0x80, v3, vm0, $0xb8;
	[tilespmem:$0x12800] =	vst v63  }
0x29b: {  	s16 =	simm.s32 $0x6000  }
0x29c: {  	[hbm4b:s8+s2] =	stream.indirect_vreg.scatter [tilespmem:s16], [sflag:$0x1], $0x80, v3, vm0, $0xb8;
	[tilespmem:$0x12800] =	vst v63  }
0x29d: {  	v3 =	vld [tilespmem:$0x610];
	_ =	sdelay $0x4  }
0x29e: {  	v25 =	vshll.u32 v3, $0x3  }
0x29f: {  	v3 =	vand.u32 $0x7, v3;
	v4 =	vand.u32 $0xFFFFFFC0, v25  }
0x2a0: {  	v3 =	vor.u32 v3, v4  }
0x2a1: {  	v4 =	vperm.xlane v3, v0;
	_ =	sdelay $0x1  }
0x2a2: {  	v4 =	vadd.s32 v1, v4;
	_ =	sdelay $0x4  }
0x2a3: {  	[hbm4b:s4+s2] =	stream.indirect_vreg.scatter [tilespmem:s18], [sflag:$0x1], $0x80, v4, vm0, $0xb8;
	[tilespmem:$0x12800] =	vst v63  }
0x2a4: {  	v3 =	vperm.xlane v3, v2  }
0x2a5: {  	[hbm4b:s6+s2] =	stream.indirect_vreg.scatter [tilespmem:s20], [sflag:$0x1], $0x80, v4, vm0, $0xb8;
	[tilespmem:$0x12800] =	vst v63  }
0x2a6: {  	v3 =	vadd.s32 v1, v3;
	s18 =	simm.s32 $0x7800  }
0x2a7: {  	[hbm4b:s7+s2] =	stream.indirect_vreg.scatter [tilespmem:s18], [sflag:$0x1], $0x80, v4, vm0, $0xb8;
	[tilespmem:$0x12800] =	vst v63  }
0x2a8: {  	s20 =	simm.s32 $0x8000  }
0x2a9: {  	[hbm4b:s8+s2] =	stream.indirect_vreg.scatter [tilespmem:s20], [sflag:$0x1], $0x80, v4, vm0, $0xb8;
	[tilespmem:$0x12800] =	vst v63  }
0x2aa: {  	s24 =	simm.s32 $0x8800  }
0x2ab: {  	[hbm4b:s4+s2] =	stream.indirect_vreg.scatter [tilespmem:s24], [sflag:$0x1], $0x80, v3, vm0, $0xb8;
	[tilespmem:$0x12800] =	vst v63  }
0x2ac: {  	s30 =	simm.s32 $0x9000  }
0x2ad: {  	[hbm4b:s6+s2] =	stream.indirect_vreg.scatter [tilespmem:s30], [sflag:$0x1], $0x80, v3, vm0, $0xb8;
	[tilespmem:$0x12800] =	vst v63  }
0x2ae: {  	_ = 	snop  }
0x2af: {  	[hbm4b:s7+s2] =	stream.indirect_vreg.scatter [tilespmem:s17], [sflag:$0x1], $0x80, v3, vm0, $0xb8;
	[tilespmem:$0x12800] =	vst v63  }
0x2b0: {  	_ = 	snop  }
0x2b1: {  	[hbm4b:s8+s2] =	stream.indirect_vreg.scatter [tilespmem:s29], [sflag:$0x1], $0x80, v3, vm0, $0xb8;
	[tilespmem:$0x12800] =	vst v63  }
0x2b2: {  	v3 =	vld [tilespmem:$0x620];
	_ =	sdelay $0x4  }
0x2b3: {  	v26 =	vshll.u32 v3, $0x3  }
0x2b4: {  	v3 =	vand.u32 $0x7, v3;
	v4 =	vand.u32 $0xFFFFFFC0, v26  }
0x2b5: {  	v3 =	vor.u32 v3, v4  }
0x2b6: {  	v4 =	vperm.xlane v3, v0;
	_ =	sdelay $0x1  }
0x2b7: {  	v4 =	vadd.s32 v1, v4;
	_ =	sdelay $0x4  }
0x2b8: {  	[hbm4b:s4+s2] =	stream.indirect_vreg.scatter [tilespmem:s5], [sflag:$0x1], $0x80, v4, vm0, $0xb8;
	[tilespmem:$0x12800] =	vst v63  }
0x2b9: {  	v3 =	vperm.xlane v3, v2;
	s5 =	simm.s32 $0xB000  }
0x2ba: {  	[hbm4b:s6+s2] =	stream.indirect_vreg.scatter [tilespmem:s5], [sflag:$0x1], $0x80, v4, vm0, $0xb8;
	[tilespmem:$0x12800] =	vst v63  }
0x2bb: {  	v3 =	vadd.s32 v1, v3  }
0x2bc: {  	[hbm4b:s7+s2] =	stream.indirect_vreg.scatter [tilespmem:s14], [sflag:$0x1], $0x80, v4, vm0, $0xb8;
	[tilespmem:$0x12800] =	vst v63  }
0x2bd: {  	s13 =	simm.s32 $0xC000  }
0x2be: {  	[hbm4b:s8+s2] =	stream.indirect_vreg.scatter [tilespmem:s13], [sflag:$0x1], $0x80, v4, vm0, $0xb8;
	[tilespmem:$0x12800] =	vst v63  }
0x2bf: {  	s16 =	simm.s32 $0xC800  }
0x2c0: {  	[hbm4b:s4+s2] =	stream.indirect_vreg.scatter [tilespmem:s16], [sflag:$0x1], $0x80, v3, vm0, $0xb8;
	[tilespmem:$0x12800] =	vst v63  }
0x2c1: {  	_ = 	snop  }
0x2c2: {  	[hbm4b:s6+s2] =	stream.indirect_vreg.scatter [tilespmem:s1], [sflag:$0x1], $0x80, v3, vm0, $0xb8;
	[tilespmem:$0x12800] =	vst v63  }
0x2c3: {  	_ = 	snop  }
0x2c4: {  	[hbm4b:s7+s2] =	stream.indirect_vreg.scatter [tilespmem:s15], [sflag:$0x1], $0x80, v3, vm0, $0xb8;
	[tilespmem:$0x12800] =	vst v63  }
0x2c5: {  	_ = 	snop  }
0x2c6: {  	[hbm4b:s8+s2] =	stream.indirect_vreg.scatter [tilespmem:s19], [sflag:$0x1], $0x80, v3, vm0, $0xb8;
	[tilespmem:$0x12800] =	vst v63  }
0x2c7: {  	v3 =	vld [tilespmem:$0x630];
	_ =	sdelay $0x4  }
0x2c8: {  	v27 =	vshll.u32 v3, $0x3  }
0x2c9: {  	v3 =	vand.u32 $0x7, v3;
	v4 =	vand.u32 $0xFFFFFFC0, v27  }
0x2ca: {  	v3 =	vor.u32 v3, v4  }
0x2cb: {  	v4 =	vperm.xlane v3, v0;
	_ =	sdelay $0x1  }
0x2cc: {  	v4 =	vadd.s32 v1, v4;
	_ =	sdelay $0x4  }
0x2cd: {  	[hbm4b:s4+s2] =	stream.indirect_vreg.scatter [tilespmem:s11], [sflag:$0x1], $0x80, v4, vm0, $0xb8;
	[tilespmem:$0x12800] =	vst v63  }
0x2ce: {  	s28 =	simm.s32 $0xF000;
	v3 =	vperm.xlane v3, v2  }
0x2cf: {  	[hbm4b:s6+s2] =	stream.indirect_vreg.scatter [tilespmem:s28], [sflag:$0x1], $0x80, v4, vm0, $0xb8;
	[tilespmem:$0x12800] =	vst v63  }
0x2d0: {  	v3 =	vadd.s32 v1, v3  }
0x2d1: {  	[hbm4b:s7+s2] =	stream.indirect_vreg.scatter [tilespmem:s3], [sflag:$0x1], $0x80, v4, vm0, $0xb8;
	[tilespmem:$0x12800] =	vst v63  }
0x2d2: {  	s18 =	simm.s32 $0x10000  }
0x2d3: {  	[hbm4b:s8+s2] =	stream.indirect_vreg.scatter [tilespmem:s18], [sflag:$0x1], $0x80, v4, vm0, $0xb8;
	[tilespmem:$0x12800] =	vst v63  }
0x2d4: {  	s24 =	simm.s32 $0x10800  }
0x2d5: {  	[hbm4b:s4+s2] =	stream.indirect_vreg.scatter [tilespmem:s24], [sflag:$0x1], $0x80, v3, vm0, $0xb8;
	[tilespmem:$0x12800] =	vst v63  }
0x2d6: {  	s25 =	simm.s32 $0x11000  }
0x2d7: {  	[hbm4b:s6+s2] =	stream.indirect_vreg.scatter [tilespmem:s25], [sflag:$0x1], $0x80, v3, vm0, $0xb8;
	[tilespmem:$0x12800] =	vst v63  }
0x2d8: {  	_ = 	snop  }
0x2d9: {  	[hbm4b:s7+s2] =	stream.indirect_vreg.scatter [tilespmem:s9], [sflag:$0x1], $0x80, v3, vm0, $0xb8;
	[tilespmem:$0x12800] =	vst v63  }
0x2da: {  	s25 =	simm.s32 $0x12000  }
0x2db: {  	[hbm4b:s8+s2] =	stream.indirect_vreg.scatter [tilespmem:s25], [sflag:$0x1], $0x80, v3, vm0, $0xb8;
	[tilespmem:$0x12800] =	vst v63  }
0x2dc: {  	_ =	swait.ge [sflag:s22], $0x10000  }
0x2dd: {  	s5 =	simm.s32 $0x40;
	[sflag:s22] =	ssyncset.done $0x0  }
0x2de: {  	s3 =	simm.s32 $0x800;
	s1 =	rddreg [dreg:$0x1a];
	[sflag:s22] =	ssyncadd.s32 $0xFFFF0000  }
0x2df: {  	[hbm4b:s12+s5] =	stream.indirect.scatter [tilespmem:s3], [sflag:$0x1], $0x80, s1, s5, $0xb8;
	[tilespmem:$0x12800] =	vst v63  }
0x2e0: {  	_ =	swait.ge [sflag:s22], $0x2000  }
0x2e1: {  	[sflag:s22] =	ssyncset.done $0x0  }
0x2e2: {  	s9 =	rddreg [dreg:$0xb];
	[sflag:s22] =	ssyncadd.s32 $0xFFFFE000  }
0x2e3: {  	[tilespmem:s3], [sflag:$0x2] =	stream.linear.gather [hbm4b:s9+s2], $0x2000, $0x38;
	[tilespmem:$0x12800] =	vst v63  }
0x2e4: {  	_ =	swait.ge [sflag:s10], $0x2000  }
0x2e5: {  	[sflag:s10] =	ssyncset.done $0x0  }
0x2e6: {  	[sflag:s10] =	ssyncadd.s32 $0xFFFFE000  }
0x2e7: {  	v3 =	vld [tilespmem:$0x700];
	_ =	sdelay $0x4  }
0x2e8: {  	v28 =	vshll.u32 v3, $0x3  }
0x2e9: {  	v3 =	vand.u32 $0x7, v3;
	v4 =	vand.u32 $0xFFFFFFC0, v28  }
0x2ea: {  	v3 =	vor.u32 v3, v4  }
0x2eb: {  	v4 =	vperm.xlane v3, v0;
	_ =	sdelay $0x1  }
0x2ec: {  	v4 =	vadd.s32 v1, v4;
	_ =	sdelay $0x3  }
0x2ed: {  	s21 =	simm.s32 $0x2800  }
0x2ee: {  	[hbm4b:s4+s2] =	stream.indirect_vreg.scatter [tilespmem:s21], [sflag:$0x1], $0x80, v4, vm0, $0xb8;
	[tilespmem:$0x12800] =	vst v63  }
0x2ef: {  	s9 =	simm.s32 $0x3000;
	v3 =	vperm.xlane v3, v2  }
0x2f0: {  	[hbm4b:s6+s2] =	stream.indirect_vreg.scatter [tilespmem:s9], [sflag:$0x1], $0x80, v4, vm0, $0xb8;
	[tilespmem:$0x12800] =	vst v63  }
0x2f1: {  	s31 =	simm.s32 $0x3800;
	v3 =	vadd.s32 v1, v3  }
0x2f2: {  	[hbm4b:s7+s2] =	stream.indirect_vreg.scatter [tilespmem:s31], [sflag:$0x1], $0x80, v4, vm0, $0xb8;
	[tilespmem:$0x12800] =	vst v63  }
0x2f3: {  	s26 =	simm.s32 $0x4000  }
0x2f4: {  	[hbm4b:s8+s2] =	stream.indirect_vreg.scatter [tilespmem:s26], [sflag:$0x1], $0x80, v4, vm0, $0xb8;
	[tilespmem:$0x12800] =	vst v63  }
0x2f5: {  	s0 =	simm.s32 $0x4800  }
0x2f6: {  	[hbm4b:s4+s2] =	stream.indirect_vreg.scatter [tilespmem:s0], [sflag:$0x1], $0x80, v3, vm0, $0xb8;
	[tilespmem:$0x12800] =	vst v63  }
0x2f7: {  	s1 =	simm.s32 $0x5000  }
0x2f8: {  	[hbm4b:s6+s2] =	stream.indirect_vreg.scatter [tilespmem:s1], [sflag:$0x1], $0x80, v3, vm0, $0xb8;
	[tilespmem:$0x12800] =	vst v63  }
0x2f9: {  	s3 =	simm.s32 $0x5800  }
0x2fa: {  	[hbm4b:s7+s2] =	stream.indirect_vreg.scatter [tilespmem:s3], [sflag:$0x1], $0x80, v3, vm0, $0xb8;
	[tilespmem:$0x12800] =	vst v63  }
0x2fb: {  	s5 =	simm.s32 $0x6000  }
0x2fc: {  	[hbm4b:s8+s2] =	stream.indirect_vreg.scatter [tilespmem:s5], [sflag:$0x1], $0x80, v3, vm0, $0xb8;
	[tilespmem:$0x12800] =	vst v63  }
0x2fd: {  	v3 =	vld [tilespmem:$0x710];
	_ =	sdelay $0x4  }
0x2fe: {  	v29 =	vshll.u32 v3, $0x3  }
0x2ff: {  	v3 =	vand.u32 $0x7, v3;
	v4 =	vand.u32 $0xFFFFFFC0, v29  }
0x300: {  	v3 =	vor.u32 v3, v4  }
0x301: {  	v4 =	vperm.xlane v3, v0;
	_ =	sdelay $0x1  }
0x302: {  	v4 =	vadd.s32 v1, v4;
	_ =	sdelay $0x3  }
0x303: {  	s31 =	simm.s32 $0x6800  }
0x304: {  	[hbm4b:s4+s2] =	stream.indirect_vreg.scatter [tilespmem:s31], [sflag:$0x1], $0x80, v4, vm0, $0xb8;
	[tilespmem:$0x12800] =	vst v63  }
0x305: {  	s23 =	simm.s32 $0x7000;
	v3 =	vperm.xlane v3, v2  }
0x306: {  	[hbm4b:s6+s2] =	stream.indirect_vreg.scatter [tilespmem:s23], [sflag:$0x1], $0x80, v4, vm0, $0xb8;
	[tilespmem:$0x12800] =	vst v63  }
0x307: {  	s26 =	simm.s32 $0x7800;
	v3 =	vadd.s32 v1, v3  }
0x308: {  	[hbm4b:s7+s2] =	stream.indirect_vreg.scatter [tilespmem:s26], [sflag:$0x1], $0x80, v4, vm0, $0xb8;
	[tilespmem:$0x12800] =	vst v63  }
0x309: {  	s31 =	simm.s32 $0x8000  }
0x30a: {  	[hbm4b:s8+s2] =	stream.indirect_vreg.scatter [tilespmem:s31], [sflag:$0x1], $0x80, v4, vm0, $0xb8;
	[tilespmem:$0x12800] =	vst v63  }
0x30b: {  	s24 =	simm.s32 $0x8800  }
0x30c: {  	[hbm4b:s4+s2] =	stream.indirect_vreg.scatter [tilespmem:s24], [sflag:$0x1], $0x80, v3, vm0, $0xb8;
	[tilespmem:$0x12800] =	vst v63  }
0x30d: {  	s26 =	simm.s32 $0x9000  }
0x30e: {  	[hbm4b:s6+s2] =	stream.indirect_vreg.scatter [tilespmem:s26], [sflag:$0x1], $0x80, v3, vm0, $0xb8;
	[tilespmem:$0x12800] =	vst v63  }
0x30f: {  	s20 =	simm.s32 $0x9800  }
0x310: {  	[hbm4b:s7+s2] =	stream.indirect_vreg.scatter [tilespmem:s20], [sflag:$0x1], $0x80, v3, vm0, $0xb8;
	[tilespmem:$0x12800] =	vst v63  }
0x311: {  	s30 =	simm.s32 $0xA000  }
0x312: {  	[hbm4b:s8+s2] =	stream.indirect_vreg.scatter [tilespmem:s30], [sflag:$0x1], $0x80, v3, vm0, $0xb8;
	[tilespmem:$0x12800] =	vst v63  }
0x313: {  	v3 =	vld [tilespmem:$0x720];
	_ =	sdelay $0x4  }
0x314: {  	v30 =	vshll.u32 v3, $0x3  }
0x315: {  	v3 =	vand.u32 $0x7, v3;
	v4 =	vand.u32 $0xFFFFFFC0, v30  }
0x316: {  	v3 =	vor.u32 v3, v4  }
0x317: {  	v4 =	vperm.xlane v3, v0;
	_ =	sdelay $0x1  }
0x318: {  	v4 =	vadd.s32 v1, v4;
	_ =	sdelay $0x3  }
0x319: {  	s17 =	simm.s32 $0xA800  }
0x31a: {  	[hbm4b:s4+s2] =	stream.indirect_vreg.scatter [tilespmem:s17], [sflag:$0x1], $0x80, v4, vm0, $0xb8;
	[tilespmem:$0x12800] =	vst v63  }
0x31b: {  	s30 =	simm.s32 $0xB000;
	v3 =	vperm.xlane v3, v2  }
0x31c: {  	[hbm4b:s6+s2] =	stream.indirect_vreg.scatter [tilespmem:s30], [sflag:$0x1], $0x80, v4, vm0, $0xb8;
	[tilespmem:$0x12800] =	vst v63  }
0x31d: {  	s14 =	simm.s32 $0xB800;
	v3 =	vadd.s32 v1, v3  }
0x31e: {  	[hbm4b:s7+s2] =	stream.indirect_vreg.scatter [tilespmem:s14], [sflag:$0x1], $0x80, v4, vm0, $0xb8;
	[tilespmem:$0x12800] =	vst v63  }
0x31f: {  	s31 =	simm.s32 $0xC000  }
0x320: {  	[hbm4b:s8+s2] =	stream.indirect_vreg.scatter [tilespmem:s31], [sflag:$0x1], $0x80, v4, vm0, $0xb8;
	[tilespmem:$0x12800] =	vst v63  }
0x321: {  	s17 =	simm.s32 $0xC800  }
0x322: {  	[hbm4b:s4+s2] =	stream.indirect_vreg.scatter [tilespmem:s17], [sflag:$0x1], $0x80, v3, vm0, $0xb8;
	[tilespmem:$0x12800] =	vst v63  }
0x323: {  	s29 =	simm.s32 $0xD000  }
0x324: {  	[hbm4b:s6+s2] =	stream.indirect_vreg.scatter [tilespmem:s29], [sflag:$0x1], $0x80, v3, vm0, $0xb8;
	[tilespmem:$0x12800] =	vst v63  }
0x325: {  	s15 =	simm.s32 $0xD800  }
0x326: {  	[hbm4b:s7+s2] =	stream.indirect_vreg.scatter [tilespmem:s15], [sflag:$0x1], $0x80, v3, vm0, $0xb8;
	[tilespmem:$0x12800] =	vst v63  }
0x327: {  	s20 =	simm.s32 $0xE000  }
0x328: {  	[hbm4b:s8+s2] =	stream.indirect_vreg.scatter [tilespmem:s20], [sflag:$0x1], $0x80, v3, vm0, $0xb8;
	[tilespmem:$0x12800] =	vst v63  }
0x329: {  	v3 =	vld [tilespmem:$0x730];
	_ =	sdelay $0x4  }
0x32a: {  	v31 =	vshll.u32 v3, $0x3  }
0x32b: {  	v3 =	vand.u32 $0x7, v3;
	v4 =	vand.u32 $0xFFFFFFC0, v31  }
0x32c: {  	v3 =	vor.u32 v3, v4  }
0x32d: {  	v4 =	vperm.xlane v3, v0;
	_ =	sdelay $0x1  }
0x32e: {  	v4 =	vadd.s32 v1, v4;
	_ =	sdelay $0x3  }
0x32f: {  	s13 =	simm.s32 $0xE800  }
0x330: {  	[hbm4b:s4+s2] =	stream.indirect_vreg.scatter [tilespmem:s13], [sflag:$0x1], $0x80, v4, vm0, $0xb8;
	[tilespmem:$0x12800] =	vst v63  }
0x331: {  	s19 =	simm.s32 $0xF000;
	v3 =	vperm.xlane v3, v2  }
0x332: {  	[hbm4b:s6+s2] =	stream.indirect_vreg.scatter [tilespmem:s19], [sflag:$0x1], $0x80, v4, vm0, $0xb8;
	[tilespmem:$0x12800] =	vst v63  }
0x333: {  	s11 =	simm.s32 $0xF800;
	v3 =	vadd.s32 v1, v3  }
0x334: {  	[hbm4b:s7+s2] =	stream.indirect_vreg.scatter [tilespmem:s11], [sflag:$0x1], $0x80, v4, vm0, $0xb8;
	[tilespmem:$0x12800] =	vst v63  }
0x335: {  	s23 =	simm.s32 $0x10000  }
0x336: {  	[hbm4b:s8+s2] =	stream.indirect_vreg.scatter [tilespmem:s23], [sflag:$0x1], $0x80, v4, vm0, $0xb8;
	[tilespmem:$0x12800] =	vst v63  }
0x337: {  	s24 =	simm.s32 $0x10800  }
0x338: {  	[hbm4b:s4+s2] =	stream.indirect_vreg.scatter [tilespmem:s24], [sflag:$0x1], $0x80, v3, vm0, $0xb8;
	[tilespmem:$0x12800] =	vst v63  }
0x339: {  	s16 =	simm.s32 $0x11000  }
0x33a: {  	[hbm4b:s6+s2] =	stream.indirect_vreg.scatter [tilespmem:s16], [sflag:$0x1], $0x80, v3, vm0, $0xb8;
	[tilespmem:$0x12800] =	vst v63  }
0x33b: {  	s28 =	simm.s32 $0x11800  }
0x33c: {  	[hbm4b:s7+s2] =	stream.indirect_vreg.scatter [tilespmem:s28], [sflag:$0x1], $0x80, v3, vm0, $0xb8;
	[tilespmem:$0x12800] =	vst v63  }
0x33d: {  	s18 =	simm.s32 $0x12000  }
0x33e: {  	[hbm4b:s8+s2] =	stream.indirect_vreg.scatter [tilespmem:s18], [sflag:$0x1], $0x80, v3, vm0, $0xb8;
	[tilespmem:$0x12800] =	vst v63  }
0x33f: {  	_ =	swait.ge [sflag:s22], $0x10000  }
0x340: {  	s25 =	simm.s32 $0x40;
	[sflag:s22] =	ssyncset.done $0x0  }
0x341: {  	s28 =	simm.s32 $0x800;
	s26 =	rddreg [dreg:$0x1b];
	[sflag:s22] =	ssyncadd.s32 $0xFFFF0000  }
0x342: {  	[hbm4b:s12+s25] =	stream.indirect.scatter [tilespmem:s28], [sflag:$0x1], $0x80, s26, s25, $0xb8;
	[tilespmem:$0x12800] =	vst v63  }
0x343: {  	_ =	swait.ge [sflag:s22], $0x2000  }
0x344: {  	[sflag:s22] =	ssyncset.done $0x0  }
0x345: {  	s30 =	simm.s32 $0x2800;
	s29 =	rddreg [dreg:$0xc];
	[sflag:s22] =	ssyncadd.s32 $0xFFFFE000  }
0x346: {  	[tilespmem:s30], [sflag:$0x2] =	stream.linear.gather [hbm4b:s29+s2], $0x10000, $0x38;
	[tilespmem:$0x12800] =	vst v63  }
0x347: {  	_ =	swait.ge [sflag:s10], $0x10000  }
0x348: {  	[sflag:s10] =	ssyncset.done $0x0  }
0x349: {  	s31 =	rddreg [dreg:$0xd];
	[sflag:s10] =	ssyncadd.s32 $0xFFFF0000  }
0x34a: {  	[tilespmem:s28], [sflag:$0x2] =	stream.linear.gather [hbm4b:s31+s2], $0x2000, $0x38;
	[tilespmem:$0x12800] =	vst v63  }
0x34b: {  	_ =	swait.ge [sflag:s10], $0x2000  }
0x34c: {  	[sflag:s10] =	ssyncset.done $0x0  }
0x34d: {  	[sflag:s10] =	ssyncadd.s32 $0xFFFFE000  }
0x34e: {  	v3 =	vld [tilespmem:$0x80];
	_ =	sdelay $0x4  }
0x34f: {  	v32 =	vshll.u32 v3, $0x3  }
0x350: {  	v3 =	vand.u32 $0x7, v3;
	v4 =	vand.u32 $0xFFFFFFC0, v32  }
0x351: {  	v3 =	vor.u32 v3, v4  }
0x352: {  	v4 =	vperm.xlane v3, v0;
	_ =	sdelay $0x1  }
0x353: {  	v4 =	vadd.s32 v1, v4;
	_ =	sdelay $0x4  }
0x354: {  	[hbm4b:s4+s2] =	stream.indirect_vreg.scatter [tilespmem:s30], [sflag:$0x1], $0x80, v4, vm0, $0xb8;
	[tilespmem:$0x12800] =	vst v63  }
0x355: {  	v3 =	vperm.xlane v3, v2  }
0x356: {  	[hbm4b:s6+s2] =	stream.indirect_vreg.scatter [tilespmem:s9], [sflag:$0x1], $0x80, v4, vm0, $0xb8;
	[tilespmem:$0x12800] =	vst v63  }
0x357: {  	s28 =	simm.s32 $0x3800;
	v3 =	vadd.s32 v1, v3  }
0x358: {  	[hbm4b:s7+s2] =	stream.indirect_vreg.scatter [tilespmem:s28], [sflag:$0x1], $0x80, v4, vm0, $0xb8;
	[tilespmem:$0x12800] =	vst v63  }
0x359: {  	s21 =	simm.s32 $0x4000  }
0x35a: {  	[hbm4b:s8+s2] =	stream.indirect_vreg.scatter [tilespmem:s21], [sflag:$0x1], $0x80, v4, vm0, $0xb8;
	[tilespmem:$0x12800] =	vst v63  }
0x35b: {  	_ = 	snop  }
0x35c: {  	[hbm4b:s4+s2] =	stream.indirect_vreg.scatter [tilespmem:s0], [sflag:$0x1], $0x80, v3, vm0, $0xb8;
	[tilespmem:$0x12800] =	vst v63  }
0x35d: {  	_ = 	snop  }
0x35e: {  	[hbm4b:s6+s2] =	stream.indirect_vreg.scatter [tilespmem:s1], [sflag:$0x1], $0x80, v3, vm0, $0xb8;
	[tilespmem:$0x12800] =	vst v63  }
0x35f: {  	_ = 	snop  }
0x360: {  	[hbm4b:s7+s2] =	stream.indirect_vreg.scatter [tilespmem:s3], [sflag:$0x1], $0x80, v3, vm0, $0xb8;
	[tilespmem:$0x12800] =	vst v63  }
0x361: {  	_ = 	snop  }
0x362: {  	[hbm4b:s8+s2] =	stream.indirect_vreg.scatter [tilespmem:s5], [sflag:$0x1], $0x80, v3, vm0, $0xb8;
	[tilespmem:$0x12800] =	vst v63  }
0x363: {  	v3 =	vld [tilespmem:$0x90];
	_ =	sdelay $0x4  }
0x364: {  	v33 =	vshll.u32 v3, $0x3  }
0x365: {  	v3 =	vand.u32 $0x7, v3;
	v4 =	vand.u32 $0xFFFFFFC0, v33  }
0x366: {  	v3 =	vor.u32 v3, v4  }
0x367: {  	v4 =	vperm.xlane v3, v0;
	_ =	sdelay $0x1  }
0x368: {  	v4 =	vadd.s32 v1, v4;
	_ =	sdelay $0x3  }
0x369: {  	s29 =	simm.s32 $0x6800  }
0x36a: {  	[hbm4b:s4+s2] =	stream.indirect_vreg.scatter [tilespmem:s29], [sflag:$0x1], $0x80, v4, vm0, $0xb8;
	[tilespmem:$0x12800] =	vst v63  }
0x36b: {  	s16 =	simm.s32 $0x7000;
	v3 =	vperm.xlane v3, v2  }
0x36c: {  	[hbm4b:s6+s2] =	stream.indirect_vreg.scatter [tilespmem:s16], [sflag:$0x1], $0x80, v4, vm0, $0xb8;
	[tilespmem:$0x12800] =	vst v63  }
0x36d: {  	s26 =	simm.s32 $0x7800;
	v3 =	vadd.s32 v1, v3  }
0x36e: {  	[hbm4b:s7+s2] =	stream.indirect_vreg.scatter [tilespmem:s26], [sflag:$0x1], $0x80, v4, vm0, $0xb8;
	[tilespmem:$0x12800] =	vst v63  }
0x36f: {  	s1 =	simm.s32 $0x8000  }
0x370: {  	[hbm4b:s8+s2] =	stream.indirect_vreg.scatter [tilespmem:s1], [sflag:$0x1], $0x80, v4, vm0, $0xb8;
	[tilespmem:$0x12800] =	vst v63  }
0x371: {  	s3 =	simm.s32 $0x8800  }
0x372: {  	[hbm4b:s4+s2] =	stream.indirect_vreg.scatter [tilespmem:s3], [sflag:$0x1], $0x80, v3, vm0, $0xb8;
	[tilespmem:$0x12800] =	vst v63  }
0x373: {  	s5 =	simm.s32 $0x9000  }
0x374: {  	[hbm4b:s6+s2] =	stream.indirect_vreg.scatter [tilespmem:s5], [sflag:$0x1], $0x80, v3, vm0, $0xb8;
	[tilespmem:$0x12800] =	vst v63  }
0x375: {  	s9 =	simm.s32 $0x9800  }
0x376: {  	[hbm4b:s7+s2] =	stream.indirect_vreg.scatter [tilespmem:s9], [sflag:$0x1], $0x80, v3, vm0, $0xb8;
	[tilespmem:$0x12800] =	vst v63  }
0x377: {  	s31 =	simm.s32 $0xA000  }
0x378: {  	[hbm4b:s8+s2] =	stream.indirect_vreg.scatter [tilespmem:s31], [sflag:$0x1], $0x80, v3, vm0, $0xb8;
	[tilespmem:$0x12800] =	vst v63  }
0x379: {  	v3 =	vld [tilespmem:$0xA0];
	_ =	sdelay $0x4  }
0x37a: {  	v34 =	vshll.u32 v3, $0x3  }
0x37b: {  	v3 =	vand.u32 $0x7, v3;
	v4 =	vand.u32 $0xFFFFFFC0, v34  }
0x37c: {  	v3 =	vor.u32 v3, v4  }
0x37d: {  	v4 =	vperm.xlane v3, v0;
	_ =	sdelay $0x1  }
0x37e: {  	v4 =	vadd.s32 v1, v4;
	_ =	sdelay $0x3  }
0x37f: {  	s14 =	simm.s32 $0xA800  }
0x380: {  	[hbm4b:s4+s2] =	stream.indirect_vreg.scatter [tilespmem:s14], [sflag:$0x1], $0x80, v4, vm0, $0xb8;
	[tilespmem:$0x12800] =	vst v63  }
0x381: {  	s30 =	simm.s32 $0xB000;
	v3 =	vperm.xlane v3, v2  }
0x382: {  	[hbm4b:s6+s2] =	stream.indirect_vreg.scatter [tilespmem:s30], [sflag:$0x1], $0x80, v4, vm0, $0xb8;
	[tilespmem:$0x12800] =	vst v63  }
0x383: {  	s11 =	simm.s32 $0xB800;
	v3 =	vadd.s32 v1, v3  }
0x384: {  	[hbm4b:s7+s2] =	stream.indirect_vreg.scatter [tilespmem:s11], [sflag:$0x1], $0x80, v4, vm0, $0xb8;
	[tilespmem:$0x12800] =	vst v63  }
0x385: {  	s17 =	simm.s32 $0xC000  }
0x386: {  	[hbm4b:s8+s2] =	stream.indirect_vreg.scatter [tilespmem:s17], [sflag:$0x1], $0x80, v4, vm0, $0xb8;
	[tilespmem:$0x12800] =	vst v63  }
0x387: {  	s20 =	simm.s32 $0xC800  }
0x388: {  	[hbm4b:s4+s2] =	stream.indirect_vreg.scatter [tilespmem:s20], [sflag:$0x1], $0x80, v3, vm0, $0xb8;
	[tilespmem:$0x12800] =	vst v63  }
0x389: {  	s21 =	simm.s32 $0xD000  }
0x38a: {  	[hbm4b:s6+s2] =	stream.indirect_vreg.scatter [tilespmem:s21], [sflag:$0x1], $0x80, v3, vm0, $0xb8;
	[tilespmem:$0x12800] =	vst v63  }
0x38b: {  	s25 =	simm.s32 $0xD800  }
0x38c: {  	[hbm4b:s7+s2] =	stream.indirect_vreg.scatter [tilespmem:s25], [sflag:$0x1], $0x80, v3, vm0, $0xb8;
	[tilespmem:$0x12800] =	vst v63  }
0x38d: {  	s19 =	simm.s32 $0xE000  }
0x38e: {  	[hbm4b:s8+s2] =	stream.indirect_vreg.scatter [tilespmem:s19], [sflag:$0x1], $0x80, v3, vm0, $0xb8;
	[tilespmem:$0x12800] =	vst v63  }
0x38f: {  	v3 =	vld [tilespmem:$0xB0];
	_ =	sdelay $0x4  }
0x390: {  	v35 =	vshll.u32 v3, $0x3  }
0x391: {  	v3 =	vand.u32 $0x7, v3;
	v4 =	vand.u32 $0xFFFFFFC0, v35  }
0x392: {  	v3 =	vor.u32 v3, v4  }
0x393: {  	v4 =	vperm.xlane v3, v0;
	_ =	sdelay $0x1  }
0x394: {  	v4 =	vadd.s32 v1, v4;
	_ =	sdelay $0x3  }
0x395: {  	s15 =	simm.s32 $0xE800  }
0x396: {  	[hbm4b:s4+s2] =	stream.indirect_vreg.scatter [tilespmem:s15], [sflag:$0x1], $0x80, v4, vm0, $0xb8;
	[tilespmem:$0x12800] =	vst v63  }
0x397: {  	s23 =	simm.s32 $0xF000;
	v3 =	vperm.xlane v3, v2  }
0x398: {  	[hbm4b:s6+s2] =	stream.indirect_vreg.scatter [tilespmem:s23], [sflag:$0x1], $0x80, v4, vm0, $0xb8;
	[tilespmem:$0x12800] =	vst v63  }
0x399: {  	v3 =	vadd.s32 v1, v3;
	s23 =	simm.s32 $0xF800  }
0x39a: {  	[hbm4b:s7+s2] =	stream.indirect_vreg.scatter [tilespmem:s23], [sflag:$0x1], $0x80, v4, vm0, $0xb8;
	[tilespmem:$0x12800] =	vst v63  }
0x39b: {  	s14 =	simm.s32 $0x10000  }
0x39c: {  	[hbm4b:s8+s2] =	stream.indirect_vreg.scatter [tilespmem:s14], [sflag:$0x1], $0x80, v4, vm0, $0xb8;
	[tilespmem:$0x12800] =	vst v63  }
0x39d: {  	s15 =	simm.s32 $0x10800  }
0x39e: {  	[hbm4b:s4+s2] =	stream.indirect_vreg.scatter [tilespmem:s15], [sflag:$0x1], $0x80, v3, vm0, $0xb8;
	[tilespmem:$0x12800] =	vst v63  }
0x39f: {  	s24 =	simm.s32 $0x11000  }
0x3a0: {  	[hbm4b:s6+s2] =	stream.indirect_vreg.scatter [tilespmem:s24], [sflag:$0x1], $0x80, v3, vm0, $0xb8;
	[tilespmem:$0x12800] =	vst v63  }
0x3a1: {  	s13 =	simm.s32 $0x11800  }
0x3a2: {  	[hbm4b:s7+s2] =	stream.indirect_vreg.scatter [tilespmem:s13], [sflag:$0x1], $0x80, v3, vm0, $0xb8;
	[tilespmem:$0x12800] =	vst v63  }
0x3a3: {  	s18 =	simm.s32 $0x12000  }
0x3a4: {  	[hbm4b:s8+s2] =	stream.indirect_vreg.scatter [tilespmem:s18], [sflag:$0x1], $0x80, v3, vm0, $0xb8;
	[tilespmem:$0x12800] =	vst v63  }
0x3a5: {  	_ =	swait.ge [sflag:s22], $0x10000  }
0x3a6: {  	s0 =	simm.s32 $0x800;
	[sflag:s22] =	ssyncset.done $0x0  }
0x3a7: {  	s18 =	simm.s32 $0x40;
	s24 =	rddreg [dreg:$0x1c];
	[sflag:s22] =	ssyncadd.s32 $0xFFFF0000  }
0x3a8: {  	[hbm4b:s12+s18] =	stream.indirect.scatter [tilespmem:s0], [sflag:$0x1], $0x80, s24, s18, $0xb8;
	[tilespmem:$0x12800] =	vst v63  }
0x3a9: {  	_ =	swait.ge [sflag:s22], $0x2000  }
0x3aa: {  	[sflag:s22] =	ssyncset.done $0x0  }
0x3ab: {  	s24 =	rddreg [dreg:$0xe];
	[sflag:s22] =	ssyncadd.s32 $0xFFFFE000  }
0x3ac: {  	[tilespmem:s0], [sflag:$0x2] =	stream.linear.gather [hbm4b:s24+s2], $0x2000, $0x38;
	[tilespmem:$0x12800] =	vst v63  }
0x3ad: {  	_ =	swait.ge [sflag:s10], $0x2000  }
0x3ae: {  	[sflag:s10] =	ssyncset.done $0x0  }
0x3af: {  	[sflag:s10] =	ssyncadd.s32 $0xFFFFE000  }
0x3b0: {  	v3 =	vld [tilespmem:$0x180];
	_ =	sdelay $0x4  }
0x3b1: {  	v36 =	vshll.u32 v3, $0x3  }
0x3b2: {  	v3 =	vand.u32 $0x7, v3;
	v4 =	vand.u32 $0xFFFFFFC0, v36  }
0x3b3: {  	v3 =	vor.u32 v3, v4  }
0x3b4: {  	v4 =	vperm.xlane v3, v0;
	_ =	sdelay $0x1  }
0x3b5: {  	v4 =	vadd.s32 v1, v4;
	_ =	sdelay $0x3  }
0x3b6: {  	s0 =	simm.s32 $0x2800  }
0x3b7: {  	[hbm4b:s4+s2] =	stream.indirect_vreg.scatter [tilespmem:s0], [sflag:$0x1], $0x80, v4, vm0, $0xb8;
	[tilespmem:$0x12800] =	vst v63  }
0x3b8: {  	s24 =	simm.s32 $0x3000;
	v3 =	vperm.xlane v3, v2  }
0x3b9: {  	[hbm4b:s6+s2] =	stream.indirect_vreg.scatter [tilespmem:s24], [sflag:$0x1], $0x80, v4, vm0, $0xb8;
	[tilespmem:$0x12800] =	vst v63  }
0x3ba: {  	v3 =	vadd.s32 v1, v3  }
0x3bb: {  	[hbm4b:s7+s2] =	stream.indirect_vreg.scatter [tilespmem:s28], [sflag:$0x1], $0x80, v4, vm0, $0xb8;
	[tilespmem:$0x12800] =	vst v63  }
0x3bc: {  	s28 =	simm.s32 $0x4000  }
0x3bd: {  	[hbm4b:s8+s2] =	stream.indirect_vreg.scatter [tilespmem:s28], [sflag:$0x1], $0x80, v4, vm0, $0xb8;
	[tilespmem:$0x12800] =	vst v63  }
0x3be: {  	s28 =	simm.s32 $0x4800  }
0x3bf: {  	[hbm4b:s4+s2] =	stream.indirect_vreg.scatter [tilespmem:s28], [sflag:$0x1], $0x80, v3, vm0, $0xb8;
	[tilespmem:$0x12800] =	vst v63  }
0x3c0: {  	s28 =	simm.s32 $0x5000  }
0x3c1: {  	[hbm4b:s6+s2] =	stream.indirect_vreg.scatter [tilespmem:s28], [sflag:$0x1], $0x80, v3, vm0, $0xb8;
	[tilespmem:$0x12800] =	vst v63  }
0x3c2: {  	s28 =	simm.s32 $0x5800  }
0x3c3: {  	[hbm4b:s7+s2] =	stream.indirect_vreg.scatter [tilespmem:s28], [sflag:$0x1], $0x80, v3, vm0, $0xb8;
	[tilespmem:$0x12800] =	vst v63  }
0x3c4: {  	s28 =	simm.s32 $0x6000  }
0x3c5: {  	[hbm4b:s8+s2] =	stream.indirect_vreg.scatter [tilespmem:s28], [sflag:$0x1], $0x80, v3, vm0, $0xb8;
	[tilespmem:$0x12800] =	vst v63  }
0x3c6: {  	v3 =	vld [tilespmem:$0x190];
	_ =	sdelay $0x4  }
0x3c7: {  	v37 =	vshll.u32 v3, $0x3  }
0x3c8: {  	v3 =	vand.u32 $0x7, v3;
	v4 =	vand.u32 $0xFFFFFFC0, v37  }
0x3c9: {  	v3 =	vor.u32 v3, v4  }
0x3ca: {  	v4 =	vperm.xlane v3, v0;
	_ =	sdelay $0x1  }
0x3cb: {  	v4 =	vadd.s32 v1, v4;
	_ =	sdelay $0x4  }
0x3cc: {  	[hbm4b:s4+s2] =	stream.indirect_vreg.scatter [tilespmem:s29], [sflag:$0x1], $0x80, v4, vm0, $0xb8;
	[tilespmem:$0x12800] =	vst v63  }
0x3cd: {  	v3 =	vperm.xlane v3, v2  }
0x3ce: {  	[hbm4b:s6+s2] =	stream.indirect_vreg.scatter [tilespmem:s16], [sflag:$0x1], $0x80, v4, vm0, $0xb8;
	[tilespmem:$0x12800] =	vst v63  }
0x3cf: {  	v3 =	vadd.s32 v1, v3  }
0x3d0: {  	[hbm4b:s7+s2] =	stream.indirect_vreg.scatter [tilespmem:s26], [sflag:$0x1], $0x80, v4, vm0, $0xb8;
	[tilespmem:$0x12800] =	vst v63  }
0x3d1: {  	_ = 	snop  }
0x3d2: {  	[hbm4b:s8+s2] =	stream.indirect_vreg.scatter [tilespmem:s1], [sflag:$0x1], $0x80, v4, vm0, $0xb8;
	[tilespmem:$0x12800] =	vst v63  }
0x3d3: {  	_ = 	snop  }
0x3d4: {  	[hbm4b:s4+s2] =	stream.indirect_vreg.scatter [tilespmem:s3], [sflag:$0x1], $0x80, v3, vm0, $0xb8;
	[tilespmem:$0x12800] =	vst v63  }
0x3d5: {  	_ = 	snop  }
0x3d6: {  	[hbm4b:s6+s2] =	stream.indirect_vreg.scatter [tilespmem:s5], [sflag:$0x1], $0x80, v3, vm0, $0xb8;
	[tilespmem:$0x12800] =	vst v63  }
0x3d7: {  	_ = 	snop  }
0x3d8: {  	[hbm4b:s7+s2] =	stream.indirect_vreg.scatter [tilespmem:s9], [sflag:$0x1], $0x80, v3, vm0, $0xb8;
	[tilespmem:$0x12800] =	vst v63  }
0x3d9: {  	_ = 	snop  }
0x3da: {  	[hbm4b:s8+s2] =	stream.indirect_vreg.scatter [tilespmem:s31], [sflag:$0x1], $0x80, v3, vm0, $0xb8;
	[tilespmem:$0x12800] =	vst v63  }
0x3db: {  	v3 =	vld [tilespmem:$0x1A0];
	_ =	sdelay $0x4  }
0x3dc: {  	v38 =	vshll.u32 v3, $0x3  }
0x3dd: {  	v3 =	vand.u32 $0x7, v3;
	v4 =	vand.u32 $0xFFFFFFC0, v38  }
0x3de: {  	v3 =	vor.u32 v3, v4  }
0x3df: {  	v4 =	vperm.xlane v3, v0;
	_ =	sdelay $0x1  }
0x3e0: {  	v4 =	vadd.s32 v1, v4;
	_ =	sdelay $0x3  }
0x3e1: {  	s3 =	simm.s32 $0xA800  }
0x3e2: {  	[hbm4b:s4+s2] =	stream.indirect_vreg.scatter [tilespmem:s3], [sflag:$0x1], $0x80, v4, vm0, $0xb8;
	[tilespmem:$0x12800] =	vst v63  }
0x3e3: {  	v3 =	vperm.xlane v3, v2  }
0x3e4: {  	[hbm4b:s6+s2] =	stream.indirect_vreg.scatter [tilespmem:s30], [sflag:$0x1], $0x80, v4, vm0, $0xb8;
	[tilespmem:$0x12800] =	vst v63  }
0x3e5: {  	v3 =	vadd.s32 v1, v3  }
0x3e6: {  	[hbm4b:s7+s2] =	stream.indirect_vreg.scatter [tilespmem:s11], [sflag:$0x1], $0x80, v4, vm0, $0xb8;
	[tilespmem:$0x12800] =	vst v63  }
0x3e7: {  	_ = 	snop  }
0x3e8: {  	[hbm4b:s8+s2] =	stream.indirect_vreg.scatter [tilespmem:s17], [sflag:$0x1], $0x80, v4, vm0, $0xb8;
	[tilespmem:$0x12800] =	vst v63  }
0x3e9: {  	_ = 	snop  }
0x3ea: {  	[hbm4b:s4+s2] =	stream.indirect_vreg.scatter [tilespmem:s20], [sflag:$0x1], $0x80, v3, vm0, $0xb8;
	[tilespmem:$0x12800] =	vst v63  }
0x3eb: {  	_ = 	snop  }
0x3ec: {  	[hbm4b:s6+s2] =	stream.indirect_vreg.scatter [tilespmem:s21], [sflag:$0x1], $0x80, v3, vm0, $0xb8;
	[tilespmem:$0x12800] =	vst v63  }
0x3ed: {  	_ = 	snop  }
0x3ee: {  	[hbm4b:s7+s2] =	stream.indirect_vreg.scatter [tilespmem:s25], [sflag:$0x1], $0x80, v3, vm0, $0xb8;
	[tilespmem:$0x12800] =	vst v63  }
0x3ef: {  	_ = 	snop  }
0x3f0: {  	[hbm4b:s8+s2] =	stream.indirect_vreg.scatter [tilespmem:s19], [sflag:$0x1], $0x80, v3, vm0, $0xb8;
	[tilespmem:$0x12800] =	vst v63  }
0x3f1: {  	v3 =	vld [tilespmem:$0x1B0];
	_ =	sdelay $0x4  }
0x3f2: {  	v39 =	vshll.u32 v3, $0x3  }
0x3f3: {  	v3 =	vand.u32 $0x7, v3;
	v4 =	vand.u32 $0xFFFFFFC0, v39  }
0x3f4: {  	v3 =	vor.u32 v3, v4  }
0x3f5: {  	v4 =	vperm.xlane v3, v0;
	_ =	sdelay $0x1  }
0x3f6: {  	v4 =	vadd.s32 v1, v4;
	_ =	sdelay $0x3  }
0x3f7: {  	s5 =	simm.s32 $0xE800  }
0x3f8: {  	[hbm4b:s4+s2] =	stream.indirect_vreg.scatter [tilespmem:s5], [sflag:$0x1], $0x80, v4, vm0, $0xb8;
	[tilespmem:$0x12800] =	vst v63  }
0x3f9: {  	s9 =	simm.s32 $0xF000;
	v3 =	vperm.xlane v3, v2  }
0x3fa: {  	[hbm4b:s6+s2] =	stream.indirect_vreg.scatter [tilespmem:s9], [sflag:$0x1], $0x80, v4, vm0, $0xb8;
	[tilespmem:$0x12800] =	vst v63  }
0x3fb: {  	v3 =	vadd.s32 v1, v3  }
0x3fc: {  	[hbm4b:s7+s2] =	stream.indirect_vreg.scatter [tilespmem:s23], [sflag:$0x1], $0x80, v4, vm0, $0xb8;
	[tilespmem:$0x12800] =	vst v63  }
0x3fd: {  	_ = 	snop  }
0x3fe: {  	[hbm4b:s8+s2] =	stream.indirect_vreg.scatter [tilespmem:s14], [sflag:$0x1], $0x80, v4, vm0, $0xb8;
	[tilespmem:$0x12800] =	vst v63  }
0x3ff: {  	_ = 	snop  }
0x400: {  	[hbm4b:s4+s2] =	stream.indirect_vreg.scatter [tilespmem:s15], [sflag:$0x1], $0x80, v3, vm0, $0xb8;
	[tilespmem:$0x12800] =	vst v63  }
0x401: {  	s11 =	simm.s32 $0x11000  }
0x402: {  	[hbm4b:s6+s2] =	stream.indirect_vreg.scatter [tilespmem:s11], [sflag:$0x1], $0x80, v3, vm0, $0xb8;
	[tilespmem:$0x12800] =	vst v63  }
0x403: {  	_ = 	snop  }
0x404: {  	[hbm4b:s7+s2] =	stream.indirect_vreg.scatter [tilespmem:s13], [sflag:$0x1], $0x80, v3, vm0, $0xb8;
	[tilespmem:$0x12800] =	vst v63  }
0x405: {  	s14 =	simm.s32 $0x12000  }
0x406: {  	[hbm4b:s8+s2] =	stream.indirect_vreg.scatter [tilespmem:s14], [sflag:$0x1], $0x80, v3, vm0, $0xb8;
	[tilespmem:$0x12800] =	vst v63  }
0x407: {  	_ =	swait.ge [sflag:s22], $0x10000  }
0x408: {  	[sflag:s22] =	ssyncset.done $0x0  }
0x409: {  	s17 =	simm.s32 $0x800;
	s15 =	rddreg [dreg:$0x1d];
	[sflag:s22] =	ssyncadd.s32 $0xFFFF0000  }
0x40a: {  	[hbm4b:s12+s18] =	stream.indirect.scatter [tilespmem:s17], [sflag:$0x1], $0x80, s15, s18, $0xb8;
	[tilespmem:$0x12800] =	vst v63  }
0x40b: {  	_ =	swait.ge [sflag:s22], $0x2000  }
0x40c: {  	[sflag:s22] =	ssyncset.done $0x0  }
0x40d: {  	s20 =	rddreg [dreg:$0xf];
	[sflag:s22] =	ssyncadd.s32 $0xFFFFE000  }
0x40e: {  	[tilespmem:s17], [sflag:$0x2] =	stream.linear.gather [hbm4b:s20+s2], $0x2000, $0x38;
	[tilespmem:$0x12800] =	vst v63  }
0x40f: {  	_ =	swait.ge [sflag:s10], $0x2000  }
0x410: {  	[sflag:s10] =	ssyncset.done $0x0  }
0x411: {  	[sflag:s10] =	ssyncadd.s32 $0xFFFFE000  }
0x412: {  	v3 =	vld [tilespmem:$0x280];
	_ =	sdelay $0x4  }
0x413: {  	v40 =	vshll.u32 v3, $0x3  }
0x414: {  	v3 =	vand.u32 $0x7, v3;
	v4 =	vand.u32 $0xFFFFFFC0, v40  }
0x415: {  	v3 =	vor.u32 v3, v4  }
0x416: {  	v4 =	vperm.xlane v3, v0;
	_ =	sdelay $0x1  }
0x417: {  	v4 =	vadd.s32 v1, v4;
	_ =	sdelay $0x4  }
0x418: {  	[hbm4b:s4+s2] =	stream.indirect_vreg.scatter [tilespmem:s0], [sflag:$0x1], $0x80, v4, vm0, $0xb8;
	[tilespmem:$0x12800] =	vst v63  }
0x419: {  	s9 =	simm.s32 $0x3000;
	v3 =	vperm.xlane v3, v2  }
0x41a: {  	[hbm4b:s6+s2] =	stream.indirect_vreg.scatter [tilespmem:s9], [sflag:$0x1], $0x80, v4, vm0, $0xb8;
	[tilespmem:$0x12800] =	vst v63  }
0x41b: {  	s14 =	simm.s32 $0x3800;
	v3 =	vadd.s32 v1, v3  }
0x41c: {  	[hbm4b:s7+s2] =	stream.indirect_vreg.scatter [tilespmem:s14], [sflag:$0x1], $0x80, v4, vm0, $0xb8;
	[tilespmem:$0x12800] =	vst v63  }
0x41d: {  	s11 =	simm.s32 $0x4000  }
0x41e: {  	[hbm4b:s8+s2] =	stream.indirect_vreg.scatter [tilespmem:s11], [sflag:$0x1], $0x80, v4, vm0, $0xb8;
	[tilespmem:$0x12800] =	vst v63  }
0x41f: {  	s30 =	simm.s32 $0x4800  }
0x420: {  	[hbm4b:s4+s2] =	stream.indirect_vreg.scatter [tilespmem:s30], [sflag:$0x1], $0x80, v3, vm0, $0xb8;
	[tilespmem:$0x12800] =	vst v63  }
0x421: {  	s21 =	simm.s32 $0x5000  }
0x422: {  	[hbm4b:s6+s2] =	stream.indirect_vreg.scatter [tilespmem:s21], [sflag:$0x1], $0x80, v3, vm0, $0xb8;
	[tilespmem:$0x12800] =	vst v63  }
0x423: {  	s3 =	simm.s32 $0x5800  }
0x424: {  	[hbm4b:s7+s2] =	stream.indirect_vreg.scatter [tilespmem:s3], [sflag:$0x1], $0x80, v3, vm0, $0xb8;
	[tilespmem:$0x12800] =	vst v63  }
0x425: {  	s5 =	simm.s32 $0x6000  }
0x426: {  	[hbm4b:s8+s2] =	stream.indirect_vreg.scatter [tilespmem:s5], [sflag:$0x1], $0x80, v3, vm0, $0xb8;
	[tilespmem:$0x12800] =	vst v63  }
0x427: {  	v3 =	vld [tilespmem:$0x290];
	_ =	sdelay $0x4  }
0x428: {  	v41 =	vshll.u32 v3, $0x3  }
0x429: {  	v3 =	vand.u32 $0x7, v3;
	v4 =	vand.u32 $0xFFFFFFC0, v41  }
0x42a: {  	v3 =	vor.u32 v3, v4  }
0x42b: {  	v4 =	vperm.xlane v3, v0;
	_ =	sdelay $0x1  }
0x42c: {  	v4 =	vadd.s32 v1, v4;
	_ =	sdelay $0x3  }
0x42d: {  	s29 =	simm.s32 $0x6800  }
0x42e: {  	[hbm4b:s4+s2] =	stream.indirect_vreg.scatter [tilespmem:s29], [sflag:$0x1], $0x80, v4, vm0, $0xb8;
	[tilespmem:$0x12800] =	vst v63  }
0x42f: {  	s16 =	simm.s32 $0x7000;
	v3 =	vperm.xlane v3, v2  }
0x430: {  	[hbm4b:s6+s2] =	stream.indirect_vreg.scatter [tilespmem:s16], [sflag:$0x1], $0x80, v4, vm0, $0xb8;
	[tilespmem:$0x12800] =	vst v63  }
0x431: {  	s26 =	simm.s32 $0x7800;
	v3 =	vadd.s32 v1, v3  }
0x432: {  	[hbm4b:s7+s2] =	stream.indirect_vreg.scatter [tilespmem:s26], [sflag:$0x1], $0x80, v4, vm0, $0xb8;
	[tilespmem:$0x12800] =	vst v63  }
0x433: {  	s15 =	simm.s32 $0x8000  }
0x434: {  	[hbm4b:s8+s2] =	stream.indirect_vreg.scatter [tilespmem:s15], [sflag:$0x1], $0x80, v4, vm0, $0xb8;
	[tilespmem:$0x12800] =	vst v63  }
0x435: {  	s16 =	simm.s32 $0x8800  }
0x436: {  	[hbm4b:s4+s2] =	stream.indirect_vreg.scatter [tilespmem:s16], [sflag:$0x1], $0x80, v3, vm0, $0xb8;
	[tilespmem:$0x12800] =	vst v63  }
0x437: {  	s17 =	simm.s32 $0x9000  }
0x438: {  	[hbm4b:s6+s2] =	stream.indirect_vreg.scatter [tilespmem:s17], [sflag:$0x1], $0x80, v3, vm0, $0xb8;
	[tilespmem:$0x12800] =	vst v63  }
0x439: {  	s18 =	simm.s32 $0x9800  }
0x43a: {  	[hbm4b:s7+s2] =	stream.indirect_vreg.scatter [tilespmem:s18], [sflag:$0x1], $0x80, v3, vm0, $0xb8;
	[tilespmem:$0x12800] =	vst v63  }
0x43b: {  	s23 =	simm.s32 $0xA000  }
0x43c: {  	[hbm4b:s8+s2] =	stream.indirect_vreg.scatter [tilespmem:s23], [sflag:$0x1], $0x80, v3, vm0, $0xb8;
	[tilespmem:$0x12800] =	vst v63  }
0x43d: {  	v3 =	vld [tilespmem:$0x2A0];
	_ =	sdelay $0x4  }
0x43e: {  	v42 =	vshll.u32 v3, $0x3  }
0x43f: {  	v3 =	vand.u32 $0x7, v3;
	v4 =	vand.u32 $0xFFFFFFC0, v42  }
0x440: {  	v3 =	vor.u32 v3, v4  }
0x441: {  	v4 =	vperm.xlane v3, v0;
	_ =	sdelay $0x1  }
0x442: {  	v4 =	vadd.s32 v1, v4;
	_ =	sdelay $0x3  }
0x443: {  	s25 =	simm.s32 $0xA800  }
0x444: {  	[hbm4b:s4+s2] =	stream.indirect_vreg.scatter [tilespmem:s25], [sflag:$0x1], $0x80, v4, vm0, $0xb8;
	[tilespmem:$0x12800] =	vst v63  }
0x445: {  	s28 =	simm.s32 $0xB000;
	v3 =	vperm.xlane v3, v2  }
0x446: {  	[hbm4b:s6+s2] =	stream.indirect_vreg.scatter [tilespmem:s28], [sflag:$0x1], $0x80, v4, vm0, $0xb8;
	[tilespmem:$0x12800] =	vst v63  }
0x447: {  	s20 =	simm.s32 $0xB800;
	v3 =	vadd.s32 v1, v3  }
0x448: {  	[hbm4b:s7+s2] =	stream.indirect_vreg.scatter [tilespmem:s20], [sflag:$0x1], $0x80, v4, vm0, $0xb8;
	[tilespmem:$0x12800] =	vst v63  }
0x449: {  	s21 =	simm.s32 $0xC000  }
0x44a: {  	[hbm4b:s8+s2] =	stream.indirect_vreg.scatter [tilespmem:s21], [sflag:$0x1], $0x80, v4, vm0, $0xb8;
	[tilespmem:$0x12800] =	vst v63  }
0x44b: {  	s23 =	simm.s32 $0xC800  }
0x44c: {  	[hbm4b:s4+s2] =	stream.indirect_vreg.scatter [tilespmem:s23], [sflag:$0x1], $0x80, v3, vm0, $0xb8;
	[tilespmem:$0x12800] =	vst v63  }
0x44d: {  	s28 =	simm.s32 $0xD000  }
0x44e: {  	[hbm4b:s6+s2] =	stream.indirect_vreg.scatter [tilespmem:s28], [sflag:$0x1], $0x80, v3, vm0, $0xb8;
	[tilespmem:$0x12800] =	vst v63  }
0x44f: {  	s31 =	simm.s32 $0xD800  }
0x450: {  	[hbm4b:s7+s2] =	stream.indirect_vreg.scatter [tilespmem:s31], [sflag:$0x1], $0x80, v3, vm0, $0xb8;
	[tilespmem:$0x12800] =	vst v63  }
0x451: {  	s1 =	simm.s32 $0xE000  }
0x452: {  	[hbm4b:s8+s2] =	stream.indirect_vreg.scatter [tilespmem:s1], [sflag:$0x1], $0x80, v3, vm0, $0xb8;
	[tilespmem:$0x12800] =	vst v63  }
0x453: {  	v3 =	vld [tilespmem:$0x2B0];
	_ =	sdelay $0x4  }
0x454: {  	v43 =	vshll.u32 v3, $0x3  }
0x455: {  	v3 =	vand.u32 $0x7, v3;
	v4 =	vand.u32 $0xFFFFFFC0, v43  }
0x456: {  	v3 =	vor.u32 v3, v4  }
0x457: {  	v4 =	vperm.xlane v3, v0;
	_ =	sdelay $0x1  }
0x458: {  	v4 =	vadd.s32 v1, v4;
	_ =	sdelay $0x3  }
0x459: {  	s31 =	simm.s32 $0xE800  }
0x45a: {  	[hbm4b:s4+s2] =	stream.indirect_vreg.scatter [tilespmem:s31], [sflag:$0x1], $0x80, v4, vm0, $0xb8;
	[tilespmem:$0x12800] =	vst v63  }
0x45b: {  	s24 =	simm.s32 $0xF000;
	v3 =	vperm.xlane v3, v2  }
0x45c: {  	[hbm4b:s6+s2] =	stream.indirect_vreg.scatter [tilespmem:s24], [sflag:$0x1], $0x80, v4, vm0, $0xb8;
	[tilespmem:$0x12800] =	vst v63  }
0x45d: {  	v3 =	vadd.s32 v1, v3;
	s24 =	simm.s32 $0xF800  }
0x45e: {  	[hbm4b:s7+s2] =	stream.indirect_vreg.scatter [tilespmem:s24], [sflag:$0x1], $0x80, v4, vm0, $0xb8;
	[tilespmem:$0x12800] =	vst v63  }
0x45f: {  	s19 =	simm.s32 $0x10000  }
0x460: {  	[hbm4b:s8+s2] =	stream.indirect_vreg.scatter [tilespmem:s19], [sflag:$0x1], $0x80, v4, vm0, $0xb8;
	[tilespmem:$0x12800] =	vst v63  }
0x461: {  	s19 =	simm.s32 $0x10800  }
0x462: {  	[hbm4b:s4+s2] =	stream.indirect_vreg.scatter [tilespmem:s19], [sflag:$0x1], $0x80, v3, vm0, $0xb8;
	[tilespmem:$0x12800] =	vst v63  }
0x463: {  	s24 =	simm.s32 $0x11000  }
0x464: {  	[hbm4b:s6+s2] =	stream.indirect_vreg.scatter [tilespmem:s24], [sflag:$0x1], $0x80, v3, vm0, $0xb8;
	[tilespmem:$0x12800] =	vst v63  }
0x465: {  	s13 =	simm.s32 $0x11800  }
0x466: {  	[hbm4b:s7+s2] =	stream.indirect_vreg.scatter [tilespmem:s13], [sflag:$0x1], $0x80, v3, vm0, $0xb8;
	[tilespmem:$0x12800] =	vst v63  }
0x467: {  	s13 =	simm.s32 $0x12000  }
0x468: {  	[hbm4b:s8+s2] =	stream.indirect_vreg.scatter [tilespmem:s13], [sflag:$0x1], $0x80, v3, vm0, $0xb8;
	[tilespmem:$0x12800] =	vst v63  }
0x469: {  	_ =	swait.ge [sflag:s22], $0x10000  }
0x46a: {  	s0 =	simm.s32 $0x800;
	[sflag:s22] =	ssyncset.done $0x0  }
0x46b: {  	s19 =	simm.s32 $0x40;
	s24 =	rddreg [dreg:$0x1e];
	[sflag:s22] =	ssyncadd.s32 $0xFFFF0000  }
0x46c: {  	[hbm4b:s12+s19] =	stream.indirect.scatter [tilespmem:s0], [sflag:$0x1], $0x80, s24, s19, $0xb8;
	[tilespmem:$0x12800] =	vst v63  }
0x46d: {  	_ =	swait.ge [sflag:s22], $0x2000  }
0x46e: {  	[sflag:s22] =	ssyncset.done $0x0  }
0x46f: {  	s24 =	rddreg [dreg:$0x10];
	[sflag:s22] =	ssyncadd.s32 $0xFFFFE000  }
0x470: {  	[tilespmem:s0], [sflag:$0x2] =	stream.linear.gather [hbm4b:s24+s2], $0x2000, $0x38;
	[tilespmem:$0x12800] =	vst v63  }
0x471: {  	_ =	swait.ge [sflag:s10], $0x2000  }
0x472: {  	[sflag:s10] =	ssyncset.done $0x0  }
0x473: {  	[sflag:s10] =	ssyncadd.s32 $0xFFFFE000  }
0x474: {  	v3 =	vld [tilespmem:$0x380];
	_ =	sdelay $0x4  }
0x475: {  	v44 =	vshll.u32 v3, $0x3  }
0x476: {  	v3 =	vand.u32 $0x7, v3;
	v4 =	vand.u32 $0xFFFFFFC0, v44  }
0x477: {  	v3 =	vor.u32 v3, v4  }
0x478: {  	v4 =	vperm.xlane v3, v0;
	_ =	sdelay $0x1  }
0x479: {  	v4 =	vadd.s32 v1, v4;
	_ =	sdelay $0x3  }
0x47a: {  	s0 =	simm.s32 $0x2800  }
0x47b: {  	[hbm4b:s4+s2] =	stream.indirect_vreg.scatter [tilespmem:s0], [sflag:$0x1], $0x80, v4, vm0, $0xb8;
	[tilespmem:$0x12800] =	vst v63  }
0x47c: {  	v3 =	vperm.xlane v3, v2  }
0x47d: {  	[hbm4b:s6+s2] =	stream.indirect_vreg.scatter [tilespmem:s9], [sflag:$0x1], $0x80, v4, vm0, $0xb8;
	[tilespmem:$0x12800] =	vst v63  }
0x47e: {  	v3 =	vadd.s32 v1, v3  }
0x47f: {  	[hbm4b:s7+s2] =	stream.indirect_vreg.scatter [tilespmem:s14], [sflag:$0x1], $0x80, v4, vm0, $0xb8;
	[tilespmem:$0x12800] =	vst v63  }
0x480: {  	_ = 	snop  }
0x481: {  	[hbm4b:s8+s2] =	stream.indirect_vreg.scatter [tilespmem:s11], [sflag:$0x1], $0x80, v4, vm0, $0xb8;
	[tilespmem:$0x12800] =	vst v63  }
0x482: {  	_ = 	snop  }
0x483: {  	[hbm4b:s4+s2] =	stream.indirect_vreg.scatter [tilespmem:s30], [sflag:$0x1], $0x80, v3, vm0, $0xb8;
	[tilespmem:$0x12800] =	vst v63  }
0x484: {  	s14 =	simm.s32 $0x5000  }
0x485: {  	[hbm4b:s6+s2] =	stream.indirect_vreg.scatter [tilespmem:s14], [sflag:$0x1], $0x80, v3, vm0, $0xb8;
	[tilespmem:$0x12800] =	vst v63  }
0x486: {  	_ = 	snop  }
0x487: {  	[hbm4b:s7+s2] =	stream.indirect_vreg.scatter [tilespmem:s3], [sflag:$0x1], $0x80, v3, vm0, $0xb8;
	[tilespmem:$0x12800] =	vst v63  }
0x488: {  	_ = 	snop  }
0x489: {  	[hbm4b:s8+s2] =	stream.indirect_vreg.scatter [tilespmem:s5], [sflag:$0x1], $0x80, v3, vm0, $0xb8;
	[tilespmem:$0x12800] =	vst v63  }
0x48a: {  	v3 =	vld [tilespmem:$0x390];
	_ =	sdelay $0x4  }
0x48b: {  	v45 =	vshll.u32 v3, $0x3  }
0x48c: {  	v3 =	vand.u32 $0x7, v3;
	v4 =	vand.u32 $0xFFFFFFC0, v45  }
0x48d: {  	v3 =	vor.u32 v3, v4  }
0x48e: {  	v4 =	vperm.xlane v3, v0;
	_ =	sdelay $0x1  }
0x48f: {  	v4 =	vadd.s32 v1, v4;
	_ =	sdelay $0x4  }
0x490: {  	[hbm4b:s4+s2] =	stream.indirect_vreg.scatter [tilespmem:s29], [sflag:$0x1], $0x80, v4, vm0, $0xb8;
	[tilespmem:$0x12800] =	vst v63  }
0x491: {  	s24 =	simm.s32 $0x7000;
	v3 =	vperm.xlane v3, v2  }
0x492: {  	[hbm4b:s6+s2] =	stream.indirect_vreg.scatter [tilespmem:s24], [sflag:$0x1], $0x80, v4, vm0, $0xb8;
	[tilespmem:$0x12800] =	vst v63  }
0x493: {  	v3 =	vadd.s32 v1, v3  }
0x494: {  	[hbm4b:s7+s2] =	stream.indirect_vreg.scatter [tilespmem:s26], [sflag:$0x1], $0x80, v4, vm0, $0xb8;
	[tilespmem:$0x12800] =	vst v63  }
0x495: {  	_ = 	snop  }
0x496: {  	[hbm4b:s8+s2] =	stream.indirect_vreg.scatter [tilespmem:s15], [sflag:$0x1], $0x80, v4, vm0, $0xb8;
	[tilespmem:$0x12800] =	vst v63  }
0x497: {  	_ = 	snop  }
0x498: {  	[hbm4b:s4+s2] =	stream.indirect_vreg.scatter [tilespmem:s16], [sflag:$0x1], $0x80, v3, vm0, $0xb8;
	[tilespmem:$0x12800] =	vst v63  }
0x499: {  	_ = 	snop  }
0x49a: {  	[hbm4b:s6+s2] =	stream.indirect_vreg.scatter [tilespmem:s17], [sflag:$0x1], $0x80, v3, vm0, $0xb8;
	[tilespmem:$0x12800] =	vst v63  }
0x49b: {  	_ = 	snop  }
0x49c: {  	[hbm4b:s7+s2] =	stream.indirect_vreg.scatter [tilespmem:s18], [sflag:$0x1], $0x80, v3, vm0, $0xb8;
	[tilespmem:$0x12800] =	vst v63  }
0x49d: {  	s29 =	simm.s32 $0xA000  }
0x49e: {  	[hbm4b:s8+s2] =	stream.indirect_vreg.scatter [tilespmem:s29], [sflag:$0x1], $0x80, v3, vm0, $0xb8;
	[tilespmem:$0x12800] =	vst v63  }
0x49f: {  	v3 =	vld [tilespmem:$0x3A0];
	_ =	sdelay $0x4  }
0x4a0: {  	v46 =	vshll.u32 v3, $0x3  }
0x4a1: {  	v3 =	vand.u32 $0x7, v3;
	v4 =	vand.u32 $0xFFFFFFC0, v46  }
0x4a2: {  	v3 =	vor.u32 v3, v4  }
0x4a3: {  	v4 =	vperm.xlane v3, v0;
	_ =	sdelay $0x1  }
0x4a4: {  	v4 =	vadd.s32 v1, v4;
	_ =	sdelay $0x4  }
0x4a5: {  	[hbm4b:s4+s2] =	stream.indirect_vreg.scatter [tilespmem:s25], [sflag:$0x1], $0x80, v4, vm0, $0xb8;
	[tilespmem:$0x12800] =	vst v63  }
0x4a6: {  	s30 =	simm.s32 $0xB000;
	v3 =	vperm.xlane v3, v2  }
0x4a7: {  	[hbm4b:s6+s2] =	stream.indirect_vreg.scatter [tilespmem:s30], [sflag:$0x1], $0x80, v4, vm0, $0xb8;
	[tilespmem:$0x12800] =	vst v63  }
0x4a8: {  	v3 =	vadd.s32 v1, v3  }
0x4a9: {  	[hbm4b:s7+s2] =	stream.indirect_vreg.scatter [tilespmem:s20], [sflag:$0x1], $0x80, v4, vm0, $0xb8;
	[tilespmem:$0x12800] =	vst v63  }
0x4aa: {  	_ = 	snop  }
0x4ab: {  	[hbm4b:s8+s2] =	stream.indirect_vreg.scatter [tilespmem:s21], [sflag:$0x1], $0x80, v4, vm0, $0xb8;
	[tilespmem:$0x12800] =	vst v63  }
0x4ac: {  	_ = 	snop  }
0x4ad: {  	[hbm4b:s4+s2] =	stream.indirect_vreg.scatter [tilespmem:s23], [sflag:$0x1], $0x80, v3, vm0, $0xb8;
	[tilespmem:$0x12800] =	vst v63  }
0x4ae: {  	_ = 	snop  }
0x4af: {  	[hbm4b:s6+s2] =	stream.indirect_vreg.scatter [tilespmem:s28], [sflag:$0x1], $0x80, v3, vm0, $0xb8;
	[tilespmem:$0x12800] =	vst v63  }
0x4b0: {  	s14 =	simm.s32 $0xD800  }
0x4b1: {  	[hbm4b:s7+s2] =	stream.indirect_vreg.scatter [tilespmem:s14], [sflag:$0x1], $0x80, v3, vm0, $0xb8;
	[tilespmem:$0x12800] =	vst v63  }
0x4b2: {  	_ = 	snop  }
0x4b3: {  	[hbm4b:s8+s2] =	stream.indirect_vreg.scatter [tilespmem:s1], [sflag:$0x1], $0x80, v3, vm0, $0xb8;
	[tilespmem:$0x12800] =	vst v63  }
0x4b4: {  	v3 =	vld [tilespmem:$0x3B0];
	_ =	sdelay $0x4  }
0x4b5: {  	v47 =	vshll.u32 v3, $0x3  }
0x4b6: {  	v3 =	vand.u32 $0x7, v3;
	v4 =	vand.u32 $0xFFFFFFC0, v47  }
0x4b7: {  	v3 =	vor.u32 v3, v4  }
0x4b8: {  	v4 =	vperm.xlane v3, v0;
	_ =	sdelay $0x1  }
0x4b9: {  	v4 =	vadd.s32 v1, v4;
	_ =	sdelay $0x4  }
0x4ba: {  	[hbm4b:s4+s2] =	stream.indirect_vreg.scatter [tilespmem:s31], [sflag:$0x1], $0x80, v4, vm0, $0xb8;
	[tilespmem:$0x12800] =	vst v63  }
0x4bb: {  	s15 =	simm.s32 $0xF000;
	v3 =	vperm.xlane v3, v2  }
0x4bc: {  	[hbm4b:s6+s2] =	stream.indirect_vreg.scatter [tilespmem:s15], [sflag:$0x1], $0x80, v4, vm0, $0xb8;
	[tilespmem:$0x12800] =	vst v63  }
0x4bd: {  	s16 =	simm.s32 $0xF800;
	v3 =	vadd.s32 v1, v3  }
0x4be: {  	[hbm4b:s7+s2] =	stream.indirect_vreg.scatter [tilespmem:s16], [sflag:$0x1], $0x80, v4, vm0, $0xb8;
	[tilespmem:$0x12800] =	vst v63  }
0x4bf: {  	s17 =	simm.s32 $0x10000  }
0x4c0: {  	[hbm4b:s8+s2] =	stream.indirect_vreg.scatter [tilespmem:s17], [sflag:$0x1], $0x80, v4, vm0, $0xb8;
	[tilespmem:$0x12800] =	vst v63  }
0x4c1: {  	s18 =	simm.s32 $0x10800  }
0x4c2: {  	[hbm4b:s4+s2] =	stream.indirect_vreg.scatter [tilespmem:s18], [sflag:$0x1], $0x80, v3, vm0, $0xb8;
	[tilespmem:$0x12800] =	vst v63  }
0x4c3: {  	s20 =	simm.s32 $0x11000  }
0x4c4: {  	[hbm4b:s6+s2] =	stream.indirect_vreg.scatter [tilespmem:s20], [sflag:$0x1], $0x80, v3, vm0, $0xb8;
	[tilespmem:$0x12800] =	vst v63  }
0x4c5: {  	s1 =	simm.s32 $0x11800  }
0x4c6: {  	[hbm4b:s7+s2] =	stream.indirect_vreg.scatter [tilespmem:s1], [sflag:$0x1], $0x80, v3, vm0, $0xb8;
	[tilespmem:$0x12800] =	vst v63  }
0x4c7: {  	_ = 	snop  }
0x4c8: {  	[hbm4b:s8+s2] =	stream.indirect_vreg.scatter [tilespmem:s13], [sflag:$0x1], $0x80, v3, vm0, $0xb8;
	[tilespmem:$0x12800] =	vst v63  }
0x4c9: {  	_ =	swait.ge [sflag:s22], $0x10000  }
0x4ca: {  	[sflag:s22] =	ssyncset.done $0x0  }
0x4cb: {  	s23 =	simm.s32 $0x800;
	s21 =	rddreg [dreg:$0x1f];
	[sflag:s22] =	ssyncadd.s32 $0xFFFF0000  }
0x4cc: {  	[hbm4b:s12+s19] =	stream.indirect.scatter [tilespmem:s23], [sflag:$0x1], $0x80, s21, s19, $0xb8;
	[tilespmem:$0x12800] =	vst v63  }
0x4cd: {  	_ =	swait.ge [sflag:s22], $0x2000  }
0x4ce: {  	[sflag:s22] =	ssyncset.done $0x0  }
0x4cf: {  	s28 =	rddreg [dreg:$0x11];
	[sflag:s22] =	ssyncadd.s32 $0xFFFFE000  }
0x4d0: {  	[tilespmem:s23], [sflag:$0x2] =	stream.linear.gather [hbm4b:s28+s2], $0x2000, $0x38;
	[tilespmem:$0x12800] =	vst v63  }
0x4d1: {  	_ =	swait.ge [sflag:s10], $0x2000  }
0x4d2: {  	[sflag:s10] =	ssyncset.done $0x0  }
0x4d3: {  	[sflag:s10] =	ssyncadd.s32 $0xFFFFE000  }
0x4d4: {  	v3 =	vld [tilespmem:$0x480];
	_ =	sdelay $0x4  }
0x4d5: {  	v48 =	vshll.u32 v3, $0x3  }
0x4d6: {  	v3 =	vand.u32 $0x7, v3;
	v4 =	vand.u32 $0xFFFFFFC0, v48  }
0x4d7: {  	v3 =	vor.u32 v3, v4  }
0x4d8: {  	v4 =	vperm.xlane v3, v0;
	_ =	sdelay $0x1  }
0x4d9: {  	v4 =	vadd.s32 v1, v4;
	_ =	sdelay $0x4  }
0x4da: {  	[hbm4b:s4+s2] =	stream.indirect_vreg.scatter [tilespmem:s0], [sflag:$0x1], $0x80, v4, vm0, $0xb8;
	[tilespmem:$0x12800] =	vst v63  }
0x4db: {  	s16 =	simm.s32 $0x3000;
	v3 =	vperm.xlane v3, v2  }
0x4dc: {  	[hbm4b:s6+s2] =	stream.indirect_vreg.scatter [tilespmem:s16], [sflag:$0x1], $0x80, v4, vm0, $0xb8;
	[tilespmem:$0x12800] =	vst v63  }
0x4dd: {  	s14 =	simm.s32 $0x3800;
	v3 =	vadd.s32 v1, v3  }
0x4de: {  	[hbm4b:s7+s2] =	stream.indirect_vreg.scatter [tilespmem:s14], [sflag:$0x1], $0x80, v4, vm0, $0xb8;
	[tilespmem:$0x12800] =	vst v63  }
0x4df: {  	s18 =	simm.s32 $0x4000  }
0x4e0: {  	[hbm4b:s8+s2] =	stream.indirect_vreg.scatter [tilespmem:s18], [sflag:$0x1], $0x80, v4, vm0, $0xb8;
	[tilespmem:$0x12800] =	vst v63  }
0x4e1: {  	s9 =	simm.s32 $0x4800  }
0x4e2: {  	[hbm4b:s4+s2] =	stream.indirect_vreg.scatter [tilespmem:s9], [sflag:$0x1], $0x80, v3, vm0, $0xb8;
	[tilespmem:$0x12800] =	vst v63  }
0x4e3: {  	s11 =	simm.s32 $0x5000  }
0x4e4: {  	[hbm4b:s6+s2] =	stream.indirect_vreg.scatter [tilespmem:s11], [sflag:$0x1], $0x80, v3, vm0, $0xb8;
	[tilespmem:$0x12800] =	vst v63  }
0x4e5: {  	s15 =	simm.s32 $0x5800  }
0x4e6: {  	[hbm4b:s7+s2] =	stream.indirect_vreg.scatter [tilespmem:s15], [sflag:$0x1], $0x80, v3, vm0, $0xb8;
	[tilespmem:$0x12800] =	vst v63  }
0x4e7: {  	s5 =	simm.s32 $0x6000  }
0x4e8: {  	[hbm4b:s8+s2] =	stream.indirect_vreg.scatter [tilespmem:s5], [sflag:$0x1], $0x80, v3, vm0, $0xb8;
	[tilespmem:$0x12800] =	vst v63  }
0x4e9: {  	v3 =	vld [tilespmem:$0x490];
	_ =	sdelay $0x4  }
0x4ea: {  	v49 =	vshll.u32 v3, $0x3  }
0x4eb: {  	v3 =	vand.u32 $0x7, v3;
	v4 =	vand.u32 $0xFFFFFFC0, v49  }
0x4ec: {  	v3 =	vor.u32 v3, v4  }
0x4ed: {  	v4 =	vperm.xlane v3, v0;
	_ =	sdelay $0x1  }
0x4ee: {  	v4 =	vadd.s32 v1, v4;
	_ =	sdelay $0x3  }
0x4ef: {  	s17 =	simm.s32 $0x6800  }
0x4f0: {  	[hbm4b:s4+s2] =	stream.indirect_vreg.scatter [tilespmem:s17], [sflag:$0x1], $0x80, v4, vm0, $0xb8;
	[tilespmem:$0x12800] =	vst v63  }
0x4f1: {  	s9 =	simm.s32 $0x7000;
	v3 =	vperm.xlane v3, v2  }
0x4f2: {  	[hbm4b:s6+s2] =	stream.indirect_vreg.scatter [tilespmem:s9], [sflag:$0x1], $0x80, v4, vm0, $0xb8;
	[tilespmem:$0x12800] =	vst v63  }
0x4f3: {  	s28 =	simm.s32 $0x7800;
	v3 =	vadd.s32 v1, v3  }
0x4f4: {  	[hbm4b:s7+s2] =	stream.indirect_vreg.scatter [tilespmem:s28], [sflag:$0x1], $0x80, v4, vm0, $0xb8;
	[tilespmem:$0x12800] =	vst v63  }
0x4f5: {  	s26 =	simm.s32 $0x8000  }
0x4f6: {  	[hbm4b:s8+s2] =	stream.indirect_vreg.scatter [tilespmem:s26], [sflag:$0x1], $0x80, v4, vm0, $0xb8;
	[tilespmem:$0x12800] =	vst v63  }
0x4f7: {  	s19 =	simm.s32 $0x8800  }
0x4f8: {  	[hbm4b:s4+s2] =	stream.indirect_vreg.scatter [tilespmem:s19], [sflag:$0x1], $0x80, v3, vm0, $0xb8;
	[tilespmem:$0x12800] =	vst v63  }
0x4f9: {  	s20 =	simm.s32 $0x9000  }
0x4fa: {  	[hbm4b:s6+s2] =	stream.indirect_vreg.scatter [tilespmem:s20], [sflag:$0x1], $0x80, v3, vm0, $0xb8;
	[tilespmem:$0x12800] =	vst v63  }
0x4fb: {  	s21 =	simm.s32 $0x9800  }
0x4fc: {  	[hbm4b:s7+s2] =	stream.indirect_vreg.scatter [tilespmem:s21], [sflag:$0x1], $0x80, v3, vm0, $0xb8;
	[tilespmem:$0x12800] =	vst v63  }
0x4fd: {  	s29 =	simm.s32 $0xA000  }
0x4fe: {  	[hbm4b:s8+s2] =	stream.indirect_vreg.scatter [tilespmem:s29], [sflag:$0x1], $0x80, v3, vm0, $0xb8;
	[tilespmem:$0x12800] =	vst v63  }
0x4ff: {  	v3 =	vld [tilespmem:$0x4A0];
	_ =	sdelay $0x4  }
0x500: {  	v50 =	vshll.u32 v3, $0x3  }
0x501: {  	v3 =	vand.u32 $0x7, v3;
	v4 =	vand.u32 $0xFFFFFFC0, v50  }
0x502: {  	v3 =	vor.u32 v3, v4  }
0x503: {  	v4 =	vperm.xlane v3, v0;
	_ =	sdelay $0x1  }
0x504: {  	v4 =	vadd.s32 v1, v4;
	_ =	sdelay $0x3  }
0x505: {  	s25 =	simm.s32 $0xA800  }
0x506: {  	[hbm4b:s4+s2] =	stream.indirect_vreg.scatter [tilespmem:s25], [sflag:$0x1], $0x80, v4, vm0, $0xb8;
	[tilespmem:$0x12800] =	vst v63  }
0x507: {  	s13 =	simm.s32 $0xB000;
	v3 =	vperm.xlane v3, v2  }
0x508: {  	[hbm4b:s6+s2] =	stream.indirect_vreg.scatter [tilespmem:s13], [sflag:$0x1], $0x80, v4, vm0, $0xb8;
	[tilespmem:$0x12800] =	vst v63  }
0x509: {  	s23 =	simm.s32 $0xB800;
	v3 =	vadd.s32 v1, v3  }
0x50a: {  	[hbm4b:s7+s2] =	stream.indirect_vreg.scatter [tilespmem:s23], [sflag:$0x1], $0x80, v4, vm0, $0xb8;
	[tilespmem:$0x12800] =	vst v63  }
0x50b: {  	s25 =	simm.s32 $0xC000  }
0x50c: {  	[hbm4b:s8+s2] =	stream.indirect_vreg.scatter [tilespmem:s25], [sflag:$0x1], $0x80, v4, vm0, $0xb8;
	[tilespmem:$0x12800] =	vst v63  }
0x50d: {  	s26 =	simm.s32 $0xC800  }
0x50e: {  	[hbm4b:s4+s2] =	stream.indirect_vreg.scatter [tilespmem:s26], [sflag:$0x1], $0x80, v3, vm0, $0xb8;
	[tilespmem:$0x12800] =	vst v63  }
0x50f: {  	s29 =	simm.s32 $0xD000  }
0x510: {  	[hbm4b:s6+s2] =	stream.indirect_vreg.scatter [tilespmem:s29], [sflag:$0x1], $0x80, v3, vm0, $0xb8;
	[tilespmem:$0x12800] =	vst v63  }
0x511: {  	s3 =	simm.s32 $0xD800  }
0x512: {  	[hbm4b:s7+s2] =	stream.indirect_vreg.scatter [tilespmem:s3], [sflag:$0x1], $0x80, v3, vm0, $0xb8;
	[tilespmem:$0x12800] =	vst v63  }
0x513: {  	s5 =	simm.s32 $0xE000  }
0x514: {  	[hbm4b:s8+s2] =	stream.indirect_vreg.scatter [tilespmem:s5], [sflag:$0x1], $0x80, v3, vm0, $0xb8;
	[tilespmem:$0x12800] =	vst v63  }
0x515: {  	v3 =	vld [tilespmem:$0x4B0];
	_ =	sdelay $0x4  }
0x516: {  	v51 =	vshll.u32 v3, $0x3  }
0x517: {  	v3 =	vand.u32 $0x7, v3;
	v4 =	vand.u32 $0xFFFFFFC0, v51  }
0x518: {  	v3 =	vor.u32 v3, v4  }
0x519: {  	v4 =	vperm.xlane v3, v0;
	_ =	sdelay $0x1  }
0x51a: {  	v4 =	vadd.s32 v1, v4;
	_ =	sdelay $0x3  }
0x51b: {  	s31 =	simm.s32 $0xE800  }
0x51c: {  	[hbm4b:s4+s2] =	stream.indirect_vreg.scatter [tilespmem:s31], [sflag:$0x1], $0x80, v4, vm0, $0xb8;
	[tilespmem:$0x12800] =	vst v63  }
0x51d: {  	v3 =	vperm.xlane v3, v2;
	s31 =	simm.s32 $0xF000  }
0x51e: {  	[hbm4b:s6+s2] =	stream.indirect_vreg.scatter [tilespmem:s31], [sflag:$0x1], $0x80, v4, vm0, $0xb8;
	[tilespmem:$0x12800] =	vst v63  }
0x51f: {  	s11 =	simm.s32 $0xF800;
	v3 =	vadd.s32 v1, v3  }
0x520: {  	[hbm4b:s7+s2] =	stream.indirect_vreg.scatter [tilespmem:s11], [sflag:$0x1], $0x80, v4, vm0, $0xb8;
	[tilespmem:$0x12800] =	vst v63  }
0x521: {  	s30 =	smov.u32 s12;
	s12 =	simm.s32 $0x10000  }
0x522: {  	[hbm4b:s8+s2] =	stream.indirect_vreg.scatter [tilespmem:s12], [sflag:$0x1], $0x80, v4, vm0, $0xb8;
	[tilespmem:$0x12800] =	vst v63  }
0x523: {  	s5 =	simm.s32 $0x10800  }
0x524: {  	[hbm4b:s4+s2] =	stream.indirect_vreg.scatter [tilespmem:s5], [sflag:$0x1], $0x80, v3, vm0, $0xb8;
	[tilespmem:$0x12800] =	vst v63  }
0x525: {  	s12 =	simm.s32 $0x11000  }
0x526: {  	[hbm4b:s6+s2] =	stream.indirect_vreg.scatter [tilespmem:s12], [sflag:$0x1], $0x80, v3, vm0, $0xb8;
	[tilespmem:$0x12800] =	vst v63  }
0x527: {  	_ = 	snop  }
0x528: {  	[hbm4b:s7+s2] =	stream.indirect_vreg.scatter [tilespmem:s1], [sflag:$0x1], $0x80, v3, vm0, $0xb8;
	[tilespmem:$0x12800] =	vst v63  }
0x529: {  	s24 =	simm.s32 $0x12000  }
0x52a: {  	[hbm4b:s8+s2] =	stream.indirect_vreg.scatter [tilespmem:s24], [sflag:$0x1], $0x80, v3, vm0, $0xb8;
	[tilespmem:$0x12800] =	vst v63  }
0x52b: {  	_ =	swait.ge [sflag:s22], $0x10000  }
0x52c: {  	s1 =	sld [smem:$0x7FA]  }
0x52d: {  	[sflag:s22] =	ssyncset.done $0x0  }
0x52e: {  	s3 =	simm.s32 $0x40;
	s11 =	simm.s32 $0x800;
	[sflag:s22] =	ssyncadd.s32 $0xFFFF0000  }
0x52f: {  	[hbm4b:s30+s3] =	stream.indirect.scatter [tilespmem:s11], [sflag:$0x1], $0x80, s1, s3, $0xb8;
	[tilespmem:$0x12800] =	vst v63  }
0x530: {  	_ =	swait.ge [sflag:s22], $0x2000  }
0x531: {  	[sflag:s22] =	ssyncset.done $0x0  }
0x532: {  	s3 =	rddreg [dreg:$0x12];
	[sflag:s22] =	ssyncadd.s32 $0xFFFFE000  }
0x533: {  	[tilespmem:s11], [sflag:$0x2] =	stream.linear.gather [hbm4b:s3+s2], $0x2000, $0x38;
	[tilespmem:$0x12800] =	vst v63  }
0x534: {  	_ =	swait.ge [sflag:s10], $0x2000  }
0x535: {  	[sflag:s10] =	ssyncset.done $0x0  }
0x536: {  	[sflag:s10] =	ssyncadd.s32 $0xFFFFE000  }
0x537: {  	v3 =	vld [tilespmem:$0x580];
	_ =	sdelay $0x4  }
0x538: {  	v52 =	vshll.u32 v3, $0x3  }
0x539: {  	v3 =	vand.u32 $0x7, v3;
	v4 =	vand.u32 $0xFFFFFFC0, v52  }
0x53a: {  	v3 =	vor.u32 v3, v4  }
0x53b: {  	v4 =	vperm.xlane v3, v0;
	_ =	sdelay $0x1  }
0x53c: {  	v4 =	vadd.s32 v1, v4;
	_ =	sdelay $0x3  }
0x53d: {  	s11 =	simm.s32 $0x2800  }
0x53e: {  	[hbm4b:s4+s2] =	stream.indirect_vreg.scatter [tilespmem:s11], [sflag:$0x1], $0x80, v4, vm0, $0xb8;
	[tilespmem:$0x12800] =	vst v63  }
0x53f: {  	v3 =	vperm.xlane v3, v2  }
0x540: {  	[hbm4b:s6+s2] =	stream.indirect_vreg.scatter [tilespmem:s16], [sflag:$0x1], $0x80, v4, vm0, $0xb8;
	[tilespmem:$0x12800] =	vst v63  }
0x541: {  	v3 =	vadd.s32 v1, v3  }
0x542: {  	[hbm4b:s7+s2] =	stream.indirect_vreg.scatter [tilespmem:s14], [sflag:$0x1], $0x80, v4, vm0, $0xb8;
	[tilespmem:$0x12800] =	vst v63  }
0x543: {  	_ = 	snop  }
0x544: {  	[hbm4b:s8+s2] =	stream.indirect_vreg.scatter [tilespmem:s18], [sflag:$0x1], $0x80, v4, vm0, $0xb8;
	[tilespmem:$0x12800] =	vst v63  }
0x545: {  	s0 =	simm.s32 $0x4800  }
0x546: {  	[hbm4b:s4+s2] =	stream.indirect_vreg.scatter [tilespmem:s0], [sflag:$0x1], $0x80, v3, vm0, $0xb8;
	[tilespmem:$0x12800] =	vst v63  }
0x547: {  	s14 =	simm.s32 $0x5000  }
0x548: {  	[hbm4b:s6+s2] =	stream.indirect_vreg.scatter [tilespmem:s14], [sflag:$0x1], $0x80, v3, vm0, $0xb8;
	[tilespmem:$0x12800] =	vst v63  }
0x549: {  	_ = 	snop  }
0x54a: {  	[hbm4b:s7+s2] =	stream.indirect_vreg.scatter [tilespmem:s15], [sflag:$0x1], $0x80, v3, vm0, $0xb8;
	[tilespmem:$0x12800] =	vst v63  }
0x54b: {  	s3 =	simm.s32 $0x6000  }
0x54c: {  	[hbm4b:s8+s2] =	stream.indirect_vreg.scatter [tilespmem:s3], [sflag:$0x1], $0x80, v3, vm0, $0xb8;
	[tilespmem:$0x12800] =	vst v63  }
0x54d: {  	v3 =	vld [tilespmem:$0x590];
	_ =	sdelay $0x4  }
0x54e: {  	v53 =	vshll.u32 v3, $0x3  }
0x54f: {  	v3 =	vand.u32 $0x7, v3;
	v4 =	vand.u32 $0xFFFFFFC0, v53  }
0x550: {  	v3 =	vor.u32 v3, v4  }
0x551: {  	v4 =	vperm.xlane v3, v0;
	_ =	sdelay $0x1  }
0x552: {  	v4 =	vadd.s32 v1, v4;
	_ =	sdelay $0x4  }
0x553: {  	[hbm4b:s4+s2] =	stream.indirect_vreg.scatter [tilespmem:s17], [sflag:$0x1], $0x80, v4, vm0, $0xb8;
	[tilespmem:$0x12800] =	vst v63  }
0x554: {  	v3 =	vperm.xlane v3, v2  }
0x555: {  	[hbm4b:s6+s2] =	stream.indirect_vreg.scatter [tilespmem:s9], [sflag:$0x1], $0x80, v4, vm0, $0xb8;
	[tilespmem:$0x12800] =	vst v63  }
0x556: {  	v3 =	vadd.s32 v1, v3  }
0x557: {  	[hbm4b:s7+s2] =	stream.indirect_vreg.scatter [tilespmem:s28], [sflag:$0x1], $0x80, v4, vm0, $0xb8;
	[tilespmem:$0x12800] =	vst v63  }
0x558: {  	s9 =	simm.s32 $0x8000  }
0x559: {  	[hbm4b:s8+s2] =	stream.indirect_vreg.scatter [tilespmem:s9], [sflag:$0x1], $0x80, v4, vm0, $0xb8;
	[tilespmem:$0x12800] =	vst v63  }
0x55a: {  	_ = 	snop  }
0x55b: {  	[hbm4b:s4+s2] =	stream.indirect_vreg.scatter [tilespmem:s19], [sflag:$0x1], $0x80, v3, vm0, $0xb8;
	[tilespmem:$0x12800] =	vst v63  }
0x55c: {  	_ = 	snop  }
0x55d: {  	[hbm4b:s6+s2] =	stream.indirect_vreg.scatter [tilespmem:s20], [sflag:$0x1], $0x80, v3, vm0, $0xb8;
	[tilespmem:$0x12800] =	vst v63  }
0x55e: {  	_ = 	snop  }
0x55f: {  	[hbm4b:s7+s2] =	stream.indirect_vreg.scatter [tilespmem:s21], [sflag:$0x1], $0x80, v3, vm0, $0xb8;
	[tilespmem:$0x12800] =	vst v63  }
0x560: {  	s11 =	simm.s32 $0xA000  }
0x561: {  	[hbm4b:s8+s2] =	stream.indirect_vreg.scatter [tilespmem:s11], [sflag:$0x1], $0x80, v3, vm0, $0xb8;
	[tilespmem:$0x12800] =	vst v63  }
0x562: {  	v3 =	vld [tilespmem:$0x5A0];
	_ =	sdelay $0x4  }
0x563: {  	v54 =	vshll.u32 v3, $0x3  }
0x564: {  	v3 =	vand.u32 $0x7, v3;
	v4 =	vand.u32 $0xFFFFFFC0, v54  }
0x565: {  	v3 =	vor.u32 v3, v4  }
0x566: {  	v4 =	vperm.xlane v3, v0;
	_ =	sdelay $0x1  }
0x567: {  	v4 =	vadd.s32 v1, v4;
	_ =	sdelay $0x3  }
0x568: {  	s15 =	simm.s32 $0xA800  }
0x569: {  	[hbm4b:s4+s2] =	stream.indirect_vreg.scatter [tilespmem:s15], [sflag:$0x1], $0x80, v4, vm0, $0xb8;
	[tilespmem:$0x12800] =	vst v63  }
0x56a: {  	v3 =	vperm.xlane v3, v2  }
0x56b: {  	[hbm4b:s6+s2] =	stream.indirect_vreg.scatter [tilespmem:s13], [sflag:$0x1], $0x80, v4, vm0, $0xb8;
	[tilespmem:$0x12800] =	vst v63  }
0x56c: {  	v3 =	vadd.s32 v1, v3  }
0x56d: {  	[hbm4b:s7+s2] =	stream.indirect_vreg.scatter [tilespmem:s23], [sflag:$0x1], $0x80, v4, vm0, $0xb8;
	[tilespmem:$0x12800] =	vst v63  }
0x56e: {  	_ = 	snop  }
0x56f: {  	[hbm4b:s8+s2] =	stream.indirect_vreg.scatter [tilespmem:s25], [sflag:$0x1], $0x80, v4, vm0, $0xb8;
	[tilespmem:$0x12800] =	vst v63  }
0x570: {  	_ = 	snop  }
0x571: {  	[hbm4b:s4+s2] =	stream.indirect_vreg.scatter [tilespmem:s26], [sflag:$0x1], $0x80, v3, vm0, $0xb8;
	[tilespmem:$0x12800] =	vst v63  }
0x572: {  	_ = 	snop  }
0x573: {  	[hbm4b:s6+s2] =	stream.indirect_vreg.scatter [tilespmem:s29], [sflag:$0x1], $0x80, v3, vm0, $0xb8;
	[tilespmem:$0x12800] =	vst v63  }
0x574: {  	s20 =	simm.s32 $0xD800  }
0x575: {  	[hbm4b:s7+s2] =	stream.indirect_vreg.scatter [tilespmem:s20], [sflag:$0x1], $0x80, v3, vm0, $0xb8;
	[tilespmem:$0x12800] =	vst v63  }
0x576: {  	s21 =	simm.s32 $0xE000  }
0x577: {  	[hbm4b:s8+s2] =	stream.indirect_vreg.scatter [tilespmem:s21], [sflag:$0x1], $0x80, v3, vm0, $0xb8;
	[tilespmem:$0x12800] =	vst v63  }
0x578: {  	v3 =	vld [tilespmem:$0x5B0];
	_ =	sdelay $0x4  }
0x579: {  	v55 =	vshll.u32 v3, $0x3  }
0x57a: {  	v3 =	vand.u32 $0x7, v3;
	v4 =	vand.u32 $0xFFFFFFC0, v55  }
0x57b: {  	v3 =	vor.u32 v3, v4  }
0x57c: {  	v4 =	vperm.xlane v3, v0;
	_ =	sdelay $0x1  }
0x57d: {  	v4 =	vadd.s32 v1, v4;
	_ =	sdelay $0x3  }
0x57e: {  	s13 =	simm.s32 $0xE800  }
0x57f: {  	[hbm4b:s4+s2] =	stream.indirect_vreg.scatter [tilespmem:s13], [sflag:$0x1], $0x80, v4, vm0, $0xb8;
	[tilespmem:$0x12800] =	vst v63  }
0x580: {  	v3 =	vperm.xlane v3, v2  }
0x581: {  	[hbm4b:s6+s2] =	stream.indirect_vreg.scatter [tilespmem:s31], [sflag:$0x1], $0x80, v4, vm0, $0xb8;
	[tilespmem:$0x12800] =	vst v63  }
0x582: {  	s23 =	simm.s32 $0xF800;
	v3 =	vadd.s32 v1, v3  }
0x583: {  	[hbm4b:s7+s2] =	stream.indirect_vreg.scatter [tilespmem:s23], [sflag:$0x1], $0x80, v4, vm0, $0xb8;
	[tilespmem:$0x12800] =	vst v63  }
0x584: {  	s24 =	simm.s32 $0x10000  }
0x585: {  	[hbm4b:s8+s2] =	stream.indirect_vreg.scatter [tilespmem:s24], [sflag:$0x1], $0x80, v4, vm0, $0xb8;
	[tilespmem:$0x12800] =	vst v63  }
0x586: {  	_ = 	snop  }
0x587: {  	[hbm4b:s4+s2] =	stream.indirect_vreg.scatter [tilespmem:s5], [sflag:$0x1], $0x80, v3, vm0, $0xb8;
	[tilespmem:$0x12800] =	vst v63  }
0x588: {  	_ = 	snop  }
0x589: {  	[hbm4b:s6+s2] =	stream.indirect_vreg.scatter [tilespmem:s12], [sflag:$0x1], $0x80, v3, vm0, $0xb8;
	[tilespmem:$0x12800] =	vst v63  }
0x58a: {  	s5 =	simm.s32 $0x11800  }
0x58b: {  	[hbm4b:s7+s2] =	stream.indirect_vreg.scatter [tilespmem:s5], [sflag:$0x1], $0x80, v3, vm0, $0xb8;
	[tilespmem:$0x12800] =	vst v63  }
0x58c: {  	s12 =	simm.s32 $0x12000  }
0x58d: {  	[hbm4b:s8+s2] =	stream.indirect_vreg.scatter [tilespmem:s12], [sflag:$0x1], $0x80, v3, vm0, $0xb8;
	[tilespmem:$0x12800] =	vst v63  }
0x58e: {  	_ =	swait.ge [sflag:s22], $0x10000  }
0x58f: {  	s26 =	sld [smem:$0x7FB]  }
0x590: {  	[sflag:s22] =	ssyncset.done $0x0  }
0x591: {  	s1 =	simm.s32 $0x800;
	s29 =	simm.s32 $0x40;
	[sflag:s22] =	ssyncadd.s32 $0xFFFF0000  }
0x592: {  	[hbm4b:s30+s29] =	stream.indirect.scatter [tilespmem:s1], [sflag:$0x1], $0x80, s26, s29, $0xb8;
	[tilespmem:$0x12800] =	vst v63  }
0x593: {  	_ =	swait.ge [sflag:s22], $0x2000  }
0x594: {  	[sflag:s22] =	ssyncset.done $0x0  }
0x595: {  	s31 =	rddreg [dreg:$0x13];
	[sflag:s22] =	ssyncadd.s32 $0xFFFFE000  }
0x596: {  	[tilespmem:s1], [sflag:$0x2] =	stream.linear.gather [hbm4b:s31+s2], $0x2000, $0x38;
	[tilespmem:$0x12800] =	vst v63  }
0x597: {  	_ =	swait.ge [sflag:s10], $0x2000  }
0x598: {  	[sflag:s10] =	ssyncset.done $0x0  }
0x599: {  	[sflag:s10] =	ssyncadd.s32 $0xFFFFE000  }
0x59a: {  	v3 =	vld [tilespmem:$0x680];
	_ =	sdelay $0x4  }
0x59b: {  	v56 =	vshll.u32 v3, $0x3  }
0x59c: {  	v3 =	vand.u32 $0x7, v3;
	v4 =	vand.u32 $0xFFFFFFC0, v56  }
0x59d: {  	v3 =	vor.u32 v3, v4  }
0x59e: {  	v4 =	vperm.xlane v3, v0;
	_ =	sdelay $0x1  }
0x59f: {  	v4 =	vadd.s32 v1, v4;
	_ =	sdelay $0x3  }
0x5a0: {  	s19 =	simm.s32 $0x2800  }
0x5a1: {  	[hbm4b:s4+s2] =	stream.indirect_vreg.scatter [tilespmem:s19], [sflag:$0x1], $0x80, v4, vm0, $0xb8;
	[tilespmem:$0x12800] =	vst v63  }
0x5a2: {  	s24 =	simm.s32 $0x3000;
	v3 =	vperm.xlane v3, v2  }
0x5a3: {  	[hbm4b:s6+s2] =	stream.indirect_vreg.scatter [tilespmem:s24], [sflag:$0x1], $0x80, v4, vm0, $0xb8;
	[tilespmem:$0x12800] =	vst v63  }
0x5a4: {  	s26 =	simm.s32 $0x3800;
	v3 =	vadd.s32 v1, v3  }
0x5a5: {  	[hbm4b:s7+s2] =	stream.indirect_vreg.scatter [tilespmem:s26], [sflag:$0x1], $0x80, v4, vm0, $0xb8;
	[tilespmem:$0x12800] =	vst v63  }
0x5a6: {  	s29 =	simm.s32 $0x4000  }
0x5a7: {  	[hbm4b:s8+s2] =	stream.indirect_vreg.scatter [tilespmem:s29], [sflag:$0x1], $0x80, v4, vm0, $0xb8;
	[tilespmem:$0x12800] =	vst v63  }
0x5a8: {  	_ = 	snop  }
0x5a9: {  	[hbm4b:s4+s2] =	stream.indirect_vreg.scatter [tilespmem:s0], [sflag:$0x1], $0x80, v3, vm0, $0xb8;
	[tilespmem:$0x12800] =	vst v63  }
0x5aa: {  	_ = 	snop  }
0x5ab: {  	[hbm4b:s6+s2] =	stream.indirect_vreg.scatter [tilespmem:s14], [sflag:$0x1], $0x80, v3, vm0, $0xb8;
	[tilespmem:$0x12800] =	vst v63  }
0x5ac: {  	s0 =	simm.s32 $0x5800  }
0x5ad: {  	[hbm4b:s7+s2] =	stream.indirect_vreg.scatter [tilespmem:s0], [sflag:$0x1], $0x80, v3, vm0, $0xb8;
	[tilespmem:$0x12800] =	vst v63  }
0x5ae: {  	_ = 	snop  }
0x5af: {  	[hbm4b:s8+s2] =	stream.indirect_vreg.scatter [tilespmem:s3], [sflag:$0x1], $0x80, v3, vm0, $0xb8;
	[tilespmem:$0x12800] =	vst v63  }
0x5b0: {  	v3 =	vld [tilespmem:$0x690];
	_ =	sdelay $0x4  }
0x5b1: {  	v57 =	vshll.u32 v3, $0x3  }
0x5b2: {  	v3 =	vand.u32 $0x7, v3;
	v4 =	vand.u32 $0xFFFFFFC0, v57  }
0x5b3: {  	v3 =	vor.u32 v3, v4  }
0x5b4: {  	v4 =	vperm.xlane v3, v0;
	_ =	sdelay $0x1  }
0x5b5: {  	v4 =	vadd.s32 v1, v4;
	_ =	sdelay $0x3  }
0x5b6: {  	s0 =	simm.s32 $0x6800  }
0x5b7: {  	[hbm4b:s4+s2] =	stream.indirect_vreg.scatter [tilespmem:s0], [sflag:$0x1], $0x80, v4, vm0, $0xb8;
	[tilespmem:$0x12800] =	vst v63  }
0x5b8: {  	s16 =	simm.s32 $0x7000;
	v3 =	vperm.xlane v3, v2  }
0x5b9: {  	[hbm4b:s6+s2] =	stream.indirect_vreg.scatter [tilespmem:s16], [sflag:$0x1], $0x80, v4, vm0, $0xb8;
	[tilespmem:$0x12800] =	vst v63  }
0x5ba: {  	s24 =	simm.s32 $0x7800;
	v3 =	vadd.s32 v1, v3  }
0x5bb: {  	[hbm4b:s7+s2] =	stream.indirect_vreg.scatter [tilespmem:s24], [sflag:$0x1], $0x80, v4, vm0, $0xb8;
	[tilespmem:$0x12800] =	vst v63  }
0x5bc: {  	_ = 	snop  }
0x5bd: {  	[hbm4b:s8+s2] =	stream.indirect_vreg.scatter [tilespmem:s9], [sflag:$0x1], $0x80, v4, vm0, $0xb8;
	[tilespmem:$0x12800] =	vst v63  }
0x5be: {  	s26 =	simm.s32 $0x8800  }
0x5bf: {  	[hbm4b:s4+s2] =	stream.indirect_vreg.scatter [tilespmem:s26], [sflag:$0x1], $0x80, v3, vm0, $0xb8;
	[tilespmem:$0x12800] =	vst v63  }
0x5c0: {  	s24 =	simm.s32 $0x9000  }
0x5c1: {  	[hbm4b:s6+s2] =	stream.indirect_vreg.scatter [tilespmem:s24], [sflag:$0x1], $0x80, v3, vm0, $0xb8;
	[tilespmem:$0x12800] =	vst v63  }
0x5c2: {  	s26 =	simm.s32 $0x9800  }
0x5c3: {  	[hbm4b:s7+s2] =	stream.indirect_vreg.scatter [tilespmem:s26], [sflag:$0x1], $0x80, v3, vm0, $0xb8;
	[tilespmem:$0x12800] =	vst v63  }
0x5c4: {  	_ = 	snop  }
0x5c5: {  	[hbm4b:s8+s2] =	stream.indirect_vreg.scatter [tilespmem:s11], [sflag:$0x1], $0x80, v3, vm0, $0xb8;
	[tilespmem:$0x12800] =	vst v63  }
0x5c6: {  	v3 =	vld [tilespmem:$0x6A0];
	_ =	sdelay $0x4  }
0x5c7: {  	v58 =	vshll.u32 v3, $0x3  }
0x5c8: {  	v3 =	vand.u32 $0x7, v3;
	v4 =	vand.u32 $0xFFFFFFC0, v58  }
0x5c9: {  	v3 =	vor.u32 v3, v4  }
0x5ca: {  	v4 =	vperm.xlane v3, v0;
	_ =	sdelay $0x1  }
0x5cb: {  	v4 =	vadd.s32 v1, v4;
	_ =	sdelay $0x4  }
0x5cc: {  	[hbm4b:s4+s2] =	stream.indirect_vreg.scatter [tilespmem:s15], [sflag:$0x1], $0x80, v4, vm0, $0xb8;
	[tilespmem:$0x12800] =	vst v63  }
0x5cd: {  	s28 =	simm.s32 $0xB000;
	v3 =	vperm.xlane v3, v2  }
0x5ce: {  	[hbm4b:s6+s2] =	stream.indirect_vreg.scatter [tilespmem:s28], [sflag:$0x1], $0x80, v4, vm0, $0xb8;
	[tilespmem:$0x12800] =	vst v63  }
0x5cf: {  	s24 =	simm.s32 $0xB800;
	v3 =	vadd.s32 v1, v3  }
0x5d0: {  	[hbm4b:s7+s2] =	stream.indirect_vreg.scatter [tilespmem:s24], [sflag:$0x1], $0x80, v4, vm0, $0xb8;
	[tilespmem:$0x12800] =	vst v63  }
0x5d1: {  	s28 =	simm.s32 $0xC000  }
0x5d2: {  	[hbm4b:s8+s2] =	stream.indirect_vreg.scatter [tilespmem:s28], [sflag:$0x1], $0x80, v4, vm0, $0xb8;
	[tilespmem:$0x12800] =	vst v63  }
0x5d3: {  	s24 =	simm.s32 $0xC800  }
0x5d4: {  	[hbm4b:s4+s2] =	stream.indirect_vreg.scatter [tilespmem:s24], [sflag:$0x1], $0x80, v3, vm0, $0xb8;
	[tilespmem:$0x12800] =	vst v63  }
0x5d5: {  	s28 =	simm.s32 $0xD000  }
0x5d6: {  	[hbm4b:s6+s2] =	stream.indirect_vreg.scatter [tilespmem:s28], [sflag:$0x1], $0x80, v3, vm0, $0xb8;
	[tilespmem:$0x12800] =	vst v63  }
0x5d7: {  	s25 =	simm.s32 $0xD800  }
0x5d8: {  	[hbm4b:s7+s2] =	stream.indirect_vreg.scatter [tilespmem:s25], [sflag:$0x1], $0x80, v3, vm0, $0xb8;
	[tilespmem:$0x12800] =	vst v63  }
0x5d9: {  	s24 =	simm.s32 $0xE000  }
0x5da: {  	[hbm4b:s8+s2] =	stream.indirect_vreg.scatter [tilespmem:s24], [sflag:$0x1], $0x80, v3, vm0, $0xb8;
	[tilespmem:$0x12800] =	vst v63  }
0x5db: {  	v3 =	vld [tilespmem:$0x6B0];
	_ =	sdelay $0x4  }
0x5dc: {  	v59 =	vshll.u32 v3, $0x3  }
0x5dd: {  	v3 =	vand.u32 $0x7, v3;
	v4 =	vand.u32 $0xFFFFFFC0, v59  }
0x5de: {  	v3 =	vor.u32 v3, v4  }
0x5df: {  	v4 =	vperm.xlane v3, v0;
	_ =	sdelay $0x1  }
0x5e0: {  	v4 =	vadd.s32 v1, v4;
	_ =	sdelay $0x4  }
0x5e1: {  	[hbm4b:s4+s2] =	stream.indirect_vreg.scatter [tilespmem:s13], [sflag:$0x1], $0x80, v4, vm0, $0xb8;
	[tilespmem:$0x12800] =	vst v63  }
0x5e2: {  	s28 =	simm.s32 $0xF000;
	v3 =	vperm.xlane v3, v2  }
0x5e3: {  	[hbm4b:s6+s2] =	stream.indirect_vreg.scatter [tilespmem:s28], [sflag:$0x1], $0x80, v4, vm0, $0xb8;
	[tilespmem:$0x12800] =	vst v63  }
0x5e4: {  	s23 =	simm.s32 $0xF800;
	v3 =	vadd.s32 v1, v3  }
0x5e5: {  	[hbm4b:s7+s2] =	stream.indirect_vreg.scatter [tilespmem:s23], [sflag:$0x1], $0x80, v4, vm0, $0xb8;
	[tilespmem:$0x12800] =	vst v63  }
0x5e6: {  	s20 =	simm.s32 $0x10000  }
0x5e7: {  	[hbm4b:s8+s2] =	stream.indirect_vreg.scatter [tilespmem:s20], [sflag:$0x1], $0x80, v4, vm0, $0xb8;
	[tilespmem:$0x12800] =	vst v63  }
0x5e8: {  	s21 =	simm.s32 $0x10800  }
0x5e9: {  	[hbm4b:s4+s2] =	stream.indirect_vreg.scatter [tilespmem:s21], [sflag:$0x1], $0x80, v3, vm0, $0xb8;
	[tilespmem:$0x12800] =	vst v63  }
0x5ea: {  	s18 =	simm.s32 $0x11000  }
0x5eb: {  	[hbm4b:s6+s2] =	stream.indirect_vreg.scatter [tilespmem:s18], [sflag:$0x1], $0x80, v3, vm0, $0xb8;
	[tilespmem:$0x12800] =	vst v63  }
0x5ec: {  	_ = 	snop  }
0x5ed: {  	[hbm4b:s7+s2] =	stream.indirect_vreg.scatter [tilespmem:s5], [sflag:$0x1], $0x80, v3, vm0, $0xb8;
	[tilespmem:$0x12800] =	vst v63  }
0x5ee: {  	_ = 	snop  }
0x5ef: {  	[hbm4b:s8+s2] =	stream.indirect_vreg.scatter [tilespmem:s12], [sflag:$0x1], $0x80, v3, vm0, $0xb8;
	[tilespmem:$0x12800] =	vst v63  }
0x5f0: {  	_ =	swait.ge [sflag:s22], $0x10000  }
0x5f1: {  	s24 =	sld [smem:$0x7FC]  }
0x5f2: {  	[sflag:s22] =	ssyncset.done $0x0  }
0x5f3: {  	s17 =	simm.s32 $0x40;
	s12 =	simm.s32 $0x800;
	[sflag:s22] =	ssyncadd.s32 $0xFFFF0000  }
0x5f4: {  	[hbm4b:s30+s17] =	stream.indirect.scatter [tilespmem:s12], [sflag:$0x1], $0x80, s24, s17, $0xb8;
	[tilespmem:$0x12800] =	vst v63  }
0x5f5: {  	_ =	swait.ge [sflag:s22], $0x2000  }
0x5f6: {  	[sflag:s22] =	ssyncset.done $0x0  }
0x5f7: {  	s24 =	rddreg [dreg:$0x14];
	[sflag:s22] =	ssyncadd.s32 $0xFFFFE000  }
0x5f8: {  	[tilespmem:s12], [sflag:$0x2] =	stream.linear.gather [hbm4b:s24+s2], $0x2000, $0x38;
	[tilespmem:$0x12800] =	vst v63  }
0x5f9: {  	_ =	swait.ge [sflag:s10], $0x2000  }
0x5fa: {  	[sflag:s10] =	ssyncset.done $0x0  }
0x5fb: {  	[sflag:s10] =	ssyncadd.s32 $0xFFFFE000  }
0x5fc: {  	v3 =	vld [tilespmem:$0x780];
	_ =	sdelay $0x4  }
0x5fd: {  	v60 =	vshll.u32 v3, $0x3  }
0x5fe: {  	v3 =	vand.u32 $0x7, v3;
	v4 =	vand.u32 $0xFFFFFFC0, v60  }
0x5ff: {  	v3 =	vor.u32 v3, v4  }
0x600: {  	v4 =	vperm.xlane v3, v0;
	_ =	sdelay $0x1  }
0x601: {  	v4 =	vadd.s32 v1, v4;
	_ =	sdelay $0x3  }
0x602: {  	s1 =	simm.s32 $0x2800  }
0x603: {  	[hbm4b:s4+s2] =	stream.indirect_vreg.scatter [tilespmem:s1], [sflag:$0x1], $0x80, v4, vm0, $0xb8;
	[tilespmem:$0x12800] =	vst v63  }
0x604: {  	s31 =	simm.s32 $0x3000;
	v3 =	vperm.xlane v3, v2  }
0x605: {  	[hbm4b:s6+s2] =	stream.indirect_vreg.scatter [tilespmem:s31], [sflag:$0x1], $0x80, v4, vm0, $0xb8;
	[tilespmem:$0x12800] =	vst v63  }
0x606: {  	s24 =	simm.s32 $0x3800;
	v3 =	vadd.s32 v1, v3  }
0x607: {  	[hbm4b:s7+s2] =	stream.indirect_vreg.scatter [tilespmem:s24], [sflag:$0x1], $0x80, v4, vm0, $0xb8;
	[tilespmem:$0x12800] =	vst v63  }
0x608: {  	s31 =	simm.s32 $0x4000  }
0x609: {  	[hbm4b:s8+s2] =	stream.indirect_vreg.scatter [tilespmem:s31], [sflag:$0x1], $0x80, v4, vm0, $0xb8;
	[tilespmem:$0x12800] =	vst v63  }
0x60a: {  	s24 =	simm.s32 $0x4800  }
0x60b: {  	[hbm4b:s4+s2] =	stream.indirect_vreg.scatter [tilespmem:s24], [sflag:$0x1], $0x80, v3, vm0, $0xb8;
	[tilespmem:$0x12800] =	vst v63  }
0x60c: {  	s14 =	simm.s32 $0x5000  }
0x60d: {  	[hbm4b:s6+s2] =	stream.indirect_vreg.scatter [tilespmem:s14], [sflag:$0x1], $0x80, v3, vm0, $0xb8;
	[tilespmem:$0x12800] =	vst v63  }
0x60e: {  	s29 =	simm.s32 $0x5800  }
0x60f: {  	[hbm4b:s7+s2] =	stream.indirect_vreg.scatter [tilespmem:s29], [sflag:$0x1], $0x80, v3, vm0, $0xb8;
	[tilespmem:$0x12800] =	vst v63  }
0x610: {  	s3 =	simm.s32 $0x6000  }
0x611: {  	[hbm4b:s8+s2] =	stream.indirect_vreg.scatter [tilespmem:s3], [sflag:$0x1], $0x80, v3, vm0, $0xb8;
	[tilespmem:$0x12800] =	vst v63  }
0x612: {  	v3 =	vld [tilespmem:$0x790];
	_ =	sdelay $0x4  }
0x613: {  	v61 =	vshll.u32 v3, $0x3  }
0x614: {  	v3 =	vand.u32 $0x7, v3;
	v4 =	vand.u32 $0xFFFFFFC0, v61  }
0x615: {  	v3 =	vor.u32 v3, v4  }
0x616: {  	v4 =	vperm.xlane v3, v0;
	_ =	sdelay $0x1  }
0x617: {  	v4 =	vadd.s32 v1, v4;
	_ =	sdelay $0x4  }
0x618: {  	[hbm4b:s4+s2] =	stream.indirect_vreg.scatter [tilespmem:s0], [sflag:$0x1], $0x80, v4, vm0, $0xb8;
	[tilespmem:$0x12800] =	vst v63  }
0x619: {  	s19 =	simm.s32 $0x7000;
	v3 =	vperm.xlane v3, v2  }
0x61a: {  	[hbm4b:s6+s2] =	stream.indirect_vreg.scatter [tilespmem:s19], [sflag:$0x1], $0x80, v4, vm0, $0xb8;
	[tilespmem:$0x12800] =	vst v63  }
0x61b: {  	s31 =	simm.s32 $0x7800;
	v3 =	vadd.s32 v1, v3  }
0x61c: {  	[hbm4b:s7+s2] =	stream.indirect_vreg.scatter [tilespmem:s31], [sflag:$0x1], $0x80, v4, vm0, $0xb8;
	[tilespmem:$0x12800] =	vst v63  }
0x61d: {  	s16 =	simm.s32 $0x8000  }
0x61e: {  	[hbm4b:s8+s2] =	stream.indirect_vreg.scatter [tilespmem:s16], [sflag:$0x1], $0x80, v4, vm0, $0xb8;
	[tilespmem:$0x12800] =	vst v63  }
0x61f: {  	s1 =	simm.s32 $0x8800  }
0x620: {  	[hbm4b:s4+s2] =	stream.indirect_vreg.scatter [tilespmem:s1], [sflag:$0x1], $0x80, v3, vm0, $0xb8;
	[tilespmem:$0x12800] =	vst v63  }
0x621: {  	s3 =	simm.s32 $0x9000  }
0x622: {  	[hbm4b:s6+s2] =	stream.indirect_vreg.scatter [tilespmem:s3], [sflag:$0x1], $0x80, v3, vm0, $0xb8;
	[tilespmem:$0x12800] =	vst v63  }
0x623: {  	s14 =	simm.s32 $0x9800  }
0x624: {  	[hbm4b:s7+s2] =	stream.indirect_vreg.scatter [tilespmem:s14], [sflag:$0x1], $0x80, v3, vm0, $0xb8;
	[tilespmem:$0x12800] =	vst v63  }
0x625: {  	s11 =	simm.s32 $0xA000  }
0x626: {  	[hbm4b:s8+s2] =	stream.indirect_vreg.scatter [tilespmem:s11], [sflag:$0x1], $0x80, v3, vm0, $0xb8;
	[tilespmem:$0x12800] =	vst v63  }
0x627: {  	v3 =	vld [tilespmem:$0x7A0];
	_ =	sdelay $0x4  }
0x628: {  	v62 =	vshll.u32 v3, $0x3  }
0x629: {  	v3 =	vand.u32 $0x7, v3;
	v4 =	vand.u32 $0xFFFFFFC0, v62  }
0x62a: {  	v3 =	vor.u32 v3, v4  }
0x62b: {  	v4 =	vperm.xlane v3, v0;
	_ =	sdelay $0x1  }
0x62c: {  	v4 =	vadd.s32 v1, v4;
	_ =	sdelay $0x3  }
0x62d: {  	s15 =	simm.s32 $0xA800  }
0x62e: {  	[hbm4b:s4+s2] =	stream.indirect_vreg.scatter [tilespmem:s15], [sflag:$0x1], $0x80, v4, vm0, $0xb8;
	[tilespmem:$0x12800] =	vst v63  }
0x62f: {  	s26 =	simm.s32 $0xB000;
	v3 =	vperm.xlane v3, v2  }
0x630: {  	[hbm4b:s6+s2] =	stream.indirect_vreg.scatter [tilespmem:s26], [sflag:$0x1], $0x80, v4, vm0, $0xb8;
	[tilespmem:$0x12800] =	vst v63  }
0x631: {  	v3 =	vadd.s32 v1, v3;
	s15 =	simm.s32 $0xB800  }
0x632: {  	[hbm4b:s7+s2] =	stream.indirect_vreg.scatter [tilespmem:s15], [sflag:$0x1], $0x80, v4, vm0, $0xb8;
	[tilespmem:$0x12800] =	vst v63  }
0x633: {  	s16 =	simm.s32 $0xC000  }
0x634: {  	[hbm4b:s8+s2] =	stream.indirect_vreg.scatter [tilespmem:s16], [sflag:$0x1], $0x80, v4, vm0, $0xb8;
	[tilespmem:$0x12800] =	vst v63  }
0x635: {  	s19 =	simm.s32 $0xC800  }
0x636: {  	[hbm4b:s4+s2] =	stream.indirect_vreg.scatter [tilespmem:s19], [sflag:$0x1], $0x80, v3, vm0, $0xb8;
	[tilespmem:$0x12800] =	vst v63  }
0x637: {  	s24 =	simm.s32 $0xD000  }
0x638: {  	[hbm4b:s6+s2] =	stream.indirect_vreg.scatter [tilespmem:s24], [sflag:$0x1], $0x80, v3, vm0, $0xb8;
	[tilespmem:$0x12800] =	vst v63  }
0x639: {  	s25 =	simm.s32 $0xD800  }
0x63a: {  	[hbm4b:s7+s2] =	stream.indirect_vreg.scatter [tilespmem:s25], [sflag:$0x1], $0x80, v3, vm0, $0xb8;
	[tilespmem:$0x12800] =	vst v63  }
0x63b: {  	s26 =	simm.s32 $0xE000  }
0x63c: {  	[hbm4b:s8+s2] =	stream.indirect_vreg.scatter [tilespmem:s26], [sflag:$0x1], $0x80, v3, vm0, $0xb8;
	[tilespmem:$0x12800] =	vst v63  }
0x63d: {  	v3 =	vld [tilespmem:$0x7B0];
	_ =	sdelay $0x4  }
0x63e: {  	v63 =	vshll.u32 v3, $0x3  }
0x63f: {  	v3 =	vand.u32 $0x7, v3;
	v4 =	vand.u32 $0xFFFFFFC0, v63  }
0x640: {  	v3 =	vor.u32 v3, v4  }
0x641: {  	v4 =	vperm.xlane v3, v0;
	_ =	sdelay $0x1  }
0x642: {  	v4 =	vadd.s32 v1, v4;
	_ =	sdelay $0x3  }
0x643: {  	s13 =	simm.s32 $0xE800  }
0x644: {  	[hbm4b:s4+s2] =	stream.indirect_vreg.scatter [tilespmem:s13], [sflag:$0x1], $0x80, v4, vm0, $0xb8;
	[tilespmem:$0x12800] =	vst v63  }
0x645: {  	s28 =	simm.s32 $0xF000;
	v3 =	vperm.xlane v3, v2  }
0x646: {  	[hbm4b:s6+s2] =	stream.indirect_vreg.scatter [tilespmem:s28], [sflag:$0x1], $0x80, v4, vm0, $0xb8;
	[tilespmem:$0x12800] =	vst v63  }
0x647: {  	s23 =	simm.s32 $0xF800;
	v3 =	vadd.s32 v1, v3  }
0x648: {  	[hbm4b:s7+s2] =	stream.indirect_vreg.scatter [tilespmem:s23], [sflag:$0x1], $0x80, v4, vm0, $0xb8;
	[tilespmem:$0x12800] =	vst v63  }
0x649: {  	s20 =	simm.s32 $0x10000  }
0x64a: {  	[hbm4b:s8+s2] =	stream.indirect_vreg.scatter [tilespmem:s20], [sflag:$0x1], $0x80, v4, vm0, $0xb8;
	[tilespmem:$0x12800] =	vst v63  }
0x64b: {  	s21 =	simm.s32 $0x10800  }
0x64c: {  	[hbm4b:s4+s2] =	stream.indirect_vreg.scatter [tilespmem:s21], [sflag:$0x1], $0x80, v3, vm0, $0xb8;
	[tilespmem:$0x12800] =	vst v63  }
0x64d: {  	s18 =	simm.s32 $0x11000  }
0x64e: {  	[hbm4b:s6+s2] =	stream.indirect_vreg.scatter [tilespmem:s18], [sflag:$0x1], $0x80, v3, vm0, $0xb8;
	[tilespmem:$0x12800] =	vst v63  }
0x64f: {  	s5 =	simm.s32 $0x11800  }
0x650: {  	[hbm4b:s7+s2] =	stream.indirect_vreg.scatter [tilespmem:s5], [sflag:$0x1], $0x80, v3, vm0, $0xb8;
	[tilespmem:$0x12800] =	vst v63  }
0x651: {  	s9 =	simm.s32 $0x12000  }
0x652: {  	[hbm4b:s8+s2] =	stream.indirect_vreg.scatter [tilespmem:s9], [sflag:$0x1], $0x80, v3, vm0, $0xb8;
	[tilespmem:$0x12800] =	vst v63  }
0x653: {  	_ =	swait.ge [sflag:s22], $0x10000  }
0x654: {  	s31 =	sld [smem:$0x7F7];
	_ =	sdelay $0x1  }
0x655: {  	s29 =	sld [smem:$0x7FD]  }
0x656: {  	s17 =	simm.s32 $0x40;
	[sflag:s22] =	ssyncset.done $0x0;
	p0 =	sne.s32 s31, $0x1  }
.Ltmp0:
0x657: {  	s12 =	simm.s32 $0x800;
	[sflag:s22] =	ssyncadd.s32 $0xFFFF0000;
	(pc) =	sbr.rel @p0 .LBB2_1-.Ltmp0, $4  }
0x658: {  	[hbm4b:s30+s17] =	stream.indirect.scatter [tilespmem:s12], [sflag:$0x1], $0x80, s29, s17, $0xb8;
	[tilespmem:$0x12800] =	vst v63  }
0x659: {  	_ =	swait.ge [sflag:s22], $0x2000  }
0x65a: {  	[sflag:s22] =	ssyncset.done $0x0  }
0x65b: {  	s24 =	sadd.s32 $0xFFFFFFFF, s31;
	[sflag:s22] =	ssyncadd.s32 $0xFFFFE000  }
0x65c: {  	_ =	sfence.sel $0x180000  }
0x65d: {  	[bflag:$0x0] =	sbarrier.arrive $0xFFFF  }
0x65e: {  	_ =	strace $0x90000047  }
0x65f: {  	s0 =	stileid.u32;
	[bflag:$0x2] =	sbarrier.arrive $0xFFFF  }
0x660: {  	p0 =	sne.s32 s0, $0x0;
	s0 =	rddreg [dreg:$0x2]  }
0x661: {  	s0 =	sadd.s32 @!p0 $0x100000, s0  }
0x662: {  	[sflag:s0] =	ssyncadd.tile.s32 @!p0 $0x1;
	_ =	shalt  }
.Lfunc_end2:
_tile_overlayer_lowered:
.L_overlay_start_2:
0x663: {  	(tag) =	ssettag $0x2  }
0x664: {  	s0 =	rddreg [dreg:$0x0];
	s2 =	stileid.u32  }
0x665: {  	s1 =	rddreg [dreg:$0x1];
	p0 =	sne.s32 s2, $0x0  }
0x666: {  	s3 =	rddreg [dreg:$0x2];
	[bflag:$0x3] =	sbarrier.arrive $0xFFFF;
	s2 =	simm.s32 @!p0 $0x1C02  }
0x667: {  	[timem:s3], [sflag:s2] =	dma.local @!p0 [hbm:s0], s1  }
0x668: {  	s0 =	simm.s32 @!p0 $0x2  }
0x669: {  	_ =	swait.ge @!p0 [sflag:s0], s1  }
0x66a: {  	s1 =	ssub.s32 @!p0 $0x0, s1;
	[sflag:s0] =	ssyncset.done @!p0 $0x0  }
0x66b: {  	[sflag:s0] =	ssyncadd.s32 @!p0 s1  }
0x66c: {  	[bflag:$0x3] =	sbarrier.arrive $0xFFFF  }
0x66d: {  	_ =	shalt  }

// kernel: kernel.9.cloned.1.call-start
scs
__scs_entry_jumppad:
0x0: {  	(pc) =	sbr.rel $0x88, $3  }
0x1: {  	(tag) =	ssettag $0x0;
	lr =	simm.s32 $0x1  }
0x2: {  	[smem:$0x3F9B] =	sst lr;
	_ =	strace $0xD0000000  }
0x3: {  	_ = 	snop  }
0x4: {  	_ = 	snop  }
0x5: {  	_ = 	snop  }
0x6: {  	_ = 	snop  }
0x7: {  	_ = 	snop  }
__scs_overlays_trampoline_lowered:
0x8: {  	[smem:$0x3FAA] =	sst s0  }
0x9: {  	[smem:$0x3FAB] =	sst s1  }
0xa: {  	[smem:$0x3FAC] =	sst s2  }
0xb: {  	[smem:$0x3FAD] =	sst s3  }
0xc: {  	[smem:$0x3FAE] =	sst s4  }
0xd: {  	[smem:$0x3FAF] =	sst s5  }
0xe: {  	[smem:$0x3FB0] =	sst s6  }
0xf: {  	[smem:$0x3FB1] =	sst s7  }
0x10: {  	[smem:$0x3FB2] =	sst s8  }
0x11: {  	[smem:$0x3FB3] =	sst s9;
	s0 =	simm.s32 @!p0 $0x0  }
0x12: {  	s1 =	sld [smem:$0x3F99];
	s0 =	simm.s32 @p0 $0x1  }
0x13: {  	[smem:$0x3FB4] =	sst s0;
	s0 =	simm.s32 @!p1 $0x0  }
0x14: {  	s2 =	sld [smem:$0x3F98];
	s0 =	simm.s32 @p1 $0x1  }
0x15: {  	[smem:$0x3FB5] =	sst s0;
	s0 =	simm.s32 @!p2 $0x0  }
0x16: {  	s3 =	sld [smem:$0x3FDB];
	s0 =	simm.s32 @p2 $0x1  }
0x17: {  	s4 =	simm.s32 $0x1BF5;
	[smem:$0x3FB7] =	sst s0  }
0x18: {  	s0 =	sld [smem:$0x3F9A];
	_ =	swait.ge [sflag:s4], $0x0  }
0x19: {  	s7 =	sld [smem:$0x3F9B]  }
0x1a: {  	s8 =	sadd.s32 $0xFFFFE003, lr  }
0x1b: {  	s9 =	sadd.s32 $0xFFFFFEF7, lr;
	s5 =	simm.s32 $0xFFFFFFFF;
	p2 =	slt.u32 s8, $0xFFFFF086  }
0x1c: {  	p1 =	slt.u32 s9, $0xF7A;
	s5 =	simm.s32 @!p2 $0x0  }
0x1d: {  	s5 =	simm.s32 @p1 $0x1;
	p0 =	seq.s32 s7, s2  }
0x1e: {  	s7 =	smul.u32 @!p0 $0xF7A, s2;
	p2 =	seq.s32 @!p0 s5, $0x0  }
0x1f: {  	s9 =	smul.u32 $0xF7A, s1;
	s8 =	simm.s32 @!p0 $0x1BF5;
	p2 =	por !p2, p0  }
0x20: {  	[sflag:s8] =	ssyncset.s32 @!p0 $0xFFFFF086;
	s6 =	sadd.s32 @!p0 s3, s7;
	s7 =	simm.s32 @!p0 $0x108  }
0x21: {  	s3 =	sadd.s32 s3, s9;
	s6 =	sadd.s32 @!p0 $0x88, s6;
	s7 =	simm.s32 @p2 $0x1082  }
0x22: {  	[simem:s7], [sflag:s8] =	dma.local @!p0 [hbm:s6], $0xF7A  }
0x23: {  	s9 =	sor.u32 $0xD0000000, s2;
	s6 =	simm.s32 $0x108;
	_ =	swait.ge @!p0 [sflag:s8], $0x0  }
0x24: {  	s3 =	sadd.s32 $0x88, s3;
	s6 =	simm.s32 @!p1 $0x1082;
	[sflag:s4] =	ssyncset.s32 $0xFFFFF086  }
0x25: {  	[simem:s6], [sflag:s4] =	dma.local [hbm:s3], $0xF7A  }
0x26: {  	[smem:$0x3F9B] =	sst s1;
	(tag) =	ssettag s2;
	_ =	strace s9  }
0x27: {  	s1 =	sld [smem:$0x3FAB]  }
0x28: {  	s2 =	sld [smem:$0x3FAC]  }
0x29: {  	s4 =	sld [smem:$0x3FAE]  }
0x2a: {  	p0 =	seq.s32 s5, $0x0;
	s5 =	sld [smem:$0x3FAF]  }
0x2b: {  	s6 =	sld [smem:$0x3FB0]  }
0x2c: {  	s7 =	sld [smem:$0x3FB1]  }
0x2d: {  	s3 =	simm.s32 $0x108;
	s8 =	sld [smem:$0x3FB2]  }
0x2e: {  	s3 =	simm.s32 @!p0 $0x1082;
	s9 =	sld [smem:$0x3FB3]  }
0x2f: {  	lr =	sadd.s32 s0, s3;
	s0 =	sld [smem:$0x3FAA]  }
0x30: {  	s3 =	sld [smem:$0x3FAD]  }
0x31: {  	[smem:$0x3FB6] =	sst s10  }
0x32: {  	s10 =	sld [smem:$0x3FB4];
	_ =	sdelay $0x3  }
0x33: {  	p0 =	seq.s32 s10, $0x1;
	s10 =	sld [smem:$0x3FB6];
	_ =	sdelay $0x3  }
0x34: {  	[smem:$0x3FB6] =	sst s10  }
0x35: {  	s10 =	sld [smem:$0x3FB5];
	_ =	sdelay $0x3  }
0x36: {  	p1 =	seq.s32 s10, $0x1;
	s10 =	sld [smem:$0x3FB6];
	_ =	sdelay $0x3  }
0x37: {  	[smem:$0x3FB6] =	sst s10  }
0x38: {  	s10 =	sld [smem:$0x3FB7]  }
0x39: {  	_ = 	snop;
	(pc) =	sbr.ind lr, $3  }
0x3a: {  	_ = 	snop  }
0x3b: {  	_ = 	snop  }
0x3c: {  	p2 =	seq.s32 s10, $0x1;
	s10 =	sld [smem:$0x3FB6]  }
0x3d: {  	_ =	shalt  }
0x3e: {  	_ =	shalt  }
0x3f: {  	_ =	shalt  }
0x40: {  	_ =	shalt  }
0x41: {  	_ =	shalt  }
0x42: {  	_ =	shalt  }
0x43: {  	_ =	shalt  }
0x44: {  	_ =	shalt  }
0x45: {  	_ =	shalt  }
0x46: {  	_ =	shalt  }
0x47: {  	_ =	shalt  }
0x48: {  	_ =	shalt  }
0x49: {  	_ =	shalt  }
0x4a: {  	_ =	shalt  }
0x4b: {  	_ =	shalt  }
0x4c: {  	_ =	shalt  }
0x4d: {  	_ =	shalt  }
0x4e: {  	_ =	shalt  }
0x4f: {  	_ =	shalt  }
0x50: {  	_ =	shalt  }
0x51: {  	_ =	shalt  }
0x52: {  	_ =	shalt  }
0x53: {  	_ =	shalt  }
0x54: {  	_ =	shalt  }
0x55: {  	_ =	shalt  }
0x56: {  	_ =	shalt  }
0x57: {  	_ =	shalt  }
0x58: {  	_ =	shalt  }
0x59: {  	_ =	shalt  }
0x5a: {  	_ =	shalt  }
0x5b: {  	_ =	shalt  }
0x5c: {  	_ =	shalt  }
0x5d: {  	_ =	shalt  }
0x5e: {  	_ =	shalt  }
0x5f: {  	_ =	shalt  }
0x60: {  	_ =	shalt  }
0x61: {  	_ =	shalt  }
0x62: {  	_ =	shalt  }
0x63: {  	_ =	shalt  }
0x64: {  	_ =	shalt  }
0x65: {  	_ =	shalt  }
0x66: {  	_ =	shalt  }
0x67: {  	_ =	shalt  }
0x68: {  	_ =	shalt  }
0x69: {  	_ =	shalt  }
0x6a: {  	_ =	shalt  }
0x6b: {  	_ =	shalt  }
0x6c: {  	_ =	shalt  }
0x6d: {  	_ =	shalt  }
0x6e: {  	_ =	shalt  }
0x6f: {  	_ =	shalt  }
0x70: {  	_ =	shalt  }
0x71: {  	_ =	shalt  }
0x72: {  	_ =	shalt  }
0x73: {  	_ =	shalt  }
0x74: {  	_ =	shalt  }
0x75: {  	_ =	shalt  }
0x76: {  	_ =	shalt  }
0x77: {  	_ =	shalt  }
0x78: {  	_ =	shalt  }
0x79: {  	_ =	shalt  }
0x7a: {  	_ =	shalt  }
0x7b: {  	_ =	shalt  }
0x7c: {  	_ =	shalt  }
0x7d: {  	_ =	shalt  }
0x7e: {  	_ =	shalt  }
0x7f: {  	_ =	shalt  }
0x80: {  	_ =	shalt  }
0x81: {  	_ =	shalt  }
0x82: {  	_ =	shalt  }
0x83: {  	_ =	shalt  }
0x84: {  	_ =	shalt  }
0x85: {  	_ =	shalt  }
0x86: {  	_ =	shalt  }
0x87: {  	_ =	shalt  }
.Lfunc_end0:
.L_simem_size_0:
called_computation.1_lowered:
.L_overlay_start_0:
0x88: {  	s2 =	sld [smem:$0x3FD9]  }
0x89: {  	s3 =	sld [smem:$0x3FFE];
	_ =	sdelay $0x1  }
0x8a: {  	s1 =	srdreg.scid  }
0x8b: {  	s0 =	sand.u32 $0x1, s1  }
0x8c: {  	s16 =	sshll.u32 s0, $0xA;
	s2 =	sadd.s32 s3, s2  }
0x8d: {  	s2 =	sadd.s32 s2, s16  }
0x8e: {  	[smem:$0x3FC2] =	sst s2  }
0x8f: {  	_ = 	snop  }
0x90: {  	(tm) =	ssettm $0x1  }
0x91: {  	s17 =	sld [smem:$0x3FFB];
	_ =	sdelay $0x3  }
0x92: {  	_ =	strace s17  }
0x93: {  	s2 =	sld [smem:$0x3FFC];
	_ =	sdelay $0x3  }
0x94: {  	_ =	strace s2  }
0x95: {  	s2 =	sld [smem:$0x3FFD];
	_ =	sdelay $0x3  }
0x96: {  	_ =	strace s2  }
0x97: {  	_ =	strace $0x8FFFFFFF  }
0x98: {  	s18 =	sld [smem:$0x3FDB];
	_ =	sdelay $0x1  }
0x99: {  	s19 =	simm.s32 $_scs_section_size  }
0x9a: {  	s4 =	simm.s32 $_size__tile_overlayer_lowered;
	s5 =	simm.s32 $_tile_overlayer_lowered  }
0x9b: {  	s22 =	simm.s32 $0x1BFF;
	s21 =	sshll.u32 s5, $0x1;
	s2 =	sadd.s32 s19, s18  }
0x9c: {  	s6 =	simm.s32 $0x0;
	s20 =	sshll.u32 s4, $0x1;
	s4 =	sadd.s32 s21, s2  }
0x9d: {  	[timem:s6], [sflag:s22] =	dma.local [hbm:s4], s20  }
0x9e: {  	_ =	swait.ge [sflag:s22], s20  }
0x9f: {  	s3 =	ssub.s32 $0x0, s20;
	[sflag:s22] =	ssyncset.done $0x0  }
0xa0: {  	[sflag:s22] =	ssyncadd.s32 s3;
	_ =	sdelay $0x1  }
0xa1: {  	s23 =	simm.s32 $0x1B8B  }
0xa2: {  	_ =	swait.ge [sflag:s23], $0x1  }
0xa3: {  	[sflag:s23] =	ssyncset.done $0x0  }
0xa4: {  	s25 =	simm.s32 $0x1B8E;
	s24 =	sld [smem:$0x3FFE];
	[sflag:s23] =	ssyncadd.s32 $0xFFFFFFFF  }
0xa5: {  	s26 =	simm.s32 $execute0_lowered;
	[smem:$0x3FD2] =	sst s25  }
0xa6: {  	s4 =	sshll.u32 s26, $0x1;
	_ =	strace $0x80000049;
	[dreg:$0x1] =	wrdreg $0xFFFFFFFF  }
0xa7: {  	s28 =	simm.s32 $_size_execute0_lowered;
	s2 =	sadd.s32 s2, s4;
	[dreg:$0x0] =	wrdreg $0x0  }
0xa8: {  	s4 =	sshll.u32 s28, $0x1;
	[dreg:$0x2] =	wrdreg s2  }
0xa9: {  	[dreg:$0x3] =	wrdreg s4  }
0xaa: {  	[dreg:$0x4] =	wrdreg $0xC0  }
0xab: {  	_ =	task [dreg:s6], $0x5FFFF  }
0xac: {  	[dreg:$0x1] =	wrdreg $0xFFFFFFFF  }
0xad: {  	[dreg:$0x0] =	wrdreg $0x60  }
0xae: {  	[dreg:$0x2] =	wrdreg s24  }
0xaf: {  	[dreg:$0x3] =	wrdreg $0x9  }
0xb0: {  	_ =	task.clear_ibuf [dreg:s6], $0x4FFFF;
	_ =	strace $0x90000049  }
0xb1: {  	s29 =	simm.s32 $0x9;
	_ =	strace $0x8000004B  }
0xb2: {  	_ =	swait.ge [sflag:s29], $0x1  }
0xb3: {  	[sflag:s29] =	ssyncadd.s32 $0xFFFFFFFF  }
0xb4: {  	_ =	strace $0x9000004B  }
0xb5: {  	_ =	sfence  }
0xb6: {  	s30 =	sld [smem:$0x0];
	_ =	sdelay $0x2  }
0xb7: {  	s31 =	sshll.u32 s1, $0xD;
	s1 =	sshrl.u32 s1, $0x2  }
0xb8: {  	s3 =	sand.u32 $0x4000, s31;
	s1 =	sadd.s32 s1, s30  }
0xb9: {  	s0 =	sor.u32 s3, s0;
	s1 =	sshll.u32 s1, $0x11  }
0xba: {  	s0 =	sor.u32 s1, s0  }
0xbb: {  	s0 =	sadd.s32 $0x8F2B, s0  }
0xbc: {  	[sflag:s0] =	ssyncadd.remote.s32 $0x1  }
0xbd: {  	_ =	sfence.sel $0xFFFF  }
0xbe: {  	[dreg:$0x0] =	wrdreg $0xFFFFFFFF;
	(pc) =	sbr.abs _section_cstart, $3  }
0xbf: {  	[dreg:$0x1] =	wrdreg $0xFFFFFFFF  }
0xc0: {  	_ =	task.clear_ibuf [dreg:s6], $0x2FFFF;
	_ =	strace $0x9FFFFFFF  }
0xc1: {  	(tm) =	ssettm $0x7FFFFFFF  }
tec
execute0_lowered:
.L_overlay_start_1:
0x0: {  	(tag) =	ssettag $0x1  }
0x1: {  	s1 =	srdreg.scid;
	s0 =	stileid.u32  }
0x2: {  	s15 =	sand.u32 $0x1, s1;
	s31 =	sshll.u32 s0, $0x1  }
0x3: {  	s7 =	rddreg [dreg:$0x0];
	s5 =	sor.u32 s15, s31  }
0x4: {  	s2 =	simm.s32 $0x0;
	s1 =	rddreg [dreg:$0x1];
	s3 =	sshll.u32 s5, $0x7  }
0x5: {  	[smem:$0x7FF] =	sst s2;
	s3 =	sadd.s32 s3, s7  }
0x6: {  	_ =	strace $0x8000004A;
	s4 =	sadd.s32 $0x11400, s3;
	s3 =	simm.s32 $0x2  }
0x7: {  	[tilespmem:s2], [sflag:$0x2] =	stream.linear.gather [hbm4b:s4+s2], $0x400, $0x38;
	[tilespmem:$0x4400] =	vst v63  }
0x8: {  	s5 =	sshll.u32 s5, $0xB;
	_ =	swait.ge [sflag:s3], $0x400  }
0x9: {  	s16 =	sadd.s32 s5, s7;
	[sflag:s3] =	ssyncset.done $0x0  }
0xa: {  	s6 =	simm.s32 $0x400;
	s5 =	sadd.s32 $0x1400, s16;
	[sflag:s3] =	ssyncadd.s32 $0xFFFFFC00  }
0xb: {  	[tilespmem:s6], [sflag:$0x2] =	stream.linear.gather [hbm4b:s5+s2], $0x4000, $0x38;
	[tilespmem:$0x4400] =	vst v63  }
0xc: {  	_ =	swait.ge [sflag:s3], $0x4000  }
0xd: {  	s8 =	simm.s32 $0x80;
	[sflag:s3] =	ssyncset.done $0x0  }
0xe: {  	s9 =	simm.s32 $0x1;
	s7 =	sadd.s32 $0x12400, s7;
	[sflag:s3] =	ssyncadd.s32 $0xFFFFC000  }
0xf: {  	[tilespmem:s6], [sflag:$0x1] =	stream.indirect.gather.add.f32 [hbm:s7], $0x80, s2, s8, $0xb8;
	[tilespmem:$0x4400] =	vst v63  }
0x10: {  	_ =	swait.ge [sflag:s9], $0x4000  }
0x11: {  	[sflag:s9] =	ssyncset.done $0x0  }
0x12: {  	[sflag:s9] =	ssyncadd.s32 $0xFFFFC000  }
0x13: {  	[tilespmem:s6], [sflag:$0x1] =	stream.indirect.gather.add.f32 [hbm:s7], $0x80, s8, s8, $0xb8;
	[tilespmem:$0x4400] =	vst v63  }
0x14: {  	_ =	swait.ge [sflag:s9], $0x4000  }
0x15: {  	[sflag:s9] =	ssyncset.done $0x0  }
0x16: {  	s10 =	simm.s32 $0x100;
	[sflag:s9] =	ssyncadd.s32 $0xFFFFC000  }
0x17: {  	[tilespmem:s6], [sflag:$0x1] =	stream.indirect.gather.add.f32 [hbm:s7], $0x80, s10, s8, $0xb8;
	[tilespmem:$0x4400] =	vst v63  }
0x18: {  	_ =	swait.ge [sflag:s9], $0x4000  }
0x19: {  	[sflag:s9] =	ssyncset.done $0x0  }
0x1a: {  	s11 =	simm.s32 $0x180;
	[sflag:s9] =	ssyncadd.s32 $0xFFFFC000  }
0x1b: {  	[tilespmem:s6], [sflag:$0x1] =	stream.indirect.gather.add.f32 [hbm:s7], $0x80, s11, s8, $0xb8;
	[tilespmem:$0x4400] =	vst v63  }
0x1c: {  	_ =	swait.ge [sflag:s9], $0x4000  }
0x1d: {  	[sflag:s9] =	ssyncset.done $0x0  }
0x1e: {  	s12 =	simm.s32 $0x200;
	[sflag:s9] =	ssyncadd.s32 $0xFFFFC000  }
0x1f: {  	[tilespmem:s6], [sflag:$0x1] =	stream.indirect.gather.add.f32 [hbm:s7], $0x80, s12, s8, $0xb8;
	[tilespmem:$0x4400] =	vst v63  }
0x20: {  	_ =	swait.ge [sflag:s9], $0x4000  }
0x21: {  	[sflag:s9] =	ssyncset.done $0x0  }
0x22: {  	s13 =	simm.s32 $0x280;
	[sflag:s9] =	ssyncadd.s32 $0xFFFFC000  }
0x23: {  	[tilespmem:s6], [sflag:$0x1] =	stream.indirect.gather.add.f32 [hbm:s7], $0x80, s13, s8, $0xb8;
	[tilespmem:$0x4400] =	vst v63  }
0x24: {  	_ =	swait.ge [sflag:s9], $0x4000  }
0x25: {  	[sflag:s9] =	ssyncset.done $0x0  }
0x26: {  	s14 =	simm.s32 $0x300;
	s17 =	ssub.s32 $0x2, s15;
	[sflag:s9] =	ssyncadd.s32 $0xFFFFC000  }
0x27: {  	[tilespmem:s6], [sflag:$0x1] =	stream.indirect.gather.add.f32 [hbm:s7], $0x80, s14, s8, $0xb8;
	[tilespmem:$0x4400] =	vst v63  }
0x28: {  	s18 =	sshrl.u32 s17, $0x1;
	_ =	swait.ge [sflag:s9], $0x4000  }
0x29: {  	s17 =	ssub.s32 s17, s18;
	[sflag:s9] =	ssyncset.done $0x0  }
0x2a: {  	s15 =	simm.s32 $0x380;
	s17 =	smax.u32 s17, $0x1;
	[sflag:s9] =	ssyncadd.s32 $0xFFFFC000  }
0x2b: {  	[tilespmem:s6], [sflag:$0x1] =	stream.indirect.gather.add.f32 [hbm:s7], $0x80, s15, s8, $0xb8;
	[tilespmem:$0x4400] =	vst v63  }
0x2c: {  	p0 =	sne.s32 s17, $0x1;
	_ =	swait.ge [sflag:s9], $0x4000  }
.Ltmp0:
0x2d: {  	[sflag:s9] =	ssyncset.done $0x0;
	(pc) =	sbr.rel @!p0 .LBB2_2-.Ltmp0, $4  }
0x2e: {  	s16 =	sadd.s32 $0x5A600, s16;
	[sflag:s9] =	ssyncadd.s32 $0xFFFFC000  }
0x2f: {  	[hbm4b:s16+s2] =	stream.linear.scatter [tilespmem:s6], [sflag:$0x2], $0x4000, $0x38;
	[tilespmem:$0x4400] =	vst v63  }
0x30: {  	_ =	swait.ge [sflag:s3], $0x4000  }
0x31: {  	s17 =	sadd.s32 $0xFFFFFFFF, s17;
	[sflag:s3] =	ssyncset.done $0x0  }
.LBB2_1:
0x32: {  	p0 =	sne.s32 s17, $0x1;
	s17 =	sadd.s32 $0xFFFFFFFF, s17;
	[sflag:s3] =	ssyncadd.s32 $0xFFFFC000  }
0x33: {  	[tilespmem:s2], [sflag:$0x2] =	stream.linear.gather [hbm4b:s4+s2], $0x400, $0x38;
	[tilespmem:$0x4400] =	vst v63  }
0x34: {  	_ =	swait.ge [sflag:s3], $0x400  }
0x35: {  	[sflag:s3] =	ssyncset.done $0x0  }
0x36: {  	[sflag:s3] =	ssyncadd.s32 $0xFFFFFC00  }
0x37: {  	[tilespmem:s6], [sflag:$0x2] =	stream.linear.gather [hbm4b:s5+s2], $0x4000, $0x38;
	[tilespmem:$0x4400] =	vst v63  }
0x38: {  	_ =	swait.ge [sflag:s3], $0x4000  }
0x39: {  	[sflag:s3] =	ssyncset.done $0x0  }
0x3a: {  	[sflag:s3] =	ssyncadd.s32 $0xFFFFC000  }
0x3b: {  	[tilespmem:s6], [sflag:$0x1] =	stream.indirect.gather.add.f32 [hbm:s7], $0x80, s2, s8, $0xb8;
	[tilespmem:$0x4400] =	vst v63  }
0x3c: {  	_ =	swait.ge [sflag:s9], $0x4000  }
0x3d: {  	[sflag:s9] =	ssyncset.done $0x0  }
0x3e: {  	[sflag:s9] =	ssyncadd.s32 $0xFFFFC000  }
0x3f: {  	[tilespmem:s6], [sflag:$0x1] =	stream.indirect.gather.add.f32 [hbm:s7], $0x80, s8, s8, $0xb8;
	[tilespmem:$0x4400] =	vst v63  }
0x40: {  	_ =	swait.ge [sflag:s9], $0x4000  }
0x41: {  	[sflag:s9] =	ssyncset.done $0x0  }
0x42: {  	[sflag:s9] =	ssyncadd.s32 $0xFFFFC000  }
0x43: {  	[tilespmem:s6], [sflag:$0x1] =	stream.indirect.gather.add.f32 [hbm:s7], $0x80, s10, s8, $0xb8;
	[tilespmem:$0x4400] =	vst v63  }
0x44: {  	_ =	swait.ge [sflag:s9], $0x4000  }
0x45: {  	[sflag:s9] =	ssyncset.done $0x0  }
0x46: {  	[sflag:s9] =	ssyncadd.s32 $0xFFFFC000  }
0x47: {  	[tilespmem:s6], [sflag:$0x1] =	stream.indirect.gather.add.f32 [hbm:s7], $0x80, s11, s8, $0xb8;
	[tilespmem:$0x4400] =	vst v63  }
0x48: {  	_ =	swait.ge [sflag:s9], $0x4000  }
0x49: {  	[sflag:s9] =	ssyncset.done $0x0  }
0x4a: {  	[sflag:s9] =	ssyncadd.s32 $0xFFFFC000  }
0x4b: {  	[tilespmem:s6], [sflag:$0x1] =	stream.indirect.gather.add.f32 [hbm:s7], $0x80, s12, s8, $0xb8;
	[tilespmem:$0x4400] =	vst v63  }
0x4c: {  	_ =	swait.ge [sflag:s9], $0x4000  }
0x4d: {  	[sflag:s9] =	ssyncset.done $0x0  }
0x4e: {  	[sflag:s9] =	ssyncadd.s32 $0xFFFFC000  }
0x4f: {  	[tilespmem:s6], [sflag:$0x1] =	stream.indirect.gather.add.f32 [hbm:s7], $0x80, s13, s8, $0xb8;
	[tilespmem:$0x4400] =	vst v63  }
0x50: {  	_ =	swait.ge [sflag:s9], $0x4000  }
0x51: {  	[sflag:s9] =	ssyncset.done $0x0  }
0x52: {  	[sflag:s9] =	ssyncadd.s32 $0xFFFFC000  }
0x53: {  	[tilespmem:s6], [sflag:$0x1] =	stream.indirect.gather.add.f32 [hbm:s7], $0x80, s14, s8, $0xb8;
	[tilespmem:$0x4400] =	vst v63  }
0x54: {  	_ =	swait.ge [sflag:s9], $0x4000  }
0x55: {  	[sflag:s9] =	ssyncset.done $0x0  }
0x56: {  	[sflag:s9] =	ssyncadd.s32 $0xFFFFC000  }
0x57: {  	[tilespmem:s6], [sflag:$0x1] =	stream.indirect.gather.add.f32 [hbm:s7], $0x80, s15, s8, $0xb8;
	[tilespmem:$0x4400] =	vst v63  }
0x58: {  	_ =	swait.ge [sflag:s9], $0x4000  }
.Ltmp1:
0x59: {  	[sflag:s9] =	ssyncset.done $0x0;
	(pc) =	sbr.rel @p0 .LBB2_1-.Ltmp1, $4  }
0x5a: {  	[sflag:s9] =	ssyncadd.s32 $0xFFFFC000  }
0x5b: {  	[hbm4b:s16+s2] =	stream.linear.scatter [tilespmem:s6], [sflag:$0x2], $0x4000, $0x38;
	[tilespmem:$0x4400] =	vst v63  }
0x5c: {  	_ =	swait.ge [sflag:s3], $0x4000  }
0x5d: {  	[sflag:s3] =	ssyncset.done $0x0  }
.LBB2_2:
0x5e: {  	[sflag:s3] =	ssyncadd.s32 $0xFFFFC000  }
0x5f: {  	_ =	sfence.sel $0x180000  }
0x60: {  	[bflag:$0x0] =	sbarrier.arrive $0xFFFF  }
0x61: {  	p0 =	sne.s32 s0, $0x0;
	_ =	strace $0x9000004A  }
0x62: {  	s0 =	sadd.s32 @!p0 $0x100000, s1;
	[bflag:$0x2] =	sbarrier.arrive $0xFFFF  }
0x63: {  	[sflag:s0] =	ssyncadd.tile.s32 @!p0 $0x1;
	_ =	shalt  }
.Lfunc_end2:
_tile_overlayer_lowered:
.L_overlay_start_2:
0x64: {  	(tag) =	ssettag $0x2  }
0x65: {  	s0 =	rddreg [dreg:$0x0];
	s2 =	stileid.u32  }
0x66: {  	s1 =	rddreg [dreg:$0x1];
	p0 =	sne.s32 s2, $0x0  }
0x67: {  	s3 =	rddreg [dreg:$0x2];
	[bflag:$0x3] =	sbarrier.arrive $0xFFFF;
	s2 =	simm.s32 @!p0 $0x1C02  }
0x68: {  	[timem:s3], [sflag:s2] =	dma.local @!p0 [hbm:s0], s1  }
0x69: {  	s0 =	simm.s32 @!p0 $0x2  }
0x6a: {  	_ =	swait.ge @!p0 [sflag:s0], s1  }
0x6b: {  	s1 =	ssub.s32 @!p0 $0x0, s1;
	[sflag:s0] =	ssyncset.done @!p0 $0x0  }
0x6c: {  	[sflag:s0] =	ssyncadd.s32 @!p0 s1  }
0x6d: {  	[bflag:$0x3] =	sbarrier.arrive $0xFFFF  }
0x6e: {  	_ =	shalt  }

</sc_bundles>
